<compile_context>
chip_gen: v7x
topology: tpu7x:2x2x1
jax: 0.10.2.dev20260603
libtpu: 0.0.44.dev20260713+nightly
codegen_flags: <defaults>
</compile_context>

<pallas_src>
import functools
import math

import jax
import jax.numpy as jnp
from jax import lax
from jax.experimental import pallas as pl
from jax.experimental.pallas import tpu as pltpu
from jax.experimental.pallas import tpu_sc as plsc

N_NODES = 10000
N_EDGES = 320000
H = 128

NC = 2
NS = 16
NW = NC * NS
EPW = N_EDGES // NW
CHUNK = 80
NCHUNK = EPW // CHUNK
NT_IO = 10
RPT = N_NODES // NT_IO

_C1 = 2.0 * math.sqrt(2.0 / math.pi)
_C2 = _C1 * 0.044715


def _mm_bias_body(a_ref, w_ref, b_ref, o_ref):
    o_ref[...] = (
        jnp.dot(a_ref[...], w_ref[...],
                preferred_element_type=jnp.float32,
                precision=lax.Precision.DEFAULT)
        + b_ref[...]
    )


def _mm_bias(a, w, b, block_rows):
    rows = a.shape[0]
    grid = rows // block_rows
    return pl.pallas_call(
        _mm_bias_body,
        grid=(grid,),
        in_specs=[
            pl.BlockSpec((block_rows, H), lambda i: (i, 0)),
            pl.BlockSpec((H, H), lambda i: (0, 0)),
            pl.BlockSpec((1, H), lambda i: (0, 0)),
        ],
        out_specs=pl.BlockSpec((block_rows, H), lambda i: (i, 0)),
        out_shape=jax.ShapeDtypeStruct((rows, H), jnp.float32),
    )(a, w, b)


@functools.partial(
    pl.kernel,
    out_type=jax.ShapeDtypeStruct((NC, N_NODES, H), jnp.float32),
    mesh=plsc.VectorSubcoreMesh(core_axis_name="c", subcore_axis_name="s"),
    scratch_types=[
        pltpu.VMEM((2, CHUNK, H), jnp.float32),
        pltpu.VMEM((2, CHUNK, H), jnp.float32),
        pltpu.VMEM((1, H), jnp.float32),
        pltpu.VMEM((2, CHUNK), jnp.int32),
        pltpu.VMEM((2, CHUNK), jnp.int32),
        pltpu.VMEM((2, CHUNK), jnp.int32),
        pltpu.SemaphoreType.DMA,
        pltpu.SemaphoreType.DMA,
        pltpu.SemaphoreType.DMA,
        pltpu.SemaphoreType.DMA,
        pltpu.SemaphoreType.DMA,
        pltpu.SemaphoreType.DMA,
        pltpu.SemaphoreType.DMA,
        pltpu.SemaphoreType.DMA,
        pltpu.VMEM_SHARED((N_NODES, H), jnp.float32),
    ],
)
def _sc_edge(t_hbm, xw_hbm, src_hbm, dst_hbm, c_hbm, s_out,
             t_buf2, g_buf2, c_buf, sidx2, didx2, dscat2,
             isem0, isem1, tsem0, tsem1, gsem0, gsem1, ssem0, ssem1, s_sh):
    cid = lax.axis_index("c")
    sid = lax.axis_index("s")
    wid = cid * NS + sid

    zero16 = jnp.zeros((16,), jnp.float32)

    @pl.loop(0, CHUNK)
    def _init(e):
        for j in range(H // 16):
            t_buf2[0, e, pl.ds(j * 16, 16)] = zero16

    pltpu.sync_copy(c_hbm, c_buf)

    rbase = sid * RPT
    nfull = RPT // CHUNK
    rem = RPT - nfull * CHUNK

    @pl.when(sid < NT_IO)
    def _zero():
        for k in range(nfull):
            pltpu.sync_copy(t_buf2.at[0], s_sh.at[pl.ds(rbase + k * CHUNK, CHUNK)])
        pltpu.sync_copy(t_buf2.at[0, pl.ds(0, rem)],
                        s_sh.at[pl.ds(rbase + nfull * CHUNK, rem)])

    plsc.subcore_barrier()

    ebase0 = wid * EPW
    isem = (isem0, isem1)
    tsem = (tsem0, tsem1)
    gsem = (gsem0, gsem1)
    ssem = (ssem0, ssem1)

    def idx_issue(c, p):
        pltpu.async_copy(src_hbm.at[wid, c], sidx2.at[p], isem[p])
        pltpu.async_copy(dst_hbm.at[wid, c], didx2.at[p], isem[p])

    def idx_wait(p):
        pltpu.make_async_copy(src_hbm.at[wid, 0], sidx2.at[p], isem[p]).wait()
        pltpu.make_async_copy(dst_hbm.at[wid, 0], didx2.at[p], isem[p]).wait()

    def in_issue(c, p):
        ebase = ebase0 + c * CHUNK
        pltpu.async_copy(t_hbm.at[pl.ds(ebase, CHUNK)], t_buf2.at[p], tsem[p])
        pltpu.async_copy(xw_hbm.at[sidx2.at[p]], g_buf2.at[p], gsem[p])

    def in_wait(p):
        pltpu.make_async_copy(t_hbm.at[pl.ds(0, CHUNK)], t_buf2.at[p],
                              tsem[p]).wait()
        pltpu.make_async_copy(xw_hbm.at[sidx2.at[p]], g_buf2.at[p],
                              gsem[p]).wait()

    def scat_wait(p):
        pltpu.make_async_copy(t_buf2.at[p], s_sh.at[dscat2.at[p]],
                              ssem[p]).wait()

    idx_issue(0, 0)
    idx_issue(1, 1)
    idx_wait(0)
    in_issue(0, 0)

    @pl.loop(0, (NCHUNK + 1) // 2 + 1)
    def _pipe(g):
        for p in (0, 1):
            c = 2 * g + p
            q = 1 - p

            @pl.when(c < NCHUNK)
            def _work():
                in_wait(p)

                @pl.when(c >= 1)
                def _drain_prev():
                    scat_wait(q)

                @pl.when(c + 1 < NCHUNK)
                def _next_in():
                    idx_wait(q)
                    in_issue(c + 1, q)

                @pl.loop(0, CHUNK)
                def _edge(e):
                    for j in range(H // 16):
                        sl = pl.ds(j * 16, 16)
                        v = t_buf2[p, e, sl] + g_buf2[p, e, sl]
                        qq = v * v * (-_C2) - _C1
                        d = jnp.exp(v * qq) + 1.0
                        t_buf2[p, e, sl] = v / d + c_buf[0, sl]

                for k in range(CHUNK // 16):
                    sl = pl.ds(k * 16, 16)
                    dscat2[p, sl] = didx2[p, sl]

                pltpu.async_copy(t_buf2.at[p], s_sh.at[dscat2.at[p]],
                                 ssem[p], add=True)

                @pl.when(c + 2 < NCHUNK)
                def _next_idx():
                    idx_issue(c + 2, p)

    scat_wait((NCHUNK - 1) % 2)

    plsc.subcore_barrier()

    @pl.when(sid < NT_IO)
    def _copy_out():
        for k in range(nfull):
            off = rbase + k * CHUNK
            pltpu.sync_copy(s_sh.at[pl.ds(off, CHUNK)], t_buf2.at[0])
            pltpu.sync_copy(t_buf2.at[0], s_out.at[cid, pl.ds(off, CHUNK)])
        off = rbase + nfull * CHUNK
        pltpu.sync_copy(s_sh.at[pl.ds(off, rem)], t_buf2.at[0, pl.ds(0, rem)])
        pltpu.sync_copy(t_buf2.at[0, pl.ds(0, rem)],
                        s_out.at[cid, pl.ds(off, rem)])


def _node_body(s_ref, x_ref, ew2_ref, uw1_ref, ub1_ref, uw2_ref, ub2_ref,
               eps_ref, o_ref):
    s = s_ref[0] + s_ref[1]
    agg = jnp.dot(s, ew2_ref[...], preferred_element_type=jnp.float32,
                  precision=lax.Precision.DEFAULT)
    y = (1.0 + eps_ref[0]) * x_ref[...] + agg
    h = jax.nn.gelu(
        jnp.dot(y, uw1_ref[...], preferred_element_type=jnp.float32,
                precision=lax.Precision.DEFAULT)
        + ub1_ref[...]
    )
    o_ref[...] = (
        jnp.dot(h, uw2_ref[...], preferred_element_type=jnp.float32,
                precision=lax.Precision.DEFAULT)
        + ub2_ref[...]
    )


def _node_stage(s2, x, eW2, uW1, ub1, uW2, ub2, eps):
    block = 1000
    grid = N_NODES // block
    return pl.pallas_call(
        _node_body,
        grid=(grid,),
        in_specs=[
            pl.BlockSpec((NC, block, H), lambda i: (0, i, 0)),
            pl.BlockSpec((block, H), lambda i: (i, 0)),
            pl.BlockSpec((H, H), lambda i: (0, 0)),
            pl.BlockSpec((H, H), lambda i: (0, 0)),
            pl.BlockSpec((1, H), lambda i: (0, 0)),
            pl.BlockSpec((H, H), lambda i: (0, 0)),
            pl.BlockSpec((1, H), lambda i: (0, 0)),
            pl.BlockSpec(memory_space=pltpu.SMEM),
        ],
        out_specs=pl.BlockSpec((block, H), lambda i: (i, 0)),
        out_shape=jax.ShapeDtypeStruct((N_NODES, H), jnp.float32),
    )(s2, x, eW2, uW1, ub1, uW2, ub2, eps)


def kernel(x, edge_index, edge_attr, eW1, eb1, eW2, eb2, uW1, ub1, uW2, ub2, eps):
    src = edge_index[0].astype(jnp.int32).reshape(NW, NCHUNK, CHUNK)
    dst = edge_index[1].astype(jnp.int32).reshape(NW, NCHUNK, CHUNK)

    c = jnp.linalg.solve(eW2.T, eb2).reshape(1, H)

    t = _mm_bias(edge_attr, eW1, eb1.reshape(1, H), block_rows=2560)
    xw = _mm_bias(x, eW1, jnp.zeros((1, H), jnp.float32), block_rows=2000)

    s2 = _sc_edge(t, xw, src, dst, c)

    return _node_stage(s2, x, eW2, uW1, ub1.reshape(1, H),
                       uW2, ub2.reshape(1, H), eps)

# --- scband reference (transcript-rebuilt; emitter-appended) ---
"""Pipeline reference for scband-dense-gineconv-11553462026952 (READ-ONLY COPY).

The authoritative reference and input builder live on the scoring server;
editing this copy changes nothing except your own understanding.
"""

import jax, jax.numpy as jnp
import numpy as np

HIDDEN = 128
N_NODES = 10000
N_EDGES = 320000

def _mlp(x, W1, b1, W2, b2):
    h = jax.nn.gelu(x @ W1 + b1)
    return h @ W2 + b2

def setup_inputs(seed: int = 0) -> dict:
    key = jax.random.key(seed)
    ks = jax.random.split(key, 12)
    x = jax.random.normal(ks[0], (N_NODES, HIDDEN), dtype=jnp.float32)
    edge_index = jax.random.randint(ks[1], (2, N_EDGES), 0, N_NODES, dtype=jnp.int64)
    edge_attr = jax.random.normal(ks[2], (N_EDGES, HIDDEN), dtype=jnp.float32)
    scale = 1.0 / np.sqrt(HIDDEN)
    eW1 = jax.random.normal(ks[3], (HIDDEN, HIDDEN), dtype=jnp.float32) * scale
    eb1 = jnp.zeros((HIDDEN,), dtype=jnp.float32)
    eW2 = jax.random.normal(ks[4], (HIDDEN, HIDDEN), dtype=jnp.float32) * scale
    eb2 = jnp.zeros((HIDDEN,), dtype=jnp.float32)
    uW1 = jax.random.normal(ks[5], (HIDDEN, HIDDEN), dtype=jnp.float32) * scale
    ub1 = jnp.zeros((HIDDEN,), dtype=jnp.float32)
    uW2 = jax.random.normal(ks[6], (HIDDEN, HIDDEN), dtype=jnp.float32) * scale
    ub2 = jnp.zeros((HIDDEN,), dtype=jnp.float32)
    eps = jnp.zeros((1,), dtype=jnp.float32)
    return {"x": x, "edge_index": edge_index, "edge_attr": edge_attr,
            "eW1": eW1, "eb1": eb1, "eW2": eW2, "eb2": eb2,
            "uW1": uW1, "ub1": ub1, "uW2": uW2, "ub2": ub2, "eps": eps}

def reference(x, edge_index, edge_attr, eW1, eb1, eW2, eb2, uW1, ub1, uW2, ub2, eps):
    src = edge_index[0]
    dst = edge_index[1]
    messages = _mlp(x[src] + edge_attr, eW1, eb1, eW2, eb2)
    aggregated = jnp.zeros_like(x).at[dst].add(messages)
    out = _mlp((1.0 + eps) * x + aggregated, uW1, ub1, uW2, ub2)
    return out

if __name__ == "__main__":
    import jax
    _d = setup_inputs()
    print(jax.jit(kernel)(*tuple(_d.values())))

</pallas_src>

<mosaic_0001>
#map = affine_map<(d0, d1) -> (0, 0)>
#map1 = affine_map<(d0, d1) -> (0, 0, 0)>
module attributes {stable_mosaic.version = 14 : i64} {
  func.func @_sc_edge(%arg0: i32, %arg1: i32, %arg2: memref<320000x128xf32, #tpu.memory_space<hbm>>, %arg3: memref<10000x128xf32, #tpu.memory_space<hbm>>, %arg4: memref<32x125x80xi32, #tpu.memory_space<hbm>>, %arg5: memref<32x125x80xi32, #tpu.memory_space<hbm>>, %arg6: memref<1x128xf32, #tpu.memory_space<hbm>>, %arg7: memref<2x10000x128xf32, #tpu.memory_space<hbm>>, %arg8: memref<2x80x128xf32, #tpu.memory_space<vmem>>, %arg9: memref<2x80x128xf32, #tpu.memory_space<vmem>>, %arg10: memref<1x128xf32, #tpu.memory_space<vmem>>, %arg11: memref<2x80xi32, #tpu.memory_space<vmem>>, %arg12: memref<2x80xi32, #tpu.memory_space<vmem>>, %arg13: memref<2x80xi32, #tpu.memory_space<vmem>>, %arg14: memref<!tpu.dma_semaphore, #tpu.memory_space<semaphore_mem>>, %arg15: memref<!tpu.dma_semaphore, #tpu.memory_space<semaphore_mem>>, %arg16: memref<!tpu.dma_semaphore, #tpu.memory_space<semaphore_mem>>, %arg17: memref<!tpu.dma_semaphore, #tpu.memory_space<semaphore_mem>>, %arg18: memref<!tpu.dma_semaphore, #tpu.memory_space<semaphore_mem>>, %arg19: memref<!tpu.dma_semaphore, #tpu.memory_space<semaphore_mem>>, %arg20: memref<!tpu.dma_semaphore, #tpu.memory_space<semaphore_mem>>, %arg21: memref<!tpu.dma_semaphore, #tpu.memory_space<semaphore_mem>>, %arg22: memref<10000x128xf32, #tpu.memory_space<vmem_shared>>) attributes {dimension_semantics = [#tpu.dimension_semantics<core_parallel>, #tpu.dimension_semantics<subcore_parallel>], iteration_bounds = array<i64: 2, 16>, scalar_prefetch = 0 : i64, scratch_operands = 15 : i64, tpu.core_type = #tpu.core_type<sc_vector_subcore>, window_params = [{transform_indices = #map}, {transform_indices = #map}, {transform_indices = #map1}, {transform_indices = #map1}, {transform_indices = #map}, {transform_indices = #map1}]} {
    %mul3A = arith.constant 16 : i32
    %mul3A_0 = arith.muli %arg0, %mul3A : i32
    %add3A = arith.addi %mul3A_0, %arg1 : i32
    %broadcast_in_dim3A = arith.constant 0.000000e+00 : f32
    %broadcast_in_dim3A_1 = vector.broadcast %broadcast_in_dim3A : f32 to vector<16xf32>
    %scan3A = arith.constant 0 : i32
    %scan3A_2 = arith.constant 80 : i32
    %scan3A_3 = arith.addi %scan3A, %scan3A_2 : i32
    %scan3A_4 = arith.constant 1 : i32
    scf.for %scan3A_144 = %scan3A to %scan3A_3 step %scan3A_4  : i32 {
      %mul3A_145 = arith.constant 1 : i32
      %mul3A_146 = arith.muli %scan3A_144, %mul3A_145 : i32
      %add3A_147 = arith.constant 0 : i32
      %add3A_148 = arith.addi %add3A_147, %mul3A_146 : i32
      %swap3A = arith.constant 0 : i32
      %swap3A_149 = arith.index_cast %swap3A : i32 to index
      %swap3A_150 = arith.index_cast %add3A_148 : i32 to index
      %swap3A_151 = arith.constant 0 : index
      %swap3A_152 = tpu.vector_load %arg8[%swap3A_149, %swap3A_150, %swap3A_151] {strides = array<i32>} : memref<2x80x128xf32, #tpu.memory_space<vmem>>, vector<1x1x16xf32>,
      %swap3A_153 = vector.shape_cast %swap3A_152 : vector<1x1x16xf32> to vector<16xf32>
      %swap3A_154 = vector.shape_cast %broadcast_in_dim3A_1 : vector<16xf32> to vector<1x1x16xf32>
      tpu.vector_store %arg8[%swap3A_149, %swap3A_150, %swap3A_151], %swap3A_154 {strides = array<i32>} : memref<2x80x128xf32, #tpu.memory_space<vmem>>, vector<1x1x16xf32>,
      %swap3A_155 = arith.constant 0 : i32
      %swap3A_156 = arith.index_cast %swap3A_155 : i32 to index
      %swap3A_157 = arith.index_cast %add3A_148 : i32 to index
      %swap3A_158 = arith.constant 16 : index
      %swap3A_159 = tpu.vector_load %arg8[%swap3A_156, %swap3A_157, %swap3A_158] {strides = array<i32>} : memref<2x80x128xf32, #tpu.memory_space<vmem>>, vector<1x1x16xf32>,
      %swap3A_160 = vector.shape_cast %swap3A_159 : vector<1x1x16xf32> to vector<16xf32>
      %swap3A_161 = vector.shape_cast %broadcast_in_dim3A_1 : vector<16xf32> to vector<1x1x16xf32>
      tpu.vector_store %arg8[%swap3A_156, %swap3A_157, %swap3A_158], %swap3A_161 {strides = array<i32>} : memref<2x80x128xf32, #tpu.memory_space<vmem>>, vector<1x1x16xf32>,
      %swap3A_162 = arith.constant 0 : i32
      %swap3A_163 = arith.index_cast %swap3A_162 : i32 to index
      %swap3A_164 = arith.index_cast %add3A_148 : i32 to index
      %swap3A_165 = arith.constant 32 : index
      %swap3A_166 = tpu.vector_load %arg8[%swap3A_163, %swap3A_164, %swap3A_165] {strides = array<i32>} : memref<2x80x128xf32, #tpu.memory_space<vmem>>, vector<1x1x16xf32>,
      %swap3A_167 = vector.shape_cast %swap3A_166 : vector<1x1x16xf32> to vector<16xf32>
      %swap3A_168 = vector.shape_cast %broadcast_in_dim3A_1 : vector<16xf32> to vector<1x1x16xf32>
      tpu.vector_store %arg8[%swap3A_163, %swap3A_164, %swap3A_165], %swap3A_168 {strides = array<i32>} : memref<2x80x128xf32, #tpu.memory_space<vmem>>, vector<1x1x16xf32>,
      %swap3A_169 = arith.constant 0 : i32
      %swap3A_170 = arith.index_cast %swap3A_169 : i32 to index
      %swap3A_171 = arith.index_cast %add3A_148 : i32 to index
      %swap3A_172 = arith.constant 48 : index
      %swap3A_173 = tpu.vector_load %arg8[%swap3A_170, %swap3A_171, %swap3A_172] {strides = array<i32>} : memref<2x80x128xf32, #tpu.memory_space<vmem>>, vector<1x1x16xf32>,
      %swap3A_174 = vector.shape_cast %swap3A_173 : vector<1x1x16xf32> to vector<16xf32>
      %swap3A_175 = vector.shape_cast %broadcast_in_dim3A_1 : vector<16xf32> to vector<1x1x16xf32>
      tpu.vector_store %arg8[%swap3A_170, %swap3A_171, %swap3A_172], %swap3A_175 {strides = array<i32>} : memref<2x80x128xf32, #tpu.memory_space<vmem>>, vector<1x1x16xf32>,
      %swap3A_176 = arith.constant 0 : i32
      %swap3A_177 = arith.index_cast %swap3A_176 : i32 to index
      %swap3A_178 = arith.index_cast %add3A_148 : i32 to index
      %swap3A_179 = arith.constant 64 : index
      %swap3A_180 = tpu.vector_load %arg8[%swap3A_177, %swap3A_178, %swap3A_179] {strides = array<i32>} : memref<2x80x128xf32, #tpu.memory_space<vmem>>, vector<1x1x16xf32>,
      %swap3A_181 = vector.shape_cast %swap3A_180 : vector<1x1x16xf32> to vector<16xf32>
      %swap3A_182 = vector.shape_cast %broadcast_in_dim3A_1 : vector<16xf32> to vector<1x1x16xf32>
      tpu.vector_store %arg8[%swap3A_177, %swap3A_178, %swap3A_179], %swap3A_182 {strides = array<i32>} : memref<2x80x128xf32, #tpu.memory_space<vmem>>, vector<1x1x16xf32>,
      %swap3A_183 = arith.constant 0 : i32
      %swap3A_184 = arith.index_cast %swap3A_183 : i32 to index
      %swap3A_185 = arith.index_cast %add3A_148 : i32 to index
      %swap3A_186 = arith.constant 80 : index
      %swap3A_187 = tpu.vector_load %arg8[%swap3A_184, %swap3A_185, %swap3A_186] {strides = array<i32>} : memref<2x80x128xf32, #tpu.memory_space<vmem>>, vector<1x1x16xf32>,
      %swap3A_188 = vector.shape_cast %swap3A_187 : vector<1x1x16xf32> to vector<16xf32>
      %swap3A_189 = vector.shape_cast %broadcast_in_dim3A_1 : vector<16xf32> to vector<1x1x16xf32>
      tpu.vector_store %arg8[%swap3A_184, %swap3A_185, %swap3A_186], %swap3A_189 {strides = array<i32>} : memref<2x80x128xf32, #tpu.memory_space<vmem>>, vector<1x1x16xf32>,
      %swap3A_190 = arith.constant 0 : i32
      %swap3A_191 = arith.index_cast %swap3A_190 : i32 to index
      %swap3A_192 = arith.index_cast %add3A_148 : i32 to index
      %swap3A_193 = arith.constant 96 : index
      %swap3A_194 = tpu.vector_load %arg8[%swap3A_191, %swap3A_192, %swap3A_193] {strides = array<i32>} : memref<2x80x128xf32, #tpu.memory_space<vmem>>, vector<1x1x16xf32>,
      %swap3A_195 = vector.shape_cast %swap3A_194 : vector<1x1x16xf32> to vector<16xf32>
      %swap3A_196 = vector.shape_cast %broadcast_in_dim3A_1 : vector<16xf32> to vector<1x1x16xf32>
      tpu.vector_store %arg8[%swap3A_191, %swap3A_192, %swap3A_193], %swap3A_196 {strides = array<i32>} : memref<2x80x128xf32, #tpu.memory_space<vmem>>, vector<1x1x16xf32>,
      %swap3A_197 = arith.constant 0 : i32
      %swap3A_198 = arith.index_cast %swap3A_197 : i32 to index
      %swap3A_199 = arith.index_cast %add3A_148 : i32 to index
      %swap3A_200 = arith.constant 112 : index
      %swap3A_201 = tpu.vector_load %arg8[%swap3A_198, %swap3A_199, %swap3A_200] {strides = array<i32>} : memref<2x80x128xf32, #tpu.memory_space<vmem>>, vector<1x1x16xf32>,
      %swap3A_202 = vector.shape_cast %swap3A_201 : vector<1x1x16xf32> to vector<16xf32>
      %swap3A_203 = vector.shape_cast %broadcast_in_dim3A_1 : vector<16xf32> to vector<1x1x16xf32>
      tpu.vector_store %arg8[%swap3A_198, %swap3A_199, %swap3A_200], %swap3A_203 {strides = array<i32>} : memref<2x80x128xf32, #tpu.memory_space<vmem>>, vector<1x1x16xf32>,
    }
    %scan3A_5 = arith.constant 80 : i32
    "tpu.region"() ({
      %run_scoped3A = tpu.sem_alloc : memref<!tpu.dma_semaphore, #tpu.memory_space<semaphore_mem>>
      tpu.enqueue_dma source(%arg6 : memref<1x128xf32, #tpu.memory_space<hbm>>) target(%arg10 : memref<1x128xf32, #tpu.memory_space<vmem>>) target_semaphore(%run_scoped3A : memref<!tpu.dma_semaphore, #tpu.memory_space<semaphore_mem>>)
      tpu.wait_dma2 semaphore(%run_scoped3A : memref<!tpu.dma_semaphore, #tpu.memory_space<semaphore_mem>>) src(%arg6 : memref<1x128xf32, #tpu.memory_space<hbm>>) dst(%arg10 : memref<1x128xf32, #tpu.memory_space<vmem>>)
      tpu.yield
    }) : () -> ()
    %mul3A_6 = arith.constant 1000 : i32
    %mul3A_7 = arith.muli %arg1, %mul3A_6 : i32
    %lt3A = arith.constant 10 : i32
    %lt3A_8 = arith.cmpi slt, %arg1, %lt3A : i32
    %convert_element_type3A = arith.extui %lt3A_8 : i1 to i32
    %cond3A = arith.constant 0 : i32
    %cond3A_9 = arith.cmpi ne, %convert_element_type3A, %cond3A : i32
    scf.if %cond3A_9 {
      %add3A_144 = arith.constant 0 : i32
      %add3A_145 = arith.addi %mul3A_7, %add3A_144 : i32
      %run_scoped3A = arith.constant 0 : i32
      "tpu.region"() ({
        %run_scoped3A_182 = tpu.sem_alloc : memref<!tpu.dma_semaphore, #tpu.memory_space<semaphore_mem>>
        %dma_start3A_183 = arith.constant 0 : i32
        %dma_start3A_184 = arith.constant 0 : i32
        %dma_start3A_185 = tpu.memref_slice %arg8[%run_scoped3A, %dma_start3A_183, %dma_start3A_184] : memref<2x80x128xf32, #tpu.memory_space<vmem>> -> memref<1x80x128xf32, #tpu.memory_space<vmem>>
        %dma_start3A_186 = tpu.memref_squeeze %dma_start3A_185 : memref<1x80x128xf32, #tpu.memory_space<vmem>> -> memref<80x128xf32, #tpu.memory_space<vmem>>
        %dma_start3A_187 = arith.constant 0 : i32
        %dma_start3A_188 = tpu.memref_slice %arg22[%add3A_145, %dma_start3A_187] : memref<10000x128xf32, #tpu.memory_space<vmem_shared>> -> memref<80x128xf32, #tpu.memory_space<vmem_shared>>
        %dma_start3A_189 = arith.constant 0 : i32
        %dma_start3A_190 = tpu.memref_slice %arg22[%add3A_145, %dma_start3A_189] : memref<10000x128xf32, #tpu.memory_space<vmem_shared>> -> memref<80x128xf32, #tpu.memory_space<vmem_shared>>
        %dma_start3A_191 = arith.constant 0 : i32
        %dma_start3A_192 = arith.constant 0 : i32
        %dma_start3A_193 = tpu.memref_slice %arg8[%run_scoped3A, %dma_start3A_191, %dma_start3A_192] : memref<2x80x128xf32, #tpu.memory_space<vmem>> -> memref<1x80x128xf32, #tpu.memory_space<vmem>>
        %dma_start3A_194 = tpu.memref_squeeze %dma_start3A_193 : memref<1x80x128xf32, #tpu.memory_space<vmem>> -> memref<80x128xf32, #tpu.memory_space<vmem>>
        tpu.enqueue_dma source(%dma_start3A_194 : memref<80x128xf32, #tpu.memory_space<vmem>>) target(%dma_start3A_190 : memref<80x128xf32, #tpu.memory_space<vmem_shared>>) target_semaphore(%run_scoped3A_182 : memref<!tpu.dma_semaphore, #tpu.memory_space<semaphore_mem>>)
        %dma_wait3A_195 = arith.constant 0 : i32
        %dma_wait3A_196 = arith.constant 0 : i32
        %dma_wait3A_197 = tpu.memref_slice %arg8[%run_scoped3A, %dma_wait3A_195, %dma_wait3A_196] : memref<2x80x128xf32, #tpu.memory_space<vmem>> -> memref<1x80x128xf32, #tpu.memory_space<vmem>>
        %dma_wait3A_198 = tpu.memref_squeeze %dma_wait3A_197 : memref<1x80x128xf32, #tpu.memory_space<vmem>> -> memref<80x128xf32, #tpu.memory_space<vmem>>
        %dma_wait3A_199 = arith.constant 0 : i32
        %dma_wait3A_200 = tpu.memref_slice %arg22[%add3A_145, %dma_wait3A_199] : memref<10000x128xf32, #tpu.memory_space<vmem_shared>> -> memref<80x128xf32, #tpu.memory_space<vmem_shared>>
        %dma_wait3A_201 = arith.constant 0 : i32
        %dma_wait3A_202 = tpu.memref_slice %arg22[%add3A_145, %dma_wait3A_201] : memref<10000x128xf32, #tpu.memory_space<vmem_shared>> -> memref<80x128xf32, #tpu.memory_space<vmem_shared>>
        %dma_wait3A_203 = arith.constant 0 : i32
        %dma_wait3A_204 = arith.constant 0 : i32
        %dma_wait3A_205 = tpu.memref_slice %arg8[%run_scoped3A, %dma_wait3A_203, %dma_wait3A_204] : memref<2x80x128xf32, #tpu.memory_space<vmem>> -> memref<1x80x128xf32, #tpu.memory_space<vmem>>
        %dma_wait3A_206 = tpu.memref_squeeze %dma_wait3A_205 : memref<1x80x128xf32, #tpu.memory_space<vmem>> -> memref<80x128xf32, #tpu.memory_space<vmem>>
        tpu.wait_dma2 semaphore(%run_scoped3A_182 : memref<!tpu.dma_semaphore, #tpu.memory_space<semaphore_mem>>) src(%dma_wait3A_206 : memref<80x128xf32, #tpu.memory_space<vmem>>) dst(%dma_wait3A_202 : memref<80x128xf32, #tpu.memory_space<vmem_shared>>)
        tpu.yield
      }) : () -> ()
      %add3A_146 = arith.constant 80 : i32
      %add3A_147 = arith.addi %mul3A_7, %add3A_146 : i32
      %run_scoped3A_148 = arith.constant 0 : i32
      "tpu.region"() ({
        %run_scoped3A_182 = tpu.sem_alloc : memref<!tpu.dma_semaphore, #tpu.memory_space<semaphore_mem>>
        %dma_start3A_183 = arith.constant 0 : i32
        %dma_start3A_184 = arith.constant 0 : i32
        %dma_start3A_185 = tpu.memref_slice %arg8[%run_scoped3A_148, %dma_start3A_183, %dma_start3A_184] : memref<2x80x128xf32, #tpu.memory_space<vmem>> -> memref<1x80x128xf32, #tpu.memory_space<vmem>>
        %dma_start3A_186 = tpu.memref_squeeze %dma_start3A_185 : memref<1x80x128xf32, #tpu.memory_space<vmem>> -> memref<80x128xf32, #tpu.memory_space<vmem>>
        %dma_start3A_187 = arith.constant 0 : i32
        %dma_start3A_188 = tpu.memref_slice %arg22[%add3A_147, %dma_start3A_187] : memref<10000x128xf32, #tpu.memory_space<vmem_shared>> -> memref<80x128xf32, #tpu.memory_space<vmem_shared>>
        %dma_start3A_189 = arith.constant 0 : i32
        %dma_start3A_190 = tpu.memref_slice %arg22[%add3A_147, %dma_start3A_189] : memref<10000x128xf32, #tpu.memory_space<vmem_shared>> -> memref<80x128xf32, #tpu.memory_space<vmem_shared>>
        %dma_start3A_191 = arith.constant 0 : i32
        %dma_start3A_192 = arith.constant 0 : i32
        %dma_start3A_193 = tpu.memref_slice %arg8[%run_scoped3A_148, %dma_start3A_191, %dma_start3A_192] : memref<2x80x128xf32, #tpu.memory_space<vmem>> -> memref<1x80x128xf32, #tpu.memory_space<vmem>>
        %dma_start3A_194 = tpu.memref_squeeze %dma_start3A_193 : memref<1x80x128xf32, #tpu.memory_space<vmem>> -> memref<80x128xf32, #tpu.memory_space<vmem>>
        tpu.enqueue_dma source(%dma_start3A_194 : memref<80x128xf32, #tpu.memory_space<vmem>>) target(%dma_start3A_190 : memref<80x128xf32, #tpu.memory_space<vmem_shared>>) target_semaphore(%run_scoped3A_182 : memref<!tpu.dma_semaphore, #tpu.memory_space<semaphore_mem>>)
        %dma_wait3A_195 = arith.constant 0 : i32
        %dma_wait3A_196 = arith.constant 0 : i32
        %dma_wait3A_197 = tpu.memref_slice %arg8[%run_scoped3A_148, %dma_wait3A_195, %dma_wait3A_196] : memref<2x80x128xf32, #tpu.memory_space<vmem>> -> memref<1x80x128xf32, #tpu.memory_space<vmem>>
        %dma_wait3A_198 = tpu.memref_squeeze %dma_wait3A_197 : memref<1x80x128xf32, #tpu.memory_space<vmem>> -> memref<80x128xf32, #tpu.memory_space<vmem>>
        %dma_wait3A_199 = arith.constant 0 : i32
        %dma_wait3A_200 = tpu.memref_slice %arg22[%add3A_147, %dma_wait3A_199] : memref<10000x128xf32, #tpu.memory_space<vmem_shared>> -> memref<80x128xf32, #tpu.memory_space<vmem_shared>>
        %dma_wait3A_201 = arith.constant 0 : i32
        %dma_wait3A_202 = tpu.memref_slice %arg22[%add3A_147, %dma_wait3A_201] : memref<10000x128xf32, #tpu.memory_space<vmem_shared>> -> memref<80x128xf32, #tpu.memory_space<vmem_shared>>
        %dma_wait3A_203 = arith.constant 0 : i32
        %dma_wait3A_204 = arith.constant 0 : i32
        %dma_wait3A_205 = tpu.memref_slice %arg8[%run_scoped3A_148, %dma_wait3A_203, %dma_wait3A_204] : memref<2x80x128xf32, #tpu.memory_space<vmem>> -> memref<1x80x128xf32, #tpu.memory_space<vmem>>
        %dma_wait3A_206 = tpu.memref_squeeze %dma_wait3A_205 : memref<1x80x128xf32, #tpu.memory_space<vmem>> -> memref<80x128xf32, #tpu.memory_space<vmem>>
        tpu.wait_dma2 semaphore(%run_scoped3A_182 : memref<!tpu.dma_semaphore, #tpu.memory_space<semaphore_mem>>) src(%dma_wait3A_206 : memref<80x128xf32, #tpu.memory_space<vmem>>) dst(%dma_wait3A_202 : memref<80x128xf32, #tpu.memory_space<vmem_shared>>)
        tpu.yield
      }) : () -> ()
      %add3A_149 = arith.constant 160 : i32
      %add3A_150 = arith.addi %mul3A_7, %add3A_149 : i32
      %run_scoped3A_151 = arith.constant 0 : i32
      "tpu.region"() ({
        %run_scoped3A_182 = tpu.sem_alloc : memref<!tpu.dma_semaphore, #tpu.memory_space<semaphore_mem>>
        %dma_start3A_183 = arith.constant 0 : i32
        %dma_start3A_184 = arith.constant 0 : i32
        %dma_start3A_185 = tpu.memref_slice %arg8[%run_scoped3A_151, %dma_start3A_183, %dma_start3A_184] : memref<2x80x128xf32, #tpu.memory_space<vmem>> -> memref<1x80x128xf32, #tpu.memory_space<vmem>>
        %dma_start3A_186 = tpu.memref_squeeze %dma_start3A_185 : memref<1x80x128xf32, #tpu.memory_space<vmem>> -> memref<80x128xf32, #tpu.memory_space<vmem>>
        %dma_start3A_187 = arith.constant 0 : i32
        %dma_start3A_188 = tpu.memref_slice %arg22[%add3A_150, %dma_start3A_187] : memref<10000x128xf32, #tpu.memory_space<vmem_shared>> -> memref<80x128xf32, #tpu.memory_space<vmem_shared>>
        %dma_start3A_189 = arith.constant 0 : i32
        %dma_start3A_190 = tpu.memref_slice %arg22[%add3A_150, %dma_start3A_189] : memref<10000x128xf32, #tpu.memory_space<vmem_shared>> -> memref<80x128xf32, #tpu.memory_space<vmem_shared>>
        %dma_start3A_191 = arith.constant 0 : i32
        %dma_start3A_192 = arith.constant 0 : i32
        %dma_start3A_193 = tpu.memref_slice %arg8[%run_scoped3A_151, %dma_start3A_191, %dma_start3A_192] : memref<2x80x128xf32, #tpu.memory_space<vmem>> -> memref<1x80x128xf32, #tpu.memory_space<vmem>>
        %dma_start3A_194 = tpu.memref_squeeze %dma_start3A_193 : memref<1x80x128xf32, #tpu.memory_space<vmem>> -> memref<80x128xf32, #tpu.memory_space<vmem>>
        tpu.enqueue_dma source(%dma_start3A_194 : memref<80x128xf32, #tpu.memory_space<vmem>>) target(%dma_start3A_190 : memref<80x128xf32, #tpu.memory_space<vmem_shared>>) target_semaphore(%run_scoped3A_182 : memref<!tpu.dma_semaphore, #tpu.memory_space<semaphore_mem>>)
        %dma_wait3A_195 = arith.constant 0 : i32
        %dma_wait3A_196 = arith.constant 0 : i32
        %dma_wait3A_197 = tpu.memref_slice %arg8[%run_scoped3A_151, %dma_wait3A_195, %dma_wait3A_196] : memref<2x80x128xf32, #tpu.memory_space<vmem>> -> memref<1x80x128xf32, #tpu.memory_space<vmem>>
        %dma_wait3A_198 = tpu.memref_squeeze %dma_wait3A_197 : memref<1x80x128xf32, #tpu.memory_space<vmem>> -> memref<80x128xf32, #tpu.memory_space<vmem>>
        %dma_wait3A_199 = arith.constant 0 : i32
        %dma_wait3A_200 = tpu.memref_slice %arg22[%add3A_150, %dma_wait3A_199] : memref<10000x128xf32, #tpu.memory_space<vmem_shared>> -> memref<80x128xf32, #tpu.memory_space<vmem_shared>>
        %dma_wait3A_201 = arith.constant 0 : i32
        %dma_wait3A_202 = tpu.memref_slice %arg22[%add3A_150, %dma_wait3A_201] : memref<10000x128xf32, #tpu.memory_space<vmem_shared>> -> memref<80x128xf32, #tpu.memory_space<vmem_shared>>
        %dma_wait3A_203 = arith.constant 0 : i32
        %dma_wait3A_204 = arith.constant 0 : i32
        %dma_wait3A_205 = tpu.memref_slice %arg8[%run_scoped3A_151, %dma_wait3A_203, %dma_wait3A_204] : memref<2x80x128xf32, #tpu.memory_space<vmem>> -> memref<1x80x128xf32, #tpu.memory_space<vmem>>
        %dma_wait3A_206 = tpu.memref_squeeze %dma_wait3A_205 : memref<1x80x128xf32, #tpu.memory_space<vmem>> -> memref<80x128xf32, #tpu.memory_space<vmem>>
        tpu.wait_dma2 semaphore(%run_scoped3A_182 : memref<!tpu.dma_semaphore, #tpu.memory_space<semaphore_mem>>) src(%dma_wait3A_206 : memref<80x128xf32, #tpu.memory_space<vmem>>) dst(%dma_wait3A_202 : memref<80x128xf32, #tpu.memory_space<vmem_shared>>)
        tpu.yield
      }) : () -> ()
      %add3A_152 = arith.constant 240 : i32
      %add3A_153 = arith.addi %mul3A_7, %add3A_152 : i32
      %run_scoped3A_154 = arith.constant 0 : i32
      "tpu.region"() ({
        %run_scoped3A_182 = tpu.sem_alloc : memref<!tpu.dma_semaphore, #tpu.memory_space<semaphore_mem>>
        %dma_start3A_183 = arith.constant 0 : i32
        %dma_start3A_184 = arith.constant 0 : i32
        %dma_start3A_185 = tpu.memref_slice %arg8[%run_scoped3A_154, %dma_start3A_183, %dma_start3A_184] : memref<2x80x128xf32, #tpu.memory_space<vmem>> -> memref<1x80x128xf32, #tpu.memory_space<vmem>>
        %dma_start3A_186 = tpu.memref_squeeze %dma_start3A_185 : memref<1x80x128xf32, #tpu.memory_space<vmem>> -> memref<80x128xf32, #tpu.memory_space<vmem>>
        %dma_start3A_187 = arith.constant 0 : i32
        %dma_start3A_188 = tpu.memref_slice %arg22[%add3A_153, %dma_start3A_187] : memref<10000x128xf32, #tpu.memory_space<vmem_shared>> -> memref<80x128xf32, #tpu.memory_space<vmem_shared>>
        %dma_start3A_189 = arith.constant 0 : i32
        %dma_start3A_190 = tpu.memref_slice %arg22[%add3A_153, %dma_start3A_189] : memref<10000x128xf32, #tpu.memory_space<vmem_shared>> -> memref<80x128xf32, #tpu.memory_space<vmem_shared>>
        %dma_start3A_191 = arith.constant 0 : i32
        %dma_start3A_192 = arith.constant 0 : i32
        %dma_start3A_193 = tpu.memref_slice %arg8[%run_scoped3A_154, %dma_start3A_191, %dma_start3A_192] : memref<2x80x128xf32, #tpu.memory_space<vmem>> -> memref<1x80x128xf32, #tpu.memory_space<vmem>>
        %dma_start3A_194 = tpu.memref_squeeze %dma_start3A_193 : memref<1x80x128xf32, #tpu.memory_space<vmem>> -> memref<80x128xf32, #tpu.memory_space<vmem>>
        tpu.enqueue_dma source(%dma_start3A_194 : memref<80x128xf32, #tpu.memory_space<vmem>>) target(%dma_start3A_190 : memref<80x128xf32, #tpu.memory_space<vmem_shared>>) target_semaphore(%run_scoped3A_182 : memref<!tpu.dma_semaphore, #tpu.memory_space<semaphore_mem>>)
        %dma_wait3A_195 = arith.constant 0 : i32
        %dma_wait3A_196 = arith.constant 0 : i32
        %dma_wait3A_197 = tpu.memref_slice %arg8[%run_scoped3A_154, %dma_wait3A_195, %dma_wait3A_196] : memref<2x80x128xf32, #tpu.memory_space<vmem>> -> memref<1x80x128xf32, #tpu.memory_space<vmem>>
        %dma_wait3A_198 = tpu.memref_squeeze %dma_wait3A_197 : memref<1x80x128xf32, #tpu.memory_space<vmem>> -> memref<80x128xf32, #tpu.memory_space<vmem>>
        %dma_wait3A_199 = arith.constant 0 : i32
        %dma_wait3A_200 = tpu.memref_slice %arg22[%add3A_153, %dma_wait3A_199] : memref<10000x128xf32, #tpu.memory_space<vmem_shared>> -> memref<80x128xf32, #tpu.memory_space<vmem_shared>>
        %dma_wait3A_201 = arith.constant 0 : i32
        %dma_wait3A_202 = tpu.memref_slice %arg22[%add3A_153, %dma_wait3A_201] : memref<10000x128xf32, #tpu.memory_space<vmem_shared>> -> memref<80x128xf32, #tpu.memory_space<vmem_shared>>
        %dma_wait3A_203 = arith.constant 0 : i32
        %dma_wait3A_204 = arith.constant 0 : i32
        %dma_wait3A_205 = tpu.memref_slice %arg8[%run_scoped3A_154, %dma_wait3A_203, %dma_wait3A_204] : memref<2x80x128xf32, #tpu.memory_space<vmem>> -> memref<1x80x128xf32, #tpu.memory_space<vmem>>
        %dma_wait3A_206 = tpu.memref_squeeze %dma_wait3A_205 : memref<1x80x128xf32, #tpu.memory_space<vmem>> -> memref<80x128xf32, #tpu.memory_space<vmem>>
        tpu.wait_dma2 semaphore(%run_scoped3A_182 : memref<!tpu.dma_semaphore, #tpu.memory_space<semaphore_mem>>) src(%dma_wait3A_206 : memref<80x128xf32, #tpu.memory_space<vmem>>) dst(%dma_wait3A_202 : memref<80x128xf32, #tpu.memory_space<vmem_shared>>)
        tpu.yield
      }) : () -> ()
      %add3A_155 = arith.constant 320 : i32
      %add3A_156 = arith.addi %mul3A_7, %add3A_155 : i32
      %run_scoped3A_157 = arith.constant 0 : i32
      "tpu.region"() ({
        %run_scoped3A_182 = tpu.sem_alloc : memref<!tpu.dma_semaphore, #tpu.memory_space<semaphore_mem>>
        %dma_start3A_183 = arith.constant 0 : i32
        %dma_start3A_184 = arith.constant 0 : i32
        %dma_start3A_185 = tpu.memref_slice %arg8[%run_scoped3A_157, %dma_start3A_183, %dma_start3A_184] : memref<2x80x128xf32, #tpu.memory_space<vmem>> -> memref<1x80x128xf32, #tpu.memory_space<vmem>>
        %dma_start3A_186 = tpu.memref_squeeze %dma_start3A_185 : memref<1x80x128xf32, #tpu.memory_space<vmem>> -> memref<80x128xf32, #tpu.memory_space<vmem>>
        %dma_start3A_187 = arith.constant 0 : i32
        %dma_start3A_188 = tpu.memref_slice %arg22[%add3A_156, %dma_start3A_187] : memref<10000x128xf32, #tpu.memory_space<vmem_shared>> -> memref<80x128xf32, #tpu.memory_space<vmem_shared>>
        %dma_start3A_189 = arith.constant 0 : i32
        %dma_start3A_190 = tpu.memref_slice %arg22[%add3A_156, %dma_start3A_189] : memref<10000x128xf32, #tpu.memory_space<vmem_shared>> -> memref<80x128xf32, #tpu.memory_space<vmem_shared>>
        %dma_start3A_191 = arith.constant 0 : i32
        %dma_start3A_192 = arith.constant 0 : i32
        %dma_start3A_193 = tpu.memref_slice %arg8[%run_scoped3A_157, %dma_start3A_191, %dma_start3A_192] : memref<2x80x128xf32, #tpu.memory_space<vmem>> -> memref<1x80x128xf32, #tpu.memory_space<vmem>>
        %dma_start3A_194 = tpu.memref_squeeze %dma_start3A_193 : memref<1x80x128xf32, #tpu.memory_space<vmem>> -> memref<80x128xf32, #tpu.memory_space<vmem>>
        tpu.enqueue_dma source(%dma_start3A_194 : memref<80x128xf32, #tpu.memory_space<vmem>>) target(%dma_start3A_190 : memref<80x128xf32, #tpu.memory_space<vmem_shared>>) target_semaphore(%run_scoped3A_182 : memref<!tpu.dma_semaphore, #tpu.memory_space<semaphore_mem>>)
        %dma_wait3A_195 = arith.constant 0 : i32
        %dma_wait3A_196 = arith.constant 0 : i32
        %dma_wait3A_197 = tpu.memref_slice %arg8[%run_scoped3A_157, %dma_wait3A_195, %dma_wait3A_196] : memref<2x80x128xf32, #tpu.memory_space<vmem>> -> memref<1x80x128xf32, #tpu.memory_space<vmem>>
        %dma_wait3A_198 = tpu.memref_squeeze %dma_wait3A_197 : memref<1x80x128xf32, #tpu.memory_space<vmem>> -> memref<80x128xf32, #tpu.memory_space<vmem>>
        %dma_wait3A_199 = arith.constant 0 : i32
        %dma_wait3A_200 = tpu.memref_slice %arg22[%add3A_156, %dma_wait3A_199] : memref<10000x128xf32, #tpu.memory_space<vmem_shared>> -> memref<80x128xf32, #tpu.memory_space<vmem_shared>>
        %dma_wait3A_201 = arith.constant 0 : i32
        %dma_wait3A_202 = tpu.memref_slice %arg22[%add3A_156, %dma_wait3A_201] : memref<10000x128xf32, #tpu.memory_space<vmem_shared>> -> memref<80x128xf32, #tpu.memory_space<vmem_shared>>
        %dma_wait3A_203 = arith.constant 0 : i32
        %dma_wait3A_204 = arith.constant 0 : i32
        %dma_wait3A_205 = tpu.memref_slice %arg8[%run_scoped3A_157, %dma_wait3A_203, %dma_wait3A_204] : memref<2x80x128xf32, #tpu.memory_space<vmem>> -> memref<1x80x128xf32, #tpu.memory_space<vmem>>
        %dma_wait3A_206 = tpu.memref_squeeze %dma_wait3A_205 : memref<1x80x128xf32, #tpu.memory_space<vmem>> -> memref<80x128xf32, #tpu.memory_space<vmem>>
        tpu.wait_dma2 semaphore(%run_scoped3A_182 : memref<!tpu.dma_semaphore, #tpu.memory_space<semaphore_mem>>) src(%dma_wait3A_206 : memref<80x128xf32, #tpu.memory_space<vmem>>) dst(%dma_wait3A_202 : memref<80x128xf32, #tpu.memory_space<vmem_shared>>)
        tpu.yield
      }) : () -> ()
      %add3A_158 = arith.constant 400 : i32
      %add3A_159 = arith.addi %mul3A_7, %add3A_158 : i32
      %run_scoped3A_160 = arith.constant 0 : i32
      "tpu.region"() ({
        %run_scoped3A_182 = tpu.sem_alloc : memref<!tpu.dma_semaphore, #tpu.memory_space<semaphore_mem>>
        %dma_start3A_183 = arith.constant 0 : i32
        %dma_start3A_184 = arith.constant 0 : i32
        %dma_start3A_185 = tpu.memref_slice %arg8[%run_scoped3A_160, %dma_start3A_183, %dma_start3A_184] : memref<2x80x128xf32, #tpu.memory_space<vmem>> -> memref<1x80x128xf32, #tpu.memory_space<vmem>>
        %dma_start3A_186 = tpu.memref_squeeze %dma_start3A_185 : memref<1x80x128xf32, #tpu.memory_space<vmem>> -> memref<80x128xf32, #tpu.memory_space<vmem>>
        %dma_start3A_187 = arith.constant 0 : i32
        %dma_start3A_188 = tpu.memref_slice %arg22[%add3A_159, %dma_start3A_187] : memref<10000x128xf32, #tpu.memory_space<vmem_shared>> -> memref<80x128xf32, #tpu.memory_space<vmem_shared>>
        %dma_start3A_189 = arith.constant 0 : i32
        %dma_start3A_190 = tpu.memref_slice %arg22[%add3A_159, %dma_start3A_189] : memref<10000x128xf32, #tpu.memory_space<vmem_shared>> -> memref<80x128xf32, #tpu.memory_space<vmem_shared>>
        %dma_start3A_191 = arith.constant 0 : i32
        %dma_start3A_192 = arith.constant 0 : i32
        %dma_start3A_193 = tpu.memref_slice %arg8[%run_scoped3A_160, %dma_start3A_191, %dma_start3A_192] : memref<2x80x128xf32, #tpu.memory_space<vmem>> -> memref<1x80x128xf32, #tpu.memory_space<vmem>>
        %dma_start3A_194 = tpu.memref_squeeze %dma_start3A_193 : memref<1x80x128xf32, #tpu.memory_space<vmem>> -> memref<80x128xf32, #tpu.memory_space<vmem>>
        tpu.enqueue_dma source(%dma_start3A_194 : memref<80x128xf32, #tpu.memory_space<vmem>>) target(%dma_start3A_190 : memref<80x128xf32, #tpu.memory_space<vmem_shared>>) target_semaphore(%run_scoped3A_182 : memref<!tpu.dma_semaphore, #tpu.memory_space<semaphore_mem>>)
        %dma_wait3A_195 = arith.constant 0 : i32
        %dma_wait3A_196 = arith.constant 0 : i32
        %dma_wait3A_197 = tpu.memref_slice %arg8[%run_scoped3A_160, %dma_wait3A_195, %dma_wait3A_196] : memref<2x80x128xf32, #tpu.memory_space<vmem>> -> memref<1x80x128xf32, #tpu.memory_space<vmem>>
        %dma_wait3A_198 = tpu.memref_squeeze %dma_wait3A_197 : memref<1x80x128xf32, #tpu.memory_space<vmem>> -> memref<80x128xf32, #tpu.memory_space<vmem>>
        %dma_wait3A_199 = arith.constant 0 : i32
        %dma_wait3A_200 = tpu.memref_slice %arg22[%add3A_159, %dma_wait3A_199] : memref<10000x128xf32, #tpu.memory_space<vmem_shared>> -> memref<80x128xf32, #tpu.memory_space<vmem_shared>>
        %dma_wait3A_201 = arith.constant 0 : i32
        %dma_wait3A_202 = tpu.memref_slice %arg22[%add3A_159, %dma_wait3A_201] : memref<10000x128xf32, #tpu.memory_space<vmem_shared>> -> memref<80x128xf32, #tpu.memory_space<vmem_shared>>
        %dma_wait3A_203 = arith.constant 0 : i32
        %dma_wait3A_204 = arith.constant 0 : i32
        %dma_wait3A_205 = tpu.memref_slice %arg8[%run_scoped3A_160, %dma_wait3A_203, %dma_wait3A_204] : memref<2x80x128xf32, #tpu.memory_space<vmem>> -> memref<1x80x128xf32, #tpu.memory_space<vmem>>
        %dma_wait3A_206 = tpu.memref_squeeze %dma_wait3A_205 : memref<1x80x128xf32, #tpu.memory_space<vmem>> -> memref<80x128xf32, #tpu.memory_space<vmem>>
        tpu.wait_dma2 semaphore(%run_scoped3A_182 : memref<!tpu.dma_semaphore, #tpu.memory_space<semaphore_mem>>) src(%dma_wait3A_206 : memref<80x128xf32, #tpu.memory_space<vmem>>) dst(%dma_wait3A_202 : memref<80x128xf32, #tpu.memory_space<vmem_shared>>)
        tpu.yield
      }) : () -> ()
      %add3A_161 = arith.constant 480 : i32
      %add3A_162 = arith.addi %mul3A_7, %add3A_161 : i32
      %run_scoped3A_163 = arith.constant 0 : i32
      "tpu.region"() ({
        %run_scoped3A_182 = tpu.sem_alloc : memref<!tpu.dma_semaphore, #tpu.memory_space<semaphore_mem>>
        %dma_start3A_183 = arith.constant 0 : i32
        %dma_start3A_184 = arith.constant 0 : i32
        %dma_start3A_185 = tpu.memref_slice %arg8[%run_scoped3A_163, %dma_start3A_183, %dma_start3A_184] : memref<2x80x128xf32, #tpu.memory_space<vmem>> -> memref<1x80x128xf32, #tpu.memory_space<vmem>>
        %dma_start3A_186 = tpu.memref_squeeze %dma_start3A_185 : memref<1x80x128xf32, #tpu.memory_space<vmem>> -> memref<80x128xf32, #tpu.memory_space<vmem>>
        %dma_start3A_187 = arith.constant 0 : i32
        %dma_start3A_188 = tpu.memref_slice %arg22[%add3A_162, %dma_start3A_187] : memref<10000x128xf32, #tpu.memory_space<vmem_shared>> -> memref<80x128xf32, #tpu.memory_space<vmem_shared>>
        %dma_start3A_189 = arith.constant 0 : i32
        %dma_start3A_190 = tpu.memref_slice %arg22[%add3A_162, %dma_start3A_189] : memref<10000x128xf32, #tpu.memory_space<vmem_shared>> -> memref<80x128xf32, #tpu.memory_space<vmem_shared>>
        %dma_start3A_191 = arith.constant 0 : i32
        %dma_start3A_192 = arith.constant 0 : i32
        %dma_start3A_193 = tpu.memref_slice %arg8[%run_scoped3A_163, %dma_start3A_191, %dma_start3A_192] : memref<2x80x128xf32, #tpu.memory_space<vmem>> -> memref<1x80x128xf32, #tpu.memory_space<vmem>>
        %dma_start3A_194 = tpu.memref_squeeze %dma_start3A_193 : memref<1x80x128xf32, #tpu.memory_space<vmem>> -> memref<80x128xf32, #tpu.memory_space<vmem>>
        tpu.enqueue_dma source(%dma_start3A_194 : memref<80x128xf32, #tpu.memory_space<vmem>>) target(%dma_start3A_190 : memref<80x128xf32, #tpu.memory_space<vmem_shared>>) target_semaphore(%run_scoped3A_182 : memref<!tpu.dma_semaphore, #tpu.memory_space<semaphore_mem>>)
        %dma_wait3A_195 = arith.constant 0 : i32
        %dma_wait3A_196 = arith.constant 0 : i32
        %dma_wait3A_197 = tpu.memref_slice %arg8[%run_scoped3A_163, %dma_wait3A_195, %dma_wait3A_196] : memref<2x80x128xf32, #tpu.memory_space<vmem>> -> memref<1x80x128xf32, #tpu.memory_space<vmem>>
        %dma_wait3A_198 = tpu.memref_squeeze %dma_wait3A_197 : memref<1x80x128xf32, #tpu.memory_space<vmem>> -> memref<80x128xf32, #tpu.memory_space<vmem>>
        %dma_wait3A_199 = arith.constant 0 : i32
        %dma_wait3A_200 = tpu.memref_slice %arg22[%add3A_162, %dma_wait3A_199] : memref<10000x128xf32, #tpu.memory_space<vmem_shared>> -> memref<80x128xf32, #tpu.memory_space<vmem_shared>>
        %dma_wait3A_201 = arith.constant 0 : i32
        %dma_wait3A_202 = tpu.memref_slice %arg22[%add3A_162, %dma_wait3A_201] : memref<10000x128xf32, #tpu.memory_space<vmem_shared>> -> memref<80x128xf32, #tpu.memory_space<vmem_shared>>
        %dma_wait3A_203 = arith.constant 0 : i32
        %dma_wait3A_204 = arith.constant 0 : i32
        %dma_wait3A_205 = tpu.memref_slice %arg8[%run_scoped3A_163, %dma_wait3A_203, %dma_wait3A_204] : memref<2x80x128xf32, #tpu.memory_space<vmem>> -> memref<1x80x128xf32, #tpu.memory_space<vmem>>
        %dma_wait3A_206 = tpu.memref_squeeze %dma_wait3A_205 : memref<1x80x128xf32, #tpu.memory_space<vmem>> -> memref<80x128xf32, #tpu.memory_space<vmem>>
        tpu.wait_dma2 semaphore(%run_scoped3A_182 : memref<!tpu.dma_semaphore, #tpu.memory_space<semaphore_mem>>) src(%dma_wait3A_206 : memref<80x128xf32, #tpu.memory_space<vmem>>) dst(%dma_wait3A_202 : memref<80x128xf32, #tpu.memory_space<vmem_shared>>)
        tpu.yield
      }) : () -> ()
      %add3A_164 = arith.constant 560 : i32
      %add3A_165 = arith.addi %mul3A_7, %add3A_164 : i32
      %run_scoped3A_166 = arith.constant 0 : i32
      "tpu.region"() ({
        %run_scoped3A_182 = tpu.sem_alloc : memref<!tpu.dma_semaphore, #tpu.memory_space<semaphore_mem>>
        %dma_start3A_183 = arith.constant 0 : i32
        %dma_start3A_184 = arith.constant 0 : i32
        %dma_start3A_185 = tpu.memref_slice %arg8[%run_scoped3A_166, %dma_start3A_183, %dma_start3A_184] : memref<2x80x128xf32, #tpu.memory_space<vmem>> -> memref<1x80x128xf32, #tpu.memory_space<vmem>>
        %dma_start3A_186 = tpu.memref_squeeze %dma_start3A_185 : memref<1x80x128xf32, #tpu.memory_space<vmem>> -> memref<80x128xf32, #tpu.memory_space<vmem>>
        %dma_start3A_187 = arith.constant 0 : i32
        %dma_start3A_188 = tpu.memref_slice %arg22[%add3A_165, %dma_start3A_187] : memref<10000x128xf32, #tpu.memory_space<vmem_shared>> -> memref<80x128xf32, #tpu.memory_space<vmem_shared>>
        %dma_start3A_189 = arith.constant 0 : i32
        %dma_start3A_190 = tpu.memref_slice %arg22[%add3A_165, %dma_start3A_189] : memref<10000x128xf32, #tpu.memory_space<vmem_shared>> -> memref<80x128xf32, #tpu.memory_space<vmem_shared>>
        %dma_start3A_191 = arith.constant 0 : i32
        %dma_start3A_192 = arith.constant 0 : i32
        %dma_start3A_193 = tpu.memref_slice %arg8[%run_scoped3A_166, %dma_start3A_191, %dma_start3A_192] : memref<2x80x128xf32, #tpu.memory_space<vmem>> -> memref<1x80x128xf32, #tpu.memory_space<vmem>>
        %dma_start3A_194 = tpu.memref_squeeze %dma_start3A_193 : memref<1x80x128xf32, #tpu.memory_space<vmem>> -> memref<80x128xf32, #tpu.memory_space<vmem>>
        tpu.enqueue_dma source(%dma_start3A_194 : memref<80x128xf32, #tpu.memory_space<vmem>>) target(%dma_start3A_190 : memref<80x128xf32, #tpu.memory_space<vmem_shared>>) target_semaphore(%run_scoped3A_182 : memref<!tpu.dma_semaphore, #tpu.memory_space<semaphore_mem>>)
        %dma_wait3A_195 = arith.constant 0 : i32
        %dma_wait3A_196 = arith.constant 0 : i32
        %dma_wait3A_197 = tpu.memref_slice %arg8[%run_scoped3A_166, %dma_wait3A_195, %dma_wait3A_196] : memref<2x80x128xf32, #tpu.memory_space<vmem>> -> memref<1x80x128xf32, #tpu.memory_space<vmem>>
        %dma_wait3A_198 = tpu.memref_squeeze %dma_wait3A_197 : memref<1x80x128xf32, #tpu.memory_space<vmem>> -> memref<80x128xf32, #tpu.memory_space<vmem>>
        %dma_wait3A_199 = arith.constant 0 : i32
        %dma_wait3A_200 = tpu.memref_slice %arg22[%add3A_165, %dma_wait3A_199] : memref<10000x128xf32, #tpu.memory_space<vmem_shared>> -> memref<80x128xf32, #tpu.memory_space<vmem_shared>>
        %dma_wait3A_201 = arith.constant 0 : i32
        %dma_wait3A_202 = tpu.memref_slice %arg22[%add3A_165, %dma_wait3A_201] : memref<10000x128xf32, #tpu.memory_space<vmem_shared>> -> memref<80x128xf32, #tpu.memory_space<vmem_shared>>
        %dma_wait3A_203 = arith.constant 0 : i32
        %dma_wait3A_204 = arith.constant 0 : i32
        %dma_wait3A_205 = tpu.memref_slice %arg8[%run_scoped3A_166, %dma_wait3A_203, %dma_wait3A_204] : memref<2x80x128xf32, #tpu.memory_space<vmem>> -> memref<1x80x128xf32, #tpu.memory_space<vmem>>
        %dma_wait3A_206 = tpu.memref_squeeze %dma_wait3A_205 : memref<1x80x128xf32, #tpu.memory_space<vmem>> -> memref<80x128xf32, #tpu.memory_space<vmem>>
        tpu.wait_dma2 semaphore(%run_scoped3A_182 : memref<!tpu.dma_semaphore, #tpu.memory_space<semaphore_mem>>) src(%dma_wait3A_206 : memref<80x128xf32, #tpu.memory_space<vmem>>) dst(%dma_wait3A_202 : memref<80x128xf32, #tpu.memory_space<vmem_shared>>)
        tpu.yield
      }) : () -> ()
      %add3A_167 = arith.constant 640 : i32
      %add3A_168 = arith.addi %mul3A_7, %add3A_167 : i32
      %run_scoped3A_169 = arith.constant 0 : i32
      "tpu.region"() ({
        %run_scoped3A_182 = tpu.sem_alloc : memref<!tpu.dma_semaphore, #tpu.memory_space<semaphore_mem>>
        %dma_start3A_183 = arith.constant 0 : i32
        %dma_start3A_184 = arith.constant 0 : i32
        %dma_start3A_185 = tpu.memref_slice %arg8[%run_scoped3A_169, %dma_start3A_183, %dma_start3A_184] : memref<2x80x128xf32, #tpu.memory_space<vmem>> -> memref<1x80x128xf32, #tpu.memory_space<vmem>>
        %dma_start3A_186 = tpu.memref_squeeze %dma_start3A_185 : memref<1x80x128xf32, #tpu.memory_space<vmem>> -> memref<80x128xf32, #tpu.memory_space<vmem>>
        %dma_start3A_187 = arith.constant 0 : i32
        %dma_start3A_188 = tpu.memref_slice %arg22[%add3A_168, %dma_start3A_187] : memref<10000x128xf32, #tpu.memory_space<vmem_shared>> -> memref<80x128xf32, #tpu.memory_space<vmem_shared>>
        %dma_start3A_189 = arith.constant 0 : i32
        %dma_start3A_190 = tpu.memref_slice %arg22[%add3A_168, %dma_start3A_189] : memref<10000x128xf32, #tpu.memory_space<vmem_shared>> -> memref<80x128xf32, #tpu.memory_space<vmem_shared>>
        %dma_start3A_191 = arith.constant 0 : i32
        %dma_start3A_192 = arith.constant 0 : i32
        %dma_start3A_193 = tpu.memref_slice %arg8[%run_scoped3A_169, %dma_start3A_191, %dma_start3A_192] : memref<2x80x128xf32, #tpu.memory_space<vmem>> -> memref<1x80x128xf32, #tpu.memory_space<vmem>>
        %dma_start3A_194 = tpu.memref_squeeze %dma_start3A_193 : memref<1x80x128xf32, #tpu.memory_space<vmem>> -> memref<80x128xf32, #tpu.memory_space<vmem>>
        tpu.enqueue_dma source(%dma_start3A_194 : memref<80x128xf32, #tpu.memory_space<vmem>>) target(%dma_start3A_190 : memref<80x128xf32, #tpu.memory_space<vmem_shared>>) target_semaphore(%run_scoped3A_182 : memref<!tpu.dma_semaphore, #tpu.memory_space<semaphore_mem>>)
        %dma_wait3A_195 = arith.constant 0 : i32
        %dma_wait3A_196 = arith.constant 0 : i32
        %dma_wait3A_197 = tpu.memref_slice %arg8[%run_scoped3A_169, %dma_wait3A_195, %dma_wait3A_196] : memref<2x80x128xf32, #tpu.memory_space<vmem>> -> memref<1x80x128xf32, #tpu.memory_space<vmem>>
        %dma_wait3A_198 = tpu.memref_squeeze %dma_wait3A_197 : memref<1x80x128xf32, #tpu.memory_space<vmem>> -> memref<80x128xf32, #tpu.memory_space<vmem>>
        %dma_wait3A_199 = arith.constant 0 : i32
        %dma_wait3A_200 = tpu.memref_slice %arg22[%add3A_168, %dma_wait3A_199] : memref<10000x128xf32, #tpu.memory_space<vmem_shared>> -> memref<80x128xf32, #tpu.memory_space<vmem_shared>>
        %dma_wait3A_201 = arith.constant 0 : i32
        %dma_wait3A_202 = tpu.memref_slice %arg22[%add3A_168, %dma_wait3A_201] : memref<10000x128xf32, #tpu.memory_space<vmem_shared>> -> memref<80x128xf32, #tpu.memory_space<vmem_shared>>
        %dma_wait3A_203 = arith.constant 0 : i32
        %dma_wait3A_204 = arith.constant 0 : i32
        %dma_wait3A_205 = tpu.memref_slice %arg8[%run_scoped3A_169, %dma_wait3A_203, %dma_wait3A_204] : memref<2x80x128xf32, #tpu.memory_space<vmem>> -> memref<1x80x128xf32, #tpu.memory_space<vmem>>
        %dma_wait3A_206 = tpu.memref_squeeze %dma_wait3A_205 : memref<1x80x128xf32, #tpu.memory_space<vmem>> -> memref<80x128xf32, #tpu.memory_space<vmem>>
        tpu.wait_dma2 semaphore(%run_scoped3A_182 : memref<!tpu.dma_semaphore, #tpu.memory_space<semaphore_mem>>) src(%dma_wait3A_206 : memref<80x128xf32, #tpu.memory_space<vmem>>) dst(%dma_wait3A_202 : memref<80x128xf32, #tpu.memory_space<vmem_shared>>)
        tpu.yield
      }) : () -> ()
      %add3A_170 = arith.constant 720 : i32
      %add3A_171 = arith.addi %mul3A_7, %add3A_170 : i32
      %run_scoped3A_172 = arith.constant 0 : i32
      "tpu.region"() ({
        %run_scoped3A_182 = tpu.sem_alloc : memref<!tpu.dma_semaphore, #tpu.memory_space<semaphore_mem>>
        %dma_start3A_183 = arith.constant 0 : i32
        %dma_start3A_184 = arith.constant 0 : i32
        %dma_start3A_185 = tpu.memref_slice %arg8[%run_scoped3A_172, %dma_start3A_183, %dma_start3A_184] : memref<2x80x128xf32, #tpu.memory_space<vmem>> -> memref<1x80x128xf32, #tpu.memory_space<vmem>>
        %dma_start3A_186 = tpu.memref_squeeze %dma_start3A_185 : memref<1x80x128xf32, #tpu.memory_space<vmem>> -> memref<80x128xf32, #tpu.memory_space<vmem>>
        %dma_start3A_187 = arith.constant 0 : i32
        %dma_start3A_188 = tpu.memref_slice %arg22[%add3A_171, %dma_start3A_187] : memref<10000x128xf32, #tpu.memory_space<vmem_shared>> -> memref<80x128xf32, #tpu.memory_space<vmem_shared>>
        %dma_start3A_189 = arith.constant 0 : i32
        %dma_start3A_190 = tpu.memref_slice %arg22[%add3A_171, %dma_start3A_189] : memref<10000x128xf32, #tpu.memory_space<vmem_shared>> -> memref<80x128xf32, #tpu.memory_space<vmem_shared>>
        %dma_start3A_191 = arith.constant 0 : i32
        %dma_start3A_192 = arith.constant 0 : i32
        %dma_start3A_193 = tpu.memref_slice %arg8[%run_scoped3A_172, %dma_start3A_191, %dma_start3A_192] : memref<2x80x128xf32, #tpu.memory_space<vmem>> -> memref<1x80x128xf32, #tpu.memory_space<vmem>>
        %dma_start3A_194 = tpu.memref_squeeze %dma_start3A_193 : memref<1x80x128xf32, #tpu.memory_space<vmem>> -> memref<80x128xf32, #tpu.memory_space<vmem>>
        tpu.enqueue_dma source(%dma_start3A_194 : memref<80x128xf32, #tpu.memory_space<vmem>>) target(%dma_start3A_190 : memref<80x128xf32, #tpu.memory_space<vmem_shared>>) target_semaphore(%run_scoped3A_182 : memref<!tpu.dma_semaphore, #tpu.memory_space<semaphore_mem>>)
        %dma_wait3A_195 = arith.constant 0 : i32
        %dma_wait3A_196 = arith.constant 0 : i32
        %dma_wait3A_197 = tpu.memref_slice %arg8[%run_scoped3A_172, %dma_wait3A_195, %dma_wait3A_196] : memref<2x80x128xf32, #tpu.memory_space<vmem>> -> memref<1x80x128xf32, #tpu.memory_space<vmem>>
        %dma_wait3A_198 = tpu.memref_squeeze %dma_wait3A_197 : memref<1x80x128xf32, #tpu.memory_space<vmem>> -> memref<80x128xf32, #tpu.memory_space<vmem>>
        %dma_wait3A_199 = arith.constant 0 : i32
        %dma_wait3A_200 = tpu.memref_slice %arg22[%add3A_171, %dma_wait3A_199] : memref<10000x128xf32, #tpu.memory_space<vmem_shared>> -> memref<80x128xf32, #tpu.memory_space<vmem_shared>>
        %dma_wait3A_201 = arith.constant 0 : i32
        %dma_wait3A_202 = tpu.memref_slice %arg22[%add3A_171, %dma_wait3A_201] : memref<10000x128xf32, #tpu.memory_space<vmem_shared>> -> memref<80x128xf32, #tpu.memory_space<vmem_shared>>
        %dma_wait3A_203 = arith.constant 0 : i32
        %dma_wait3A_204 = arith.constant 0 : i32
        %dma_wait3A_205 = tpu.memref_slice %arg8[%run_scoped3A_172, %dma_wait3A_203, %dma_wait3A_204] : memref<2x80x128xf32, #tpu.memory_space<vmem>> -> memref<1x80x128xf32, #tpu.memory_space<vmem>>
        %dma_wait3A_206 = tpu.memref_squeeze %dma_wait3A_205 : memref<1x80x128xf32, #tpu.memory_space<vmem>> -> memref<80x128xf32, #tpu.memory_space<vmem>>
        tpu.wait_dma2 semaphore(%run_scoped3A_182 : memref<!tpu.dma_semaphore, #tpu.memory_space<semaphore_mem>>) src(%dma_wait3A_206 : memref<80x128xf32, #tpu.memory_space<vmem>>) dst(%dma_wait3A_202 : memref<80x128xf32, #tpu.memory_space<vmem_shared>>)
        tpu.yield
      }) : () -> ()
      %add3A_173 = arith.constant 800 : i32
      %add3A_174 = arith.addi %mul3A_7, %add3A_173 : i32
      %run_scoped3A_175 = arith.constant 0 : i32
      "tpu.region"() ({
        %run_scoped3A_182 = tpu.sem_alloc : memref<!tpu.dma_semaphore, #tpu.memory_space<semaphore_mem>>
        %dma_start3A_183 = arith.constant 0 : i32
        %dma_start3A_184 = arith.constant 0 : i32
        %dma_start3A_185 = tpu.memref_slice %arg8[%run_scoped3A_175, %dma_start3A_183, %dma_start3A_184] : memref<2x80x128xf32, #tpu.memory_space<vmem>> -> memref<1x80x128xf32, #tpu.memory_space<vmem>>
        %dma_start3A_186 = tpu.memref_squeeze %dma_start3A_185 : memref<1x80x128xf32, #tpu.memory_space<vmem>> -> memref<80x128xf32, #tpu.memory_space<vmem>>
        %dma_start3A_187 = arith.constant 0 : i32
        %dma_start3A_188 = tpu.memref_slice %arg22[%add3A_174, %dma_start3A_187] : memref<10000x128xf32, #tpu.memory_space<vmem_shared>> -> memref<80x128xf32, #tpu.memory_space<vmem_shared>>
        %dma_start3A_189 = arith.constant 0 : i32
        %dma_start3A_190 = tpu.memref_slice %arg22[%add3A_174, %dma_start3A_189] : memref<10000x128xf32, #tpu.memory_space<vmem_shared>> -> memref<80x128xf32, #tpu.memory_space<vmem_shared>>
        %dma_start3A_191 = arith.constant 0 : i32
        %dma_start3A_192 = arith.constant 0 : i32
        %dma_start3A_193 = tpu.memref_slice %arg8[%run_scoped3A_175, %dma_start3A_191, %dma_start3A_192] : memref<2x80x128xf32, #tpu.memory_space<vmem>> -> memref<1x80x128xf32, #tpu.memory_space<vmem>>
        %dma_start3A_194 = tpu.memref_squeeze %dma_start3A_193 : memref<1x80x128xf32, #tpu.memory_space<vmem>> -> memref<80x128xf32, #tpu.memory_space<vmem>>
        tpu.enqueue_dma source(%dma_start3A_194 : memref<80x128xf32, #tpu.memory_space<vmem>>) target(%dma_start3A_190 : memref<80x128xf32, #tpu.memory_space<vmem_shared>>) target_semaphore(%run_scoped3A_182 : memref<!tpu.dma_semaphore, #tpu.memory_space<semaphore_mem>>)
        %dma_wait3A_195 = arith.constant 0 : i32
        %dma_wait3A_196 = arith.constant 0 : i32
        %dma_wait3A_197 = tpu.memref_slice %arg8[%run_scoped3A_175, %dma_wait3A_195, %dma_wait3A_196] : memref<2x80x128xf32, #tpu.memory_space<vmem>> -> memref<1x80x128xf32, #tpu.memory_space<vmem>>
        %dma_wait3A_198 = tpu.memref_squeeze %dma_wait3A_197 : memref<1x80x128xf32, #tpu.memory_space<vmem>> -> memref<80x128xf32, #tpu.memory_space<vmem>>
        %dma_wait3A_199 = arith.constant 0 : i32
        %dma_wait3A_200 = tpu.memref_slice %arg22[%add3A_174, %dma_wait3A_199] : memref<10000x128xf32, #tpu.memory_space<vmem_shared>> -> memref<80x128xf32, #tpu.memory_space<vmem_shared>>
        %dma_wait3A_201 = arith.constant 0 : i32
        %dma_wait3A_202 = tpu.memref_slice %arg22[%add3A_174, %dma_wait3A_201] : memref<10000x128xf32, #tpu.memory_space<vmem_shared>> -> memref<80x128xf32, #tpu.memory_space<vmem_shared>>
        %dma_wait3A_203 = arith.constant 0 : i32
        %dma_wait3A_204 = arith.constant 0 : i32
        %dma_wait3A_205 = tpu.memref_slice %arg8[%run_scoped3A_175, %dma_wait3A_203, %dma_wait3A_204] : memref<2x80x128xf32, #tpu.memory_space<vmem>> -> memref<1x80x128xf32, #tpu.memory_space<vmem>>
        %dma_wait3A_206 = tpu.memref_squeeze %dma_wait3A_205 : memref<1x80x128xf32, #tpu.memory_space<vmem>> -> memref<80x128xf32, #tpu.memory_space<vmem>>
        tpu.wait_dma2 semaphore(%run_scoped3A_182 : memref<!tpu.dma_semaphore, #tpu.memory_space<semaphore_mem>>) src(%dma_wait3A_206 : memref<80x128xf32, #tpu.memory_space<vmem>>) dst(%dma_wait3A_202 : memref<80x128xf32, #tpu.memory_space<vmem_shared>>)
        tpu.yield
      }) : () -> ()
      %add3A_176 = arith.constant 880 : i32
      %add3A_177 = arith.addi %mul3A_7, %add3A_176 : i32
      %run_scoped3A_178 = arith.constant 0 : i32
      "tpu.region"() ({
        %run_scoped3A_182 = tpu.sem_alloc : memref<!tpu.dma_semaphore, #tpu.memory_space<semaphore_mem>>
        %dma_start3A_183 = arith.constant 0 : i32
        %dma_start3A_184 = arith.constant 0 : i32
        %dma_start3A_185 = tpu.memref_slice %arg8[%run_scoped3A_178, %dma_start3A_183, %dma_start3A_184] : memref<2x80x128xf32, #tpu.memory_space<vmem>> -> memref<1x80x128xf32, #tpu.memory_space<vmem>>
        %dma_start3A_186 = tpu.memref_squeeze %dma_start3A_185 : memref<1x80x128xf32, #tpu.memory_space<vmem>> -> memref<80x128xf32, #tpu.memory_space<vmem>>
        %dma_start3A_187 = arith.constant 0 : i32
        %dma_start3A_188 = tpu.memref_slice %arg22[%add3A_177, %dma_start3A_187] : memref<10000x128xf32, #tpu.memory_space<vmem_shared>> -> memref<80x128xf32, #tpu.memory_space<vmem_shared>>
        %dma_start3A_189 = arith.constant 0 : i32
        %dma_start3A_190 = tpu.memref_slice %arg22[%add3A_177, %dma_start3A_189] : memref<10000x128xf32, #tpu.memory_space<vmem_shared>> -> memref<80x128xf32, #tpu.memory_space<vmem_shared>>
        %dma_start3A_191 = arith.constant 0 : i32
        %dma_start3A_192 = arith.constant 0 : i32
        %dma_start3A_193 = tpu.memref_slice %arg8[%run_scoped3A_178, %dma_start3A_191, %dma_start3A_192] : memref<2x80x128xf32, #tpu.memory_space<vmem>> -> memref<1x80x128xf32, #tpu.memory_space<vmem>>
        %dma_start3A_194 = tpu.memref_squeeze %dma_start3A_193 : memref<1x80x128xf32, #tpu.memory_space<vmem>> -> memref<80x128xf32, #tpu.memory_space<vmem>>
        tpu.enqueue_dma source(%dma_start3A_194 : memref<80x128xf32, #tpu.memory_space<vmem>>) target(%dma_start3A_190 : memref<80x128xf32, #tpu.memory_space<vmem_shared>>) target_semaphore(%run_scoped3A_182 : memref<!tpu.dma_semaphore, #tpu.memory_space<semaphore_mem>>)
        %dma_wait3A_195 = arith.constant 0 : i32
        %dma_wait3A_196 = arith.constant 0 : i32
        %dma_wait3A_197 = tpu.memref_slice %arg8[%run_scoped3A_178, %dma_wait3A_195, %dma_wait3A_196] : memref<2x80x128xf32, #tpu.memory_space<vmem>> -> memref<1x80x128xf32, #tpu.memory_space<vmem>>
        %dma_wait3A_198 = tpu.memref_squeeze %dma_wait3A_197 : memref<1x80x128xf32, #tpu.memory_space<vmem>> -> memref<80x128xf32, #tpu.memory_space<vmem>>
        %dma_wait3A_199 = arith.constant 0 : i32
        %dma_wait3A_200 = tpu.memref_slice %arg22[%add3A_177, %dma_wait3A_199] : memref<10000x128xf32, #tpu.memory_space<vmem_shared>> -> memref<80x128xf32, #tpu.memory_space<vmem_shared>>
        %dma_wait3A_201 = arith.constant 0 : i32
        %dma_wait3A_202 = tpu.memref_slice %arg22[%add3A_177, %dma_wait3A_201] : memref<10000x128xf32, #tpu.memory_space<vmem_shared>> -> memref<80x128xf32, #tpu.memory_space<vmem_shared>>
        %dma_wait3A_203 = arith.constant 0 : i32
        %dma_wait3A_204 = arith.constant 0 : i32
        %dma_wait3A_205 = tpu.memref_slice %arg8[%run_scoped3A_178, %dma_wait3A_203, %dma_wait3A_204] : memref<2x80x128xf32, #tpu.memory_space<vmem>> -> memref<1x80x128xf32, #tpu.memory_space<vmem>>
        %dma_wait3A_206 = tpu.memref_squeeze %dma_wait3A_205 : memref<1x80x128xf32, #tpu.memory_space<vmem>> -> memref<80x128xf32, #tpu.memory_space<vmem>>
        tpu.wait_dma2 semaphore(%run_scoped3A_182 : memref<!tpu.dma_semaphore, #tpu.memory_space<semaphore_mem>>) src(%dma_wait3A_206 : memref<80x128xf32, #tpu.memory_space<vmem>>) dst(%dma_wait3A_202 : memref<80x128xf32, #tpu.memory_space<vmem_shared>>)
        tpu.yield
      }) : () -> ()
      %add3A_179 = arith.constant 960 : i32
      %add3A_180 = arith.addi %mul3A_7, %add3A_179 : i32
      %run_scoped3A_181 = arith.constant 0 : i32
      "tpu.region"() ({
        %run_scoped3A_182 = tpu.sem_alloc : memref<!tpu.dma_semaphore, #tpu.memory_space<semaphore_mem>>
        %dma_start3A_183 = arith.constant 0 : i32
        %dma_start3A_184 = arith.constant 0 : i32
        %dma_start3A_185 = tpu.memref_slice %arg8[%run_scoped3A_181, %dma_start3A_183, %dma_start3A_184] : memref<2x80x128xf32, #tpu.memory_space<vmem>> -> memref<1x40x128xf32, #tpu.memory_space<vmem>>
        %dma_start3A_186 = tpu.memref_squeeze %dma_start3A_185 : memref<1x40x128xf32, #tpu.memory_space<vmem>> -> memref<40x128xf32, #tpu.memory_space<vmem>>
        %dma_start3A_187 = arith.constant 0 : i32
        %dma_start3A_188 = tpu.memref_slice %arg22[%add3A_180, %dma_start3A_187] : memref<10000x128xf32, #tpu.memory_space<vmem_shared>> -> memref<40x128xf32, #tpu.memory_space<vmem_shared>>
        %dma_start3A_189 = arith.constant 0 : i32
        %dma_start3A_190 = tpu.memref_slice %arg22[%add3A_180, %dma_start3A_189] : memref<10000x128xf32, #tpu.memory_space<vmem_shared>> -> memref<40x128xf32, #tpu.memory_space<vmem_shared>>
        %dma_start3A_191 = arith.constant 0 : i32
        %dma_start3A_192 = arith.constant 0 : i32
        %dma_start3A_193 = tpu.memref_slice %arg8[%run_scoped3A_181, %dma_start3A_191, %dma_start3A_192] : memref<2x80x128xf32, #tpu.memory_space<vmem>> -> memref<1x40x128xf32, #tpu.memory_space<vmem>>
        %dma_start3A_194 = tpu.memref_squeeze %dma_start3A_193 : memref<1x40x128xf32, #tpu.memory_space<vmem>> -> memref<40x128xf32, #tpu.memory_space<vmem>>
        tpu.enqueue_dma source(%dma_start3A_194 : memref<40x128xf32, #tpu.memory_space<vmem>>) target(%dma_start3A_190 : memref<40x128xf32, #tpu.memory_space<vmem_shared>>) target_semaphore(%run_scoped3A_182 : memref<!tpu.dma_semaphore, #tpu.memory_space<semaphore_mem>>)
        %dma_wait3A_195 = arith.constant 0 : i32
        %dma_wait3A_196 = arith.constant 0 : i32
        %dma_wait3A_197 = tpu.memref_slice %arg8[%run_scoped3A_181, %dma_wait3A_195, %dma_wait3A_196] : memref<2x80x128xf32, #tpu.memory_space<vmem>> -> memref<1x40x128xf32, #tpu.memory_space<vmem>>
        %dma_wait3A_198 = tpu.memref_squeeze %dma_wait3A_197 : memref<1x40x128xf32, #tpu.memory_space<vmem>> -> memref<40x128xf32, #tpu.memory_space<vmem>>
        %dma_wait3A_199 = arith.constant 0 : i32
        %dma_wait3A_200 = tpu.memref_slice %arg22[%add3A_180, %dma_wait3A_199] : memref<10000x128xf32, #tpu.memory_space<vmem_shared>> -> memref<40x128xf32, #tpu.memory_space<vmem_shared>>
        %dma_wait3A_201 = arith.constant 0 : i32
        %dma_wait3A_202 = tpu.memref_slice %arg22[%add3A_180, %dma_wait3A_201] : memref<10000x128xf32, #tpu.memory_space<vmem_shared>> -> memref<40x128xf32, #tpu.memory_space<vmem_shared>>
        %dma_wait3A_203 = arith.constant 0 : i32
        %dma_wait3A_204 = arith.constant 0 : i32
        %dma_wait3A_205 = tpu.memref_slice %arg8[%run_scoped3A_181, %dma_wait3A_203, %dma_wait3A_204] : memref<2x80x128xf32, #tpu.memory_space<vmem>> -> memref<1x40x128xf32, #tpu.memory_space<vmem>>
        %dma_wait3A_206 = tpu.memref_squeeze %dma_wait3A_205 : memref<1x40x128xf32, #tpu.memory_space<vmem>> -> memref<40x128xf32, #tpu.memory_space<vmem>>
        tpu.wait_dma2 semaphore(%run_scoped3A_182 : memref<!tpu.dma_semaphore, #tpu.memory_space<semaphore_mem>>) src(%dma_wait3A_206 : memref<40x128xf32, #tpu.memory_space<vmem>>) dst(%dma_wait3A_202 : memref<40x128xf32, #tpu.memory_space<vmem_shared>>)
        tpu.yield
      }) : () -> ()
    } else {
    }
    %barrier3A = arith.constant 0 : index
    tpu.barrier barrier_id(%barrier3A)
    %mul3A_10 = arith.constant 10000 : i32
    %mul3A_11 = arith.muli %add3A, %mul3A_10 : i32
    %dma_start3A = arith.constant 0 : i32
    %dma_start3A_12 = arith.constant 0 : i32
    %dma_start3A_13 = arith.constant 0 : i32
    %dma_start3A_14 = tpu.memref_slice %arg11[%dma_start3A_12, %dma_start3A_13] : memref<2x80xi32, #tpu.memory_space<vmem>> -> memref<1x80xi32, #tpu.memory_space<vmem>>
    %dma_start3A_15 = tpu.memref_squeeze %dma_start3A_14 : memref<1x80xi32, #tpu.memory_space<vmem>> -> memref<80xi32, #tpu.memory_space<vmem>>
    %dma_start3A_16 = arith.constant 0 : i32
    %dma_start3A_17 = tpu.memref_slice %arg4[%add3A, %dma_start3A, %dma_start3A_16] : memref<32x125x80xi32, #tpu.memory_space<hbm>> -> memref<1x1x80xi32, #tpu.memory_space<hbm>>
    %dma_start3A_18 = tpu.memref_squeeze %dma_start3A_17 : memref<1x1x80xi32, #tpu.memory_space<hbm>> -> memref<80xi32, #tpu.memory_space<hbm>>
    %dma_start3A_19 = arith.constant 0 : i32
    %dma_start3A_20 = tpu.memref_slice %arg11[%dma_start3A_12, %dma_start3A_19] : memref<2x80xi32, #tpu.memory_space<vmem>> -> memref<1x80xi32, #tpu.memory_space<vmem>>
    %dma_start3A_21 = tpu.memref_squeeze %dma_start3A_20 : memref<1x80xi32, #tpu.memory_space<vmem>> -> memref<80xi32, #tpu.memory_space<vmem>>
    %dma_start3A_22 = arith.constant 0 : i32
    %dma_start3A_23 = tpu.memref_slice %arg4[%add3A, %dma_start3A, %dma_start3A_22] : memref<32x125x80xi32, #tpu.memory_space<hbm>> -> memref<1x1x80xi32, #tpu.memory_space<hbm>>
    %dma_start3A_24 = tpu.memref_squeeze %dma_start3A_23 : memref<1x1x80xi32, #tpu.memory_space<hbm>> -> memref<80xi32, #tpu.memory_space<hbm>>
    tpu.enqueue_dma source(%dma_start3A_24 : memref<80xi32, #tpu.memory_space<hbm>>) target(%dma_start3A_21 : memref<80xi32, #tpu.memory_space<vmem>>) target_semaphore(%arg14 : memref<!tpu.dma_semaphore, #tpu.memory_space<semaphore_mem>>)
    %dma_start3A_25 = arith.constant 0 : i32
    %dma_start3A_26 = arith.constant 0 : i32
    %dma_start3A_27 = arith.constant 0 : i32
    %dma_start3A_28 = tpu.memref_slice %arg12[%dma_start3A_26, %dma_start3A_27] : memref<2x80xi32, #tpu.memory_space<vmem>> -> memref<1x80xi32, #tpu.memory_space<vmem>>
    %dma_start3A_29 = tpu.memref_squeeze %dma_start3A_28 : memref<1x80xi32, #tpu.memory_space<vmem>> -> memref<80xi32, #tpu.memory_space<vmem>>
    %dma_start3A_30 = arith.constant 0 : i32
    %dma_start3A_31 = tpu.memref_slice %arg5[%add3A, %dma_start3A_25, %dma_start3A_30] : memref<32x125x80xi32, #tpu.memory_space<hbm>> -> memref<1x1x80xi32, #tpu.memory_space<hbm>>
    %dma_start3A_32 = tpu.memref_squeeze %dma_start3A_31 : memref<1x1x80xi32, #tpu.memory_space<hbm>> -> memref<80xi32, #tpu.memory_space<hbm>>
    %dma_start3A_33 = arith.constant 0 : i32
    %dma_start3A_34 = tpu.memref_slice %arg12[%dma_start3A_26, %dma_start3A_33] : memref<2x80xi32, #tpu.memory_space<vmem>> -> memref<1x80xi32, #tpu.memory_space<vmem>>
    %dma_start3A_35 = tpu.memref_squeeze %dma_start3A_34 : memref<1x80xi32, #tpu.memory_space<vmem>> -> memref<80xi32, #tpu.memory_space<vmem>>
    %dma_start3A_36 = arith.constant 0 : i32
    %dma_start3A_37 = tpu.memref_slice %arg5[%add3A, %dma_start3A_25, %dma_start3A_36] : memref<32x125x80xi32, #tpu.memory_space<hbm>> -> memref<1x1x80xi32, #tpu.memory_space<hbm>>
    %dma_start3A_38 = tpu.memref_squeeze %dma_start3A_37 : memref<1x1x80xi32, #tpu.memory_space<hbm>> -> memref<80xi32, #tpu.memory_space<hbm>>
    tpu.enqueue_dma source(%dma_start3A_38 : memref<80xi32, #tpu.memory_space<hbm>>) target(%dma_start3A_35 : memref<80xi32, #tpu.memory_space<vmem>>) target_semaphore(%arg14 : memref<!tpu.dma_semaphore, #tpu.memory_space<semaphore_mem>>)
    %dma_start3A_39 = arith.constant 1 : i32
    %dma_start3A_40 = arith.constant 1 : i32
    %dma_start3A_41 = arith.constant 0 : i32
    %dma_start3A_42 = tpu.memref_slice %arg11[%dma_start3A_40, %dma_start3A_41] : memref<2x80xi32, #tpu.memory_space<vmem>> -> memref<1x80xi32, #tpu.memory_space<vmem>>
    %dma_start3A_43 = tpu.memref_squeeze %dma_start3A_42 : memref<1x80xi32, #tpu.memory_space<vmem>> -> memref<80xi32, #tpu.memory_space<vmem>>
    %dma_start3A_44 = arith.constant 0 : i32
    %dma_start3A_45 = tpu.memref_slice %arg4[%add3A, %dma_start3A_39, %dma_start3A_44] : memref<32x125x80xi32, #tpu.memory_space<hbm>> -> memref<1x1x80xi32, #tpu.memory_space<hbm>>
    %dma_start3A_46 = tpu.memref_squeeze %dma_start3A_45 : memref<1x1x80xi32, #tpu.memory_space<hbm>> -> memref<80xi32, #tpu.memory_space<hbm>>
    %dma_start3A_47 = arith.constant 0 : i32
    %dma_start3A_48 = tpu.memref_slice %arg11[%dma_start3A_40, %dma_start3A_47] : memref<2x80xi32, #tpu.memory_space<vmem>> -> memref<1x80xi32, #tpu.memory_space<vmem>>
    %dma_start3A_49 = tpu.memref_squeeze %dma_start3A_48 : memref<1x80xi32, #tpu.memory_space<vmem>> -> memref<80xi32, #tpu.memory_space<vmem>>
    %dma_start3A_50 = arith.constant 0 : i32
    %dma_start3A_51 = tpu.memref_slice %arg4[%add3A, %dma_start3A_39, %dma_start3A_50] : memref<32x125x80xi32, #tpu.memory_space<hbm>> -> memref<1x1x80xi32, #tpu.memory_space<hbm>>
    %dma_start3A_52 = tpu.memref_squeeze %dma_start3A_51 : memref<1x1x80xi32, #tpu.memory_space<hbm>> -> memref<80xi32, #tpu.memory_space<hbm>>
    tpu.enqueue_dma source(%dma_start3A_52 : memref<80xi32, #tpu.memory_space<hbm>>) target(%dma_start3A_49 : memref<80xi32, #tpu.memory_space<vmem>>) target_semaphore(%arg15 : memref<!tpu.dma_semaphore, #tpu.memory_space<semaphore_mem>>)
    %dma_start3A_53 = arith.constant 1 : i32
    %dma_start3A_54 = arith.constant 1 : i32
    %dma_start3A_55 = arith.constant 0 : i32
    %dma_start3A_56 = tpu.memref_slice %arg12[%dma_start3A_54, %dma_start3A_55] : memref<2x80xi32, #tpu.memory_space<vmem>> -> memref<1x80xi32, #tpu.memory_space<vmem>>
    %dma_start3A_57 = tpu.memref_squeeze %dma_start3A_56 : memref<1x80xi32, #tpu.memory_space<vmem>> -> memref<80xi32, #tpu.memory_space<vmem>>
    %dma_start3A_58 = arith.constant 0 : i32
    %dma_start3A_59 = tpu.memref_slice %arg5[%add3A, %dma_start3A_53, %dma_start3A_58] : memref<32x125x80xi32, #tpu.memory_space<hbm>> -> memref<1x1x80xi32, #tpu.memory_space<hbm>>
    %dma_start3A_60 = tpu.memref_squeeze %dma_start3A_59 : memref<1x1x80xi32, #tpu.memory_space<hbm>> -> memref<80xi32, #tpu.memory_space<hbm>>
    %dma_start3A_61 = arith.constant 0 : i32
    %dma_start3A_62 = tpu.memref_slice %arg12[%dma_start3A_54, %dma_start3A_61] : memref<2x80xi32, #tpu.memory_space<vmem>> -> memref<1x80xi32, #tpu.memory_space<vmem>>
    %dma_start3A_63 = tpu.memref_squeeze %dma_start3A_62 : memref<1x80xi32, #tpu.memory_space<vmem>> -> memref<80xi32, #tpu.memory_space<vmem>>
    %dma_start3A_64 = arith.constant 0 : i32
    %dma_start3A_65 = tpu.memref_slice %arg5[%add3A, %dma_start3A_53, %dma_start3A_64] : memref<32x125x80xi32, #tpu.memory_space<hbm>> -> memref<1x1x80xi32, #tpu.memory_space<hbm>>
    %dma_start3A_66 = tpu.memref_squeeze %dma_start3A_65 : memref<1x1x80xi32, #tpu.memory_space<hbm>> -> memref<80xi32, #tpu.memory_space<hbm>>
    tpu.enqueue_dma source(%dma_start3A_66 : memref<80xi32, #tpu.memory_space<hbm>>) target(%dma_start3A_63 : memref<80xi32, #tpu.memory_space<vmem>>) target_semaphore(%arg15 : memref<!tpu.dma_semaphore, #tpu.memory_space<semaphore_mem>>)
    %dma_wait3A = arith.constant 0 : i32
    %dma_wait3A_67 = arith.constant 0 : i32
    %dma_wait3A_68 = arith.constant 0 : i32
    %dma_wait3A_69 = tpu.memref_slice %arg11[%dma_wait3A_67, %dma_wait3A_68] : memref<2x80xi32, #tpu.memory_space<vmem>> -> memref<1x80xi32, #tpu.memory_space<vmem>>
    %dma_wait3A_70 = tpu.memref_squeeze %dma_wait3A_69 : memref<1x80xi32, #tpu.memory_space<vmem>> -> memref<80xi32, #tpu.memory_space<vmem>>
    %dma_wait3A_71 = arith.constant 0 : i32
    %dma_wait3A_72 = tpu.memref_slice %arg4[%add3A, %dma_wait3A, %dma_wait3A_71] : memref<32x125x80xi32, #tpu.memory_space<hbm>> -> memref<1x1x80xi32, #tpu.memory_space<hbm>>
    %dma_wait3A_73 = tpu.memref_squeeze %dma_wait3A_72 : memref<1x1x80xi32, #tpu.memory_space<hbm>> -> memref<80xi32, #tpu.memory_space<hbm>>
    %dma_wait3A_74 = arith.constant 0 : i32
    %dma_wait3A_75 = tpu.memref_slice %arg11[%dma_wait3A_67, %dma_wait3A_74] : memref<2x80xi32, #tpu.memory_space<vmem>> -> memref<1x80xi32, #tpu.memory_space<vmem>>
    %dma_wait3A_76 = tpu.memref_squeeze %dma_wait3A_75 : memref<1x80xi32, #tpu.memory_space<vmem>> -> memref<80xi32, #tpu.memory_space<vmem>>
    %dma_wait3A_77 = arith.constant 0 : i32
    %dma_wait3A_78 = tpu.memref_slice %arg4[%add3A, %dma_wait3A, %dma_wait3A_77] : memref<32x125x80xi32, #tpu.memory_space<hbm>> -> memref<1x1x80xi32, #tpu.memory_space<hbm>>
    %dma_wait3A_79 = tpu.memref_squeeze %dma_wait3A_78 : memref<1x1x80xi32, #tpu.memory_space<hbm>> -> memref<80xi32, #tpu.memory_space<hbm>>
    tpu.wait_dma2 semaphore(%arg14 : memref<!tpu.dma_semaphore, #tpu.memory_space<semaphore_mem>>) src(%dma_wait3A_79 : memref<80xi32, #tpu.memory_space<hbm>>) dst(%dma_wait3A_76 : memref<80xi32, #tpu.memory_space<vmem>>)
    %dma_wait3A_80 = arith.constant 0 : i32
    %dma_wait3A_81 = arith.constant 0 : i32
    %dma_wait3A_82 = arith.constant 0 : i32
    %dma_wait3A_83 = tpu.memref_slice %arg12[%dma_wait3A_81, %dma_wait3A_82] : memref<2x80xi32, #tpu.memory_space<vmem>> -> memref<1x80xi32, #tpu.memory_space<vmem>>
    %dma_wait3A_84 = tpu.memref_squeeze %dma_wait3A_83 : memref<1x80xi32, #tpu.memory_space<vmem>> -> memref<80xi32, #tpu.memory_space<vmem>>
    %dma_wait3A_85 = arith.constant 0 : i32
    %dma_wait3A_86 = tpu.memref_slice %arg5[%add3A, %dma_wait3A_80, %dma_wait3A_85] : memref<32x125x80xi32, #tpu.memory_space<hbm>> -> memref<1x1x80xi32, #tpu.memory_space<hbm>>
    %dma_wait3A_87 = tpu.memref_squeeze %dma_wait3A_86 : memref<1x1x80xi32, #tpu.memory_space<hbm>> -> memref<80xi32, #tpu.memory_space<hbm>>
    %dma_wait3A_88 = arith.constant 0 : i32
    %dma_wait3A_89 = tpu.memref_slice %arg12[%dma_wait3A_81, %dma_wait3A_88] : memref<2x80xi32, #tpu.memory_space<vmem>> -> memref<1x80xi32, #tpu.memory_space<vmem>>
    %dma_wait3A_90 = tpu.memref_squeeze %dma_wait3A_89 : memref<1x80xi32, #tpu.memory_space<vmem>> -> memref<80xi32, #tpu.memory_space<vmem>>
    %dma_wait3A_91 = arith.constant 0 : i32
    %dma_wait3A_92 = tpu.memref_slice %arg5[%add3A, %dma_wait3A_80, %dma_wait3A_91] : memref<32x125x80xi32, #tpu.memory_space<hbm>> -> memref<1x1x80xi32, #tpu.memory_space<hbm>>
    %dma_wait3A_93 = tpu.memref_squeeze %dma_wait3A_92 : memref<1x1x80xi32, #tpu.memory_space<hbm>> -> memref<80xi32, #tpu.memory_space<hbm>>
    tpu.wait_dma2 semaphore(%arg14 : memref<!tpu.dma_semaphore, #tpu.memory_space<semaphore_mem>>) src(%dma_wait3A_93 : memref<80xi32, #tpu.memory_space<hbm>>) dst(%dma_wait3A_90 : memref<80xi32, #tpu.memory_space<vmem>>)
    %add3A_94 = arith.constant 0 : i32
    %add3A_95 = arith.addi %mul3A_11, %add3A_94 : i32
    %dma_start3A_96 = arith.constant 0 : i32
    %dma_start3A_97 = arith.constant 0 : i32
    %dma_start3A_98 = arith.constant 0 : i32
    %dma_start3A_99 = tpu.memref_slice %arg8[%dma_start3A_96, %dma_start3A_97, %dma_start3A_98] : memref<2x80x128xf32, #tpu.memory_space<vmem>> -> memref<1x80x128xf32, #tpu.memory_space<vmem>>
    %dma_start3A_100 = tpu.memref_squeeze %dma_start3A_99 : memref<1x80x128xf32, #tpu.memory_space<vmem>> -> memref<80x128xf32, #tpu.memory_space<vmem>>
    %dma_start3A_101 = arith.constant 0 : i32
    %dma_start3A_102 = tpu.memref_slice %arg2[%add3A_95, %dma_start3A_101] : memref<320000x128xf32, #tpu.memory_space<hbm>> -> memref<80x128xf32, #tpu.memory_space<hbm>>
    %dma_start3A_103 = arith.constant 0 : i32
    %dma_start3A_104 = arith.constant 0 : i32
    %dma_start3A_105 = tpu.memref_slice %arg8[%dma_start3A_96, %dma_start3A_103, %dma_start3A_104] : memref<2x80x128xf32, #tpu.memory_space<vmem>> -> memref<1x80x128xf32, #tpu.memory_space<vmem>>
    %dma_start3A_106 = tpu.memref_squeeze %dma_start3A_105 : memref<1x80x128xf32, #tpu.memory_space<vmem>> -> memref<80x128xf32, #tpu.memory_space<vmem>>
    %dma_start3A_107 = arith.constant 0 : i32
    %dma_start3A_108 = tpu.memref_slice %arg2[%add3A_95, %dma_start3A_107] : memref<320000x128xf32, #tpu.memory_space<hbm>> -> memref<80x128xf32, #tpu.memory_space<hbm>>
    tpu.enqueue_dma source(%dma_start3A_108 : memref<80x128xf32, #tpu.memory_space<hbm>>) target(%dma_start3A_106 : memref<80x128xf32, #tpu.memory_space<vmem>>) target_semaphore(%arg16 : memref<!tpu.dma_semaphore, #tpu.memory_space<semaphore_mem>>)
    %dma_start3A_109 = arith.constant 0 : i32
    %dma_start3A_110 = arith.constant 0 : i32
    %dma_start3A_111 = arith.constant 0 : i32
    %dma_start3A_112 = arith.constant 0 : i32
    %dma_start3A_113 = tpu.memref_slice %arg9[%dma_start3A_110, %dma_start3A_111, %dma_start3A_112] : memref<2x80x128xf32, #tpu.memory_space<vmem>> -> memref<1x80x128xf32, #tpu.memory_space<vmem>>
    %dma_start3A_114 = tpu.memref_squeeze %dma_start3A_113 : memref<1x80x128xf32, #tpu.memory_space<vmem>> -> memref<80x128xf32, #tpu.memory_space<vmem>>
    %dma_start3A_115 = arith.constant 0 : i32
    %dma_start3A_116 = tpu.memref_slice %arg11[%dma_start3A_109, %dma_start3A_115] : memref<2x80xi32, #tpu.memory_space<vmem>> -> memref<1x80xi32, #tpu.memory_space<vmem>>
    %dma_start3A_117 = tpu.memref_squeeze %dma_start3A_116 : memref<1x80xi32, #tpu.memory_space<vmem>> -> memref<80xi32, #tpu.memory_space<vmem>>
    %dma_start3A_118 = arith.constant 0 : i32
    %dma_start3A_119 = arith.constant 0 : i32
    %dma_start3A_120 = tpu.memref_slice %arg3[%dma_start3A_118, %dma_start3A_119] : memref<10000x128xf32, #tpu.memory_space<hbm>> -> memref<10000x128xf32, #tpu.memory_space<hbm>>
    tpu.enqueue_indirect_dma source(%dma_start3A_120 : memref<10000x128xf32, #tpu.memory_space<hbm>>) target(%dma_start3A_114 : memref<80x128xf32, #tpu.memory_space<vmem>>) offsets(%dma_start3A_117 : memref<80xi32, #tpu.memory_space<vmem>>) semaphore(%arg18 : memref<!tpu.dma_semaphore, #tpu.memory_space<semaphore_mem>>)
    %scan3A_121 = arith.constant 0 : i32
    %scan3A_122 = arith.constant 64 : i32
    %scan3A_123 = arith.addi %scan3A_121, %scan3A_122 : i32
    %scan3A_124 = arith.constant 1 : i32
    scf.for %scan3A_144 = %scan3A_121 to %scan3A_123 step %scan3A_124  : i32 {
      %mul3A_145 = arith.constant 1 : i32
      %mul3A_146 = arith.muli %scan3A_144, %mul3A_145 : i32
      %add3A_147 = arith.constant 0 : i32
      %add3A_148 = arith.addi %add3A_147, %mul3A_146 : i32
      %mul3A_149 = arith.constant 2 : i32
      %mul3A_150 = arith.muli %mul3A_149, %add3A_148 : i32
      %add3A_151 = arith.constant 0 : i32
      %add3A_152 = arith.addi %mul3A_150, %add3A_151 : i32
      %lt3A_153 = arith.constant 125 : i32
      %lt3A_154 = arith.cmpi slt, %add3A_152, %lt3A_153 : i32
      %convert_element_type3A_155 = arith.extui %lt3A_154 : i1 to i32
      %cond3A_156 = arith.constant 0 : i32
      %cond3A_157 = arith.cmpi ne, %convert_element_type3A_155, %cond3A_156 : i32
      scf.if %cond3A_157 {
        %dma_wait3A_167 = arith.constant 0 : i32
        %dma_wait3A_168 = arith.constant 0 : i32
        %dma_wait3A_169 = arith.constant 0 : i32
        %dma_wait3A_170 = tpu.memref_slice %arg8[%dma_wait3A_167, %dma_wait3A_168, %dma_wait3A_169] : memref<2x80x128xf32, #tpu.memory_space<vmem>> -> memref<1x80x128xf32, #tpu.memory_space<vmem>>
        %dma_wait3A_171 = tpu.memref_squeeze %dma_wait3A_170 : memref<1x80x128xf32, #tpu.memory_space<vmem>> -> memref<80x128xf32, #tpu.memory_space<vmem>>
        %dma_wait3A_172 = arith.constant 0 : i32
        %dma_wait3A_173 = arith.constant 0 : i32
        %dma_wait3A_174 = tpu.memref_slice %arg2[%dma_wait3A_172, %dma_wait3A_173] : memref<320000x128xf32, #tpu.memory_space<hbm>> -> memref<80x128xf32, #tpu.memory_space<hbm>>
        %dma_wait3A_175 = arith.constant 0 : i32
        %dma_wait3A_176 = arith.constant 0 : i32
        %dma_wait3A_177 = tpu.memref_slice %arg8[%dma_wait3A_167, %dma_wait3A_175, %dma_wait3A_176] : memref<2x80x128xf32, #tpu.memory_space<vmem>> -> memref<1x80x128xf32, #tpu.memory_space<vmem>>
        %dma_wait3A_178 = tpu.memref_squeeze %dma_wait3A_177 : memref<1x80x128xf32, #tpu.memory_space<vmem>> -> memref<80x128xf32, #tpu.memory_space<vmem>>
        %dma_wait3A_179 = arith.constant 0 : i32
        %dma_wait3A_180 = arith.constant 0 : i32
        %dma_wait3A_181 = tpu.memref_slice %arg2[%dma_wait3A_179, %dma_wait3A_180] : memref<320000x128xf32, #tpu.memory_space<hbm>> -> memref<80x128xf32, #tpu.memory_space<hbm>>
        tpu.wait_dma2 semaphore(%arg16 : memref<!tpu.dma_semaphore, #tpu.memory_space<semaphore_mem>>) src(%dma_wait3A_181 : memref<80x128xf32, #tpu.memory_space<hbm>>) dst(%dma_wait3A_178 : memref<80x128xf32, #tpu.memory_space<vmem>>)
        %dma_wait3A_182 = arith.constant 0 : i32
        %dma_wait3A_183 = arith.constant 0 : i32
        %dma_wait3A_184 = arith.constant 0 : i32
        %dma_wait3A_185 = arith.constant 0 : i32
        %dma_wait3A_186 = tpu.memref_slice %arg9[%dma_wait3A_183, %dma_wait3A_184, %dma_wait3A_185] : memref<2x80x128xf32, #tpu.memory_space<vmem>> -> memref<1x80x128xf32, #tpu.memory_space<vmem>>
        %dma_wait3A_187 = tpu.memref_squeeze %dma_wait3A_186 : memref<1x80x128xf32, #tpu.memory_space<vmem>> -> memref<80x128xf32, #tpu.memory_space<vmem>>
        %dma_wait3A_188 = arith.constant 0 : i32
        %dma_wait3A_189 = tpu.memref_slice %arg11[%dma_wait3A_182, %dma_wait3A_188] : memref<2x80xi32, #tpu.memory_space<vmem>> -> memref<1x80xi32, #tpu.memory_space<vmem>>
        %dma_wait3A_190 = tpu.memref_squeeze %dma_wait3A_189 : memref<1x80xi32, #tpu.memory_space<vmem>> -> memref<80xi32, #tpu.memory_space<vmem>>
        %dma_wait3A_191 = arith.constant 0 : i32
        %dma_wait3A_192 = arith.constant 0 : i32
        %dma_wait3A_193 = tpu.memref_slice %arg3[%dma_wait3A_191, %dma_wait3A_192] : memref<10000x128xf32, #tpu.memory_space<hbm>> -> memref<10000x128xf32, #tpu.memory_space<hbm>>
        tpu.wait_indirect_dma semaphore(%arg18 : memref<!tpu.dma_semaphore, #tpu.memory_space<semaphore_mem>>) src(%dma_wait3A_193 : memref<10000x128xf32, #tpu.memory_space<hbm>>) dst(%dma_wait3A_187 : memref<80x128xf32, #tpu.memory_space<vmem>>)
        %ge3A = arith.constant 1 : i32
        %ge3A_194 = arith.cmpi sge, %add3A_152, %ge3A : i32
        %convert_element_type3A_195 = arith.extui %ge3A_194 : i1 to i32
        %cond3A_196 = arith.constant 0 : i32
        %cond3A_197 = arith.cmpi ne, %convert_element_type3A_195, %cond3A_196 : i32
        scf.if %cond3A_197 {
          %dma_wait3A_282 = arith.constant 1 : i32
          %dma_wait3A_283 = arith.constant 1 : i32
          %dma_wait3A_284 = arith.constant 0 : i32
          %dma_wait3A_285 = arith.constant 0 : i32
          %dma_wait3A_286 = tpu.memref_slice %arg8[%dma_wait3A_282, %dma_wait3A_284, %dma_wait3A_285] : memref<2x80x128xf32, #tpu.memory_space<vmem>> -> memref<1x80x128xf32, #tpu.memory_space<vmem>>
          %dma_wait3A_287 = tpu.memref_squeeze %dma_wait3A_286 : memref<1x80x128xf32, #tpu.memory_space<vmem>> -> memref<80x128xf32, #tpu.memory_space<vmem>>
          %dma_wait3A_288 = arith.constant 0 : i32
          %dma_wait3A_289 = tpu.memref_slice %arg13[%dma_wait3A_283, %dma_wait3A_288] : memref<2x80xi32, #tpu.memory_space<vmem>> -> memref<1x80xi32, #tpu.memory_space<vmem>>
          %dma_wait3A_290 = tpu.memref_squeeze %dma_wait3A_289 : memref<1x80xi32, #tpu.memory_space<vmem>> -> memref<80xi32, #tpu.memory_space<vmem>>
          %dma_wait3A_291 = arith.constant 0 : i32
          %dma_wait3A_292 = arith.constant 0 : i32
          %dma_wait3A_293 = tpu.memref_slice %arg22[%dma_wait3A_291, %dma_wait3A_292] : memref<10000x128xf32, #tpu.memory_space<vmem_shared>> -> memref<10000x128xf32, #tpu.memory_space<vmem_shared>>
          tpu.wait_indirect_dma semaphore(%arg21 : memref<!tpu.dma_semaphore, #tpu.memory_space<semaphore_mem>>) src(%dma_wait3A_287 : memref<80x128xf32, #tpu.memory_space<vmem>>) dst(%dma_wait3A_293 : memref<10000x128xf32, #tpu.memory_space<vmem_shared>>)
        } else {
        }
        %add3A_198 = arith.constant 1 : i32
        %add3A_199 = arith.addi %add3A_152, %add3A_198 : i32
        %lt3A_200 = arith.constant 125 : i32
        %lt3A_201 = arith.cmpi slt, %add3A_199, %lt3A_200 : i32
        %convert_element_type3A_202 = arith.extui %lt3A_201 : i1 to i32
        %cond3A_203 = arith.constant 0 : i32
        %cond3A_204 = arith.cmpi ne, %convert_element_type3A_202, %cond3A_203 : i32
        scf.if %cond3A_204 {
          %dma_wait3A_282 = arith.constant 0 : i32
          %dma_wait3A_283 = arith.constant 1 : i32
          %dma_wait3A_284 = arith.constant 0 : i32
          %dma_wait3A_285 = tpu.memref_slice %arg11[%dma_wait3A_283, %dma_wait3A_284] : memref<2x80xi32, #tpu.memory_space<vmem>> -> memref<1x80xi32, #tpu.memory_space<vmem>>
          %dma_wait3A_286 = tpu.memref_squeeze %dma_wait3A_285 : memref<1x80xi32, #tpu.memory_space<vmem>> -> memref<80xi32, #tpu.memory_space<vmem>>
          %dma_wait3A_287 = arith.constant 0 : i32
          %dma_wait3A_288 = tpu.memref_slice %arg4[%add3A, %dma_wait3A_282, %dma_wait3A_287] : memref<32x125x80xi32, #tpu.memory_space<hbm>> -> memref<1x1x80xi32, #tpu.memory_space<hbm>>
          %dma_wait3A_289 = tpu.memref_squeeze %dma_wait3A_288 : memref<1x1x80xi32, #tpu.memory_space<hbm>> -> memref<80xi32, #tpu.memory_space<hbm>>
          %dma_wait3A_290 = arith.constant 0 : i32
          %dma_wait3A_291 = tpu.memref_slice %arg11[%dma_wait3A_283, %dma_wait3A_290] : memref<2x80xi32, #tpu.memory_space<vmem>> -> memref<1x80xi32, #tpu.memory_space<vmem>>
          %dma_wait3A_292 = tpu.memref_squeeze %dma_wait3A_291 : memref<1x80xi32, #tpu.memory_space<vmem>> -> memref<80xi32, #tpu.memory_space<vmem>>
          %dma_wait3A_293 = arith.constant 0 : i32
          %dma_wait3A_294 = tpu.memref_slice %arg4[%add3A, %dma_wait3A_282, %dma_wait3A_293] : memref<32x125x80xi32, #tpu.memory_space<hbm>> -> memref<1x1x80xi32, #tpu.memory_space<hbm>>
          %dma_wait3A_295 = tpu.memref_squeeze %dma_wait3A_294 : memref<1x1x80xi32, #tpu.memory_space<hbm>> -> memref<80xi32, #tpu.memory_space<hbm>>
          tpu.wait_dma2 semaphore(%arg15 : memref<!tpu.dma_semaphore, #tpu.memory_space<semaphore_mem>>) src(%dma_wait3A_295 : memref<80xi32, #tpu.memory_space<hbm>>) dst(%dma_wait3A_292 : memref<80xi32, #tpu.memory_space<vmem>>)
          %dma_wait3A_296 = arith.constant 0 : i32
          %dma_wait3A_297 = arith.constant 1 : i32
          %dma_wait3A_298 = arith.constant 0 : i32
          %dma_wait3A_299 = tpu.memref_slice %arg12[%dma_wait3A_297, %dma_wait3A_298] : memref<2x80xi32, #tpu.memory_space<vmem>> -> memref<1x80xi32, #tpu.memory_space<vmem>>
          %dma_wait3A_300 = tpu.memref_squeeze %dma_wait3A_299 : memref<1x80xi32, #tpu.memory_space<vmem>> -> memref<80xi32, #tpu.memory_space<vmem>>
          %dma_wait3A_301 = arith.constant 0 : i32
          %dma_wait3A_302 = tpu.memref_slice %arg5[%add3A, %dma_wait3A_296, %dma_wait3A_301] : memref<32x125x80xi32, #tpu.memory_space<hbm>> -> memref<1x1x80xi32, #tpu.memory_space<hbm>>
          %dma_wait3A_303 = tpu.memref_squeeze %dma_wait3A_302 : memref<1x1x80xi32, #tpu.memory_space<hbm>> -> memref<80xi32, #tpu.memory_space<hbm>>
          %dma_wait3A_304 = arith.constant 0 : i32
          %dma_wait3A_305 = tpu.memref_slice %arg12[%dma_wait3A_297, %dma_wait3A_304] : memref<2x80xi32, #tpu.memory_space<vmem>> -> memref<1x80xi32, #tpu.memory_space<vmem>>
          %dma_wait3A_306 = tpu.memref_squeeze %dma_wait3A_305 : memref<1x80xi32, #tpu.memory_space<vmem>> -> memref<80xi32, #tpu.memory_space<vmem>>
          %dma_wait3A_307 = arith.constant 0 : i32
          %dma_wait3A_308 = tpu.memref_slice %arg5[%add3A, %dma_wait3A_296, %dma_wait3A_307] : memref<32x125x80xi32, #tpu.memory_space<hbm>> -> memref<1x1x80xi32, #tpu.memory_space<hbm>>
          %dma_wait3A_309 = tpu.memref_squeeze %dma_wait3A_308 : memref<1x1x80xi32, #tpu.memory_space<hbm>> -> memref<80xi32, #tpu.memory_space<hbm>>
          tpu.wait_dma2 semaphore(%arg15 : memref<!tpu.dma_semaphore, #tpu.memory_space<semaphore_mem>>) src(%dma_wait3A_309 : memref<80xi32, #tpu.memory_space<hbm>>) dst(%dma_wait3A_306 : memref<80xi32, #tpu.memory_space<vmem>>)
          %add3A_310 = arith.constant 1 : i32
          %add3A_311 = arith.addi %add3A_152, %add3A_310 : i32
          %mul3A_312 = arith.constant 80 : i32
          %mul3A_313 = arith.muli %add3A_311, %mul3A_312 : i32
          %add3A_314 = arith.addi %mul3A_11, %mul3A_313 : i32
          %dma_start3A_315 = arith.constant 1 : i32
          %dma_start3A_316 = arith.constant 0 : i32
          %dma_start3A_317 = arith.constant 0 : i32
          %dma_start3A_318 = tpu.memref_slice %arg8[%dma_start3A_315, %dma_start3A_316, %dma_start3A_317] : memref<2x80x128xf32, #tpu.memory_space<vmem>> -> memref<1x80x128xf32, #tpu.memory_space<vmem>>
          %dma_start3A_319 = tpu.memref_squeeze %dma_start3A_318 : memref<1x80x128xf32, #tpu.memory_space<vmem>> -> memref<80x128xf32, #tpu.memory_space<vmem>>
          %dma_start3A_320 = arith.constant 0 : i32
          %dma_start3A_321 = tpu.memref_slice %arg2[%add3A_314, %dma_start3A_320] : memref<320000x128xf32, #tpu.memory_space<hbm>> -> memref<80x128xf32, #tpu.memory_space<hbm>>
          %dma_start3A_322 = arith.constant 0 : i32
          %dma_start3A_323 = arith.constant 0 : i32
          %dma_start3A_324 = tpu.memref_slice %arg8[%dma_start3A_315, %dma_start3A_322, %dma_start3A_323] : memref<2x80x128xf32, #tpu.memory_space<vmem>> -> memref<1x80x128xf32, #tpu.memory_space<vmem>>
          %dma_start3A_325 = tpu.memref_squeeze %dma_start3A_324 : memref<1x80x128xf32, #tpu.memory_space<vmem>> -> memref<80x128xf32, #tpu.memory_space<vmem>>
          %dma_start3A_326 = arith.constant 0 : i32
          %dma_start3A_327 = tpu.memref_slice %arg2[%add3A_314, %dma_start3A_326] : memref<320000x128xf32, #tpu.memory_space<hbm>> -> memref<80x128xf32, #tpu.memory_space<hbm>>
          tpu.enqueue_dma source(%dma_start3A_327 : memref<80x128xf32, #tpu.memory_space<hbm>>) target(%dma_start3A_325 : memref<80x128xf32, #tpu.memory_space<vmem>>) target_semaphore(%arg17 : memref<!tpu.dma_semaphore, #tpu.memory_space<semaphore_mem>>)
          %dma_start3A_328 = arith.constant 1 : i32
          %dma_start3A_329 = arith.constant 1 : i32
          %dma_start3A_330 = arith.constant 0 : i32
          %dma_start3A_331 = arith.constant 0 : i32
          %dma_start3A_332 = tpu.memref_slice %arg9[%dma_start3A_329, %dma_start3A_330, %dma_start3A_331] : memref<2x80x128xf32, #tpu.memory_space<vmem>> -> memref<1x80x128xf32, #tpu.memory_space<vmem>>
          %dma_start3A_333 = tpu.memref_squeeze %dma_start3A_332 : memref<1x80x128xf32, #tpu.memory_space<vmem>> -> memref<80x128xf32, #tpu.memory_space<vmem>>
          %dma_start3A_334 = arith.constant 0 : i32
          %dma_start3A_335 = tpu.memref_slice %arg11[%dma_start3A_328, %dma_start3A_334] : memref<2x80xi32, #tpu.memory_space<vmem>> -> memref<1x80xi32, #tpu.memory_space<vmem>>
          %dma_start3A_336 = tpu.memref_squeeze %dma_start3A_335 : memref<1x80xi32, #tpu.memory_space<vmem>> -> memref<80xi32, #tpu.memory_space<vmem>>
          %dma_start3A_337 = arith.constant 0 : i32
          %dma_start3A_338 = arith.constant 0 : i32
          %dma_start3A_339 = tpu.memref_slice %arg3[%dma_start3A_337, %dma_start3A_338] : memref<10000x128xf32, #tpu.memory_space<hbm>> -> memref<10000x128xf32, #tpu.memory_space<hbm>>
          tpu.enqueue_indirect_dma source(%dma_start3A_339 : memref<10000x128xf32, #tpu.memory_space<hbm>>) target(%dma_start3A_333 : memref<80x128xf32, #tpu.memory_space<vmem>>) offsets(%dma_start3A_336 : memref<80xi32, #tpu.memory_space<vmem>>) semaphore(%arg19 : memref<!tpu.dma_semaphore, #tpu.memory_space<semaphore_mem>>)
        } else {
        }
        %scan3A_205 = arith.constant 0 : i32
        %scan3A_206 = arith.constant 80 : i32
        %scan3A_207 = arith.addi %scan3A_205, %scan3A_206 : i32
        %scan3A_208 = arith.constant 1 : i32
        scf.for %scan3A_282 = %scan3A_205 to %scan3A_207 step %scan3A_208  : i32 {
          %mul3A_283 = arith.constant 1 : i32
          %mul3A_284 = arith.muli %scan3A_282, %mul3A_283 : i32
          %add3A_285 = arith.constant 0 : i32
          %add3A_286 = arith.addi %add3A_285, %mul3A_284 : i32
          %get3A_287 = arith.constant 0 : i32
          %get3A_288 = arith.index_cast %get3A_287 : i32 to index
          %get3A_289 = arith.index_cast %add3A_286 : i32 to index
          %get3A_290 = arith.constant 0 : index
          %get3A_291 = tpu.vector_load %arg8[%get3A_288, %get3A_289, %get3A_290] {strides = array<i32>} : memref<2x80x128xf32, #tpu.memory_space<vmem>>, vector<1x1x16xf32>,
          %get3A_292 = vector.shape_cast %get3A_291 : vector<1x1x16xf32> to vector<16xf32>
          %get3A_293 = arith.constant 0 : i32
          %get3A_294 = arith.index_cast %get3A_293 : i32 to index
          %get3A_295 = arith.index_cast %add3A_286 : i32 to index
          %get3A_296 = arith.constant 0 : index
          %get3A_297 = tpu.vector_load %arg9[%get3A_294, %get3A_295, %get3A_296] {strides = array<i32>} : memref<2x80x128xf32, #tpu.memory_space<vmem>>, vector<1x1x16xf32>,
          %get3A_298 = vector.shape_cast %get3A_297 : vector<1x1x16xf32> to vector<16xf32>
          %add3A_299 = arith.addf %get3A_292, %get3A_298 : vector<16xf32>
          %mul3A_300 = arith.mulf %add3A_299, %add3A_299 : vector<16xf32>
          %mul3A_301 = arith.constant -0.0713548139 : f32
          %mul3A_302 = vector.broadcast %mul3A_301 : f32 to vector<16xf32>
          %mul3A_303 = arith.mulf %mul3A_300, %mul3A_302 : vector<16xf32>
          %sub3A = arith.constant 1.59576917 : f32
          %sub3A_304 = vector.broadcast %sub3A : f32 to vector<16xf32>
          %sub3A_305 = arith.subf %mul3A_303, %sub3A_304 : vector<16xf32>
          %mul3A_306 = arith.mulf %add3A_299, %sub3A_305 : vector<16xf32>
          %exp3A = math.exp %mul3A_306 : vector<16xf32>
          %add3A_307 = arith.constant 1.000000e+00 : f32
          %add3A_308 = vector.broadcast %add3A_307 : f32 to vector<16xf32>
          %add3A_309 = arith.addf %exp3A, %add3A_308 : vector<16xf32>
          %div3A = arith.divf %add3A_299, %add3A_309 : vector<16xf32>
          %get3A_310 = arith.constant 0 : i32
          %get3A_311 = arith.index_cast %get3A_310 : i32 to index
          %get3A_312 = arith.constant 0 : index
          %get3A_313 = tpu.vector_load %arg10[%get3A_311, %get3A_312] {strides = array<i32>} : memref<1x128xf32, #tpu.memory_space<vmem>>, vector<1x16xf32>,
          %get3A_314 = vector.shape_cast %get3A_313 : vector<1x16xf32> to vector<16xf32>
          %add3A_315 = arith.addf %div3A, %get3A_314 : vector<16xf32>
          %swap3A_316 = arith.constant 0 : i32
          %swap3A_317 = arith.index_cast %swap3A_316 : i32 to index
          %swap3A_318 = arith.index_cast %add3A_286 : i32 to index
          %swap3A_319 = arith.constant 0 : index
          %swap3A_320 = tpu.vector_load %arg8[%swap3A_317, %swap3A_318, %swap3A_319] {strides = array<i32>} : memref<2x80x128xf32, #tpu.memory_space<vmem>>, vector<1x1x16xf32>,
          %swap3A_321 = vector.shape_cast %swap3A_320 : vector<1x1x16xf32> to vector<16xf32>
          %swap3A_322 = vector.shape_cast %add3A_315 : vector<16xf32> to vector<1x1x16xf32>
          tpu.vector_store %arg8[%swap3A_317, %swap3A_318, %swap3A_319], %swap3A_322 {strides = array<i32>} : memref<2x80x128xf32, #tpu.memory_space<vmem>>, vector<1x1x16xf32>,
          %get3A_323 = arith.constant 0 : i32
          %get3A_324 = arith.index_cast %get3A_323 : i32 to index
          %get3A_325 = arith.index_cast %add3A_286 : i32 to index
          %get3A_326 = arith.constant 16 : index
          %get3A_327 = tpu.vector_load %arg8[%get3A_324, %get3A_325, %get3A_326] {strides = array<i32>} : memref<2x80x128xf32, #tpu.memory_space<vmem>>, vector<1x1x16xf32>,
          %get3A_328 = vector.shape_cast %get3A_327 : vector<1x1x16xf32> to vector<16xf32>
          %get3A_329 = arith.constant 0 : i32
          %get3A_330 = arith.index_cast %get3A_329 : i32 to index
          %get3A_331 = arith.index_cast %add3A_286 : i32 to index
          %get3A_332 = arith.constant 16 : index
          %get3A_333 = tpu.vector_load %arg9[%get3A_330, %get3A_331, %get3A_332] {strides = array<i32>} : memref<2x80x128xf32, #tpu.memory_space<vmem>>, vector<1x1x16xf32>,
          %get3A_334 = vector.shape_cast %get3A_333 : vector<1x1x16xf32> to vector<16xf32>
          %add3A_335 = arith.addf %get3A_328, %get3A_334 : vector<16xf32>
          %mul3A_336 = arith.mulf %add3A_335, %add3A_335 : vector<16xf32>
          %mul3A_337 = arith.constant -0.0713548139 : f32
          %mul3A_338 = vector.broadcast %mul3A_337 : f32 to vector<16xf32>
          %mul3A_339 = arith.mulf %mul3A_336, %mul3A_338 : vector<16xf32>
          %sub3A_340 = arith.constant 1.59576917 : f32
          %sub3A_341 = vector.broadcast %sub3A_340 : f32 to vector<16xf32>
          %sub3A_342 = arith.subf %mul3A_339, %sub3A_341 : vector<16xf32>
          %mul3A_343 = arith.mulf %add3A_335, %sub3A_342 : vector<16xf32>
          %exp3A_344 = math.exp %mul3A_343 : vector<16xf32>
          %add3A_345 = arith.constant 1.000000e+00 : f32
          %add3A_346 = vector.broadcast %add3A_345 : f32 to vector<16xf32>
          %add3A_347 = arith.addf %exp3A_344, %add3A_346 : vector<16xf32>
          %div3A_348 = arith.divf %add3A_335, %add3A_347 : vector<16xf32>
          %get3A_349 = arith.constant 0 : i32
          %get3A_350 = arith.index_cast %get3A_349 : i32 to index
          %get3A_351 = arith.constant 16 : index
          %get3A_352 = tpu.vector_load %arg10[%get3A_350, %get3A_351] {strides = array<i32>} : memref<1x128xf32, #tpu.memory_space<vmem>>, vector<1x16xf32>,
          %get3A_353 = vector.shape_cast %get3A_352 : vector<1x16xf32> to vector<16xf32>
          %add3A_354 = arith.addf %div3A_348, %get3A_353 : vector<16xf32>
          %swap3A_355 = arith.constant 0 : i32
          %swap3A_356 = arith.index_cast %swap3A_355 : i32 to index
          %swap3A_357 = arith.index_cast %add3A_286 : i32 to index
          %swap3A_358 = arith.constant 16 : index
          %swap3A_359 = tpu.vector_load %arg8[%swap3A_356, %swap3A_357, %swap3A_358] {strides = array<i32>} : memref<2x80x128xf32, #tpu.memory_space<vmem>>, vector<1x1x16xf32>,
          %swap3A_360 = vector.shape_cast %swap3A_359 : vector<1x1x16xf32> to vector<16xf32>
          %swap3A_361 = vector.shape_cast %add3A_354 : vector<16xf32> to vector<1x1x16xf32>
          tpu.vector_store %arg8[%swap3A_356, %swap3A_357, %swap3A_358], %swap3A_361 {strides = array<i32>} : memref<2x80x128xf32, #tpu.memory_space<vmem>>, vector<1x1x16xf32>,
          %get3A_362 = arith.constant 0 : i32
          %get3A_363 = arith.index_cast %get3A_362 : i32 to index
          %get3A_364 = arith.index_cast %add3A_286 : i32 to index
          %get3A_365 = arith.constant 32 : index
          %get3A_366 = tpu.vector_load %arg8[%get3A_363, %get3A_364, %get3A_365] {strides = array<i32>} : memref<2x80x128xf32, #tpu.memory_space<vmem>>, vector<1x1x16xf32>,
          %get3A_367 = vector.shape_cast %get3A_366 : vector<1x1x16xf32> to vector<16xf32>
          %get3A_368 = arith.constant 0 : i32
          %get3A_369 = arith.index_cast %get3A_368 : i32 to index
          %get3A_370 = arith.index_cast %add3A_286 : i32 to index
          %get3A_371 = arith.constant 32 : index
          %get3A_372 = tpu.vector_load %arg9[%get3A_369, %get3A_370, %get3A_371] {strides = array<i32>} : memref<2x80x128xf32, #tpu.memory_space<vmem>>, vector<1x1x16xf32>,
          %get3A_373 = vector.shape_cast %get3A_372 : vector<1x1x16xf32> to vector<16xf32>
          %add3A_374 = arith.addf %get3A_367, %get3A_373 : vector<16xf32>
          %mul3A_375 = arith.mulf %add3A_374, %add3A_374 : vector<16xf32>
          %mul3A_376 = arith.constant -0.0713548139 : f32
          %mul3A_377 = vector.broadcast %mul3A_376 : f32 to vector<16xf32>
          %mul3A_378 = arith.mulf %mul3A_375, %mul3A_377 : vector<16xf32>
          %sub3A_379 = arith.constant 1.59576917 : f32
          %sub3A_380 = vector.broadcast %sub3A_379 : f32 to vector<16xf32>
          %sub3A_381 = arith.subf %mul3A_378, %sub3A_380 : vector<16xf32>
          %mul3A_382 = arith.mulf %add3A_374, %sub3A_381 : vector<16xf32>
          %exp3A_383 = math.exp %mul3A_382 : vector<16xf32>
          %add3A_384 = arith.constant 1.000000e+00 : f32
          %add3A_385 = vector.broadcast %add3A_384 : f32 to vector<16xf32>
          %add3A_386 = arith.addf %exp3A_383, %add3A_385 : vector<16xf32>
          %div3A_387 = arith.divf %add3A_374, %add3A_386 : vector<16xf32>
          %get3A_388 = arith.constant 0 : i32
          %get3A_389 = arith.index_cast %get3A_388 : i32 to index
          %get3A_390 = arith.constant 32 : index
          %get3A_391 = tpu.vector_load %arg10[%get3A_389, %get3A_390] {strides = array<i32>} : memref<1x128xf32, #tpu.memory_space<vmem>>, vector<1x16xf32>,
          %get3A_392 = vector.shape_cast %get3A_391 : vector<1x16xf32> to vector<16xf32>
          %add3A_393 = arith.addf %div3A_387, %get3A_392 : vector<16xf32>
          %swap3A_394 = arith.constant 0 : i32
          %swap3A_395 = arith.index_cast %swap3A_394 : i32 to index
          %swap3A_396 = arith.index_cast %add3A_286 : i32 to index
          %swap3A_397 = arith.constant 32 : index
          %swap3A_398 = tpu.vector_load %arg8[%swap3A_395, %swap3A_396, %swap3A_397] {strides = array<i32>} : memref<2x80x128xf32, #tpu.memory_space<vmem>>, vector<1x1x16xf32>,
          %swap3A_399 = vector.shape_cast %swap3A_398 : vector<1x1x16xf32> to vector<16xf32>
          %swap3A_400 = vector.shape_cast %add3A_393 : vector<16xf32> to vector<1x1x16xf32>
          tpu.vector_store %arg8[%swap3A_395, %swap3A_396, %swap3A_397], %swap3A_400 {strides = array<i32>} : memref<2x80x128xf32, #tpu.memory_space<vmem>>, vector<1x1x16xf32>,
          %get3A_401 = arith.constant 0 : i32
          %get3A_402 = arith.index_cast %get3A_401 : i32 to index
          %get3A_403 = arith.index_cast %add3A_286 : i32 to index
          %get3A_404 = arith.constant 48 : index
          %get3A_405 = tpu.vector_load %arg8[%get3A_402, %get3A_403, %get3A_404] {strides = array<i32>} : memref<2x80x128xf32, #tpu.memory_space<vmem>>, vector<1x1x16xf32>,
          %get3A_406 = vector.shape_cast %get3A_405 : vector<1x1x16xf32> to vector<16xf32>
          %get3A_407 = arith.constant 0 : i32
          %get3A_408 = arith.index_cast %get3A_407 : i32 to index
          %get3A_409 = arith.index_cast %add3A_286 : i32 to index
          %get3A_410 = arith.constant 48 : index
          %get3A_411 = tpu.vector_load %arg9[%get3A_408, %get3A_409, %get3A_410] {strides = array<i32>} : memref<2x80x128xf32, #tpu.memory_space<vmem>>, vector<1x1x16xf32>,
          %get3A_412 = vector.shape_cast %get3A_411 : vector<1x1x16xf32> to vector<16xf32>
          %add3A_413 = arith.addf %get3A_406, %get3A_412 : vector<16xf32>
          %mul3A_414 = arith.mulf %add3A_413, %add3A_413 : vector<16xf32>
          %mul3A_415 = arith.constant -0.0713548139 : f32
          %mul3A_416 = vector.broadcast %mul3A_415 : f32 to vector<16xf32>
          %mul3A_417 = arith.mulf %mul3A_414, %mul3A_416 : vector<16xf32>
          %sub3A_418 = arith.constant 1.59576917 : f32
          %sub3A_419 = vector.broadcast %sub3A_418 : f32 to vector<16xf32>
          %sub3A_420 = arith.subf %mul3A_417, %sub3A_419 : vector<16xf32>
          %mul3A_421 = arith.mulf %add3A_413, %sub3A_420 : vector<16xf32>
          %exp3A_422 = math.exp %mul3A_421 : vector<16xf32>
          %add3A_423 = arith.constant 1.000000e+00 : f32
          %add3A_424 = vector.broadcast %add3A_423 : f32 to vector<16xf32>
          %add3A_425 = arith.addf %exp3A_422, %add3A_424 : vector<16xf32>
          %div3A_426 = arith.divf %add3A_413, %add3A_425 : vector<16xf32>
          %get3A_427 = arith.constant 0 : i32
          %get3A_428 = arith.index_cast %get3A_427 : i32 to index
          %get3A_429 = arith.constant 48 : index
          %get3A_430 = tpu.vector_load %arg10[%get3A_428, %get3A_429] {strides = array<i32>} : memref<1x128xf32, #tpu.memory_space<vmem>>, vector<1x16xf32>,
          %get3A_431 = vector.shape_cast %get3A_430 : vector<1x16xf32> to vector<16xf32>
          %add3A_432 = arith.addf %div3A_426, %get3A_431 : vector<16xf32>
          %swap3A_433 = arith.constant 0 : i32
          %swap3A_434 = arith.index_cast %swap3A_433 : i32 to index
          %swap3A_435 = arith.index_cast %add3A_286 : i32 to index
          %swap3A_436 = arith.constant 48 : index
          %swap3A_437 = tpu.vector_load %arg8[%swap3A_434, %swap3A_435, %swap3A_436] {strides = array<i32>} : memref<2x80x128xf32, #tpu.memory_space<vmem>>, vector<1x1x16xf32>,
          %swap3A_438 = vector.shape_cast %swap3A_437 : vector<1x1x16xf32> to vector<16xf32>
          %swap3A_439 = vector.shape_cast %add3A_432 : vector<16xf32> to vector<1x1x16xf32>
          tpu.vector_store %arg8[%swap3A_434, %swap3A_435, %swap3A_436], %swap3A_439 {strides = array<i32>} : memref<2x80x128xf32, #tpu.memory_space<vmem>>, vector<1x1x16xf32>,
          %get3A_440 = arith.constant 0 : i32
          %get3A_441 = arith.index_cast %get3A_440 : i32 to index
          %get3A_442 = arith.index_cast %add3A_286 : i32 to index
          %get3A_443 = arith.constant 64 : index
          %get3A_444 = tpu.vector_load %arg8[%get3A_441, %get3A_442, %get3A_443] {strides = array<i32>} : memref<2x80x128xf32, #tpu.memory_space<vmem>>, vector<1x1x16xf32>,
          %get3A_445 = vector.shape_cast %get3A_444 : vector<1x1x16xf32> to vector<16xf32>
          %get3A_446 = arith.constant 0 : i32
          %get3A_447 = arith.index_cast %get3A_446 : i32 to index
          %get3A_448 = arith.index_cast %add3A_286 : i32 to index
          %get3A_449 = arith.constant 64 : index
          %get3A_450 = tpu.vector_load %arg9[%get3A_447, %get3A_448, %get3A_449] {strides = array<i32>} : memref<2x80x128xf32, #tpu.memory_space<vmem>>, vector<1x1x16xf32>,
          %get3A_451 = vector.shape_cast %get3A_450 : vector<1x1x16xf32> to vector<16xf32>
          %add3A_452 = arith.addf %get3A_445, %get3A_451 : vector<16xf32>
          %mul3A_453 = arith.mulf %add3A_452, %add3A_452 : vector<16xf32>
          %mul3A_454 = arith.constant -0.0713548139 : f32
          %mul3A_455 = vector.broadcast %mul3A_454 : f32 to vector<16xf32>
          %mul3A_456 = arith.mulf %mul3A_453, %mul3A_455 : vector<16xf32>
          %sub3A_457 = arith.constant 1.59576917 : f32
          %sub3A_458 = vector.broadcast %sub3A_457 : f32 to vector<16xf32>
          %sub3A_459 = arith.subf %mul3A_456, %sub3A_458 : vector<16xf32>
          %mul3A_460 = arith.mulf %add3A_452, %sub3A_459 : vector<16xf32>
          %exp3A_461 = math.exp %mul3A_460 : vector<16xf32>
          %add3A_462 = arith.constant 1.000000e+00 : f32
          %add3A_463 = vector.broadcast %add3A_462 : f32 to vector<16xf32>
          %add3A_464 = arith.addf %exp3A_461, %add3A_463 : vector<16xf32>
          %div3A_465 = arith.divf %add3A_452, %add3A_464 : vector<16xf32>
          %get3A_466 = arith.constant 0 : i32
          %get3A_467 = arith.index_cast %get3A_466 : i32 to index
          %get3A_468 = arith.constant 64 : index
          %get3A_469 = tpu.vector_load %arg10[%get3A_467, %get3A_468] {strides = array<i32>} : memref<1x128xf32, #tpu.memory_space<vmem>>, vector<1x16xf32>,
          %get3A_470 = vector.shape_cast %get3A_469 : vector<1x16xf32> to vector<16xf32>
          %add3A_471 = arith.addf %div3A_465, %get3A_470 : vector<16xf32>
          %swap3A_472 = arith.constant 0 : i32
          %swap3A_473 = arith.index_cast %swap3A_472 : i32 to index
          %swap3A_474 = arith.index_cast %add3A_286 : i32 to index
          %swap3A_475 = arith.constant 64 : index
          %swap3A_476 = tpu.vector_load %arg8[%swap3A_473, %swap3A_474, %swap3A_475] {strides = array<i32>} : memref<2x80x128xf32, #tpu.memory_space<vmem>>, vector<1x1x16xf32>,
          %swap3A_477 = vector.shape_cast %swap3A_476 : vector<1x1x16xf32> to vector<16xf32>
          %swap3A_478 = vector.shape_cast %add3A_471 : vector<16xf32> to vector<1x1x16xf32>
          tpu.vector_store %arg8[%swap3A_473, %swap3A_474, %swap3A_475], %swap3A_478 {strides = array<i32>} : memref<2x80x128xf32, #tpu.memory_space<vmem>>, vector<1x1x16xf32>,
          %get3A_479 = arith.constant 0 : i32
          %get3A_480 = arith.index_cast %get3A_479 : i32 to index
          %get3A_481 = arith.index_cast %add3A_286 : i32 to index
          %get3A_482 = arith.constant 80 : index
          %get3A_483 = tpu.vector_load %arg8[%get3A_480, %get3A_481, %get3A_482] {strides = array<i32>} : memref<2x80x128xf32, #tpu.memory_space<vmem>>, vector<1x1x16xf32>,
          %get3A_484 = vector.shape_cast %get3A_483 : vector<1x1x16xf32> to vector<16xf32>
          %get3A_485 = arith.constant 0 : i32
          %get3A_486 = arith.index_cast %get3A_485 : i32 to index
          %get3A_487 = arith.index_cast %add3A_286 : i32 to index
          %get3A_488 = arith.constant 80 : index
          %get3A_489 = tpu.vector_load %arg9[%get3A_486, %get3A_487, %get3A_488] {strides = array<i32>} : memref<2x80x128xf32, #tpu.memory_space<vmem>>, vector<1x1x16xf32>,
          %get3A_490 = vector.shape_cast %get3A_489 : vector<1x1x16xf32> to vector<16xf32>
          %add3A_491 = arith.addf %get3A_484, %get3A_490 : vector<16xf32>
          %mul3A_492 = arith.mulf %add3A_491, %add3A_491 : vector<16xf32>
          %mul3A_493 = arith.constant -0.0713548139 : f32
          %mul3A_494 = vector.broadcast %mul3A_493 : f32 to vector<16xf32>
          %mul3A_495 = arith.mulf %mul3A_492, %mul3A_494 : vector<16xf32>
          %sub3A_496 = arith.constant 1.59576917 : f32
          %sub3A_497 = vector.broadcast %sub3A_496 : f32 to vector<16xf32>
          %sub3A_498 = arith.subf %mul3A_495, %sub3A_497 : vector<16xf32>
          %mul3A_499 = arith.mulf %add3A_491, %sub3A_498 : vector<16xf32>
          %exp3A_500 = math.exp %mul3A_499 : vector<16xf32>
          %add3A_501 = arith.constant 1.000000e+00 : f32
          %add3A_502 = vector.broadcast %add3A_501 : f32 to vector<16xf32>
          %add3A_503 = arith.addf %exp3A_500, %add3A_502 : vector<16xf32>
          %div3A_504 = arith.divf %add3A_491, %add3A_503 : vector<16xf32>
          %get3A_505 = arith.constant 0 : i32
          %get3A_506 = arith.index_cast %get3A_505 : i32 to index
          %get3A_507 = arith.constant 80 : index
          %get3A_508 = tpu.vector_load %arg10[%get3A_506, %get3A_507] {strides = array<i32>} : memref<1x128xf32, #tpu.memory_space<vmem>>, vector<1x16xf32>,
          %get3A_509 = vector.shape_cast %get3A_508 : vector<1x16xf32> to vector<16xf32>
          %add3A_510 = arith.addf %div3A_504, %get3A_509 : vector<16xf32>
          %swap3A_511 = arith.constant 0 : i32
          %swap3A_512 = arith.index_cast %swap3A_511 : i32 to index
          %swap3A_513 = arith.index_cast %add3A_286 : i32 to index
          %swap3A_514 = arith.constant 80 : index
          %swap3A_515 = tpu.vector_load %arg8[%swap3A_512, %swap3A_513, %swap3A_514] {strides = array<i32>} : memref<2x80x128xf32, #tpu.memory_space<vmem>>, vector<1x1x16xf32>,
          %swap3A_516 = vector.shape_cast %swap3A_515 : vector<1x1x16xf32> to vector<16xf32>
          %swap3A_517 = vector.shape_cast %add3A_510 : vector<16xf32> to vector<1x1x16xf32>
          tpu.vector_store %arg8[%swap3A_512, %swap3A_513, %swap3A_514], %swap3A_517 {strides = array<i32>} : memref<2x80x128xf32, #tpu.memory_space<vmem>>, vector<1x1x16xf32>,
          %get3A_518 = arith.constant 0 : i32
          %get3A_519 = arith.index_cast %get3A_518 : i32 to index
          %get3A_520 = arith.index_cast %add3A_286 : i32 to index
          %get3A_521 = arith.constant 96 : index
          %get3A_522 = tpu.vector_load %arg8[%get3A_519, %get3A_520, %get3A_521] {strides = array<i32>} : memref<2x80x128xf32, #tpu.memory_space<vmem>>, vector<1x1x16xf32>,
          %get3A_523 = vector.shape_cast %get3A_522 : vector<1x1x16xf32> to vector<16xf32>
          %get3A_524 = arith.constant 0 : i32
          %get3A_525 = arith.index_cast %get3A_524 : i32 to index
          %get3A_526 = arith.index_cast %add3A_286 : i32 to index
          %get3A_527 = arith.constant 96 : index
          %get3A_528 = tpu.vector_load %arg9[%get3A_525, %get3A_526, %get3A_527] {strides = array<i32>} : memref<2x80x128xf32, #tpu.memory_space<vmem>>, vector<1x1x16xf32>,
          %get3A_529 = vector.shape_cast %get3A_528 : vector<1x1x16xf32> to vector<16xf32>
          %add3A_530 = arith.addf %get3A_523, %get3A_529 : vector<16xf32>
          %mul3A_531 = arith.mulf %add3A_530, %add3A_530 : vector<16xf32>
          %mul3A_532 = arith.constant -0.0713548139 : f32
          %mul3A_533 = vector.broadcast %mul3A_532 : f32 to vector<16xf32>
          %mul3A_534 = arith.mulf %mul3A_531, %mul3A_533 : vector<16xf32>
          %sub3A_535 = arith.constant 1.59576917 : f32
          %sub3A_536 = vector.broadcast %sub3A_535 : f32 to vector<16xf32>
          %sub3A_537 = arith.subf %mul3A_534, %sub3A_536 : vector<16xf32>
          %mul3A_538 = arith.mulf %add3A_530, %sub3A_537 : vector<16xf32>
          %exp3A_539 = math.exp %mul3A_538 : vector<16xf32>
          %add3A_540 = arith.constant 1.000000e+00 : f32
          %add3A_541 = vector.broadcast %add3A_540 : f32 to vector<16xf32>
          %add3A_542 = arith.addf %exp3A_539, %add3A_541 : vector<16xf32>
          %div3A_543 = arith.divf %add3A_530, %add3A_542 : vector<16xf32>
          %get3A_544 = arith.constant 0 : i32
          %get3A_545 = arith.index_cast %get3A_544 : i32 to index
          %get3A_546 = arith.constant 96 : index
          %get3A_547 = tpu.vector_load %arg10[%get3A_545, %get3A_546] {strides = array<i32>} : memref<1x128xf32, #tpu.memory_space<vmem>>, vector<1x16xf32>,
          %get3A_548 = vector.shape_cast %get3A_547 : vector<1x16xf32> to vector<16xf32>
          %add3A_549 = arith.addf %div3A_543, %get3A_548 : vector<16xf32>
          %swap3A_550 = arith.constant 0 : i32
          %swap3A_551 = arith.index_cast %swap3A_550 : i32 to index
          %swap3A_552 = arith.index_cast %add3A_286 : i32 to index
          %swap3A_553 = arith.constant 96 : index
          %swap3A_554 = tpu.vector_load %arg8[%swap3A_551, %swap3A_552, %swap3A_553] {strides = array<i32>} : memref<2x80x128xf32, #tpu.memory_space<vmem>>, vector<1x1x16xf32>,
          %swap3A_555 = vector.shape_cast %swap3A_554 : vector<1x1x16xf32> to vector<16xf32>
          %swap3A_556 = vector.shape_cast %add3A_549 : vector<16xf32> to vector<1x1x16xf32>
          tpu.vector_store %arg8[%swap3A_551, %swap3A_552, %swap3A_553], %swap3A_556 {strides = array<i32>} : memref<2x80x128xf32, #tpu.memory_space<vmem>>, vector<1x1x16xf32>,
          %get3A_557 = arith.constant 0 : i32
          %get3A_558 = arith.index_cast %get3A_557 : i32 to index
          %get3A_559 = arith.index_cast %add3A_286 : i32 to index
          %get3A_560 = arith.constant 112 : index
          %get3A_561 = tpu.vector_load %arg8[%get3A_558, %get3A_559, %get3A_560] {strides = array<i32>} : memref<2x80x128xf32, #tpu.memory_space<vmem>>, vector<1x1x16xf32>,
          %get3A_562 = vector.shape_cast %get3A_561 : vector<1x1x16xf32> to vector<16xf32>
          %get3A_563 = arith.constant 0 : i32
          %get3A_564 = arith.index_cast %get3A_563 : i32 to index
          %get3A_565 = arith.index_cast %add3A_286 : i32 to index
          %get3A_566 = arith.constant 112 : index
          %get3A_567 = tpu.vector_load %arg9[%get3A_564, %get3A_565, %get3A_566] {strides = array<i32>} : memref<2x80x128xf32, #tpu.memory_space<vmem>>, vector<1x1x16xf32>,
          %get3A_568 = vector.shape_cast %get3A_567 : vector<1x1x16xf32> to vector<16xf32>
          %add3A_569 = arith.addf %get3A_562, %get3A_568 : vector<16xf32>
          %mul3A_570 = arith.mulf %add3A_569, %add3A_569 : vector<16xf32>
          %mul3A_571 = arith.constant -0.0713548139 : f32
          %mul3A_572 = vector.broadcast %mul3A_571 : f32 to vector<16xf32>
          %mul3A_573 = arith.mulf %mul3A_570, %mul3A_572 : vector<16xf32>
          %sub3A_574 = arith.constant 1.59576917 : f32
          %sub3A_575 = vector.broadcast %sub3A_574 : f32 to vector<16xf32>
          %sub3A_576 = arith.subf %mul3A_573, %sub3A_575 : vector<16xf32>
          %mul3A_577 = arith.mulf %add3A_569, %sub3A_576 : vector<16xf32>
          %exp3A_578 = math.exp %mul3A_577 : vector<16xf32>
          %add3A_579 = arith.constant 1.000000e+00 : f32
          %add3A_580 = vector.broadcast %add3A_579 : f32 to vector<16xf32>
          %add3A_581 = arith.addf %exp3A_578, %add3A_580 : vector<16xf32>
          %div3A_582 = arith.divf %add3A_569, %add3A_581 : vector<16xf32>
          %get3A_583 = arith.constant 0 : i32
          %get3A_584 = arith.index_cast %get3A_583 : i32 to index
          %get3A_585 = arith.constant 112 : index
          %get3A_586 = tpu.vector_load %arg10[%get3A_584, %get3A_585] {strides = array<i32>} : memref<1x128xf32, #tpu.memory_space<vmem>>, vector<1x16xf32>,
          %get3A_587 = vector.shape_cast %get3A_586 : vector<1x16xf32> to vector<16xf32>
          %add3A_588 = arith.addf %div3A_582, %get3A_587 : vector<16xf32>
          %swap3A_589 = arith.constant 0 : i32
          %swap3A_590 = arith.index_cast %swap3A_589 : i32 to index
          %swap3A_591 = arith.index_cast %add3A_286 : i32 to index
          %swap3A_592 = arith.constant 112 : index
          %swap3A_593 = tpu.vector_load %arg8[%swap3A_590, %swap3A_591, %swap3A_592] {strides = array<i32>} : memref<2x80x128xf32, #tpu.memory_space<vmem>>, vector<1x1x16xf32>,
          %swap3A_594 = vector.shape_cast %swap3A_593 : vector<1x1x16xf32> to vector<16xf32>
          %swap3A_595 = vector.shape_cast %add3A_588 : vector<16xf32> to vector<1x1x16xf32>
          tpu.vector_store %arg8[%swap3A_590, %swap3A_591, %swap3A_592], %swap3A_595 {strides = array<i32>} : memref<2x80x128xf32, #tpu.memory_space<vmem>>, vector<1x1x16xf32>,
        }
        %scan3A_209 = arith.constant 80 : i32
        %get3A = arith.constant 0 : i32
        %get3A_210 = arith.index_cast %get3A : i32 to index
        %get3A_211 = arith.constant 0 : index
        %get3A_212 = tpu.vector_load %arg12[%get3A_210, %get3A_211] {strides = array<i32>} : memref<2x80xi32, #tpu.memory_space<vmem>>, vector<1x16xi32>,
        %get3A_213 = vector.shape_cast %get3A_212 : vector<1x16xi32> to vector<16xi32>
        %swap3A = arith.constant 0 : i32
        %swap3A_214 = arith.index_cast %swap3A : i32 to index
        %swap3A_215 = arith.constant 0 : index
        %swap3A_216 = tpu.vector_load %arg13[%swap3A_214, %swap3A_215] {strides = array<i32>} : memref<2x80xi32, #tpu.memory_space<vmem>>, vector<1x16xi32>,
        %swap3A_217 = vector.shape_cast %swap3A_216 : vector<1x16xi32> to vector<16xi32>
        %swap3A_218 = vector.shape_cast %get3A_213 : vector<16xi32> to vector<1x16xi32>
        tpu.vector_store %arg13[%swap3A_214, %swap3A_215], %swap3A_218 {strides = array<i32>} : memref<2x80xi32, #tpu.memory_space<vmem>>, vector<1x16xi32>,
        %get3A_219 = arith.constant 0 : i32
        %get3A_220 = arith.index_cast %get3A_219 : i32 to index
        %get3A_221 = arith.constant 16 : index
        %get3A_222 = tpu.vector_load %arg12[%get3A_220, %get3A_221] {strides = array<i32>} : memref<2x80xi32, #tpu.memory_space<vmem>>, vector<1x16xi32>,
        %get3A_223 = vector.shape_cast %get3A_222 : vector<1x16xi32> to vector<16xi32>
        %swap3A_224 = arith.constant 0 : i32
        %swap3A_225 = arith.index_cast %swap3A_224 : i32 to index
        %swap3A_226 = arith.constant 16 : index
        %swap3A_227 = tpu.vector_load %arg13[%swap3A_225, %swap3A_226] {strides = array<i32>} : memref<2x80xi32, #tpu.memory_space<vmem>>, vector<1x16xi32>,
        %swap3A_228 = vector.shape_cast %swap3A_227 : vector<1x16xi32> to vector<16xi32>
        %swap3A_229 = vector.shape_cast %get3A_223 : vector<16xi32> to vector<1x16xi32>
        tpu.vector_store %arg13[%swap3A_225, %swap3A_226], %swap3A_229 {strides = array<i32>} : memref<2x80xi32, #tpu.memory_space<vmem>>, vector<1x16xi32>,
        %get3A_230 = arith.constant 0 : i32
        %get3A_231 = arith.index_cast %get3A_230 : i32 to index
        %get3A_232 = arith.constant 32 : index
        %get3A_233 = tpu.vector_load %arg12[%get3A_231, %get3A_232] {strides = array<i32>} : memref<2x80xi32, #tpu.memory_space<vmem>>, vector<1x16xi32>,
        %get3A_234 = vector.shape_cast %get3A_233 : vector<1x16xi32> to vector<16xi32>
        %swap3A_235 = arith.constant 0 : i32
        %swap3A_236 = arith.index_cast %swap3A_235 : i32 to index
        %swap3A_237 = arith.constant 32 : index
        %swap3A_238 = tpu.vector_load %arg13[%swap3A_236, %swap3A_237] {strides = array<i32>} : memref<2x80xi32, #tpu.memory_space<vmem>>, vector<1x16xi32>,
        %swap3A_239 = vector.shape_cast %swap3A_238 : vector<1x16xi32> to vector<16xi32>
        %swap3A_240 = vector.shape_cast %get3A_234 : vector<16xi32> to vector<1x16xi32>
        tpu.vector_store %arg13[%swap3A_236, %swap3A_237], %swap3A_240 {strides = array<i32>} : memref<2x80xi32, #tpu.memory_space<vmem>>, vector<1x16xi32>,
        %get3A_241 = arith.constant 0 : i32
        %get3A_242 = arith.index_cast %get3A_241 : i32 to index
        %get3A_243 = arith.constant 48 : index
        %get3A_244 = tpu.vector_load %arg12[%get3A_242, %get3A_243] {strides = array<i32>} : memref<2x80xi32, #tpu.memory_space<vmem>>, vector<1x16xi32>,
        %get3A_245 = vector.shape_cast %get3A_244 : vector<1x16xi32> to vector<16xi32>
        %swap3A_246 = arith.constant 0 : i32
        %swap3A_247 = arith.index_cast %swap3A_246 : i32 to index
        %swap3A_248 = arith.constant 48 : index
        %swap3A_249 = tpu.vector_load %arg13[%swap3A_247, %swap3A_248] {strides = array<i32>} : memref<2x80xi32, #tpu.memory_space<vmem>>, vector<1x16xi32>,
        %swap3A_250 = vector.shape_cast %swap3A_249 : vector<1x16xi32> to vector<16xi32>
        %swap3A_251 = vector.shape_cast %get3A_245 : vector<16xi32> to vector<1x16xi32>
        tpu.vector_store %arg13[%swap3A_247, %swap3A_248], %swap3A_251 {strides = array<i32>} : memref<2x80xi32, #tpu.memory_space<vmem>>, vector<1x16xi32>,
        %get3A_252 = arith.constant 0 : i32
        %get3A_253 = arith.index_cast %get3A_252 : i32 to index
        %get3A_254 = arith.constant 64 : index
        %get3A_255 = tpu.vector_load %arg12[%get3A_253, %get3A_254] {strides = array<i32>} : memref<2x80xi32, #tpu.memory_space<vmem>>, vector<1x16xi32>,
        %get3A_256 = vector.shape_cast %get3A_255 : vector<1x16xi32> to vector<16xi32>
        %swap3A_257 = arith.constant 0 : i32
        %swap3A_258 = arith.index_cast %swap3A_257 : i32 to index
        %swap3A_259 = arith.constant 64 : index
        %swap3A_260 = tpu.vector_load %arg13[%swap3A_258, %swap3A_259] {strides = array<i32>} : memref<2x80xi32, #tpu.memory_space<vmem>>, vector<1x16xi32>,
        %swap3A_261 = vector.shape_cast %swap3A_260 : vector<1x16xi32> to vector<16xi32>
        %swap3A_262 = vector.shape_cast %get3A_256 : vector<16xi32> to vector<1x16xi32>
        tpu.vector_store %arg13[%swap3A_258, %swap3A_259], %swap3A_262 {strides = array<i32>} : memref<2x80xi32, #tpu.memory_space<vmem>>, vector<1x16xi32>,
        %dma_start3A_263 = arith.constant 0 : i32
        %dma_start3A_264 = arith.constant 0 : i32
        %dma_start3A_265 = arith.constant 0 : i32
        %dma_start3A_266 = arith.constant 0 : i32
        %dma_start3A_267 = tpu.memref_slice %arg8[%dma_start3A_263, %dma_start3A_265, %dma_start3A_266] : memref<2x80x128xf32, #tpu.memory_space<vmem>> -> memref<1x80x128xf32, #tpu.memory_space<vmem>>
        %dma_start3A_268 = tpu.memref_squeeze %dma_start3A_267 : memref<1x80x128xf32, #tpu.memory_space<vmem>> -> memref<80x128xf32, #tpu.memory_space<vmem>>
        %dma_start3A_269 = arith.constant 0 : i32
        %dma_start3A_270 = tpu.memref_slice %arg13[%dma_start3A_264, %dma_start3A_269] : memref<2x80xi32, #tpu.memory_space<vmem>> -> memref<1x80xi32, #tpu.memory_space<vmem>>
        %dma_start3A_271 = tpu.memref_squeeze %dma_start3A_270 : memref<1x80xi32, #tpu.memory_space<vmem>> -> memref<80xi32, #tpu.memory_space<vmem>>
        %dma_start3A_272 = arith.constant 0 : i32
        %dma_start3A_273 = arith.constant 0 : i32
        %dma_start3A_274 = tpu.memref_slice %arg22[%dma_start3A_272, %dma_start3A_273] : memref<10000x128xf32, #tpu.memory_space<vmem_shared>> -> memref<10000x128xf32, #tpu.memory_space<vmem_shared>>
        tpu.enqueue_indirect_dma source(%dma_start3A_268 : memref<80x128xf32, #tpu.memory_space<vmem>>) target(%dma_start3A_274 : memref<10000x128xf32, #tpu.memory_space<vmem_shared>>) offsets(%dma_start3A_271 : memref<80xi32, #tpu.memory_space<vmem>>) semaphore(%arg20 : memref<!tpu.dma_semaphore, #tpu.memory_space<semaphore_mem>>) {add = true}
        %add3A_275 = arith.constant 2 : i32
        %add3A_276 = arith.addi %add3A_152, %add3A_275 : i32
        %lt3A_277 = arith.constant 125 : i32
        %lt3A_278 = arith.cmpi slt, %add3A_276, %lt3A_277 : i32
        %convert_element_type3A_279 = arith.extui %lt3A_278 : i1 to i32
        %cond3A_280 = arith.constant 0 : i32
        %cond3A_281 = arith.cmpi ne, %convert_element_type3A_279, %cond3A_280 : i32
        scf.if %cond3A_281 {
          %add3A_282 = arith.constant 2 : i32
          %add3A_283 = arith.addi %add3A_152, %add3A_282 : i32
          %dma_start3A_284 = arith.constant 0 : i32
          %dma_start3A_285 = arith.constant 0 : i32
          %dma_start3A_286 = tpu.memref_slice %arg11[%dma_start3A_284, %dma_start3A_285] : memref<2x80xi32, #tpu.memory_space<vmem>> -> memref<1x80xi32, #tpu.memory_space<vmem>>
          %dma_start3A_287 = tpu.memref_squeeze %dma_start3A_286 : memref<1x80xi32, #tpu.memory_space<vmem>> -> memref<80xi32, #tpu.memory_space<vmem>>
          %dma_start3A_288 = arith.constant 0 : i32
          %dma_start3A_289 = tpu.memref_slice %arg4[%add3A, %add3A_283, %dma_start3A_288] : memref<32x125x80xi32, #tpu.memory_space<hbm>> -> memref<1x1x80xi32, #tpu.memory_space<hbm>>
          %dma_start3A_290 = tpu.memref_squeeze %dma_start3A_289 : memref<1x1x80xi32, #tpu.memory_space<hbm>> -> memref<80xi32, #tpu.memory_space<hbm>>
          %dma_start3A_291 = arith.constant 0 : i32
          %dma_start3A_292 = tpu.memref_slice %arg11[%dma_start3A_284, %dma_start3A_291] : memref<2x80xi32, #tpu.memory_space<vmem>> -> memref<1x80xi32, #tpu.memory_space<vmem>>
          %dma_start3A_293 = tpu.memref_squeeze %dma_start3A_292 : memref<1x80xi32, #tpu.memory_space<vmem>> -> memref<80xi32, #tpu.memory_space<vmem>>
          %dma_start3A_294 = arith.constant 0 : i32
          %dma_start3A_295 = tpu.memref_slice %arg4[%add3A, %add3A_283, %dma_start3A_294] : memref<32x125x80xi32, #tpu.memory_space<hbm>> -> memref<1x1x80xi32, #tpu.memory_space<hbm>>
          %dma_start3A_296 = tpu.memref_squeeze %dma_start3A_295 : memref<1x1x80xi32, #tpu.memory_space<hbm>> -> memref<80xi32, #tpu.memory_space<hbm>>
          tpu.enqueue_dma source(%dma_start3A_296 : memref<80xi32, #tpu.memory_space<hbm>>) target(%dma_start3A_293 : memref<80xi32, #tpu.memory_space<vmem>>) target_semaphore(%arg14 : memref<!tpu.dma_semaphore, #tpu.memory_space<semaphore_mem>>)
          %dma_start3A_297 = arith.constant 0 : i32
          %dma_start3A_298 = arith.constant 0 : i32
          %dma_start3A_299 = tpu.memref_slice %arg12[%dma_start3A_297, %dma_start3A_298] : memref<2x80xi32, #tpu.memory_space<vmem>> -> memref<1x80xi32, #tpu.memory_space<vmem>>
          %dma_start3A_300 = tpu.memref_squeeze %dma_start3A_299 : memref<1x80xi32, #tpu.memory_space<vmem>> -> memref<80xi32, #tpu.memory_space<vmem>>
          %dma_start3A_301 = arith.constant 0 : i32
          %dma_start3A_302 = tpu.memref_slice %arg5[%add3A, %add3A_283, %dma_start3A_301] : memref<32x125x80xi32, #tpu.memory_space<hbm>> -> memref<1x1x80xi32, #tpu.memory_space<hbm>>
          %dma_start3A_303 = tpu.memref_squeeze %dma_start3A_302 : memref<1x1x80xi32, #tpu.memory_space<hbm>> -> memref<80xi32, #tpu.memory_space<hbm>>
          %dma_start3A_304 = arith.constant 0 : i32
          %dma_start3A_305 = tpu.memref_slice %arg12[%dma_start3A_297, %dma_start3A_304] : memref<2x80xi32, #tpu.memory_space<vmem>> -> memref<1x80xi32, #tpu.memory_space<vmem>>
          %dma_start3A_306 = tpu.memref_squeeze %dma_start3A_305 : memref<1x80xi32, #tpu.memory_space<vmem>> -> memref<80xi32, #tpu.memory_space<vmem>>
          %dma_start3A_307 = arith.constant 0 : i32
          %dma_start3A_308 = tpu.memref_slice %arg5[%add3A, %add3A_283, %dma_start3A_307] : memref<32x125x80xi32, #tpu.memory_space<hbm>> -> memref<1x1x80xi32, #tpu.memory_space<hbm>>
          %dma_start3A_309 = tpu.memref_squeeze %dma_start3A_308 : memref<1x1x80xi32, #tpu.memory_space<hbm>> -> memref<80xi32, #tpu.memory_space<hbm>>
          tpu.enqueue_dma source(%dma_start3A_309 : memref<80xi32, #tpu.memory_space<hbm>>) target(%dma_start3A_306 : memref<80xi32, #tpu.memory_space<vmem>>) target_semaphore(%arg14 : memref<!tpu.dma_semaphore, #tpu.memory_space<semaphore_mem>>)
        } else {
        }
      } else {
      }
      %mul3A_158 = arith.constant 2 : i32
      %mul3A_159 = arith.muli %mul3A_158, %add3A_148 : i32
      %add3A_160 = arith.constant 1 : i32
      %add3A_161 = arith.addi %mul3A_159, %add3A_160 : i32
      %lt3A_162 = arith.constant 125 : i32
      %lt3A_163 = arith.cmpi slt, %add3A_161, %lt3A_162 : i32
      %convert_element_type3A_164 = arith.extui %lt3A_163 : i1 to i32
      %cond3A_165 = arith.constant 0 : i32
      %cond3A_166 = arith.cmpi ne, %convert_element_type3A_164, %cond3A_165 : i32
      scf.if %cond3A_166 {
        %dma_wait3A_167 = arith.constant 1 : i32
        %dma_wait3A_168 = arith.constant 0 : i32
        %dma_wait3A_169 = arith.constant 0 : i32
        %dma_wait3A_170 = tpu.memref_slice %arg8[%dma_wait3A_167, %dma_wait3A_168, %dma_wait3A_169] : memref<2x80x128xf32, #tpu.memory_space<vmem>> -> memref<1x80x128xf32, #tpu.memory_space<vmem>>
        %dma_wait3A_171 = tpu.memref_squeeze %dma_wait3A_170 : memref<1x80x128xf32, #tpu.memory_space<vmem>> -> memref<80x128xf32, #tpu.memory_space<vmem>>
        %dma_wait3A_172 = arith.constant 0 : i32
        %dma_wait3A_173 = arith.constant 0 : i32
        %dma_wait3A_174 = tpu.memref_slice %arg2[%dma_wait3A_172, %dma_wait3A_173] : memref<320000x128xf32, #tpu.memory_space<hbm>> -> memref<80x128xf32, #tpu.memory_space<hbm>>
        %dma_wait3A_175 = arith.constant 0 : i32
        %dma_wait3A_176 = arith.constant 0 : i32
        %dma_wait3A_177 = tpu.memref_slice %arg8[%dma_wait3A_167, %dma_wait3A_175, %dma_wait3A_176] : memref<2x80x128xf32, #tpu.memory_space<vmem>> -> memref<1x80x128xf32, #tpu.memory_space<vmem>>
        %dma_wait3A_178 = tpu.memref_squeeze %dma_wait3A_177 : memref<1x80x128xf32, #tpu.memory_space<vmem>> -> memref<80x128xf32, #tpu.memory_space<vmem>>
        %dma_wait3A_179 = arith.constant 0 : i32
        %dma_wait3A_180 = arith.constant 0 : i32
        %dma_wait3A_181 = tpu.memref_slice %arg2[%dma_wait3A_179, %dma_wait3A_180] : memref<320000x128xf32, #tpu.memory_space<hbm>> -> memref<80x128xf32, #tpu.memory_space<hbm>>
        tpu.wait_dma2 semaphore(%arg17 : memref<!tpu.dma_semaphore, #tpu.memory_space<semaphore_mem>>) src(%dma_wait3A_181 : memref<80x128xf32, #tpu.memory_space<hbm>>) dst(%dma_wait3A_178 : memref<80x128xf32, #tpu.memory_space<vmem>>)
        %dma_wait3A_182 = arith.constant 1 : i32
        %dma_wait3A_183 = arith.constant 1 : i32
        %dma_wait3A_184 = arith.constant 0 : i32
        %dma_wait3A_185 = arith.constant 0 : i32
        %dma_wait3A_186 = tpu.memref_slice %arg9[%dma_wait3A_183, %dma_wait3A_184, %dma_wait3A_185] : memref<2x80x128xf32, #tpu.memory_space<vmem>> -> memref<1x80x128xf32, #tpu.memory_space<vmem>>
        %dma_wait3A_187 = tpu.memref_squeeze %dma_wait3A_186 : memref<1x80x128xf32, #tpu.memory_space<vmem>> -> memref<80x128xf32, #tpu.memory_space<vmem>>
        %dma_wait3A_188 = arith.constant 0 : i32
        %dma_wait3A_189 = tpu.memref_slice %arg11[%dma_wait3A_182, %dma_wait3A_188] : memref<2x80xi32, #tpu.memory_space<vmem>> -> memref<1x80xi32, #tpu.memory_space<vmem>>
        %dma_wait3A_190 = tpu.memref_squeeze %dma_wait3A_189 : memref<1x80xi32, #tpu.memory_space<vmem>> -> memref<80xi32, #tpu.memory_space<vmem>>
        %dma_wait3A_191 = arith.constant 0 : i32
        %dma_wait3A_192 = arith.constant 0 : i32
        %dma_wait3A_193 = tpu.memref_slice %arg3[%dma_wait3A_191, %dma_wait3A_192] : memref<10000x128xf32, #tpu.memory_space<hbm>> -> memref<10000x128xf32, #tpu.memory_space<hbm>>
        tpu.wait_indirect_dma semaphore(%arg19 : memref<!tpu.dma_semaphore, #tpu.memory_space<semaphore_mem>>) src(%dma_wait3A_193 : memref<10000x128xf32, #tpu.memory_space<hbm>>) dst(%dma_wait3A_187 : memref<80x128xf32, #tpu.memory_space<vmem>>)
        %ge3A = arith.constant 1 : i32
        %ge3A_194 = arith.cmpi sge, %add3A_161, %ge3A : i32
        %convert_element_type3A_195 = arith.extui %ge3A_194 : i1 to i32
        %cond3A_196 = arith.constant 0 : i32
        %cond3A_197 = arith.cmpi ne, %convert_element_type3A_195, %cond3A_196 : i32
        scf.if %cond3A_197 {
          %dma_wait3A_282 = arith.constant 0 : i32
          %dma_wait3A_283 = arith.constant 0 : i32
          %dma_wait3A_284 = arith.constant 0 : i32
          %dma_wait3A_285 = arith.constant 0 : i32
          %dma_wait3A_286 = tpu.memref_slice %arg8[%dma_wait3A_282, %dma_wait3A_284, %dma_wait3A_285] : memref<2x80x128xf32, #tpu.memory_space<vmem>> -> memref<1x80x128xf32, #tpu.memory_space<vmem>>
          %dma_wait3A_287 = tpu.memref_squeeze %dma_wait3A_286 : memref<1x80x128xf32, #tpu.memory_space<vmem>> -> memref<80x128xf32, #tpu.memory_space<vmem>>
          %dma_wait3A_288 = arith.constant 0 : i32
          %dma_wait3A_289 = tpu.memref_slice %arg13[%dma_wait3A_283, %dma_wait3A_288] : memref<2x80xi32, #tpu.memory_space<vmem>> -> memref<1x80xi32, #tpu.memory_space<vmem>>
          %dma_wait3A_290 = tpu.memref_squeeze %dma_wait3A_289 : memref<1x80xi32, #tpu.memory_space<vmem>> -> memref<80xi32, #tpu.memory_space<vmem>>
          %dma_wait3A_291 = arith.constant 0 : i32
          %dma_wait3A_292 = arith.constant 0 : i32
          %dma_wait3A_293 = tpu.memref_slice %arg22[%dma_wait3A_291, %dma_wait3A_292] : memref<10000x128xf32, #tpu.memory_space<vmem_shared>> -> memref<10000x128xf32, #tpu.memory_space<vmem_shared>>
          tpu.wait_indirect_dma semaphore(%arg20 : memref<!tpu.dma_semaphore, #tpu.memory_space<semaphore_mem>>) src(%dma_wait3A_287 : memref<80x128xf32, #tpu.memory_space<vmem>>) dst(%dma_wait3A_293 : memref<10000x128xf32, #tpu.memory_space<vmem_shared>>)
        } else {
        }
        %add3A_198 = arith.constant 1 : i32
        %add3A_199 = arith.addi %add3A_161, %add3A_198 : i32
        %lt3A_200 = arith.constant 125 : i32
        %lt3A_201 = arith.cmpi slt, %add3A_199, %lt3A_200 : i32
        %convert_element_type3A_202 = arith.extui %lt3A_201 : i1 to i32
        %cond3A_203 = arith.constant 0 : i32
        %cond3A_204 = arith.cmpi ne, %convert_element_type3A_202, %cond3A_203 : i32
        scf.if %cond3A_204 {
          %dma_wait3A_282 = arith.constant 0 : i32
          %dma_wait3A_283 = arith.constant 0 : i32
          %dma_wait3A_284 = arith.constant 0 : i32
          %dma_wait3A_285 = tpu.memref_slice %arg11[%dma_wait3A_283, %dma_wait3A_284] : memref<2x80xi32, #tpu.memory_space<vmem>> -> memref<1x80xi32, #tpu.memory_space<vmem>>
          %dma_wait3A_286 = tpu.memref_squeeze %dma_wait3A_285 : memref<1x80xi32, #tpu.memory_space<vmem>> -> memref<80xi32, #tpu.memory_space<vmem>>
          %dma_wait3A_287 = arith.constant 0 : i32
          %dma_wait3A_288 = tpu.memref_slice %arg4[%add3A, %dma_wait3A_282, %dma_wait3A_287] : memref<32x125x80xi32, #tpu.memory_space<hbm>> -> memref<1x1x80xi32, #tpu.memory_space<hbm>>
          %dma_wait3A_289 = tpu.memref_squeeze %dma_wait3A_288 : memref<1x1x80xi32, #tpu.memory_space<hbm>> -> memref<80xi32, #tpu.memory_space<hbm>>
          %dma_wait3A_290 = arith.constant 0 : i32
          %dma_wait3A_291 = tpu.memref_slice %arg11[%dma_wait3A_283, %dma_wait3A_290] : memref<2x80xi32, #tpu.memory_space<vmem>> -> memref<1x80xi32, #tpu.memory_space<vmem>>
          %dma_wait3A_292 = tpu.memref_squeeze %dma_wait3A_291 : memref<1x80xi32, #tpu.memory_space<vmem>> -> memref<80xi32, #tpu.memory_space<vmem>>
          %dma_wait3A_293 = arith.constant 0 : i32
          %dma_wait3A_294 = tpu.memref_slice %arg4[%add3A, %dma_wait3A_282, %dma_wait3A_293] : memref<32x125x80xi32, #tpu.memory_space<hbm>> -> memref<1x1x80xi32, #tpu.memory_space<hbm>>
          %dma_wait3A_295 = tpu.memref_squeeze %dma_wait3A_294 : memref<1x1x80xi32, #tpu.memory_space<hbm>> -> memref<80xi32, #tpu.memory_space<hbm>>
          tpu.wait_dma2 semaphore(%arg14 : memref<!tpu.dma_semaphore, #tpu.memory_space<semaphore_mem>>) src(%dma_wait3A_295 : memref<80xi32, #tpu.memory_space<hbm>>) dst(%dma_wait3A_292 : memref<80xi32, #tpu.memory_space<vmem>>)
          %dma_wait3A_296 = arith.constant 0 : i32
          %dma_wait3A_297 = arith.constant 0 : i32
          %dma_wait3A_298 = arith.constant 0 : i32
          %dma_wait3A_299 = tpu.memref_slice %arg12[%dma_wait3A_297, %dma_wait3A_298] : memref<2x80xi32, #tpu.memory_space<vmem>> -> memref<1x80xi32, #tpu.memory_space<vmem>>
          %dma_wait3A_300 = tpu.memref_squeeze %dma_wait3A_299 : memref<1x80xi32, #tpu.memory_space<vmem>> -> memref<80xi32, #tpu.memory_space<vmem>>
          %dma_wait3A_301 = arith.constant 0 : i32
          %dma_wait3A_302 = tpu.memref_slice %arg5[%add3A, %dma_wait3A_296, %dma_wait3A_301] : memref<32x125x80xi32, #tpu.memory_space<hbm>> -> memref<1x1x80xi32, #tpu.memory_space<hbm>>
          %dma_wait3A_303 = tpu.memref_squeeze %dma_wait3A_302 : memref<1x1x80xi32, #tpu.memory_space<hbm>> -> memref<80xi32, #tpu.memory_space<hbm>>
          %dma_wait3A_304 = arith.constant 0 : i32
          %dma_wait3A_305 = tpu.memref_slice %arg12[%dma_wait3A_297, %dma_wait3A_304] : memref<2x80xi32, #tpu.memory_space<vmem>> -> memref<1x80xi32, #tpu.memory_space<vmem>>
          %dma_wait3A_306 = tpu.memref_squeeze %dma_wait3A_305 : memref<1x80xi32, #tpu.memory_space<vmem>> -> memref<80xi32, #tpu.memory_space<vmem>>
          %dma_wait3A_307 = arith.constant 0 : i32
          %dma_wait3A_308 = tpu.memref_slice %arg5[%add3A, %dma_wait3A_296, %dma_wait3A_307] : memref<32x125x80xi32, #tpu.memory_space<hbm>> -> memref<1x1x80xi32, #tpu.memory_space<hbm>>
          %dma_wait3A_309 = tpu.memref_squeeze %dma_wait3A_308 : memref<1x1x80xi32, #tpu.memory_space<hbm>> -> memref<80xi32, #tpu.memory_space<hbm>>
          tpu.wait_dma2 semaphore(%arg14 : memref<!tpu.dma_semaphore, #tpu.memory_space<semaphore_mem>>) src(%dma_wait3A_309 : memref<80xi32, #tpu.memory_space<hbm>>) dst(%dma_wait3A_306 : memref<80xi32, #tpu.memory_space<vmem>>)
          %add3A_310 = arith.constant 1 : i32
          %add3A_311 = arith.addi %add3A_161, %add3A_310 : i32
          %mul3A_312 = arith.constant 80 : i32
          %mul3A_313 = arith.muli %add3A_311, %mul3A_312 : i32
          %add3A_314 = arith.addi %mul3A_11, %mul3A_313 : i32
          %dma_start3A_315 = arith.constant 0 : i32
          %dma_start3A_316 = arith.constant 0 : i32
          %dma_start3A_317 = arith.constant 0 : i32
          %dma_start3A_318 = tpu.memref_slice %arg8[%dma_start3A_315, %dma_start3A_316, %dma_start3A_317] : memref<2x80x128xf32, #tpu.memory_space<vmem>> -> memref<1x80x128xf32, #tpu.memory_space<vmem>>
          %dma_start3A_319 = tpu.memref_squeeze %dma_start3A_318 : memref<1x80x128xf32, #tpu.memory_space<vmem>> -> memref<80x128xf32, #tpu.memory_space<vmem>>
          %dma_start3A_320 = arith.constant 0 : i32
          %dma_start3A_321 = tpu.memref_slice %arg2[%add3A_314, %dma_start3A_320] : memref<320000x128xf32, #tpu.memory_space<hbm>> -> memref<80x128xf32, #tpu.memory_space<hbm>>
          %dma_start3A_322 = arith.constant 0 : i32
          %dma_start3A_323 = arith.constant 0 : i32
          %dma_start3A_324 = tpu.memref_slice %arg8[%dma_start3A_315, %dma_start3A_322, %dma_start3A_323] : memref<2x80x128xf32, #tpu.memory_space<vmem>> -> memref<1x80x128xf32, #tpu.memory_space<vmem>>
          %dma_start3A_325 = tpu.memref_squeeze %dma_start3A_324 : memref<1x80x128xf32, #tpu.memory_space<vmem>> -> memref<80x128xf32, #tpu.memory_space<vmem>>
          %dma_start3A_326 = arith.constant 0 : i32
          %dma_start3A_327 = tpu.memref_slice %arg2[%add3A_314, %dma_start3A_326] : memref<320000x128xf32, #tpu.memory_space<hbm>> -> memref<80x128xf32, #tpu.memory_space<hbm>>
          tpu.enqueue_dma source(%dma_start3A_327 : memref<80x128xf32, #tpu.memory_space<hbm>>) target(%dma_start3A_325 : memref<80x128xf32, #tpu.memory_space<vmem>>) target_semaphore(%arg16 : memref<!tpu.dma_semaphore, #tpu.memory_space<semaphore_mem>>)
          %dma_start3A_328 = arith.constant 0 : i32
          %dma_start3A_329 = arith.constant 0 : i32
          %dma_start3A_330 = arith.constant 0 : i32
          %dma_start3A_331 = arith.constant 0 : i32
          %dma_start3A_332 = tpu.memref_slice %arg9[%dma_start3A_329, %dma_start3A_330, %dma_start3A_331] : memref<2x80x128xf32, #tpu.memory_space<vmem>> -> memref<1x80x128xf32, #tpu.memory_space<vmem>>
          %dma_start3A_333 = tpu.memref_squeeze %dma_start3A_332 : memref<1x80x128xf32, #tpu.memory_space<vmem>> -> memref<80x128xf32, #tpu.memory_space<vmem>>
          %dma_start3A_334 = arith.constant 0 : i32
          %dma_start3A_335 = tpu.memref_slice %arg11[%dma_start3A_328, %dma_start3A_334] : memref<2x80xi32, #tpu.memory_space<vmem>> -> memref<1x80xi32, #tpu.memory_space<vmem>>
          %dma_start3A_336 = tpu.memref_squeeze %dma_start3A_335 : memref<1x80xi32, #tpu.memory_space<vmem>> -> memref<80xi32, #tpu.memory_space<vmem>>
          %dma_start3A_337 = arith.constant 0 : i32
          %dma_start3A_338 = arith.constant 0 : i32
          %dma_start3A_339 = tpu.memref_slice %arg3[%dma_start3A_337, %dma_start3A_338] : memref<10000x128xf32, #tpu.memory_space<hbm>> -> memref<10000x128xf32, #tpu.memory_space<hbm>>
          tpu.enqueue_indirect_dma source(%dma_start3A_339 : memref<10000x128xf32, #tpu.memory_space<hbm>>) target(%dma_start3A_333 : memref<80x128xf32, #tpu.memory_space<vmem>>) offsets(%dma_start3A_336 : memref<80xi32, #tpu.memory_space<vmem>>) semaphore(%arg18 : memref<!tpu.dma_semaphore, #tpu.memory_space<semaphore_mem>>)
        } else {
        }
        %scan3A_205 = arith.constant 0 : i32
        %scan3A_206 = arith.constant 80 : i32
        %scan3A_207 = arith.addi %scan3A_205, %scan3A_206 : i32
        %scan3A_208 = arith.constant 1 : i32
        scf.for %scan3A_282 = %scan3A_205 to %scan3A_207 step %scan3A_208  : i32 {
          %mul3A_283 = arith.constant 1 : i32
          %mul3A_284 = arith.muli %scan3A_282, %mul3A_283 : i32
          %add3A_285 = arith.constant 0 : i32
          %add3A_286 = arith.addi %add3A_285, %mul3A_284 : i32
          %get3A_287 = arith.constant 1 : i32
          %get3A_288 = arith.index_cast %get3A_287 : i32 to index
          %get3A_289 = arith.index_cast %add3A_286 : i32 to index
          %get3A_290 = arith.constant 0 : index
          %get3A_291 = tpu.vector_load %arg8[%get3A_288, %get3A_289, %get3A_290] {strides = array<i32>} : memref<2x80x128xf32, #tpu.memory_space<vmem>>, vector<1x1x16xf32>,
          %get3A_292 = vector.shape_cast %get3A_291 : vector<1x1x16xf32> to vector<16xf32>
          %get3A_293 = arith.constant 1 : i32
          %get3A_294 = arith.index_cast %get3A_293 : i32 to index
          %get3A_295 = arith.index_cast %add3A_286 : i32 to index
          %get3A_296 = arith.constant 0 : index
          %get3A_297 = tpu.vector_load %arg9[%get3A_294, %get3A_295, %get3A_296] {strides = array<i32>} : memref<2x80x128xf32, #tpu.memory_space<vmem>>, vector<1x1x16xf32>,
          %get3A_298 = vector.shape_cast %get3A_297 : vector<1x1x16xf32> to vector<16xf32>
          %add3A_299 = arith.addf %get3A_292, %get3A_298 : vector<16xf32>
          %mul3A_300 = arith.mulf %add3A_299, %add3A_299 : vector<16xf32>
          %mul3A_301 = arith.constant -0.0713548139 : f32
          %mul3A_302 = vector.broadcast %mul3A_301 : f32 to vector<16xf32>
          %mul3A_303 = arith.mulf %mul3A_300, %mul3A_302 : vector<16xf32>
          %sub3A = arith.constant 1.59576917 : f32
          %sub3A_304 = vector.broadcast %sub3A : f32 to vector<16xf32>
          %sub3A_305 = arith.subf %mul3A_303, %sub3A_304 : vector<16xf32>
          %mul3A_306 = arith.mulf %add3A_299, %sub3A_305 : vector<16xf32>
          %exp3A = math.exp %mul3A_306 : vector<16xf32>
          %add3A_307 = arith.constant 1.000000e+00 : f32
          %add3A_308 = vector.broadcast %add3A_307 : f32 to vector<16xf32>
          %add3A_309 = arith.addf %exp3A, %add3A_308 : vector<16xf32>
          %div3A = arith.divf %add3A_299, %add3A_309 : vector<16xf32>
          %get3A_310 = arith.constant 0 : i32
          %get3A_311 = arith.index_cast %get3A_310 : i32 to index
          %get3A_312 = arith.constant 0 : index
          %get3A_313 = tpu.vector_load %arg10[%get3A_311, %get3A_312] {strides = array<i32>} : memref<1x128xf32, #tpu.memory_space<vmem>>, vector<1x16xf32>,
          %get3A_314 = vector.shape_cast %get3A_313 : vector<1x16xf32> to vector<16xf32>
          %add3A_315 = arith.addf %div3A, %get3A_314 : vector<16xf32>
          %swap3A_316 = arith.constant 1 : i32
          %swap3A_317 = arith.index_cast %swap3A_316 : i32 to index
          %swap3A_318 = arith.index_cast %add3A_286 : i32 to index
          %swap3A_319 = arith.constant 0 : index
          %swap3A_320 = tpu.vector_load %arg8[%swap3A_317, %swap3A_318, %swap3A_319] {strides = array<i32>} : memref<2x80x128xf32, #tpu.memory_space<vmem>>, vector<1x1x16xf32>,
          %swap3A_321 = vector.shape_cast %swap3A_320 : vector<1x1x16xf32> to vector<16xf32>
          %swap3A_322 = vector.shape_cast %add3A_315 : vector<16xf32> to vector<1x1x16xf32>
          tpu.vector_store %arg8[%swap3A_317, %swap3A_318, %swap3A_319], %swap3A_322 {strides = array<i32>} : memref<2x80x128xf32, #tpu.memory_space<vmem>>, vector<1x1x16xf32>,
          %get3A_323 = arith.constant 1 : i32
          %get3A_324 = arith.index_cast %get3A_323 : i32 to index
          %get3A_325 = arith.index_cast %add3A_286 : i32 to index
          %get3A_326 = arith.constant 16 : index
          %get3A_327 = tpu.vector_load %arg8[%get3A_324, %get3A_325, %get3A_326] {strides = array<i32>} : memref<2x80x128xf32, #tpu.memory_space<vmem>>, vector<1x1x16xf32>,
          %get3A_328 = vector.shape_cast %get3A_327 : vector<1x1x16xf32> to vector<16xf32>
          %get3A_329 = arith.constant 1 : i32
          %get3A_330 = arith.index_cast %get3A_329 : i32 to index
          %get3A_331 = arith.index_cast %add3A_286 : i32 to index
          %get3A_332 = arith.constant 16 : index
          %get3A_333 = tpu.vector_load %arg9[%get3A_330, %get3A_331, %get3A_332] {strides = array<i32>} : memref<2x80x128xf32, #tpu.memory_space<vmem>>, vector<1x1x16xf32>,
          %get3A_334 = vector.shape_cast %get3A_333 : vector<1x1x16xf32> to vector<16xf32>
          %add3A_335 = arith.addf %get3A_328, %get3A_334 : vector<16xf32>
          %mul3A_336 = arith.mulf %add3A_335, %add3A_335 : vector<16xf32>
          %mul3A_337 = arith.constant -0.0713548139 : f32
          %mul3A_338 = vector.broadcast %mul3A_337 : f32 to vector<16xf32>
          %mul3A_339 = arith.mulf %mul3A_336, %mul3A_338 : vector<16xf32>
          %sub3A_340 = arith.constant 1.59576917 : f32
          %sub3A_341 = vector.broadcast %sub3A_340 : f32 to vector<16xf32>
          %sub3A_342 = arith.subf %mul3A_339, %sub3A_341 : vector<16xf32>
          %mul3A_343 = arith.mulf %add3A_335, %sub3A_342 : vector<16xf32>
          %exp3A_344 = math.exp %mul3A_343 : vector<16xf32>
          %add3A_345 = arith.constant 1.000000e+00 : f32
          %add3A_346 = vector.broadcast %add3A_345 : f32 to vector<16xf32>
          %add3A_347 = arith.addf %exp3A_344, %add3A_346 : vector<16xf32>
          %div3A_348 = arith.divf %add3A_335, %add3A_347 : vector<16xf32>
          %get3A_349 = arith.constant 0 : i32
          %get3A_350 = arith.index_cast %get3A_349 : i32 to index
          %get3A_351 = arith.constant 16 : index
          %get3A_352 = tpu.vector_load %arg10[%get3A_350, %get3A_351] {strides = array<i32>} : memref<1x128xf32, #tpu.memory_space<vmem>>, vector<1x16xf32>,
          %get3A_353 = vector.shape_cast %get3A_352 : vector<1x16xf32> to vector<16xf32>
          %add3A_354 = arith.addf %div3A_348, %get3A_353 : vector<16xf32>
          %swap3A_355 = arith.constant 1 : i32
          %swap3A_356 = arith.index_cast %swap3A_355 : i32 to index
          %swap3A_357 = arith.index_cast %add3A_286 : i32 to index
          %swap3A_358 = arith.constant 16 : index
          %swap3A_359 = tpu.vector_load %arg8[%swap3A_356, %swap3A_357, %swap3A_358] {strides = array<i32>} : memref<2x80x128xf32, #tpu.memory_space<vmem>>, vector<1x1x16xf32>,
          %swap3A_360 = vector.shape_cast %swap3A_359 : vector<1x1x16xf32> to vector<16xf32>
          %swap3A_361 = vector.shape_cast %add3A_354 : vector<16xf32> to vector<1x1x16xf32>
          tpu.vector_store %arg8[%swap3A_356, %swap3A_357, %swap3A_358], %swap3A_361 {strides = array<i32>} : memref<2x80x128xf32, #tpu.memory_space<vmem>>, vector<1x1x16xf32>,
          %get3A_362 = arith.constant 1 : i32
          %get3A_363 = arith.index_cast %get3A_362 : i32 to index
          %get3A_364 = arith.index_cast %add3A_286 : i32 to index
          %get3A_365 = arith.constant 32 : index
          %get3A_366 = tpu.vector_load %arg8[%get3A_363, %get3A_364, %get3A_365] {strides = array<i32>} : memref<2x80x128xf32, #tpu.memory_space<vmem>>, vector<1x1x16xf32>,
          %get3A_367 = vector.shape_cast %get3A_366 : vector<1x1x16xf32> to vector<16xf32>
          %get3A_368 = arith.constant 1 : i32
          %get3A_369 = arith.index_cast %get3A_368 : i32 to index
          %get3A_370 = arith.index_cast %add3A_286 : i32 to index
          %get3A_371 = arith.constant 32 : index
          %get3A_372 = tpu.vector_load %arg9[%get3A_369, %get3A_370, %get3A_371] {strides = array<i32>} : memref<2x80x128xf32, #tpu.memory_space<vmem>>, vector<1x1x16xf32>,
          %get3A_373 = vector.shape_cast %get3A_372 : vector<1x1x16xf32> to vector<16xf32>
          %add3A_374 = arith.addf %get3A_367, %get3A_373 : vector<16xf32>
          %mul3A_375 = arith.mulf %add3A_374, %add3A_374 : vector<16xf32>
          %mul3A_376 = arith.constant -0.0713548139 : f32
          %mul3A_377 = vector.broadcast %mul3A_376 : f32 to vector<16xf32>
          %mul3A_378 = arith.mulf %mul3A_375, %mul3A_377 : vector<16xf32>
          %sub3A_379 = arith.constant 1.59576917 : f32
          %sub3A_380 = vector.broadcast %sub3A_379 : f32 to vector<16xf32>
          %sub3A_381 = arith.subf %mul3A_378, %sub3A_380 : vector<16xf32>
          %mul3A_382 = arith.mulf %add3A_374, %sub3A_381 : vector<16xf32>
          %exp3A_383 = math.exp %mul3A_382 : vector<16xf32>
          %add3A_384 = arith.constant 1.000000e+00 : f32
          %add3A_385 = vector.broadcast %add3A_384 : f32 to vector<16xf32>
          %add3A_386 = arith.addf %exp3A_383, %add3A_385 : vector<16xf32>
          %div3A_387 = arith.divf %add3A_374, %add3A_386 : vector<16xf32>
          %get3A_388 = arith.constant 0 : i32
          %get3A_389 = arith.index_cast %get3A_388 : i32 to index
          %get3A_390 = arith.constant 32 : index
          %get3A_391 = tpu.vector_load %arg10[%get3A_389, %get3A_390] {strides = array<i32>} : memref<1x128xf32, #tpu.memory_space<vmem>>, vector<1x16xf32>,
          %get3A_392 = vector.shape_cast %get3A_391 : vector<1x16xf32> to vector<16xf32>
          %add3A_393 = arith.addf %div3A_387, %get3A_392 : vector<16xf32>
          %swap3A_394 = arith.constant 1 : i32
          %swap3A_395 = arith.index_cast %swap3A_394 : i32 to index
          %swap3A_396 = arith.index_cast %add3A_286 : i32 to index
          %swap3A_397 = arith.constant 32 : index
          %swap3A_398 = tpu.vector_load %arg8[%swap3A_395, %swap3A_396, %swap3A_397] {strides = array<i32>} : memref<2x80x128xf32, #tpu.memory_space<vmem>>, vector<1x1x16xf32>,
          %swap3A_399 = vector.shape_cast %swap3A_398 : vector<1x1x16xf32> to vector<16xf32>
          %swap3A_400 = vector.shape_cast %add3A_393 : vector<16xf32> to vector<1x1x16xf32>
          tpu.vector_store %arg8[%swap3A_395, %swap3A_396, %swap3A_397], %swap3A_400 {strides = array<i32>} : memref<2x80x128xf32, #tpu.memory_space<vmem>>, vector<1x1x16xf32>,
          %get3A_401 = arith.constant 1 : i32
          %get3A_402 = arith.index_cast %get3A_401 : i32 to index
          %get3A_403 = arith.index_cast %add3A_286 : i32 to index
          %get3A_404 = arith.constant 48 : index
          %get3A_405 = tpu.vector_load %arg8[%get3A_402, %get3A_403, %get3A_404] {strides = array<i32>} : memref<2x80x128xf32, #tpu.memory_space<vmem>>, vector<1x1x16xf32>,
          %get3A_406 = vector.shape_cast %get3A_405 : vector<1x1x16xf32> to vector<16xf32>
          %get3A_407 = arith.constant 1 : i32
          %get3A_408 = arith.index_cast %get3A_407 : i32 to index
          %get3A_409 = arith.index_cast %add3A_286 : i32 to index
          %get3A_410 = arith.constant 48 : index
          %get3A_411 = tpu.vector_load %arg9[%get3A_408, %get3A_409, %get3A_410] {strides = array<i32>} : memref<2x80x128xf32, #tpu.memory_space<vmem>>, vector<1x1x16xf32>,
          %get3A_412 = vector.shape_cast %get3A_411 : vector<1x1x16xf32> to vector<16xf32>
          %add3A_413 = arith.addf %get3A_406, %get3A_412 : vector<16xf32>
          %mul3A_414 = arith.mulf %add3A_413, %add3A_413 : vector<16xf32>
          %mul3A_415 = arith.constant -0.0713548139 : f32
          %mul3A_416 = vector.broadcast %mul3A_415 : f32 to vector<16xf32>
          %mul3A_417 = arith.mulf %mul3A_414, %mul3A_416 : vector<16xf32>
          %sub3A_418 = arith.constant 1.59576917 : f32
          %sub3A_419 = vector.broadcast %sub3A_418 : f32 to vector<16xf32>
          %sub3A_420 = arith.subf %mul3A_417, %sub3A_419 : vector<16xf32>
          %mul3A_421 = arith.mulf %add3A_413, %sub3A_420 : vector<16xf32>
          %exp3A_422 = math.exp %mul3A_421 : vector<16xf32>
          %add3A_423 = arith.constant 1.000000e+00 : f32
          %add3A_424 = vector.broadcast %add3A_423 : f32 to vector<16xf32>
          %add3A_425 = arith.addf %exp3A_422, %add3A_424 : vector<16xf32>
          %div3A_426 = arith.divf %add3A_413, %add3A_425 : vector<16xf32>
          %get3A_427 = arith.constant 0 : i32
          %get3A_428 = arith.index_cast %get3A_427 : i32 to index
          %get3A_429 = arith.constant 48 : index
          %get3A_430 = tpu.vector_load %arg10[%get3A_428, %get3A_429] {strides = array<i32>} : memref<1x128xf32, #tpu.memory_space<vmem>>, vector<1x16xf32>,
          %get3A_431 = vector.shape_cast %get3A_430 : vector<1x16xf32> to vector<16xf32>
          %add3A_432 = arith.addf %div3A_426, %get3A_431 : vector<16xf32>
          %swap3A_433 = arith.constant 1 : i32
          %swap3A_434 = arith.index_cast %swap3A_433 : i32 to index
          %swap3A_435 = arith.index_cast %add3A_286 : i32 to index
          %swap3A_436 = arith.constant 48 : index
          %swap3A_437 = tpu.vector_load %arg8[%swap3A_434, %swap3A_435, %swap3A_436] {strides = array<i32>} : memref<2x80x128xf32, #tpu.memory_space<vmem>>, vector<1x1x16xf32>,
          %swap3A_438 = vector.shape_cast %swap3A_437 : vector<1x1x16xf32> to vector<16xf32>
          %swap3A_439 = vector.shape_cast %add3A_432 : vector<16xf32> to vector<1x1x16xf32>
          tpu.vector_store %arg8[%swap3A_434, %swap3A_435, %swap3A_436], %swap3A_439 {strides = array<i32>} : memref<2x80x128xf32, #tpu.memory_space<vmem>>, vector<1x1x16xf32>,
          %get3A_440 = arith.constant 1 : i32
          %get3A_441 = arith.index_cast %get3A_440 : i32 to index
          %get3A_442 = arith.index_cast %add3A_286 : i32 to index
          %get3A_443 = arith.constant 64 : index
          %get3A_444 = tpu.vector_load %arg8[%get3A_441, %get3A_442, %get3A_443] {strides = array<i32>} : memref<2x80x128xf32, #tpu.memory_space<vmem>>, vector<1x1x16xf32>,
          %get3A_445 = vector.shape_cast %get3A_444 : vector<1x1x16xf32> to vector<16xf32>
          %get3A_446 = arith.constant 1 : i32
          %get3A_447 = arith.index_cast %get3A_446 : i32 to index
          %get3A_448 = arith.index_cast %add3A_286 : i32 to index
          %get3A_449 = arith.constant 64 : index
          %get3A_450 = tpu.vector_load %arg9[%get3A_447, %get3A_448, %get3A_449] {strides = array<i32>} : memref<2x80x128xf32, #tpu.memory_space<vmem>>, vector<1x1x16xf32>,
          %get3A_451 = vector.shape_cast %get3A_450 : vector<1x1x16xf32> to vector<16xf32>
          %add3A_452 = arith.addf %get3A_445, %get3A_451 : vector<16xf32>
          %mul3A_453 = arith.mulf %add3A_452, %add3A_452 : vector<16xf32>
          %mul3A_454 = arith.constant -0.0713548139 : f32
          %mul3A_455 = vector.broadcast %mul3A_454 : f32 to vector<16xf32>
          %mul3A_456 = arith.mulf %mul3A_453, %mul3A_455 : vector<16xf32>
          %sub3A_457 = arith.constant 1.59576917 : f32
          %sub3A_458 = vector.broadcast %sub3A_457 : f32 to vector<16xf32>
          %sub3A_459 = arith.subf %mul3A_456, %sub3A_458 : vector<16xf32>
          %mul3A_460 = arith.mulf %add3A_452, %sub3A_459 : vector<16xf32>
          %exp3A_461 = math.exp %mul3A_460 : vector<16xf32>
          %add3A_462 = arith.constant 1.000000e+00 : f32
          %add3A_463 = vector.broadcast %add3A_462 : f32 to vector<16xf32>
          %add3A_464 = arith.addf %exp3A_461, %add3A_463 : vector<16xf32>
          %div3A_465 = arith.divf %add3A_452, %add3A_464 : vector<16xf32>
          %get3A_466 = arith.constant 0 : i32
          %get3A_467 = arith.index_cast %get3A_466 : i32 to index
          %get3A_468 = arith.constant 64 : index
          %get3A_469 = tpu.vector_load %arg10[%get3A_467, %get3A_468] {strides = array<i32>} : memref<1x128xf32, #tpu.memory_space<vmem>>, vector<1x16xf32>,
          %get3A_470 = vector.shape_cast %get3A_469 : vector<1x16xf32> to vector<16xf32>
          %add3A_471 = arith.addf %div3A_465, %get3A_470 : vector<16xf32>
          %swap3A_472 = arith.constant 1 : i32
          %swap3A_473 = arith.index_cast %swap3A_472 : i32 to index
          %swap3A_474 = arith.index_cast %add3A_286 : i32 to index
          %swap3A_475 = arith.constant 64 : index
          %swap3A_476 = tpu.vector_load %arg8[%swap3A_473, %swap3A_474, %swap3A_475] {strides = array<i32>} : memref<2x80x128xf32, #tpu.memory_space<vmem>>, vector<1x1x16xf32>,
          %swap3A_477 = vector.shape_cast %swap3A_476 : vector<1x1x16xf32> to vector<16xf32>
          %swap3A_478 = vector.shape_cast %add3A_471 : vector<16xf32> to vector<1x1x16xf32>
          tpu.vector_store %arg8[%swap3A_473, %swap3A_474, %swap3A_475], %swap3A_478 {strides = array<i32>} : memref<2x80x128xf32, #tpu.memory_space<vmem>>, vector<1x1x16xf32>,
          %get3A_479 = arith.constant 1 : i32
          %get3A_480 = arith.index_cast %get3A_479 : i32 to index
          %get3A_481 = arith.index_cast %add3A_286 : i32 to index
          %get3A_482 = arith.constant 80 : index
          %get3A_483 = tpu.vector_load %arg8[%get3A_480, %get3A_481, %get3A_482] {strides = array<i32>} : memref<2x80x128xf32, #tpu.memory_space<vmem>>, vector<1x1x16xf32>,
          %get3A_484 = vector.shape_cast %get3A_483 : vector<1x1x16xf32> to vector<16xf32>
          %get3A_485 = arith.constant 1 : i32
          %get3A_486 = arith.index_cast %get3A_485 : i32 to index
          %get3A_487 = arith.index_cast %add3A_286 : i32 to index
          %get3A_488 = arith.constant 80 : index
          %get3A_489 = tpu.vector_load %arg9[%get3A_486, %get3A_487, %get3A_488] {strides = array<i32>} : memref<2x80x128xf32, #tpu.memory_space<vmem>>, vector<1x1x16xf32>,
          %get3A_490 = vector.shape_cast %get3A_489 : vector<1x1x16xf32> to vector<16xf32>
          %add3A_491 = arith.addf %get3A_484, %get3A_490 : vector<16xf32>
          %mul3A_492 = arith.mulf %add3A_491, %add3A_491 : vector<16xf32>
          %mul3A_493 = arith.constant -0.0713548139 : f32
          %mul3A_494 = vector.broadcast %mul3A_493 : f32 to vector<16xf32>
          %mul3A_495 = arith.mulf %mul3A_492, %mul3A_494 : vector<16xf32>
          %sub3A_496 = arith.constant 1.59576917 : f32
          %sub3A_497 = vector.broadcast %sub3A_496 : f32 to vector<16xf32>
          %sub3A_498 = arith.subf %mul3A_495, %sub3A_497 : vector<16xf32>
          %mul3A_499 = arith.mulf %add3A_491, %sub3A_498 : vector<16xf32>
          %exp3A_500 = math.exp %mul3A_499 : vector<16xf32>
          %add3A_501 = arith.constant 1.000000e+00 : f32
          %add3A_502 = vector.broadcast %add3A_501 : f32 to vector<16xf32>
          %add3A_503 = arith.addf %exp3A_500, %add3A_502 : vector<16xf32>
          %div3A_504 = arith.divf %add3A_491, %add3A_503 : vector<16xf32>
          %get3A_505 = arith.constant 0 : i32
          %get3A_506 = arith.index_cast %get3A_505 : i32 to index
          %get3A_507 = arith.constant 80 : index
          %get3A_508 = tpu.vector_load %arg10[%get3A_506, %get3A_507] {strides = array<i32>} : memref<1x128xf32, #tpu.memory_space<vmem>>, vector<1x16xf32>,
          %get3A_509 = vector.shape_cast %get3A_508 : vector<1x16xf32> to vector<16xf32>
          %add3A_510 = arith.addf %div3A_504, %get3A_509 : vector<16xf32>
          %swap3A_511 = arith.constant 1 : i32
          %swap3A_512 = arith.index_cast %swap3A_511 : i32 to index
          %swap3A_513 = arith.index_cast %add3A_286 : i32 to index
          %swap3A_514 = arith.constant 80 : index
          %swap3A_515 = tpu.vector_load %arg8[%swap3A_512, %swap3A_513, %swap3A_514] {strides = array<i32>} : memref<2x80x128xf32, #tpu.memory_space<vmem>>, vector<1x1x16xf32>,
          %swap3A_516 = vector.shape_cast %swap3A_515 : vector<1x1x16xf32> to vector<16xf32>
          %swap3A_517 = vector.shape_cast %add3A_510 : vector<16xf32> to vector<1x1x16xf32>
          tpu.vector_store %arg8[%swap3A_512, %swap3A_513, %swap3A_514], %swap3A_517 {strides = array<i32>} : memref<2x80x128xf32, #tpu.memory_space<vmem>>, vector<1x1x16xf32>,
          %get3A_518 = arith.constant 1 : i32
          %get3A_519 = arith.index_cast %get3A_518 : i32 to index
          %get3A_520 = arith.index_cast %add3A_286 : i32 to index
          %get3A_521 = arith.constant 96 : index
          %get3A_522 = tpu.vector_load %arg8[%get3A_519, %get3A_520, %get3A_521] {strides = array<i32>} : memref<2x80x128xf32, #tpu.memory_space<vmem>>, vector<1x1x16xf32>,
          %get3A_523 = vector.shape_cast %get3A_522 : vector<1x1x16xf32> to vector<16xf32>
          %get3A_524 = arith.constant 1 : i32
          %get3A_525 = arith.index_cast %get3A_524 : i32 to index
          %get3A_526 = arith.index_cast %add3A_286 : i32 to index
          %get3A_527 = arith.constant 96 : index
          %get3A_528 = tpu.vector_load %arg9[%get3A_525, %get3A_526, %get3A_527] {strides = array<i32>} : memref<2x80x128xf32, #tpu.memory_space<vmem>>, vector<1x1x16xf32>,
          %get3A_529 = vector.shape_cast %get3A_528 : vector<1x1x16xf32> to vector<16xf32>
          %add3A_530 = arith.addf %get3A_523, %get3A_529 : vector<16xf32>
          %mul3A_531 = arith.mulf %add3A_530, %add3A_530 : vector<16xf32>
          %mul3A_532 = arith.constant -0.0713548139 : f32
          %mul3A_533 = vector.broadcast %mul3A_532 : f32 to vector<16xf32>
          %mul3A_534 = arith.mulf %mul3A_531, %mul3A_533 : vector<16xf32>
          %sub3A_535 = arith.constant 1.59576917 : f32
          %sub3A_536 = vector.broadcast %sub3A_535 : f32 to vector<16xf32>
          %sub3A_537 = arith.subf %mul3A_534, %sub3A_536 : vector<16xf32>
          %mul3A_538 = arith.mulf %add3A_530, %sub3A_537 : vector<16xf32>
          %exp3A_539 = math.exp %mul3A_538 : vector<16xf32>
          %add3A_540 = arith.constant 1.000000e+00 : f32
          %add3A_541 = vector.broadcast %add3A_540 : f32 to vector<16xf32>
          %add3A_542 = arith.addf %exp3A_539, %add3A_541 : vector<16xf32>
          %div3A_543 = arith.divf %add3A_530, %add3A_542 : vector<16xf32>
          %get3A_544 = arith.constant 0 : i32
          %get3A_545 = arith.index_cast %get3A_544 : i32 to index
          %get3A_546 = arith.constant 96 : index
          %get3A_547 = tpu.vector_load %arg10[%get3A_545, %get3A_546] {strides = array<i32>} : memref<1x128xf32, #tpu.memory_space<vmem>>, vector<1x16xf32>,
          %get3A_548 = vector.shape_cast %get3A_547 : vector<1x16xf32> to vector<16xf32>
          %add3A_549 = arith.addf %div3A_543, %get3A_548 : vector<16xf32>
          %swap3A_550 = arith.constant 1 : i32
          %swap3A_551 = arith.index_cast %swap3A_550 : i32 to index
          %swap3A_552 = arith.index_cast %add3A_286 : i32 to index
          %swap3A_553 = arith.constant 96 : index
          %swap3A_554 = tpu.vector_load %arg8[%swap3A_551, %swap3A_552, %swap3A_553] {strides = array<i32>} : memref<2x80x128xf32, #tpu.memory_space<vmem>>, vector<1x1x16xf32>,
          %swap3A_555 = vector.shape_cast %swap3A_554 : vector<1x1x16xf32> to vector<16xf32>
          %swap3A_556 = vector.shape_cast %add3A_549 : vector<16xf32> to vector<1x1x16xf32>
          tpu.vector_store %arg8[%swap3A_551, %swap3A_552, %swap3A_553], %swap3A_556 {strides = array<i32>} : memref<2x80x128xf32, #tpu.memory_space<vmem>>, vector<1x1x16xf32>,
          %get3A_557 = arith.constant 1 : i32
          %get3A_558 = arith.index_cast %get3A_557 : i32 to index
          %get3A_559 = arith.index_cast %add3A_286 : i32 to index
          %get3A_560 = arith.constant 112 : index
          %get3A_561 = tpu.vector_load %arg8[%get3A_558, %get3A_559, %get3A_560] {strides = array<i32>} : memref<2x80x128xf32, #tpu.memory_space<vmem>>, vector<1x1x16xf32>,
          %get3A_562 = vector.shape_cast %get3A_561 : vector<1x1x16xf32> to vector<16xf32>
          %get3A_563 = arith.constant 1 : i32
          %get3A_564 = arith.index_cast %get3A_563 : i32 to index
          %get3A_565 = arith.index_cast %add3A_286 : i32 to index
          %get3A_566 = arith.constant 112 : index
          %get3A_567 = tpu.vector_load %arg9[%get3A_564, %get3A_565, %get3A_566] {strides = array<i32>} : memref<2x80x128xf32, #tpu.memory_space<vmem>>, vector<1x1x16xf32>,
          %get3A_568 = vector.shape_cast %get3A_567 : vector<1x1x16xf32> to vector<16xf32>
          %add3A_569 = arith.addf %get3A_562, %get3A_568 : vector<16xf32>
          %mul3A_570 = arith.mulf %add3A_569, %add3A_569 : vector<16xf32>
          %mul3A_571 = arith.constant -0.0713548139 : f32
          %mul3A_572 = vector.broadcast %mul3A_571 : f32 to vector<16xf32>
          %mul3A_573 = arith.mulf %mul3A_570, %mul3A_572 : vector<16xf32>
          %sub3A_574 = arith.constant 1.59576917 : f32
          %sub3A_575 = vector.broadcast %sub3A_574 : f32 to vector<16xf32>
          %sub3A_576 = arith.subf %mul3A_573, %sub3A_575 : vector<16xf32>
          %mul3A_577 = arith.mulf %add3A_569, %sub3A_576 : vector<16xf32>
          %exp3A_578 = math.exp %mul3A_577 : vector<16xf32>
          %add3A_579 = arith.constant 1.000000e+00 : f32
          %add3A_580 = vector.broadcast %add3A_579 : f32 to vector<16xf32>
          %add3A_581 = arith.addf %exp3A_578, %add3A_580 : vector<16xf32>
          %div3A_582 = arith.divf %add3A_569, %add3A_581 : vector<16xf32>
          %get3A_583 = arith.constant 0 : i32
          %get3A_584 = arith.index_cast %get3A_583 : i32 to index
          %get3A_585 = arith.constant 112 : index
          %get3A_586 = tpu.vector_load %arg10[%get3A_584, %get3A_585] {strides = array<i32>} : memref<1x128xf32, #tpu.memory_space<vmem>>, vector<1x16xf32>,
          %get3A_587 = vector.shape_cast %get3A_586 : vector<1x16xf32> to vector<16xf32>
          %add3A_588 = arith.addf %div3A_582, %get3A_587 : vector<16xf32>
          %swap3A_589 = arith.constant 1 : i32
          %swap3A_590 = arith.index_cast %swap3A_589 : i32 to index
          %swap3A_591 = arith.index_cast %add3A_286 : i32 to index
          %swap3A_592 = arith.constant 112 : index
          %swap3A_593 = tpu.vector_load %arg8[%swap3A_590, %swap3A_591, %swap3A_592] {strides = array<i32>} : memref<2x80x128xf32, #tpu.memory_space<vmem>>, vector<1x1x16xf32>,
          %swap3A_594 = vector.shape_cast %swap3A_593 : vector<1x1x16xf32> to vector<16xf32>
          %swap3A_595 = vector.shape_cast %add3A_588 : vector<16xf32> to vector<1x1x16xf32>
          tpu.vector_store %arg8[%swap3A_590, %swap3A_591, %swap3A_592], %swap3A_595 {strides = array<i32>} : memref<2x80x128xf32, #tpu.memory_space<vmem>>, vector<1x1x16xf32>,
        }
        %scan3A_209 = arith.constant 80 : i32
        %get3A = arith.constant 1 : i32
        %get3A_210 = arith.index_cast %get3A : i32 to index
        %get3A_211 = arith.constant 0 : index
        %get3A_212 = tpu.vector_load %arg12[%get3A_210, %get3A_211] {strides = array<i32>} : memref<2x80xi32, #tpu.memory_space<vmem>>, vector<1x16xi32>,
        %get3A_213 = vector.shape_cast %get3A_212 : vector<1x16xi32> to vector<16xi32>
        %swap3A = arith.constant 1 : i32
        %swap3A_214 = arith.index_cast %swap3A : i32 to index
        %swap3A_215 = arith.constant 0 : index
        %swap3A_216 = tpu.vector_load %arg13[%swap3A_214, %swap3A_215] {strides = array<i32>} : memref<2x80xi32, #tpu.memory_space<vmem>>, vector<1x16xi32>,
        %swap3A_217 = vector.shape_cast %swap3A_216 : vector<1x16xi32> to vector<16xi32>
        %swap3A_218 = vector.shape_cast %get3A_213 : vector<16xi32> to vector<1x16xi32>
        tpu.vector_store %arg13[%swap3A_214, %swap3A_215], %swap3A_218 {strides = array<i32>} : memref<2x80xi32, #tpu.memory_space<vmem>>, vector<1x16xi32>,
        %get3A_219 = arith.constant 1 : i32
        %get3A_220 = arith.index_cast %get3A_219 : i32 to index
        %get3A_221 = arith.constant 16 : index
        %get3A_222 = tpu.vector_load %arg12[%get3A_220, %get3A_221] {strides = array<i32>} : memref<2x80xi32, #tpu.memory_space<vmem>>, vector<1x16xi32>,
        %get3A_223 = vector.shape_cast %get3A_222 : vector<1x16xi32> to vector<16xi32>
        %swap3A_224 = arith.constant 1 : i32
        %swap3A_225 = arith.index_cast %swap3A_224 : i32 to index
        %swap3A_226 = arith.constant 16 : index
        %swap3A_227 = tpu.vector_load %arg13[%swap3A_225, %swap3A_226] {strides = array<i32>} : memref<2x80xi32, #tpu.memory_space<vmem>>, vector<1x16xi32>,
        %swap3A_228 = vector.shape_cast %swap3A_227 : vector<1x16xi32> to vector<16xi32>
        %swap3A_229 = vector.shape_cast %get3A_223 : vector<16xi32> to vector<1x16xi32>
        tpu.vector_store %arg13[%swap3A_225, %swap3A_226], %swap3A_229 {strides = array<i32>} : memref<2x80xi32, #tpu.memory_space<vmem>>, vector<1x16xi32>,
        %get3A_230 = arith.constant 1 : i32
        %get3A_231 = arith.index_cast %get3A_230 : i32 to index
        %get3A_232 = arith.constant 32 : index
        %get3A_233 = tpu.vector_load %arg12[%get3A_231, %get3A_232] {strides = array<i32>} : memref<2x80xi32, #tpu.memory_space<vmem>>, vector<1x16xi32>,
        %get3A_234 = vector.shape_cast %get3A_233 : vector<1x16xi32> to vector<16xi32>
        %swap3A_235 = arith.constant 1 : i32
        %swap3A_236 = arith.index_cast %swap3A_235 : i32 to index
        %swap3A_237 = arith.constant 32 : index
        %swap3A_238 = tpu.vector_load %arg13[%swap3A_236, %swap3A_237] {strides = array<i32>} : memref<2x80xi32, #tpu.memory_space<vmem>>, vector<1x16xi32>,
        %swap3A_239 = vector.shape_cast %swap3A_238 : vector<1x16xi32> to vector<16xi32>
        %swap3A_240 = vector.shape_cast %get3A_234 : vector<16xi32> to vector<1x16xi32>
        tpu.vector_store %arg13[%swap3A_236, %swap3A_237], %swap3A_240 {strides = array<i32>} : memref<2x80xi32, #tpu.memory_space<vmem>>, vector<1x16xi32>,
        %get3A_241 = arith.constant 1 : i32
        %get3A_242 = arith.index_cast %get3A_241 : i32 to index
        %get3A_243 = arith.constant 48 : index
        %get3A_244 = tpu.vector_load %arg12[%get3A_242, %get3A_243] {strides = array<i32>} : memref<2x80xi32, #tpu.memory_space<vmem>>, vector<1x16xi32>,
        %get3A_245 = vector.shape_cast %get3A_244 : vector<1x16xi32> to vector<16xi32>
        %swap3A_246 = arith.constant 1 : i32
        %swap3A_247 = arith.index_cast %swap3A_246 : i32 to index
        %swap3A_248 = arith.constant 48 : index
        %swap3A_249 = tpu.vector_load %arg13[%swap3A_247, %swap3A_248] {strides = array<i32>} : memref<2x80xi32, #tpu.memory_space<vmem>>, vector<1x16xi32>,
        %swap3A_250 = vector.shape_cast %swap3A_249 : vector<1x16xi32> to vector<16xi32>
        %swap3A_251 = vector.shape_cast %get3A_245 : vector<16xi32> to vector<1x16xi32>
        tpu.vector_store %arg13[%swap3A_247, %swap3A_248], %swap3A_251 {strides = array<i32>} : memref<2x80xi32, #tpu.memory_space<vmem>>, vector<1x16xi32>,
        %get3A_252 = arith.constant 1 : i32
        %get3A_253 = arith.index_cast %get3A_252 : i32 to index
        %get3A_254 = arith.constant 64 : index
        %get3A_255 = tpu.vector_load %arg12[%get3A_253, %get3A_254] {strides = array<i32>} : memref<2x80xi32, #tpu.memory_space<vmem>>, vector<1x16xi32>,
        %get3A_256 = vector.shape_cast %get3A_255 : vector<1x16xi32> to vector<16xi32>
        %swap3A_257 = arith.constant 1 : i32
        %swap3A_258 = arith.index_cast %swap3A_257 : i32 to index
        %swap3A_259 = arith.constant 64 : index
        %swap3A_260 = tpu.vector_load %arg13[%swap3A_258, %swap3A_259] {strides = array<i32>} : memref<2x80xi32, #tpu.memory_space<vmem>>, vector<1x16xi32>,
        %swap3A_261 = vector.shape_cast %swap3A_260 : vector<1x16xi32> to vector<16xi32>
        %swap3A_262 = vector.shape_cast %get3A_256 : vector<16xi32> to vector<1x16xi32>
        tpu.vector_store %arg13[%swap3A_258, %swap3A_259], %swap3A_262 {strides = array<i32>} : memref<2x80xi32, #tpu.memory_space<vmem>>, vector<1x16xi32>,
        %dma_start3A_263 = arith.constant 1 : i32
        %dma_start3A_264 = arith.constant 1 : i32
        %dma_start3A_265 = arith.constant 0 : i32
        %dma_start3A_266 = arith.constant 0 : i32
        %dma_start3A_267 = tpu.memref_slice %arg8[%dma_start3A_263, %dma_start3A_265, %dma_start3A_266] : memref<2x80x128xf32, #tpu.memory_space<vmem>> -> memref<1x80x128xf32, #tpu.memory_space<vmem>>
        %dma_start3A_268 = tpu.memref_squeeze %dma_start3A_267 : memref<1x80x128xf32, #tpu.memory_space<vmem>> -> memref<80x128xf32, #tpu.memory_space<vmem>>
        %dma_start3A_269 = arith.constant 0 : i32
        %dma_start3A_270 = tpu.memref_slice %arg13[%dma_start3A_264, %dma_start3A_269] : memref<2x80xi32, #tpu.memory_space<vmem>> -> memref<1x80xi32, #tpu.memory_space<vmem>>
        %dma_start3A_271 = tpu.memref_squeeze %dma_start3A_270 : memref<1x80xi32, #tpu.memory_space<vmem>> -> memref<80xi32, #tpu.memory_space<vmem>>
        %dma_start3A_272 = arith.constant 0 : i32
        %dma_start3A_273 = arith.constant 0 : i32
        %dma_start3A_274 = tpu.memref_slice %arg22[%dma_start3A_272, %dma_start3A_273] : memref<10000x128xf32, #tpu.memory_space<vmem_shared>> -> memref<10000x128xf32, #tpu.memory_space<vmem_shared>>
        tpu.enqueue_indirect_dma source(%dma_start3A_268 : memref<80x128xf32, #tpu.memory_space<vmem>>) target(%dma_start3A_274 : memref<10000x128xf32, #tpu.memory_space<vmem_shared>>) offsets(%dma_start3A_271 : memref<80xi32, #tpu.memory_space<vmem>>) semaphore(%arg21 : memref<!tpu.dma_semaphore, #tpu.memory_space<semaphore_mem>>) {add = true}
        %add3A_275 = arith.constant 2 : i32
        %add3A_276 = arith.addi %add3A_161, %add3A_275 : i32
        %lt3A_277 = arith.constant 125 : i32
        %lt3A_278 = arith.cmpi slt, %add3A_276, %lt3A_277 : i32
        %convert_element_type3A_279 = arith.extui %lt3A_278 : i1 to i32
        %cond3A_280 = arith.constant 0 : i32
        %cond3A_281 = arith.cmpi ne, %convert_element_type3A_279, %cond3A_280 : i32
        scf.if %cond3A_281 {
          %add3A_282 = arith.constant 2 : i32
          %add3A_283 = arith.addi %add3A_161, %add3A_282 : i32
          %dma_start3A_284 = arith.constant 1 : i32
          %dma_start3A_285 = arith.constant 0 : i32
          %dma_start3A_286 = tpu.memref_slice %arg11[%dma_start3A_284, %dma_start3A_285] : memref<2x80xi32, #tpu.memory_space<vmem>> -> memref<1x80xi32, #tpu.memory_space<vmem>>
          %dma_start3A_287 = tpu.memref_squeeze %dma_start3A_286 : memref<1x80xi32, #tpu.memory_space<vmem>> -> memref<80xi32, #tpu.memory_space<vmem>>
          %dma_start3A_288 = arith.constant 0 : i32
          %dma_start3A_289 = tpu.memref_slice %arg4[%add3A, %add3A_283, %dma_start3A_288] : memref<32x125x80xi32, #tpu.memory_space<hbm>> -> memref<1x1x80xi32, #tpu.memory_space<hbm>>
          %dma_start3A_290 = tpu.memref_squeeze %dma_start3A_289 : memref<1x1x80xi32, #tpu.memory_space<hbm>> -> memref<80xi32, #tpu.memory_space<hbm>>
          %dma_start3A_291 = arith.constant 0 : i32
          %dma_start3A_292 = tpu.memref_slice %arg11[%dma_start3A_284, %dma_start3A_291] : memref<2x80xi32, #tpu.memory_space<vmem>> -> memref<1x80xi32, #tpu.memory_space<vmem>>
          %dma_start3A_293 = tpu.memref_squeeze %dma_start3A_292 : memref<1x80xi32, #tpu.memory_space<vmem>> -> memref<80xi32, #tpu.memory_space<vmem>>
          %dma_start3A_294 = arith.constant 0 : i32
          %dma_start3A_295 = tpu.memref_slice %arg4[%add3A, %add3A_283, %dma_start3A_294] : memref<32x125x80xi32, #tpu.memory_space<hbm>> -> memref<1x1x80xi32, #tpu.memory_space<hbm>>
          %dma_start3A_296 = tpu.memref_squeeze %dma_start3A_295 : memref<1x1x80xi32, #tpu.memory_space<hbm>> -> memref<80xi32, #tpu.memory_space<hbm>>
          tpu.enqueue_dma source(%dma_start3A_296 : memref<80xi32, #tpu.memory_space<hbm>>) target(%dma_start3A_293 : memref<80xi32, #tpu.memory_space<vmem>>) target_semaphore(%arg15 : memref<!tpu.dma_semaphore, #tpu.memory_space<semaphore_mem>>)
          %dma_start3A_297 = arith.constant 1 : i32
          %dma_start3A_298 = arith.constant 0 : i32
          %dma_start3A_299 = tpu.memref_slice %arg12[%dma_start3A_297, %dma_start3A_298] : memref<2x80xi32, #tpu.memory_space<vmem>> -> memref<1x80xi32, #tpu.memory_space<vmem>>
          %dma_start3A_300 = tpu.memref_squeeze %dma_start3A_299 : memref<1x80xi32, #tpu.memory_space<vmem>> -> memref<80xi32, #tpu.memory_space<vmem>>
          %dma_start3A_301 = arith.constant 0 : i32
          %dma_start3A_302 = tpu.memref_slice %arg5[%add3A, %add3A_283, %dma_start3A_301] : memref<32x125x80xi32, #tpu.memory_space<hbm>> -> memref<1x1x80xi32, #tpu.memory_space<hbm>>
          %dma_start3A_303 = tpu.memref_squeeze %dma_start3A_302 : memref<1x1x80xi32, #tpu.memory_space<hbm>> -> memref<80xi32, #tpu.memory_space<hbm>>
          %dma_start3A_304 = arith.constant 0 : i32
          %dma_start3A_305 = tpu.memref_slice %arg12[%dma_start3A_297, %dma_start3A_304] : memref<2x80xi32, #tpu.memory_space<vmem>> -> memref<1x80xi32, #tpu.memory_space<vmem>>
          %dma_start3A_306 = tpu.memref_squeeze %dma_start3A_305 : memref<1x80xi32, #tpu.memory_space<vmem>> -> memref<80xi32, #tpu.memory_space<vmem>>
          %dma_start3A_307 = arith.constant 0 : i32
          %dma_start3A_308 = tpu.memref_slice %arg5[%add3A, %add3A_283, %dma_start3A_307] : memref<32x125x80xi32, #tpu.memory_space<hbm>> -> memref<1x1x80xi32, #tpu.memory_space<hbm>>
          %dma_start3A_309 = tpu.memref_squeeze %dma_start3A_308 : memref<1x1x80xi32, #tpu.memory_space<hbm>> -> memref<80xi32, #tpu.memory_space<hbm>>
          tpu.enqueue_dma source(%dma_start3A_309 : memref<80xi32, #tpu.memory_space<hbm>>) target(%dma_start3A_306 : memref<80xi32, #tpu.memory_space<vmem>>) target_semaphore(%arg15 : memref<!tpu.dma_semaphore, #tpu.memory_space<semaphore_mem>>)
        } else {
        }
      } else {
      }
    }
    %scan3A_125 = arith.constant 64 : i32
    %dma_wait3A_126 = arith.constant 0 : i32
    %dma_wait3A_127 = arith.constant 0 : i32
    %dma_wait3A_128 = arith.constant 0 : i32
    %dma_wait3A_129 = arith.constant 0 : i32
    %dma_wait3A_130 = tpu.memref_slice %arg8[%dma_wait3A_126, %dma_wait3A_128, %dma_wait3A_129] : memref<2x80x128xf32, #tpu.memory_space<vmem>> -> memref<1x80x128xf32, #tpu.memory_space<vmem>>
    %dma_wait3A_131 = tpu.memref_squeeze %dma_wait3A_130 : memref<1x80x128xf32, #tpu.memory_space<vmem>> -> memref<80x128xf32, #tpu.memory_space<vmem>>
    %dma_wait3A_132 = arith.constant 0 : i32
    %dma_wait3A_133 = tpu.memref_slice %arg13[%dma_wait3A_127, %dma_wait3A_132] : memref<2x80xi32, #tpu.memory_space<vmem>> -> memref<1x80xi32, #tpu.memory_space<vmem>>
    %dma_wait3A_134 = tpu.memref_squeeze %dma_wait3A_133 : memref<1x80xi32, #tpu.memory_space<vmem>> -> memref<80xi32, #tpu.memory_space<vmem>>
    %dma_wait3A_135 = arith.constant 0 : i32
    %dma_wait3A_136 = arith.constant 0 : i32
    %dma_wait3A_137 = tpu.memref_slice %arg22[%dma_wait3A_135, %dma_wait3A_136] : memref<10000x128xf32, #tpu.memory_space<vmem_shared>> -> memref<10000x128xf32, #tpu.memory_space<vmem_shared>>
    tpu.wait_indirect_dma semaphore(%arg20 : memref<!tpu.dma_semaphore, #tpu.memory_space<semaphore_mem>>) src(%dma_wait3A_131 : memref<80x128xf32, #tpu.memory_space<vmem>>) dst(%dma_wait3A_137 : memref<10000x128xf32, #tpu.memory_space<vmem_shared>>)
    %barrier3A_138 = arith.constant 0 : index
    tpu.barrier barrier_id(%barrier3A_138)
    %lt3A_139 = arith.constant 10 : i32
    %lt3A_140 = arith.cmpi slt, %arg1, %lt3A_139 : i32
    %convert_element_type3A_141 = arith.extui %lt3A_140 : i1 to i32
    %cond3A_142 = arith.constant 0 : i32
    %cond3A_143 = arith.cmpi ne, %convert_element_type3A_141, %cond3A_142 : i32
    scf.if %cond3A_143 {
      %add3A_144 = arith.constant 0 : i32
      %add3A_145 = arith.addi %mul3A_7, %add3A_144 : i32
      %run_scoped3A = arith.constant 0 : i32
      "tpu.region"() ({
        %run_scoped3A_195 = tpu.sem_alloc : memref<!tpu.dma_semaphore, #tpu.memory_space<semaphore_mem>>
        %dma_start3A_196 = arith.constant 0 : i32
        %dma_start3A_197 = arith.constant 0 : i32
        %dma_start3A_198 = tpu.memref_slice %arg8[%run_scoped3A, %dma_start3A_196, %dma_start3A_197] : memref<2x80x128xf32, #tpu.memory_space<vmem>> -> memref<1x80x128xf32, #tpu.memory_space<vmem>>
        %dma_start3A_199 = tpu.memref_squeeze %dma_start3A_198 : memref<1x80x128xf32, #tpu.memory_space<vmem>> -> memref<80x128xf32, #tpu.memory_space<vmem>>
        %dma_start3A_200 = arith.constant 0 : i32
        %dma_start3A_201 = tpu.memref_slice %arg22[%add3A_145, %dma_start3A_200] : memref<10000x128xf32, #tpu.memory_space<vmem_shared>> -> memref<80x128xf32, #tpu.memory_space<vmem_shared>>
        %dma_start3A_202 = arith.constant 0 : i32
        %dma_start3A_203 = arith.constant 0 : i32
        %dma_start3A_204 = tpu.memref_slice %arg8[%run_scoped3A, %dma_start3A_202, %dma_start3A_203] : memref<2x80x128xf32, #tpu.memory_space<vmem>> -> memref<1x80x128xf32, #tpu.memory_space<vmem>>
        %dma_start3A_205 = tpu.memref_squeeze %dma_start3A_204 : memref<1x80x128xf32, #tpu.memory_space<vmem>> -> memref<80x128xf32, #tpu.memory_space<vmem>>
        %dma_start3A_206 = arith.constant 0 : i32
        %dma_start3A_207 = tpu.memref_slice %arg22[%add3A_145, %dma_start3A_206] : memref<10000x128xf32, #tpu.memory_space<vmem_shared>> -> memref<80x128xf32, #tpu.memory_space<vmem_shared>>
        tpu.enqueue_dma source(%dma_start3A_207 : memref<80x128xf32, #tpu.memory_space<vmem_shared>>) target(%dma_start3A_205 : memref<80x128xf32, #tpu.memory_space<vmem>>) target_semaphore(%run_scoped3A_195 : memref<!tpu.dma_semaphore, #tpu.memory_space<semaphore_mem>>)
        %dma_wait3A_208 = arith.constant 0 : i32
        %dma_wait3A_209 = arith.constant 0 : i32
        %dma_wait3A_210 = tpu.memref_slice %arg8[%run_scoped3A, %dma_wait3A_208, %dma_wait3A_209] : memref<2x80x128xf32, #tpu.memory_space<vmem>> -> memref<1x80x128xf32, #tpu.memory_space<vmem>>
        %dma_wait3A_211 = tpu.memref_squeeze %dma_wait3A_210 : memref<1x80x128xf32, #tpu.memory_space<vmem>> -> memref<80x128xf32, #tpu.memory_space<vmem>>
        %dma_wait3A_212 = arith.constant 0 : i32
        %dma_wait3A_213 = tpu.memref_slice %arg22[%add3A_145, %dma_wait3A_212] : memref<10000x128xf32, #tpu.memory_space<vmem_shared>> -> memref<80x128xf32, #tpu.memory_space<vmem_shared>>
        %dma_wait3A_214 = arith.constant 0 : i32
        %dma_wait3A_215 = arith.constant 0 : i32
        %dma_wait3A_216 = tpu.memref_slice %arg8[%run_scoped3A, %dma_wait3A_214, %dma_wait3A_215] : memref<2x80x128xf32, #tpu.memory_space<vmem>> -> memref<1x80x128xf32, #tpu.memory_space<vmem>>
        %dma_wait3A_217 = tpu.memref_squeeze %dma_wait3A_216 : memref<1x80x128xf32, #tpu.memory_space<vmem>> -> memref<80x128xf32, #tpu.memory_space<vmem>>
        %dma_wait3A_218 = arith.constant 0 : i32
        %dma_wait3A_219 = tpu.memref_slice %arg22[%add3A_145, %dma_wait3A_218] : memref<10000x128xf32, #tpu.memory_space<vmem_shared>> -> memref<80x128xf32, #tpu.memory_space<vmem_shared>>
        tpu.wait_dma2 semaphore(%run_scoped3A_195 : memref<!tpu.dma_semaphore, #tpu.memory_space<semaphore_mem>>) src(%dma_wait3A_219 : memref<80x128xf32, #tpu.memory_space<vmem_shared>>) dst(%dma_wait3A_217 : memref<80x128xf32, #tpu.memory_space<vmem>>)
        tpu.yield
      }) : () -> ()
      %run_scoped3A_146 = arith.constant 0 : i32
      "tpu.region"() ({
        %run_scoped3A_195 = tpu.sem_alloc : memref<!tpu.dma_semaphore, #tpu.memory_space<semaphore_mem>>
        %dma_start3A_196 = arith.constant 0 : i32
        %dma_start3A_197 = arith.constant 0 : i32
        %dma_start3A_198 = tpu.memref_slice %arg8[%run_scoped3A_146, %dma_start3A_196, %dma_start3A_197] : memref<2x80x128xf32, #tpu.memory_space<vmem>> -> memref<1x80x128xf32, #tpu.memory_space<vmem>>
        %dma_start3A_199 = tpu.memref_squeeze %dma_start3A_198 : memref<1x80x128xf32, #tpu.memory_space<vmem>> -> memref<80x128xf32, #tpu.memory_space<vmem>>
        %dma_start3A_200 = arith.constant 0 : i32
        %dma_start3A_201 = tpu.memref_slice %arg7[%arg0, %add3A_145, %dma_start3A_200] : memref<2x10000x128xf32, #tpu.memory_space<hbm>> -> memref<1x80x128xf32, #tpu.memory_space<hbm>>
        %dma_start3A_202 = tpu.memref_squeeze %dma_start3A_201 : memref<1x80x128xf32, #tpu.memory_space<hbm>> -> memref<80x128xf32, #tpu.memory_space<hbm>>
        %dma_start3A_203 = arith.constant 0 : i32
        %dma_start3A_204 = tpu.memref_slice %arg7[%arg0, %add3A_145, %dma_start3A_203] : memref<2x10000x128xf32, #tpu.memory_space<hbm>> -> memref<1x80x128xf32, #tpu.memory_space<hbm>>
        %dma_start3A_205 = tpu.memref_squeeze %dma_start3A_204 : memref<1x80x128xf32, #tpu.memory_space<hbm>> -> memref<80x128xf32, #tpu.memory_space<hbm>>
        %dma_start3A_206 = arith.constant 0 : i32
        %dma_start3A_207 = arith.constant 0 : i32
        %dma_start3A_208 = tpu.memref_slice %arg8[%run_scoped3A_146, %dma_start3A_206, %dma_start3A_207] : memref<2x80x128xf32, #tpu.memory_space<vmem>> -> memref<1x80x128xf32, #tpu.memory_space<vmem>>
        %dma_start3A_209 = tpu.memref_squeeze %dma_start3A_208 : memref<1x80x128xf32, #tpu.memory_space<vmem>> -> memref<80x128xf32, #tpu.memory_space<vmem>>
        tpu.enqueue_dma source(%dma_start3A_209 : memref<80x128xf32, #tpu.memory_space<vmem>>) target(%dma_start3A_205 : memref<80x128xf32, #tpu.memory_space<hbm>>) target_semaphore(%run_scoped3A_195 : memref<!tpu.dma_semaphore, #tpu.memory_space<semaphore_mem>>)
        %dma_wait3A_210 = arith.constant 0 : i32
        %dma_wait3A_211 = arith.constant 0 : i32
        %dma_wait3A_212 = tpu.memref_slice %arg8[%run_scoped3A_146, %dma_wait3A_210, %dma_wait3A_211] : memref<2x80x128xf32, #tpu.memory_space<vmem>> -> memref<1x80x128xf32, #tpu.memory_space<vmem>>
        %dma_wait3A_213 = tpu.memref_squeeze %dma_wait3A_212 : memref<1x80x128xf32, #tpu.memory_space<vmem>> -> memref<80x128xf32, #tpu.memory_space<vmem>>
        %dma_wait3A_214 = arith.constant 0 : i32
        %dma_wait3A_215 = tpu.memref_slice %arg7[%arg0, %add3A_145, %dma_wait3A_214] : memref<2x10000x128xf32, #tpu.memory_space<hbm>> -> memref<1x80x128xf32, #tpu.memory_space<hbm>>
        %dma_wait3A_216 = tpu.memref_squeeze %dma_wait3A_215 : memref<1x80x128xf32, #tpu.memory_space<hbm>> -> memref<80x128xf32, #tpu.memory_space<hbm>>
        %dma_wait3A_217 = arith.constant 0 : i32
        %dma_wait3A_218 = tpu.memref_slice %arg7[%arg0, %add3A_145, %dma_wait3A_217] : memref<2x10000x128xf32, #tpu.memory_space<hbm>> -> memref<1x80x128xf32, #tpu.memory_space<hbm>>
        %dma_wait3A_219 = tpu.memref_squeeze %dma_wait3A_218 : memref<1x80x128xf32, #tpu.memory_space<hbm>> -> memref<80x128xf32, #tpu.memory_space<hbm>>
        %dma_wait3A_220 = arith.constant 0 : i32
        %dma_wait3A_221 = arith.constant 0 : i32
        %dma_wait3A_222 = tpu.memref_slice %arg8[%run_scoped3A_146, %dma_wait3A_220, %dma_wait3A_221] : memref<2x80x128xf32, #tpu.memory_space<vmem>> -> memref<1x80x128xf32, #tpu.memory_space<vmem>>
        %dma_wait3A_223 = tpu.memref_squeeze %dma_wait3A_222 : memref<1x80x128xf32, #tpu.memory_space<vmem>> -> memref<80x128xf32, #tpu.memory_space<vmem>>
        tpu.wait_dma2 semaphore(%run_scoped3A_195 : memref<!tpu.dma_semaphore, #tpu.memory_space<semaphore_mem>>) src(%dma_wait3A_223 : memref<80x128xf32, #tpu.memory_space<vmem>>) dst(%dma_wait3A_219 : memref<80x128xf32, #tpu.memory_space<hbm>>)
        tpu.yield
      }) : () -> ()
      %add3A_147 = arith.constant 80 : i32
      %add3A_148 = arith.addi %mul3A_7, %add3A_147 : i32
      %run_scoped3A_149 = arith.constant 0 : i32
      "tpu.region"() ({
        %run_scoped3A_195 = tpu.sem_alloc : memref<!tpu.dma_semaphore, #tpu.memory_space<semaphore_mem>>
        %dma_start3A_196 = arith.constant 0 : i32
        %dma_start3A_197 = arith.constant 0 : i32
        %dma_start3A_198 = tpu.memref_slice %arg8[%run_scoped3A_149, %dma_start3A_196, %dma_start3A_197] : memref<2x80x128xf32, #tpu.memory_space<vmem>> -> memref<1x80x128xf32, #tpu.memory_space<vmem>>
        %dma_start3A_199 = tpu.memref_squeeze %dma_start3A_198 : memref<1x80x128xf32, #tpu.memory_space<vmem>> -> memref<80x128xf32, #tpu.memory_space<vmem>>
        %dma_start3A_200 = arith.constant 0 : i32
        %dma_start3A_201 = tpu.memref_slice %arg22[%add3A_148, %dma_start3A_200] : memref<10000x128xf32, #tpu.memory_space<vmem_shared>> -> memref<80x128xf32, #tpu.memory_space<vmem_shared>>
        %dma_start3A_202 = arith.constant 0 : i32
        %dma_start3A_203 = arith.constant 0 : i32
        %dma_start3A_204 = tpu.memref_slice %arg8[%run_scoped3A_149, %dma_start3A_202, %dma_start3A_203] : memref<2x80x128xf32, #tpu.memory_space<vmem>> -> memref<1x80x128xf32, #tpu.memory_space<vmem>>
        %dma_start3A_205 = tpu.memref_squeeze %dma_start3A_204 : memref<1x80x128xf32, #tpu.memory_space<vmem>> -> memref<80x128xf32, #tpu.memory_space<vmem>>
        %dma_start3A_206 = arith.constant 0 : i32
        %dma_start3A_207 = tpu.memref_slice %arg22[%add3A_148, %dma_start3A_206] : memref<10000x128xf32, #tpu.memory_space<vmem_shared>> -> memref<80x128xf32, #tpu.memory_space<vmem_shared>>
        tpu.enqueue_dma source(%dma_start3A_207 : memref<80x128xf32, #tpu.memory_space<vmem_shared>>) target(%dma_start3A_205 : memref<80x128xf32, #tpu.memory_space<vmem>>) target_semaphore(%run_scoped3A_195 : memref<!tpu.dma_semaphore, #tpu.memory_space<semaphore_mem>>)
        %dma_wait3A_208 = arith.constant 0 : i32
        %dma_wait3A_209 = arith.constant 0 : i32
        %dma_wait3A_210 = tpu.memref_slice %arg8[%run_scoped3A_149, %dma_wait3A_208, %dma_wait3A_209] : memref<2x80x128xf32, #tpu.memory_space<vmem>> -> memref<1x80x128xf32, #tpu.memory_space<vmem>>
        %dma_wait3A_211 = tpu.memref_squeeze %dma_wait3A_210 : memref<1x80x128xf32, #tpu.memory_space<vmem>> -> memref<80x128xf32, #tpu.memory_space<vmem>>
        %dma_wait3A_212 = arith.constant 0 : i32
        %dma_wait3A_213 = tpu.memref_slice %arg22[%add3A_148, %dma_wait3A_212] : memref<10000x128xf32, #tpu.memory_space<vmem_shared>> -> memref<80x128xf32, #tpu.memory_space<vmem_shared>>
        %dma_wait3A_214 = arith.constant 0 : i32
        %dma_wait3A_215 = arith.constant 0 : i32
        %dma_wait3A_216 = tpu.memref_slice %arg8[%run_scoped3A_149, %dma_wait3A_214, %dma_wait3A_215] : memref<2x80x128xf32, #tpu.memory_space<vmem>> -> memref<1x80x128xf32, #tpu.memory_space<vmem>>
        %dma_wait3A_217 = tpu.memref_squeeze %dma_wait3A_216 : memref<1x80x128xf32, #tpu.memory_space<vmem>> -> memref<80x128xf32, #tpu.memory_space<vmem>>
        %dma_wait3A_218 = arith.constant 0 : i32
        %dma_wait3A_219 = tpu.memref_slice %arg22[%add3A_148, %dma_wait3A_218] : memref<10000x128xf32, #tpu.memory_space<vmem_shared>> -> memref<80x128xf32, #tpu.memory_space<vmem_shared>>
        tpu.wait_dma2 semaphore(%run_scoped3A_195 : memref<!tpu.dma_semaphore, #tpu.memory_space<semaphore_mem>>) src(%dma_wait3A_219 : memref<80x128xf32, #tpu.memory_space<vmem_shared>>) dst(%dma_wait3A_217 : memref<80x128xf32, #tpu.memory_space<vmem>>)
        tpu.yield
      }) : () -> ()
      %run_scoped3A_150 = arith.constant 0 : i32
      "tpu.region"() ({
        %run_scoped3A_195 = tpu.sem_alloc : memref<!tpu.dma_semaphore, #tpu.memory_space<semaphore_mem>>
        %dma_start3A_196 = arith.constant 0 : i32
        %dma_start3A_197 = arith.constant 0 : i32
        %dma_start3A_198 = tpu.memref_slice %arg8[%run_scoped3A_150, %dma_start3A_196, %dma_start3A_197] : memref<2x80x128xf32, #tpu.memory_space<vmem>> -> memref<1x80x128xf32, #tpu.memory_space<vmem>>
        %dma_start3A_199 = tpu.memref_squeeze %dma_start3A_198 : memref<1x80x128xf32, #tpu.memory_space<vmem>> -> memref<80x128xf32, #tpu.memory_space<vmem>>
        %dma_start3A_200 = arith.constant 0 : i32
        %dma_start3A_201 = tpu.memref_slice %arg7[%arg0, %add3A_148, %dma_start3A_200] : memref<2x10000x128xf32, #tpu.memory_space<hbm>> -> memref<1x80x128xf32, #tpu.memory_space<hbm>>
        %dma_start3A_202 = tpu.memref_squeeze %dma_start3A_201 : memref<1x80x128xf32, #tpu.memory_space<hbm>> -> memref<80x128xf32, #tpu.memory_space<hbm>>
        %dma_start3A_203 = arith.constant 0 : i32
        %dma_start3A_204 = tpu.memref_slice %arg7[%arg0, %add3A_148, %dma_start3A_203] : memref<2x10000x128xf32, #tpu.memory_space<hbm>> -> memref<1x80x128xf32, #tpu.memory_space<hbm>>
        %dma_start3A_205 = tpu.memref_squeeze %dma_start3A_204 : memref<1x80x128xf32, #tpu.memory_space<hbm>> -> memref<80x128xf32, #tpu.memory_space<hbm>>
        %dma_start3A_206 = arith.constant 0 : i32
        %dma_start3A_207 = arith.constant 0 : i32
        %dma_start3A_208 = tpu.memref_slice %arg8[%run_scoped3A_150, %dma_start3A_206, %dma_start3A_207] : memref<2x80x128xf32, #tpu.memory_space<vmem>> -> memref<1x80x128xf32, #tpu.memory_space<vmem>>
        %dma_start3A_209 = tpu.memref_squeeze %dma_start3A_208 : memref<1x80x128xf32, #tpu.memory_space<vmem>> -> memref<80x128xf32, #tpu.memory_space<vmem>>
        tpu.enqueue_dma source(%dma_start3A_209 : memref<80x128xf32, #tpu.memory_space<vmem>>) target(%dma_start3A_205 : memref<80x128xf32, #tpu.memory_space<hbm>>) target_semaphore(%run_scoped3A_195 : memref<!tpu.dma_semaphore, #tpu.memory_space<semaphore_mem>>)
        %dma_wait3A_210 = arith.constant 0 : i32
        %dma_wait3A_211 = arith.constant 0 : i32
        %dma_wait3A_212 = tpu.memref_slice %arg8[%run_scoped3A_150, %dma_wait3A_210, %dma_wait3A_211] : memref<2x80x128xf32, #tpu.memory_space<vmem>> -> memref<1x80x128xf32, #tpu.memory_space<vmem>>
        %dma_wait3A_213 = tpu.memref_squeeze %dma_wait3A_212 : memref<1x80x128xf32, #tpu.memory_space<vmem>> -> memref<80x128xf32, #tpu.memory_space<vmem>>
        %dma_wait3A_214 = arith.constant 0 : i32
        %dma_wait3A_215 = tpu.memref_slice %arg7[%arg0, %add3A_148, %dma_wait3A_214] : memref<2x10000x128xf32, #tpu.memory_space<hbm>> -> memref<1x80x128xf32, #tpu.memory_space<hbm>>
        %dma_wait3A_216 = tpu.memref_squeeze %dma_wait3A_215 : memref<1x80x128xf32, #tpu.memory_space<hbm>> -> memref<80x128xf32, #tpu.memory_space<hbm>>
        %dma_wait3A_217 = arith.constant 0 : i32
        %dma_wait3A_218 = tpu.memref_slice %arg7[%arg0, %add3A_148, %dma_wait3A_217] : memref<2x10000x128xf32, #tpu.memory_space<hbm>> -> memref<1x80x128xf32, #tpu.memory_space<hbm>>
        %dma_wait3A_219 = tpu.memref_squeeze %dma_wait3A_218 : memref<1x80x128xf32, #tpu.memory_space<hbm>> -> memref<80x128xf32, #tpu.memory_space<hbm>>
        %dma_wait3A_220 = arith.constant 0 : i32
        %dma_wait3A_221 = arith.constant 0 : i32
        %dma_wait3A_222 = tpu.memref_slice %arg8[%run_scoped3A_150, %dma_wait3A_220, %dma_wait3A_221] : memref<2x80x128xf32, #tpu.memory_space<vmem>> -> memref<1x80x128xf32, #tpu.memory_space<vmem>>
        %dma_wait3A_223 = tpu.memref_squeeze %dma_wait3A_222 : memref<1x80x128xf32, #tpu.memory_space<vmem>> -> memref<80x128xf32, #tpu.memory_space<vmem>>
        tpu.wait_dma2 semaphore(%run_scoped3A_195 : memref<!tpu.dma_semaphore, #tpu.memory_space<semaphore_mem>>) src(%dma_wait3A_223 : memref<80x128xf32, #tpu.memory_space<vmem>>) dst(%dma_wait3A_219 : memref<80x128xf32, #tpu.memory_space<hbm>>)
        tpu.yield
      }) : () -> ()
      %add3A_151 = arith.constant 160 : i32
      %add3A_152 = arith.addi %mul3A_7, %add3A_151 : i32
      %run_scoped3A_153 = arith.constant 0 : i32
      "tpu.region"() ({
        %run_scoped3A_195 = tpu.sem_alloc : memref<!tpu.dma_semaphore, #tpu.memory_space<semaphore_mem>>
        %dma_start3A_196 = arith.constant 0 : i32
        %dma_start3A_197 = arith.constant 0 : i32
        %dma_start3A_198 = tpu.memref_slice %arg8[%run_scoped3A_153, %dma_start3A_196, %dma_start3A_197] : memref<2x80x128xf32, #tpu.memory_space<vmem>> -> memref<1x80x128xf32, #tpu.memory_space<vmem>>
        %dma_start3A_199 = tpu.memref_squeeze %dma_start3A_198 : memref<1x80x128xf32, #tpu.memory_space<vmem>> -> memref<80x128xf32, #tpu.memory_space<vmem>>
        %dma_start3A_200 = arith.constant 0 : i32
        %dma_start3A_201 = tpu.memref_slice %arg22[%add3A_152, %dma_start3A_200] : memref<10000x128xf32, #tpu.memory_space<vmem_shared>> -> memref<80x128xf32, #tpu.memory_space<vmem_shared>>
        %dma_start3A_202 = arith.constant 0 : i32
        %dma_start3A_203 = arith.constant 0 : i32
        %dma_start3A_204 = tpu.memref_slice %arg8[%run_scoped3A_153, %dma_start3A_202, %dma_start3A_203] : memref<2x80x128xf32, #tpu.memory_space<vmem>> -> memref<1x80x128xf32, #tpu.memory_space<vmem>>
        %dma_start3A_205 = tpu.memref_squeeze %dma_start3A_204 : memref<1x80x128xf32, #tpu.memory_space<vmem>> -> memref<80x128xf32, #tpu.memory_space<vmem>>
        %dma_start3A_206 = arith.constant 0 : i32
        %dma_start3A_207 = tpu.memref_slice %arg22[%add3A_152, %dma_start3A_206] : memref<10000x128xf32, #tpu.memory_space<vmem_shared>> -> memref<80x128xf32, #tpu.memory_space<vmem_shared>>
        tpu.enqueue_dma source(%dma_start3A_207 : memref<80x128xf32, #tpu.memory_space<vmem_shared>>) target(%dma_start3A_205 : memref<80x128xf32, #tpu.memory_space<vmem>>) target_semaphore(%run_scoped3A_195 : memref<!tpu.dma_semaphore, #tpu.memory_space<semaphore_mem>>)
        %dma_wait3A_208 = arith.constant 0 : i32
        %dma_wait3A_209 = arith.constant 0 : i32
        %dma_wait3A_210 = tpu.memref_slice %arg8[%run_scoped3A_153, %dma_wait3A_208, %dma_wait3A_209] : memref<2x80x128xf32, #tpu.memory_space<vmem>> -> memref<1x80x128xf32, #tpu.memory_space<vmem>>
        %dma_wait3A_211 = tpu.memref_squeeze %dma_wait3A_210 : memref<1x80x128xf32, #tpu.memory_space<vmem>> -> memref<80x128xf32, #tpu.memory_space<vmem>>
        %dma_wait3A_212 = arith.constant 0 : i32
        %dma_wait3A_213 = tpu.memref_slice %arg22[%add3A_152, %dma_wait3A_212] : memref<10000x128xf32, #tpu.memory_space<vmem_shared>> -> memref<80x128xf32, #tpu.memory_space<vmem_shared>>
        %dma_wait3A_214 = arith.constant 0 : i32
        %dma_wait3A_215 = arith.constant 0 : i32
        %dma_wait3A_216 = tpu.memref_slice %arg8[%run_scoped3A_153, %dma_wait3A_214, %dma_wait3A_215] : memref<2x80x128xf32, #tpu.memory_space<vmem>> -> memref<1x80x128xf32, #tpu.memory_space<vmem>>
        %dma_wait3A_217 = tpu.memref_squeeze %dma_wait3A_216 : memref<1x80x128xf32, #tpu.memory_space<vmem>> -> memref<80x128xf32, #tpu.memory_space<vmem>>
        %dma_wait3A_218 = arith.constant 0 : i32
        %dma_wait3A_219 = tpu.memref_slice %arg22[%add3A_152, %dma_wait3A_218] : memref<10000x128xf32, #tpu.memory_space<vmem_shared>> -> memref<80x128xf32, #tpu.memory_space<vmem_shared>>
        tpu.wait_dma2 semaphore(%run_scoped3A_195 : memref<!tpu.dma_semaphore, #tpu.memory_space<semaphore_mem>>) src(%dma_wait3A_219 : memref<80x128xf32, #tpu.memory_space<vmem_shared>>) dst(%dma_wait3A_217 : memref<80x128xf32, #tpu.memory_space<vmem>>)
        tpu.yield
      }) : () -> ()
      %run_scoped3A_154 = arith.constant 0 : i32
      "tpu.region"() ({
        %run_scoped3A_195 = tpu.sem_alloc : memref<!tpu.dma_semaphore, #tpu.memory_space<semaphore_mem>>
        %dma_start3A_196 = arith.constant 0 : i32
        %dma_start3A_197 = arith.constant 0 : i32
        %dma_start3A_198 = tpu.memref_slice %arg8[%run_scoped3A_154, %dma_start3A_196, %dma_start3A_197] : memref<2x80x128xf32, #tpu.memory_space<vmem>> -> memref<1x80x128xf32, #tpu.memory_space<vmem>>
        %dma_start3A_199 = tpu.memref_squeeze %dma_start3A_198 : memref<1x80x128xf32, #tpu.memory_space<vmem>> -> memref<80x128xf32, #tpu.memory_space<vmem>>
        %dma_start3A_200 = arith.constant 0 : i32
        %dma_start3A_201 = tpu.memref_slice %arg7[%arg0, %add3A_152, %dma_start3A_200] : memref<2x10000x128xf32, #tpu.memory_space<hbm>> -> memref<1x80x128xf32, #tpu.memory_space<hbm>>
        %dma_start3A_202 = tpu.memref_squeeze %dma_start3A_201 : memref<1x80x128xf32, #tpu.memory_space<hbm>> -> memref<80x128xf32, #tpu.memory_space<hbm>>
        %dma_start3A_203 = arith.constant 0 : i32
        %dma_start3A_204 = tpu.memref_slice %arg7[%arg0, %add3A_152, %dma_start3A_203] : memref<2x10000x128xf32, #tpu.memory_space<hbm>> -> memref<1x80x128xf32, #tpu.memory_space<hbm>>
        %dma_start3A_205 = tpu.memref_squeeze %dma_start3A_204 : memref<1x80x128xf32, #tpu.memory_space<hbm>> -> memref<80x128xf32, #tpu.memory_space<hbm>>
        %dma_start3A_206 = arith.constant 0 : i32
        %dma_start3A_207 = arith.constant 0 : i32
        %dma_start3A_208 = tpu.memref_slice %arg8[%run_scoped3A_154, %dma_start3A_206, %dma_start3A_207] : memref<2x80x128xf32, #tpu.memory_space<vmem>> -> memref<1x80x128xf32, #tpu.memory_space<vmem>>
        %dma_start3A_209 = tpu.memref_squeeze %dma_start3A_208 : memref<1x80x128xf32, #tpu.memory_space<vmem>> -> memref<80x128xf32, #tpu.memory_space<vmem>>
        tpu.enqueue_dma source(%dma_start3A_209 : memref<80x128xf32, #tpu.memory_space<vmem>>) target(%dma_start3A_205 : memref<80x128xf32, #tpu.memory_space<hbm>>) target_semaphore(%run_scoped3A_195 : memref<!tpu.dma_semaphore, #tpu.memory_space<semaphore_mem>>)
        %dma_wait3A_210 = arith.constant 0 : i32
        %dma_wait3A_211 = arith.constant 0 : i32
        %dma_wait3A_212 = tpu.memref_slice %arg8[%run_scoped3A_154, %dma_wait3A_210, %dma_wait3A_211] : memref<2x80x128xf32, #tpu.memory_space<vmem>> -> memref<1x80x128xf32, #tpu.memory_space<vmem>>
        %dma_wait3A_213 = tpu.memref_squeeze %dma_wait3A_212 : memref<1x80x128xf32, #tpu.memory_space<vmem>> -> memref<80x128xf32, #tpu.memory_space<vmem>>
        %dma_wait3A_214 = arith.constant 0 : i32
        %dma_wait3A_215 = tpu.memref_slice %arg7[%arg0, %add3A_152, %dma_wait3A_214] : memref<2x10000x128xf32, #tpu.memory_space<hbm>> -> memref<1x80x128xf32, #tpu.memory_space<hbm>>
        %dma_wait3A_216 = tpu.memref_squeeze %dma_wait3A_215 : memref<1x80x128xf32, #tpu.memory_space<hbm>> -> memref<80x128xf32, #tpu.memory_space<hbm>>
        %dma_wait3A_217 = arith.constant 0 : i32
        %dma_wait3A_218 = tpu.memref_slice %arg7[%arg0, %add3A_152, %dma_wait3A_217] : memref<2x10000x128xf32, #tpu.memory_space<hbm>> -> memref<1x80x128xf32, #tpu.memory_space<hbm>>
        %dma_wait3A_219 = tpu.memref_squeeze %dma_wait3A_218 : memref<1x80x128xf32, #tpu.memory_space<hbm>> -> memref<80x128xf32, #tpu.memory_space<hbm>>
        %dma_wait3A_220 = arith.constant 0 : i32
        %dma_wait3A_221 = arith.constant 0 : i32
        %dma_wait3A_222 = tpu.memref_slice %arg8[%run_scoped3A_154, %dma_wait3A_220, %dma_wait3A_221] : memref<2x80x128xf32, #tpu.memory_space<vmem>> -> memref<1x80x128xf32, #tpu.memory_space<vmem>>
        %dma_wait3A_223 = tpu.memref_squeeze %dma_wait3A_222 : memref<1x80x128xf32, #tpu.memory_space<vmem>> -> memref<80x128xf32, #tpu.memory_space<vmem>>
        tpu.wait_dma2 semaphore(%run_scoped3A_195 : memref<!tpu.dma_semaphore, #tpu.memory_space<semaphore_mem>>) src(%dma_wait3A_223 : memref<80x128xf32, #tpu.memory_space<vmem>>) dst(%dma_wait3A_219 : memref<80x128xf32, #tpu.memory_space<hbm>>)
        tpu.yield
      }) : () -> ()
      %add3A_155 = arith.constant 240 : i32
      %add3A_156 = arith.addi %mul3A_7, %add3A_155 : i32
      %run_scoped3A_157 = arith.constant 0 : i32
      "tpu.region"() ({
        %run_scoped3A_195 = tpu.sem_alloc : memref<!tpu.dma_semaphore, #tpu.memory_space<semaphore_mem>>
        %dma_start3A_196 = arith.constant 0 : i32
        %dma_start3A_197 = arith.constant 0 : i32
        %dma_start3A_198 = tpu.memref_slice %arg8[%run_scoped3A_157, %dma_start3A_196, %dma_start3A_197] : memref<2x80x128xf32, #tpu.memory_space<vmem>> -> memref<1x80x128xf32, #tpu.memory_space<vmem>>
        %dma_start3A_199 = tpu.memref_squeeze %dma_start3A_198 : memref<1x80x128xf32, #tpu.memory_space<vmem>> -> memref<80x128xf32, #tpu.memory_space<vmem>>
        %dma_start3A_200 = arith.constant 0 : i32
        %dma_start3A_201 = tpu.memref_slice %arg22[%add3A_156, %dma_start3A_200] : memref<10000x128xf32, #tpu.memory_space<vmem_shared>> -> memref<80x128xf32, #tpu.memory_space<vmem_shared>>
        %dma_start3A_202 = arith.constant 0 : i32
        %dma_start3A_203 = arith.constant 0 : i32
        %dma_start3A_204 = tpu.memref_slice %arg8[%run_scoped3A_157, %dma_start3A_202, %dma_start3A_203] : memref<2x80x128xf32, #tpu.memory_space<vmem>> -> memref<1x80x128xf32, #tpu.memory_space<vmem>>
        %dma_start3A_205 = tpu.memref_squeeze %dma_start3A_204 : memref<1x80x128xf32, #tpu.memory_space<vmem>> -> memref<80x128xf32, #tpu.memory_space<vmem>>
        %dma_start3A_206 = arith.constant 0 : i32
        %dma_start3A_207 = tpu.memref_slice %arg22[%add3A_156, %dma_start3A_206] : memref<10000x128xf32, #tpu.memory_space<vmem_shared>> -> memref<80x128xf32, #tpu.memory_space<vmem_shared>>
        tpu.enqueue_dma source(%dma_start3A_207 : memref<80x128xf32, #tpu.memory_space<vmem_shared>>) target(%dma_start3A_205 : memref<80x128xf32, #tpu.memory_space<vmem>>) target_semaphore(%run_scoped3A_195 : memref<!tpu.dma_semaphore, #tpu.memory_space<semaphore_mem>>)
        %dma_wait3A_208 = arith.constant 0 : i32
        %dma_wait3A_209 = arith.constant 0 : i32
        %dma_wait3A_210 = tpu.memref_slice %arg8[%run_scoped3A_157, %dma_wait3A_208, %dma_wait3A_209] : memref<2x80x128xf32, #tpu.memory_space<vmem>> -> memref<1x80x128xf32, #tpu.memory_space<vmem>>
        %dma_wait3A_211 = tpu.memref_squeeze %dma_wait3A_210 : memref<1x80x128xf32, #tpu.memory_space<vmem>> -> memref<80x128xf32, #tpu.memory_space<vmem>>
        %dma_wait3A_212 = arith.constant 0 : i32
        %dma_wait3A_213 = tpu.memref_slice %arg22[%add3A_156, %dma_wait3A_212] : memref<10000x128xf32, #tpu.memory_space<vmem_shared>> -> memref<80x128xf32, #tpu.memory_space<vmem_shared>>
        %dma_wait3A_214 = arith.constant 0 : i32
        %dma_wait3A_215 = arith.constant 0 : i32
        %dma_wait3A_216 = tpu.memref_slice %arg8[%run_scoped3A_157, %dma_wait3A_214, %dma_wait3A_215] : memref<2x80x128xf32, #tpu.memory_space<vmem>> -> memref<1x80x128xf32, #tpu.memory_space<vmem>>
        %dma_wait3A_217 = tpu.memref_squeeze %dma_wait3A_216 : memref<1x80x128xf32, #tpu.memory_space<vmem>> -> memref<80x128xf32, #tpu.memory_space<vmem>>
        %dma_wait3A_218 = arith.constant 0 : i32
        %dma_wait3A_219 = tpu.memref_slice %arg22[%add3A_156, %dma_wait3A_218] : memref<10000x128xf32, #tpu.memory_space<vmem_shared>> -> memref<80x128xf32, #tpu.memory_space<vmem_shared>>
        tpu.wait_dma2 semaphore(%run_scoped3A_195 : memref<!tpu.dma_semaphore, #tpu.memory_space<semaphore_mem>>) src(%dma_wait3A_219 : memref<80x128xf32, #tpu.memory_space<vmem_shared>>) dst(%dma_wait3A_217 : memref<80x128xf32, #tpu.memory_space<vmem>>)
        tpu.yield
      }) : () -> ()
      %run_scoped3A_158 = arith.constant 0 : i32
      "tpu.region"() ({
        %run_scoped3A_195 = tpu.sem_alloc : memref<!tpu.dma_semaphore, #tpu.memory_space<semaphore_mem>>
        %dma_start3A_196 = arith.constant 0 : i32
        %dma_start3A_197 = arith.constant 0 : i32
        %dma_start3A_198 = tpu.memref_slice %arg8[%run_scoped3A_158, %dma_start3A_196, %dma_start3A_197] : memref<2x80x128xf32, #tpu.memory_space<vmem>> -> memref<1x80x128xf32, #tpu.memory_space<vmem>>
        %dma_start3A_199 = tpu.memref_squeeze %dma_start3A_198 : memref<1x80x128xf32, #tpu.memory_space<vmem>> -> memref<80x128xf32, #tpu.memory_space<vmem>>
        %dma_start3A_200 = arith.constant 0 : i32
        %dma_start3A_201 = tpu.memref_slice %arg7[%arg0, %add3A_156, %dma_start3A_200] : memref<2x10000x128xf32, #tpu.memory_space<hbm>> -> memref<1x80x128xf32, #tpu.memory_space<hbm>>
        %dma_start3A_202 = tpu.memref_squeeze %dma_start3A_201 : memref<1x80x128xf32, #tpu.memory_space<hbm>> -> memref<80x128xf32, #tpu.memory_space<hbm>>
        %dma_start3A_203 = arith.constant 0 : i32
        %dma_start3A_204 = tpu.memref_slice %arg7[%arg0, %add3A_156, %dma_start3A_203] : memref<2x10000x128xf32, #tpu.memory_space<hbm>> -> memref<1x80x128xf32, #tpu.memory_space<hbm>>
        %dma_start3A_205 = tpu.memref_squeeze %dma_start3A_204 : memref<1x80x128xf32, #tpu.memory_space<hbm>> -> memref<80x128xf32, #tpu.memory_space<hbm>>
        %dma_start3A_206 = arith.constant 0 : i32
        %dma_start3A_207 = arith.constant 0 : i32
        %dma_start3A_208 = tpu.memref_slice %arg8[%run_scoped3A_158, %dma_start3A_206, %dma_start3A_207] : memref<2x80x128xf32, #tpu.memory_space<vmem>> -> memref<1x80x128xf32, #tpu.memory_space<vmem>>
        %dma_start3A_209 = tpu.memref_squeeze %dma_start3A_208 : memref<1x80x128xf32, #tpu.memory_space<vmem>> -> memref<80x128xf32, #tpu.memory_space<vmem>>
        tpu.enqueue_dma source(%dma_start3A_209 : memref<80x128xf32, #tpu.memory_space<vmem>>) target(%dma_start3A_205 : memref<80x128xf32, #tpu.memory_space<hbm>>) target_semaphore(%run_scoped3A_195 : memref<!tpu.dma_semaphore, #tpu.memory_space<semaphore_mem>>)
        %dma_wait3A_210 = arith.constant 0 : i32
        %dma_wait3A_211 = arith.constant 0 : i32
        %dma_wait3A_212 = tpu.memref_slice %arg8[%run_scoped3A_158, %dma_wait3A_210, %dma_wait3A_211] : memref<2x80x128xf32, #tpu.memory_space<vmem>> -> memref<1x80x128xf32, #tpu.memory_space<vmem>>
        %dma_wait3A_213 = tpu.memref_squeeze %dma_wait3A_212 : memref<1x80x128xf32, #tpu.memory_space<vmem>> -> memref<80x128xf32, #tpu.memory_space<vmem>>
        %dma_wait3A_214 = arith.constant 0 : i32
        %dma_wait3A_215 = tpu.memref_slice %arg7[%arg0, %add3A_156, %dma_wait3A_214] : memref<2x10000x128xf32, #tpu.memory_space<hbm>> -> memref<1x80x128xf32, #tpu.memory_space<hbm>>
        %dma_wait3A_216 = tpu.memref_squeeze %dma_wait3A_215 : memref<1x80x128xf32, #tpu.memory_space<hbm>> -> memref<80x128xf32, #tpu.memory_space<hbm>>
        %dma_wait3A_217 = arith.constant 0 : i32
        %dma_wait3A_218 = tpu.memref_slice %arg7[%arg0, %add3A_156, %dma_wait3A_217] : memref<2x10000x128xf32, #tpu.memory_space<hbm>> -> memref<1x80x128xf32, #tpu.memory_space<hbm>>
        %dma_wait3A_219 = tpu.memref_squeeze %dma_wait3A_218 : memref<1x80x128xf32, #tpu.memory_space<hbm>> -> memref<80x128xf32, #tpu.memory_space<hbm>>
        %dma_wait3A_220 = arith.constant 0 : i32
        %dma_wait3A_221 = arith.constant 0 : i32
        %dma_wait3A_222 = tpu.memref_slice %arg8[%run_scoped3A_158, %dma_wait3A_220, %dma_wait3A_221] : memref<2x80x128xf32, #tpu.memory_space<vmem>> -> memref<1x80x128xf32, #tpu.memory_space<vmem>>
        %dma_wait3A_223 = tpu.memref_squeeze %dma_wait3A_222 : memref<1x80x128xf32, #tpu.memory_space<vmem>> -> memref<80x128xf32, #tpu.memory_space<vmem>>
        tpu.wait_dma2 semaphore(%run_scoped3A_195 : memref<!tpu.dma_semaphore, #tpu.memory_space<semaphore_mem>>) src(%dma_wait3A_223 : memref<80x128xf32, #tpu.memory_space<vmem>>) dst(%dma_wait3A_219 : memref<80x128xf32, #tpu.memory_space<hbm>>)
        tpu.yield
      }) : () -> ()
      %add3A_159 = arith.constant 320 : i32
      %add3A_160 = arith.addi %mul3A_7, %add3A_159 : i32
      %run_scoped3A_161 = arith.constant 0 : i32
      "tpu.region"() ({
        %run_scoped3A_195 = tpu.sem_alloc : memref<!tpu.dma_semaphore, #tpu.memory_space<semaphore_mem>>
        %dma_start3A_196 = arith.constant 0 : i32
        %dma_start3A_197 = arith.constant 0 : i32
        %dma_start3A_198 = tpu.memref_slice %arg8[%run_scoped3A_161, %dma_start3A_196, %dma_start3A_197] : memref<2x80x128xf32, #tpu.memory_space<vmem>> -> memref<1x80x128xf32, #tpu.memory_space<vmem>>
        %dma_start3A_199 = tpu.memref_squeeze %dma_start3A_198 : memref<1x80x128xf32, #tpu.memory_space<vmem>> -> memref<80x128xf32, #tpu.memory_space<vmem>>
        %dma_start3A_200 = arith.constant 0 : i32
        %dma_start3A_201 = tpu.memref_slice %arg22[%add3A_160, %dma_start3A_200] : memref<10000x128xf32, #tpu.memory_space<vmem_shared>> -> memref<80x128xf32, #tpu.memory_space<vmem_shared>>
        %dma_start3A_202 = arith.constant 0 : i32
        %dma_start3A_203 = arith.constant 0 : i32
        %dma_start3A_204 = tpu.memref_slice %arg8[%run_scoped3A_161, %dma_start3A_202, %dma_start3A_203] : memref<2x80x128xf32, #tpu.memory_space<vmem>> -> memref<1x80x128xf32, #tpu.memory_space<vmem>>
        %dma_start3A_205 = tpu.memref_squeeze %dma_start3A_204 : memref<1x80x128xf32, #tpu.memory_space<vmem>> -> memref<80x128xf32, #tpu.memory_space<vmem>>
        %dma_start3A_206 = arith.constant 0 : i32
        %dma_start3A_207 = tpu.memref_slice %arg22[%add3A_160, %dma_start3A_206] : memref<10000x128xf32, #tpu.memory_space<vmem_shared>> -> memref<80x128xf32, #tpu.memory_space<vmem_shared>>
        tpu.enqueue_dma source(%dma_start3A_207 : memref<80x128xf32, #tpu.memory_space<vmem_shared>>) target(%dma_start3A_205 : memref<80x128xf32, #tpu.memory_space<vmem>>) target_semaphore(%run_scoped3A_195 : memref<!tpu.dma_semaphore, #tpu.memory_space<semaphore_mem>>)
        %dma_wait3A_208 = arith.constant 0 : i32
        %dma_wait3A_209 = arith.constant 0 : i32
        %dma_wait3A_210 = tpu.memref_slice %arg8[%run_scoped3A_161, %dma_wait3A_208, %dma_wait3A_209] : memref<2x80x128xf32, #tpu.memory_space<vmem>> -> memref<1x80x128xf32, #tpu.memory_space<vmem>>
        %dma_wait3A_211 = tpu.memref_squeeze %dma_wait3A_210 : memref<1x80x128xf32, #tpu.memory_space<vmem>> -> memref<80x128xf32, #tpu.memory_space<vmem>>
        %dma_wait3A_212 = arith.constant 0 : i32
        %dma_wait3A_213 = tpu.memref_slice %arg22[%add3A_160, %dma_wait3A_212] : memref<10000x128xf32, #tpu.memory_space<vmem_shared>> -> memref<80x128xf32, #tpu.memory_space<vmem_shared>>
        %dma_wait3A_214 = arith.constant 0 : i32
        %dma_wait3A_215 = arith.constant 0 : i32
        %dma_wait3A_216 = tpu.memref_slice %arg8[%run_scoped3A_161, %dma_wait3A_214, %dma_wait3A_215] : memref<2x80x128xf32, #tpu.memory_space<vmem>> -> memref<1x80x128xf32, #tpu.memory_space<vmem>>
        %dma_wait3A_217 = tpu.memref_squeeze %dma_wait3A_216 : memref<1x80x128xf32, #tpu.memory_space<vmem>> -> memref<80x128xf32, #tpu.memory_space<vmem>>
        %dma_wait3A_218 = arith.constant 0 : i32
        %dma_wait3A_219 = tpu.memref_slice %arg22[%add3A_160, %dma_wait3A_218] : memref<10000x128xf32, #tpu.memory_space<vmem_shared>> -> memref<80x128xf32, #tpu.memory_space<vmem_shared>>
        tpu.wait_dma2 semaphore(%run_scoped3A_195 : memref<!tpu.dma_semaphore, #tpu.memory_space<semaphore_mem>>) src(%dma_wait3A_219 : memref<80x128xf32, #tpu.memory_space<vmem_shared>>) dst(%dma_wait3A_217 : memref<80x128xf32, #tpu.memory_space<vmem>>)
        tpu.yield
      }) : () -> ()
      %run_scoped3A_162 = arith.constant 0 : i32
      "tpu.region"() ({
        %run_scoped3A_195 = tpu.sem_alloc : memref<!tpu.dma_semaphore, #tpu.memory_space<semaphore_mem>>
        %dma_start3A_196 = arith.constant 0 : i32
        %dma_start3A_197 = arith.constant 0 : i32
        %dma_start3A_198 = tpu.memref_slice %arg8[%run_scoped3A_162, %dma_start3A_196, %dma_start3A_197] : memref<2x80x128xf32, #tpu.memory_space<vmem>> -> memref<1x80x128xf32, #tpu.memory_space<vmem>>
        %dma_start3A_199 = tpu.memref_squeeze %dma_start3A_198 : memref<1x80x128xf32, #tpu.memory_space<vmem>> -> memref<80x128xf32, #tpu.memory_space<vmem>>
        %dma_start3A_200 = arith.constant 0 : i32
        %dma_start3A_201 = tpu.memref_slice %arg7[%arg0, %add3A_160, %dma_start3A_200] : memref<2x10000x128xf32, #tpu.memory_space<hbm>> -> memref<1x80x128xf32, #tpu.memory_space<hbm>>
        %dma_start3A_202 = tpu.memref_squeeze %dma_start3A_201 : memref<1x80x128xf32, #tpu.memory_space<hbm>> -> memref<80x128xf32, #tpu.memory_space<hbm>>
        %dma_start3A_203 = arith.constant 0 : i32
        %dma_start3A_204 = tpu.memref_slice %arg7[%arg0, %add3A_160, %dma_start3A_203] : memref<2x10000x128xf32, #tpu.memory_space<hbm>> -> memref<1x80x128xf32, #tpu.memory_space<hbm>>
        %dma_start3A_205 = tpu.memref_squeeze %dma_start3A_204 : memref<1x80x128xf32, #tpu.memory_space<hbm>> -> memref<80x128xf32, #tpu.memory_space<hbm>>
        %dma_start3A_206 = arith.constant 0 : i32
        %dma_start3A_207 = arith.constant 0 : i32
        %dma_start3A_208 = tpu.memref_slice %arg8[%run_scoped3A_162, %dma_start3A_206, %dma_start3A_207] : memref<2x80x128xf32, #tpu.memory_space<vmem>> -> memref<1x80x128xf32, #tpu.memory_space<vmem>>
        %dma_start3A_209 = tpu.memref_squeeze %dma_start3A_208 : memref<1x80x128xf32, #tpu.memory_space<vmem>> -> memref<80x128xf32, #tpu.memory_space<vmem>>
        tpu.enqueue_dma source(%dma_start3A_209 : memref<80x128xf32, #tpu.memory_space<vmem>>) target(%dma_start3A_205 : memref<80x128xf32, #tpu.memory_space<hbm>>) target_semaphore(%run_scoped3A_195 : memref<!tpu.dma_semaphore, #tpu.memory_space<semaphore_mem>>)
        %dma_wait3A_210 = arith.constant 0 : i32
        %dma_wait3A_211 = arith.constant 0 : i32
        %dma_wait3A_212 = tpu.memref_slice %arg8[%run_scoped3A_162, %dma_wait3A_210, %dma_wait3A_211] : memref<2x80x128xf32, #tpu.memory_space<vmem>> -> memref<1x80x128xf32, #tpu.memory_space<vmem>>
        %dma_wait3A_213 = tpu.memref_squeeze %dma_wait3A_212 : memref<1x80x128xf32, #tpu.memory_space<vmem>> -> memref<80x128xf32, #tpu.memory_space<vmem>>
        %dma_wait3A_214 = arith.constant 0 : i32
        %dma_wait3A_215 = tpu.memref_slice %arg7[%arg0, %add3A_160, %dma_wait3A_214] : memref<2x10000x128xf32, #tpu.memory_space<hbm>> -> memref<1x80x128xf32, #tpu.memory_space<hbm>>
        %dma_wait3A_216 = tpu.memref_squeeze %dma_wait3A_215 : memref<1x80x128xf32, #tpu.memory_space<hbm>> -> memref<80x128xf32, #tpu.memory_space<hbm>>
        %dma_wait3A_217 = arith.constant 0 : i32
        %dma_wait3A_218 = tpu.memref_slice %arg7[%arg0, %add3A_160, %dma_wait3A_217] : memref<2x10000x128xf32, #tpu.memory_space<hbm>> -> memref<1x80x128xf32, #tpu.memory_space<hbm>>
        %dma_wait3A_219 = tpu.memref_squeeze %dma_wait3A_218 : memref<1x80x128xf32, #tpu.memory_space<hbm>> -> memref<80x128xf32, #tpu.memory_space<hbm>>
        %dma_wait3A_220 = arith.constant 0 : i32
        %dma_wait3A_221 = arith.constant 0 : i32
        %dma_wait3A_222 = tpu.memref_slice %arg8[%run_scoped3A_162, %dma_wait3A_220, %dma_wait3A_221] : memref<2x80x128xf32, #tpu.memory_space<vmem>> -> memref<1x80x128xf32, #tpu.memory_space<vmem>>
        %dma_wait3A_223 = tpu.memref_squeeze %dma_wait3A_222 : memref<1x80x128xf32, #tpu.memory_space<vmem>> -> memref<80x128xf32, #tpu.memory_space<vmem>>
        tpu.wait_dma2 semaphore(%run_scoped3A_195 : memref<!tpu.dma_semaphore, #tpu.memory_space<semaphore_mem>>) src(%dma_wait3A_223 : memref<80x128xf32, #tpu.memory_space<vmem>>) dst(%dma_wait3A_219 : memref<80x128xf32, #tpu.memory_space<hbm>>)
        tpu.yield
      }) : () -> ()
      %add3A_163 = arith.constant 400 : i32
      %add3A_164 = arith.addi %mul3A_7, %add3A_163 : i32
      %run_scoped3A_165 = arith.constant 0 : i32
      "tpu.region"() ({
        %run_scoped3A_195 = tpu.sem_alloc : memref<!tpu.dma_semaphore, #tpu.memory_space<semaphore_mem>>
        %dma_start3A_196 = arith.constant 0 : i32
        %dma_start3A_197 = arith.constant 0 : i32
        %dma_start3A_198 = tpu.memref_slice %arg8[%run_scoped3A_165, %dma_start3A_196, %dma_start3A_197] : memref<2x80x128xf32, #tpu.memory_space<vmem>> -> memref<1x80x128xf32, #tpu.memory_space<vmem>>
        %dma_start3A_199 = tpu.memref_squeeze %dma_start3A_198 : memref<1x80x128xf32, #tpu.memory_space<vmem>> -> memref<80x128xf32, #tpu.memory_space<vmem>>
        %dma_start3A_200 = arith.constant 0 : i32
        %dma_start3A_201 = tpu.memref_slice %arg22[%add3A_164, %dma_start3A_200] : memref<10000x128xf32, #tpu.memory_space<vmem_shared>> -> memref<80x128xf32, #tpu.memory_space<vmem_shared>>
        %dma_start3A_202 = arith.constant 0 : i32
        %dma_start3A_203 = arith.constant 0 : i32
        %dma_start3A_204 = tpu.memref_slice %arg8[%run_scoped3A_165, %dma_start3A_202, %dma_start3A_203] : memref<2x80x128xf32, #tpu.memory_space<vmem>> -> memref<1x80x128xf32, #tpu.memory_space<vmem>>
        %dma_start3A_205 = tpu.memref_squeeze %dma_start3A_204 : memref<1x80x128xf32, #tpu.memory_space<vmem>> -> memref<80x128xf32, #tpu.memory_space<vmem>>
        %dma_start3A_206 = arith.constant 0 : i32
        %dma_start3A_207 = tpu.memref_slice %arg22[%add3A_164, %dma_start3A_206] : memref<10000x128xf32, #tpu.memory_space<vmem_shared>> -> memref<80x128xf32, #tpu.memory_space<vmem_shared>>
        tpu.enqueue_dma source(%dma_start3A_207 : memref<80x128xf32, #tpu.memory_space<vmem_shared>>) target(%dma_start3A_205 : memref<80x128xf32, #tpu.memory_space<vmem>>) target_semaphore(%run_scoped3A_195 : memref<!tpu.dma_semaphore, #tpu.memory_space<semaphore_mem>>)
        %dma_wait3A_208 = arith.constant 0 : i32
        %dma_wait3A_209 = arith.constant 0 : i32
        %dma_wait3A_210 = tpu.memref_slice %arg8[%run_scoped3A_165, %dma_wait3A_208, %dma_wait3A_209] : memref<2x80x128xf32, #tpu.memory_space<vmem>> -> memref<1x80x128xf32, #tpu.memory_space<vmem>>
        %dma_wait3A_211 = tpu.memref_squeeze %dma_wait3A_210 : memref<1x80x128xf32, #tpu.memory_space<vmem>> -> memref<80x128xf32, #tpu.memory_space<vmem>>
        %dma_wait3A_212 = arith.constant 0 : i32
        %dma_wait3A_213 = tpu.memref_slice %arg22[%add3A_164, %dma_wait3A_212] : memref<10000x128xf32, #tpu.memory_space<vmem_shared>> -> memref<80x128xf32, #tpu.memory_space<vmem_shared>>
        %dma_wait3A_214 = arith.constant 0 : i32
        %dma_wait3A_215 = arith.constant 0 : i32
        %dma_wait3A_216 = tpu.memref_slice %arg8[%run_scoped3A_165, %dma_wait3A_214, %dma_wait3A_215] : memref<2x80x128xf32, #tpu.memory_space<vmem>> -> memref<1x80x128xf32, #tpu.memory_space<vmem>>
        %dma_wait3A_217 = tpu.memref_squeeze %dma_wait3A_216 : memref<1x80x128xf32, #tpu.memory_space<vmem>> -> memref<80x128xf32, #tpu.memory_space<vmem>>
        %dma_wait3A_218 = arith.constant 0 : i32
        %dma_wait3A_219 = tpu.memref_slice %arg22[%add3A_164, %dma_wait3A_218] : memref<10000x128xf32, #tpu.memory_space<vmem_shared>> -> memref<80x128xf32, #tpu.memory_space<vmem_shared>>
        tpu.wait_dma2 semaphore(%run_scoped3A_195 : memref<!tpu.dma_semaphore, #tpu.memory_space<semaphore_mem>>) src(%dma_wait3A_219 : memref<80x128xf32, #tpu.memory_space<vmem_shared>>) dst(%dma_wait3A_217 : memref<80x128xf32, #tpu.memory_space<vmem>>)
        tpu.yield
      }) : () -> ()
      %run_scoped3A_166 = arith.constant 0 : i32
      "tpu.region"() ({
        %run_scoped3A_195 = tpu.sem_alloc : memref<!tpu.dma_semaphore, #tpu.memory_space<semaphore_mem>>
        %dma_start3A_196 = arith.constant 0 : i32
        %dma_start3A_197 = arith.constant 0 : i32
        %dma_start3A_198 = tpu.memref_slice %arg8[%run_scoped3A_166, %dma_start3A_196, %dma_start3A_197] : memref<2x80x128xf32, #tpu.memory_space<vmem>> -> memref<1x80x128xf32, #tpu.memory_space<vmem>>
        %dma_start3A_199 = tpu.memref_squeeze %dma_start3A_198 : memref<1x80x128xf32, #tpu.memory_space<vmem>> -> memref<80x128xf32, #tpu.memory_space<vmem>>
        %dma_start3A_200 = arith.constant 0 : i32
        %dma_start3A_201 = tpu.memref_slice %arg7[%arg0, %add3A_164, %dma_start3A_200] : memref<2x10000x128xf32, #tpu.memory_space<hbm>> -> memref<1x80x128xf32, #tpu.memory_space<hbm>>
        %dma_start3A_202 = tpu.memref_squeeze %dma_start3A_201 : memref<1x80x128xf32, #tpu.memory_space<hbm>> -> memref<80x128xf32, #tpu.memory_space<hbm>>
        %dma_start3A_203 = arith.constant 0 : i32
        %dma_start3A_204 = tpu.memref_slice %arg7[%arg0, %add3A_164, %dma_start3A_203] : memref<2x10000x128xf32, #tpu.memory_space<hbm>> -> memref<1x80x128xf32, #tpu.memory_space<hbm>>
        %dma_start3A_205 = tpu.memref_squeeze %dma_start3A_204 : memref<1x80x128xf32, #tpu.memory_space<hbm>> -> memref<80x128xf32, #tpu.memory_space<hbm>>
        %dma_start3A_206 = arith.constant 0 : i32
        %dma_start3A_207 = arith.constant 0 : i32
        %dma_start3A_208 = tpu.memref_slice %arg8[%run_scoped3A_166, %dma_start3A_206, %dma_start3A_207] : memref<2x80x128xf32, #tpu.memory_space<vmem>> -> memref<1x80x128xf32, #tpu.memory_space<vmem>>
        %dma_start3A_209 = tpu.memref_squeeze %dma_start3A_208 : memref<1x80x128xf32, #tpu.memory_space<vmem>> -> memref<80x128xf32, #tpu.memory_space<vmem>>
        tpu.enqueue_dma source(%dma_start3A_209 : memref<80x128xf32, #tpu.memory_space<vmem>>) target(%dma_start3A_205 : memref<80x128xf32, #tpu.memory_space<hbm>>) target_semaphore(%run_scoped3A_195 : memref<!tpu.dma_semaphore, #tpu.memory_space<semaphore_mem>>)
        %dma_wait3A_210 = arith.constant 0 : i32
        %dma_wait3A_211 = arith.constant 0 : i32
        %dma_wait3A_212 = tpu.memref_slice %arg8[%run_scoped3A_166, %dma_wait3A_210, %dma_wait3A_211] : memref<2x80x128xf32, #tpu.memory_space<vmem>> -> memref<1x80x128xf32, #tpu.memory_space<vmem>>
        %dma_wait3A_213 = tpu.memref_squeeze %dma_wait3A_212 : memref<1x80x128xf32, #tpu.memory_space<vmem>> -> memref<80x128xf32, #tpu.memory_space<vmem>>
        %dma_wait3A_214 = arith.constant 0 : i32
        %dma_wait3A_215 = tpu.memref_slice %arg7[%arg0, %add3A_164, %dma_wait3A_214] : memref<2x10000x128xf32, #tpu.memory_space<hbm>> -> memref<1x80x128xf32, #tpu.memory_space<hbm>>
        %dma_wait3A_216 = tpu.memref_squeeze %dma_wait3A_215 : memref<1x80x128xf32, #tpu.memory_space<hbm>> -> memref<80x128xf32, #tpu.memory_space<hbm>>
        %dma_wait3A_217 = arith.constant 0 : i32
        %dma_wait3A_218 = tpu.memref_slice %arg7[%arg0, %add3A_164, %dma_wait3A_217] : memref<2x10000x128xf32, #tpu.memory_space<hbm>> -> memref<1x80x128xf32, #tpu.memory_space<hbm>>
        %dma_wait3A_219 = tpu.memref_squeeze %dma_wait3A_218 : memref<1x80x128xf32, #tpu.memory_space<hbm>> -> memref<80x128xf32, #tpu.memory_space<hbm>>
        %dma_wait3A_220 = arith.constant 0 : i32
        %dma_wait3A_221 = arith.constant 0 : i32
        %dma_wait3A_222 = tpu.memref_slice %arg8[%run_scoped3A_166, %dma_wait3A_220, %dma_wait3A_221] : memref<2x80x128xf32, #tpu.memory_space<vmem>> -> memref<1x80x128xf32, #tpu.memory_space<vmem>>
        %dma_wait3A_223 = tpu.memref_squeeze %dma_wait3A_222 : memref<1x80x128xf32, #tpu.memory_space<vmem>> -> memref<80x128xf32, #tpu.memory_space<vmem>>
        tpu.wait_dma2 semaphore(%run_scoped3A_195 : memref<!tpu.dma_semaphore, #tpu.memory_space<semaphore_mem>>) src(%dma_wait3A_223 : memref<80x128xf32, #tpu.memory_space<vmem>>) dst(%dma_wait3A_219 : memref<80x128xf32, #tpu.memory_space<hbm>>)
        tpu.yield
      }) : () -> ()
      %add3A_167 = arith.constant 480 : i32
      %add3A_168 = arith.addi %mul3A_7, %add3A_167 : i32
      %run_scoped3A_169 = arith.constant 0 : i32
      "tpu.region"() ({
        %run_scoped3A_195 = tpu.sem_alloc : memref<!tpu.dma_semaphore, #tpu.memory_space<semaphore_mem>>
        %dma_start3A_196 = arith.constant 0 : i32
        %dma_start3A_197 = arith.constant 0 : i32
        %dma_start3A_198 = tpu.memref_slice %arg8[%run_scoped3A_169, %dma_start3A_196, %dma_start3A_197] : memref<2x80x128xf32, #tpu.memory_space<vmem>> -> memref<1x80x128xf32, #tpu.memory_space<vmem>>
        %dma_start3A_199 = tpu.memref_squeeze %dma_start3A_198 : memref<1x80x128xf32, #tpu.memory_space<vmem>> -> memref<80x128xf32, #tpu.memory_space<vmem>>
        %dma_start3A_200 = arith.constant 0 : i32
        %dma_start3A_201 = tpu.memref_slice %arg22[%add3A_168, %dma_start3A_200] : memref<10000x128xf32, #tpu.memory_space<vmem_shared>> -> memref<80x128xf32, #tpu.memory_space<vmem_shared>>
        %dma_start3A_202 = arith.constant 0 : i32
        %dma_start3A_203 = arith.constant 0 : i32
        %dma_start3A_204 = tpu.memref_slice %arg8[%run_scoped3A_169, %dma_start3A_202, %dma_start3A_203] : memref<2x80x128xf32, #tpu.memory_space<vmem>> -> memref<1x80x128xf32, #tpu.memory_space<vmem>>
        %dma_start3A_205 = tpu.memref_squeeze %dma_start3A_204 : memref<1x80x128xf32, #tpu.memory_space<vmem>> -> memref<80x128xf32, #tpu.memory_space<vmem>>
        %dma_start3A_206 = arith.constant 0 : i32
        %dma_start3A_207 = tpu.memref_slice %arg22[%add3A_168, %dma_start3A_206] : memref<10000x128xf32, #tpu.memory_space<vmem_shared>> -> memref<80x128xf32, #tpu.memory_space<vmem_shared>>
        tpu.enqueue_dma source(%dma_start3A_207 : memref<80x128xf32, #tpu.memory_space<vmem_shared>>) target(%dma_start3A_205 : memref<80x128xf32, #tpu.memory_space<vmem>>) target_semaphore(%run_scoped3A_195 : memref<!tpu.dma_semaphore, #tpu.memory_space<semaphore_mem>>)
        %dma_wait3A_208 = arith.constant 0 : i32
        %dma_wait3A_209 = arith.constant 0 : i32
        %dma_wait3A_210 = tpu.memref_slice %arg8[%run_scoped3A_169, %dma_wait3A_208, %dma_wait3A_209] : memref<2x80x128xf32, #tpu.memory_space<vmem>> -> memref<1x80x128xf32, #tpu.memory_space<vmem>>
        %dma_wait3A_211 = tpu.memref_squeeze %dma_wait3A_210 : memref<1x80x128xf32, #tpu.memory_space<vmem>> -> memref<80x128xf32, #tpu.memory_space<vmem>>
        %dma_wait3A_212 = arith.constant 0 : i32
        %dma_wait3A_213 = tpu.memref_slice %arg22[%add3A_168, %dma_wait3A_212] : memref<10000x128xf32, #tpu.memory_space<vmem_shared>> -> memref<80x128xf32, #tpu.memory_space<vmem_shared>>
        %dma_wait3A_214 = arith.constant 0 : i32
        %dma_wait3A_215 = arith.constant 0 : i32
        %dma_wait3A_216 = tpu.memref_slice %arg8[%run_scoped3A_169, %dma_wait3A_214, %dma_wait3A_215] : memref<2x80x128xf32, #tpu.memory_space<vmem>> -> memref<1x80x128xf32, #tpu.memory_space<vmem>>
        %dma_wait3A_217 = tpu.memref_squeeze %dma_wait3A_216 : memref<1x80x128xf32, #tpu.memory_space<vmem>> -> memref<80x128xf32, #tpu.memory_space<vmem>>
        %dma_wait3A_218 = arith.constant 0 : i32
        %dma_wait3A_219 = tpu.memref_slice %arg22[%add3A_168, %dma_wait3A_218] : memref<10000x128xf32, #tpu.memory_space<vmem_shared>> -> memref<80x128xf32, #tpu.memory_space<vmem_shared>>
        tpu.wait_dma2 semaphore(%run_scoped3A_195 : memref<!tpu.dma_semaphore, #tpu.memory_space<semaphore_mem>>) src(%dma_wait3A_219 : memref<80x128xf32, #tpu.memory_space<vmem_shared>>) dst(%dma_wait3A_217 : memref<80x128xf32, #tpu.memory_space<vmem>>)
        tpu.yield
      }) : () -> ()
      %run_scoped3A_170 = arith.constant 0 : i32
      "tpu.region"() ({
        %run_scoped3A_195 = tpu.sem_alloc : memref<!tpu.dma_semaphore, #tpu.memory_space<semaphore_mem>>
        %dma_start3A_196 = arith.constant 0 : i32
        %dma_start3A_197 = arith.constant 0 : i32
        %dma_start3A_198 = tpu.memref_slice %arg8[%run_scoped3A_170, %dma_start3A_196, %dma_start3A_197] : memref<2x80x128xf32, #tpu.memory_space<vmem>> -> memref<1x80x128xf32, #tpu.memory_space<vmem>>
        %dma_start3A_199 = tpu.memref_squeeze %dma_start3A_198 : memref<1x80x128xf32, #tpu.memory_space<vmem>> -> memref<80x128xf32, #tpu.memory_space<vmem>>
        %dma_start3A_200 = arith.constant 0 : i32
        %dma_start3A_201 = tpu.memref_slice %arg7[%arg0, %add3A_168, %dma_start3A_200] : memref<2x10000x128xf32, #tpu.memory_space<hbm>> -> memref<1x80x128xf32, #tpu.memory_space<hbm>>
        %dma_start3A_202 = tpu.memref_squeeze %dma_start3A_201 : memref<1x80x128xf32, #tpu.memory_space<hbm>> -> memref<80x128xf32, #tpu.memory_space<hbm>>
        %dma_start3A_203 = arith.constant 0 : i32
        %dma_start3A_204 = tpu.memref_slice %arg7[%arg0, %add3A_168, %dma_start3A_203] : memref<2x10000x128xf32, #tpu.memory_space<hbm>> -> memref<1x80x128xf32, #tpu.memory_space<hbm>>
        %dma_start3A_205 = tpu.memref_squeeze %dma_start3A_204 : memref<1x80x128xf32, #tpu.memory_space<hbm>> -> memref<80x128xf32, #tpu.memory_space<hbm>>
        %dma_start3A_206 = arith.constant 0 : i32
        %dma_start3A_207 = arith.constant 0 : i32
        %dma_start3A_208 = tpu.memref_slice %arg8[%run_scoped3A_170, %dma_start3A_206, %dma_start3A_207] : memref<2x80x128xf32, #tpu.memory_space<vmem>> -> memref<1x80x128xf32, #tpu.memory_space<vmem>>
        %dma_start3A_209 = tpu.memref_squeeze %dma_start3A_208 : memref<1x80x128xf32, #tpu.memory_space<vmem>> -> memref<80x128xf32, #tpu.memory_space<vmem>>
        tpu.enqueue_dma source(%dma_start3A_209 : memref<80x128xf32, #tpu.memory_space<vmem>>) target(%dma_start3A_205 : memref<80x128xf32, #tpu.memory_space<hbm>>) target_semaphore(%run_scoped3A_195 : memref<!tpu.dma_semaphore, #tpu.memory_space<semaphore_mem>>)
        %dma_wait3A_210 = arith.constant 0 : i32
        %dma_wait3A_211 = arith.constant 0 : i32
        %dma_wait3A_212 = tpu.memref_slice %arg8[%run_scoped3A_170, %dma_wait3A_210, %dma_wait3A_211] : memref<2x80x128xf32, #tpu.memory_space<vmem>> -> memref<1x80x128xf32, #tpu.memory_space<vmem>>
        %dma_wait3A_213 = tpu.memref_squeeze %dma_wait3A_212 : memref<1x80x128xf32, #tpu.memory_space<vmem>> -> memref<80x128xf32, #tpu.memory_space<vmem>>
        %dma_wait3A_214 = arith.constant 0 : i32
        %dma_wait3A_215 = tpu.memref_slice %arg7[%arg0, %add3A_168, %dma_wait3A_214] : memref<2x10000x128xf32, #tpu.memory_space<hbm>> -> memref<1x80x128xf32, #tpu.memory_space<hbm>>
        %dma_wait3A_216 = tpu.memref_squeeze %dma_wait3A_215 : memref<1x80x128xf32, #tpu.memory_space<hbm>> -> memref<80x128xf32, #tpu.memory_space<hbm>>
        %dma_wait3A_217 = arith.constant 0 : i32
        %dma_wait3A_218 = tpu.memref_slice %arg7[%arg0, %add3A_168, %dma_wait3A_217] : memref<2x10000x128xf32, #tpu.memory_space<hbm>> -> memref<1x80x128xf32, #tpu.memory_space<hbm>>
        %dma_wait3A_219 = tpu.memref_squeeze %dma_wait3A_218 : memref<1x80x128xf32, #tpu.memory_space<hbm>> -> memref<80x128xf32, #tpu.memory_space<hbm>>
        %dma_wait3A_220 = arith.constant 0 : i32
        %dma_wait3A_221 = arith.constant 0 : i32
        %dma_wait3A_222 = tpu.memref_slice %arg8[%run_scoped3A_170, %dma_wait3A_220, %dma_wait3A_221] : memref<2x80x128xf32, #tpu.memory_space<vmem>> -> memref<1x80x128xf32, #tpu.memory_space<vmem>>
        %dma_wait3A_223 = tpu.memref_squeeze %dma_wait3A_222 : memref<1x80x128xf32, #tpu.memory_space<vmem>> -> memref<80x128xf32, #tpu.memory_space<vmem>>
        tpu.wait_dma2 semaphore(%run_scoped3A_195 : memref<!tpu.dma_semaphore, #tpu.memory_space<semaphore_mem>>) src(%dma_wait3A_223 : memref<80x128xf32, #tpu.memory_space<vmem>>) dst(%dma_wait3A_219 : memref<80x128xf32, #tpu.memory_space<hbm>>)
        tpu.yield
      }) : () -> ()
      %add3A_171 = arith.constant 560 : i32
      %add3A_172 = arith.addi %mul3A_7, %add3A_171 : i32
      %run_scoped3A_173 = arith.constant 0 : i32
      "tpu.region"() ({
        %run_scoped3A_195 = tpu.sem_alloc : memref<!tpu.dma_semaphore, #tpu.memory_space<semaphore_mem>>
        %dma_start3A_196 = arith.constant 0 : i32
        %dma_start3A_197 = arith.constant 0 : i32
        %dma_start3A_198 = tpu.memref_slice %arg8[%run_scoped3A_173, %dma_start3A_196, %dma_start3A_197] : memref<2x80x128xf32, #tpu.memory_space<vmem>> -> memref<1x80x128xf32, #tpu.memory_space<vmem>>
        %dma_start3A_199 = tpu.memref_squeeze %dma_start3A_198 : memref<1x80x128xf32, #tpu.memory_space<vmem>> -> memref<80x128xf32, #tpu.memory_space<vmem>>
        %dma_start3A_200 = arith.constant 0 : i32
        %dma_start3A_201 = tpu.memref_slice %arg22[%add3A_172, %dma_start3A_200] : memref<10000x128xf32, #tpu.memory_space<vmem_shared>> -> memref<80x128xf32, #tpu.memory_space<vmem_shared>>
        %dma_start3A_202 = arith.constant 0 : i32
        %dma_start3A_203 = arith.constant 0 : i32
        %dma_start3A_204 = tpu.memref_slice %arg8[%run_scoped3A_173, %dma_start3A_202, %dma_start3A_203] : memref<2x80x128xf32, #tpu.memory_space<vmem>> -> memref<1x80x128xf32, #tpu.memory_space<vmem>>
        %dma_start3A_205 = tpu.memref_squeeze %dma_start3A_204 : memref<1x80x128xf32, #tpu.memory_space<vmem>> -> memref<80x128xf32, #tpu.memory_space<vmem>>
        %dma_start3A_206 = arith.constant 0 : i32
        %dma_start3A_207 = tpu.memref_slice %arg22[%add3A_172, %dma_start3A_206] : memref<10000x128xf32, #tpu.memory_space<vmem_shared>> -> memref<80x128xf32, #tpu.memory_space<vmem_shared>>
        tpu.enqueue_dma source(%dma_start3A_207 : memref<80x128xf32, #tpu.memory_space<vmem_shared>>) target(%dma_start3A_205 : memref<80x128xf32, #tpu.memory_space<vmem>>) target_semaphore(%run_scoped3A_195 : memref<!tpu.dma_semaphore, #tpu.memory_space<semaphore_mem>>)
        %dma_wait3A_208 = arith.constant 0 : i32
        %dma_wait3A_209 = arith.constant 0 : i32
        %dma_wait3A_210 = tpu.memref_slice %arg8[%run_scoped3A_173, %dma_wait3A_208, %dma_wait3A_209] : memref<2x80x128xf32, #tpu.memory_space<vmem>> -> memref<1x80x128xf32, #tpu.memory_space<vmem>>
        %dma_wait3A_211 = tpu.memref_squeeze %dma_wait3A_210 : memref<1x80x128xf32, #tpu.memory_space<vmem>> -> memref<80x128xf32, #tpu.memory_space<vmem>>
        %dma_wait3A_212 = arith.constant 0 : i32
        %dma_wait3A_213 = tpu.memref_slice %arg22[%add3A_172, %dma_wait3A_212] : memref<10000x128xf32, #tpu.memory_space<vmem_shared>> -> memref<80x128xf32, #tpu.memory_space<vmem_shared>>
        %dma_wait3A_214 = arith.constant 0 : i32
        %dma_wait3A_215 = arith.constant 0 : i32
        %dma_wait3A_216 = tpu.memref_slice %arg8[%run_scoped3A_173, %dma_wait3A_214, %dma_wait3A_215] : memref<2x80x128xf32, #tpu.memory_space<vmem>> -> memref<1x80x128xf32, #tpu.memory_space<vmem>>
        %dma_wait3A_217 = tpu.memref_squeeze %dma_wait3A_216 : memref<1x80x128xf32, #tpu.memory_space<vmem>> -> memref<80x128xf32, #tpu.memory_space<vmem>>
        %dma_wait3A_218 = arith.constant 0 : i32
        %dma_wait3A_219 = tpu.memref_slice %arg22[%add3A_172, %dma_wait3A_218] : memref<10000x128xf32, #tpu.memory_space<vmem_shared>> -> memref<80x128xf32, #tpu.memory_space<vmem_shared>>
        tpu.wait_dma2 semaphore(%run_scoped3A_195 : memref<!tpu.dma_semaphore, #tpu.memory_space<semaphore_mem>>) src(%dma_wait3A_219 : memref<80x128xf32, #tpu.memory_space<vmem_shared>>) dst(%dma_wait3A_217 : memref<80x128xf32, #tpu.memory_space<vmem>>)
        tpu.yield
      }) : () -> ()
      %run_scoped3A_174 = arith.constant 0 : i32
      "tpu.region"() ({
        %run_scoped3A_195 = tpu.sem_alloc : memref<!tpu.dma_semaphore, #tpu.memory_space<semaphore_mem>>
        %dma_start3A_196 = arith.constant 0 : i32
        %dma_start3A_197 = arith.constant 0 : i32
        %dma_start3A_198 = tpu.memref_slice %arg8[%run_scoped3A_174, %dma_start3A_196, %dma_start3A_197] : memref<2x80x128xf32, #tpu.memory_space<vmem>> -> memref<1x80x128xf32, #tpu.memory_space<vmem>>
        %dma_start3A_199 = tpu.memref_squeeze %dma_start3A_198 : memref<1x80x128xf32, #tpu.memory_space<vmem>> -> memref<80x128xf32, #tpu.memory_space<vmem>>
        %dma_start3A_200 = arith.constant 0 : i32
        %dma_start3A_201 = tpu.memref_slice %arg7[%arg0, %add3A_172, %dma_start3A_200] : memref<2x10000x128xf32, #tpu.memory_space<hbm>> -> memref<1x80x128xf32, #tpu.memory_space<hbm>>
        %dma_start3A_202 = tpu.memref_squeeze %dma_start3A_201 : memref<1x80x128xf32, #tpu.memory_space<hbm>> -> memref<80x128xf32, #tpu.memory_space<hbm>>
        %dma_start3A_203 = arith.constant 0 : i32
        %dma_start3A_204 = tpu.memref_slice %arg7[%arg0, %add3A_172, %dma_start3A_203] : memref<2x10000x128xf32, #tpu.memory_space<hbm>> -> memref<1x80x128xf32, #tpu.memory_space<hbm>>
        %dma_start3A_205 = tpu.memref_squeeze %dma_start3A_204 : memref<1x80x128xf32, #tpu.memory_space<hbm>> -> memref<80x128xf32, #tpu.memory_space<hbm>>
        %dma_start3A_206 = arith.constant 0 : i32
        %dma_start3A_207 = arith.constant 0 : i32
        %dma_start3A_208 = tpu.memref_slice %arg8[%run_scoped3A_174, %dma_start3A_206, %dma_start3A_207] : memref<2x80x128xf32, #tpu.memory_space<vmem>> -> memref<1x80x128xf32, #tpu.memory_space<vmem>>
        %dma_start3A_209 = tpu.memref_squeeze %dma_start3A_208 : memref<1x80x128xf32, #tpu.memory_space<vmem>> -> memref<80x128xf32, #tpu.memory_space<vmem>>
        tpu.enqueue_dma source(%dma_start3A_209 : memref<80x128xf32, #tpu.memory_space<vmem>>) target(%dma_start3A_205 : memref<80x128xf32, #tpu.memory_space<hbm>>) target_semaphore(%run_scoped3A_195 : memref<!tpu.dma_semaphore, #tpu.memory_space<semaphore_mem>>)
        %dma_wait3A_210 = arith.constant 0 : i32
        %dma_wait3A_211 = arith.constant 0 : i32
        %dma_wait3A_212 = tpu.memref_slice %arg8[%run_scoped3A_174, %dma_wait3A_210, %dma_wait3A_211] : memref<2x80x128xf32, #tpu.memory_space<vmem>> -> memref<1x80x128xf32, #tpu.memory_space<vmem>>
        %dma_wait3A_213 = tpu.memref_squeeze %dma_wait3A_212 : memref<1x80x128xf32, #tpu.memory_space<vmem>> -> memref<80x128xf32, #tpu.memory_space<vmem>>
        %dma_wait3A_214 = arith.constant 0 : i32
        %dma_wait3A_215 = tpu.memref_slice %arg7[%arg0, %add3A_172, %dma_wait3A_214] : memref<2x10000x128xf32, #tpu.memory_space<hbm>> -> memref<1x80x128xf32, #tpu.memory_space<hbm>>
        %dma_wait3A_216 = tpu.memref_squeeze %dma_wait3A_215 : memref<1x80x128xf32, #tpu.memory_space<hbm>> -> memref<80x128xf32, #tpu.memory_space<hbm>>
        %dma_wait3A_217 = arith.constant 0 : i32
        %dma_wait3A_218 = tpu.memref_slice %arg7[%arg0, %add3A_172, %dma_wait3A_217] : memref<2x10000x128xf32, #tpu.memory_space<hbm>> -> memref<1x80x128xf32, #tpu.memory_space<hbm>>
        %dma_wait3A_219 = tpu.memref_squeeze %dma_wait3A_218 : memref<1x80x128xf32, #tpu.memory_space<hbm>> -> memref<80x128xf32, #tpu.memory_space<hbm>>
        %dma_wait3A_220 = arith.constant 0 : i32
        %dma_wait3A_221 = arith.constant 0 : i32
        %dma_wait3A_222 = tpu.memref_slice %arg8[%run_scoped3A_174, %dma_wait3A_220, %dma_wait3A_221] : memref<2x80x128xf32, #tpu.memory_space<vmem>> -> memref<1x80x128xf32, #tpu.memory_space<vmem>>
        %dma_wait3A_223 = tpu.memref_squeeze %dma_wait3A_222 : memref<1x80x128xf32, #tpu.memory_space<vmem>> -> memref<80x128xf32, #tpu.memory_space<vmem>>
        tpu.wait_dma2 semaphore(%run_scoped3A_195 : memref<!tpu.dma_semaphore, #tpu.memory_space<semaphore_mem>>) src(%dma_wait3A_223 : memref<80x128xf32, #tpu.memory_space<vmem>>) dst(%dma_wait3A_219 : memref<80x128xf32, #tpu.memory_space<hbm>>)
        tpu.yield
      }) : () -> ()
      %add3A_175 = arith.constant 640 : i32
      %add3A_176 = arith.addi %mul3A_7, %add3A_175 : i32
      %run_scoped3A_177 = arith.constant 0 : i32
      "tpu.region"() ({
        %run_scoped3A_195 = tpu.sem_alloc : memref<!tpu.dma_semaphore, #tpu.memory_space<semaphore_mem>>
        %dma_start3A_196 = arith.constant 0 : i32
        %dma_start3A_197 = arith.constant 0 : i32
        %dma_start3A_198 = tpu.memref_slice %arg8[%run_scoped3A_177, %dma_start3A_196, %dma_start3A_197] : memref<2x80x128xf32, #tpu.memory_space<vmem>> -> memref<1x80x128xf32, #tpu.memory_space<vmem>>
        %dma_start3A_199 = tpu.memref_squeeze %dma_start3A_198 : memref<1x80x128xf32, #tpu.memory_space<vmem>> -> memref<80x128xf32, #tpu.memory_space<vmem>>
        %dma_start3A_200 = arith.constant 0 : i32
        %dma_start3A_201 = tpu.memref_slice %arg22[%add3A_176, %dma_start3A_200] : memref<10000x128xf32, #tpu.memory_space<vmem_shared>> -> memref<80x128xf32, #tpu.memory_space<vmem_shared>>
        %dma_start3A_202 = arith.constant 0 : i32
        %dma_start3A_203 = arith.constant 0 : i32
        %dma_start3A_204 = tpu.memref_slice %arg8[%run_scoped3A_177, %dma_start3A_202, %dma_start3A_203] : memref<2x80x128xf32, #tpu.memory_space<vmem>> -> memref<1x80x128xf32, #tpu.memory_space<vmem>>
        %dma_start3A_205 = tpu.memref_squeeze %dma_start3A_204 : memref<1x80x128xf32, #tpu.memory_space<vmem>> -> memref<80x128xf32, #tpu.memory_space<vmem>>
        %dma_start3A_206 = arith.constant 0 : i32
        %dma_start3A_207 = tpu.memref_slice %arg22[%add3A_176, %dma_start3A_206] : memref<10000x128xf32, #tpu.memory_space<vmem_shared>> -> memref<80x128xf32, #tpu.memory_space<vmem_shared>>
        tpu.enqueue_dma source(%dma_start3A_207 : memref<80x128xf32, #tpu.memory_space<vmem_shared>>) target(%dma_start3A_205 : memref<80x128xf32, #tpu.memory_space<vmem>>) target_semaphore(%run_scoped3A_195 : memref<!tpu.dma_semaphore, #tpu.memory_space<semaphore_mem>>)
        %dma_wait3A_208 = arith.constant 0 : i32
        %dma_wait3A_209 = arith.constant 0 : i32
        %dma_wait3A_210 = tpu.memref_slice %arg8[%run_scoped3A_177, %dma_wait3A_208, %dma_wait3A_209] : memref<2x80x128xf32, #tpu.memory_space<vmem>> -> memref<1x80x128xf32, #tpu.memory_space<vmem>>
        %dma_wait3A_211 = tpu.memref_squeeze %dma_wait3A_210 : memref<1x80x128xf32, #tpu.memory_space<vmem>> -> memref<80x128xf32, #tpu.memory_space<vmem>>
        %dma_wait3A_212 = arith.constant 0 : i32
        %dma_wait3A_213 = tpu.memref_slice %arg22[%add3A_176, %dma_wait3A_212] : memref<10000x128xf32, #tpu.memory_space<vmem_shared>> -> memref<80x128xf32, #tpu.memory_space<vmem_shared>>
        %dma_wait3A_214 = arith.constant 0 : i32
        %dma_wait3A_215 = arith.constant 0 : i32
        %dma_wait3A_216 = tpu.memref_slice %arg8[%run_scoped3A_177, %dma_wait3A_214, %dma_wait3A_215] : memref<2x80x128xf32, #tpu.memory_space<vmem>> -> memref<1x80x128xf32, #tpu.memory_space<vmem>>
        %dma_wait3A_217 = tpu.memref_squeeze %dma_wait3A_216 : memref<1x80x128xf32, #tpu.memory_space<vmem>> -> memref<80x128xf32, #tpu.memory_space<vmem>>
        %dma_wait3A_218 = arith.constant 0 : i32
        %dma_wait3A_219 = tpu.memref_slice %arg22[%add3A_176, %dma_wait3A_218] : memref<10000x128xf32, #tpu.memory_space<vmem_shared>> -> memref<80x128xf32, #tpu.memory_space<vmem_shared>>
        tpu.wait_dma2 semaphore(%run_scoped3A_195 : memref<!tpu.dma_semaphore, #tpu.memory_space<semaphore_mem>>) src(%dma_wait3A_219 : memref<80x128xf32, #tpu.memory_space<vmem_shared>>) dst(%dma_wait3A_217 : memref<80x128xf32, #tpu.memory_space<vmem>>)
        tpu.yield
      }) : () -> ()
      %run_scoped3A_178 = arith.constant 0 : i32
      "tpu.region"() ({
        %run_scoped3A_195 = tpu.sem_alloc : memref<!tpu.dma_semaphore, #tpu.memory_space<semaphore_mem>>
        %dma_start3A_196 = arith.constant 0 : i32
        %dma_start3A_197 = arith.constant 0 : i32
        %dma_start3A_198 = tpu.memref_slice %arg8[%run_scoped3A_178, %dma_start3A_196, %dma_start3A_197] : memref<2x80x128xf32, #tpu.memory_space<vmem>> -> memref<1x80x128xf32, #tpu.memory_space<vmem>>
        %dma_start3A_199 = tpu.memref_squeeze %dma_start3A_198 : memref<1x80x128xf32, #tpu.memory_space<vmem>> -> memref<80x128xf32, #tpu.memory_space<vmem>>
        %dma_start3A_200 = arith.constant 0 : i32
        %dma_start3A_201 = tpu.memref_slice %arg7[%arg0, %add3A_176, %dma_start3A_200] : memref<2x10000x128xf32, #tpu.memory_space<hbm>> -> memref<1x80x128xf32, #tpu.memory_space<hbm>>
        %dma_start3A_202 = tpu.memref_squeeze %dma_start3A_201 : memref<1x80x128xf32, #tpu.memory_space<hbm>> -> memref<80x128xf32, #tpu.memory_space<hbm>>
        %dma_start3A_203 = arith.constant 0 : i32
        %dma_start3A_204 = tpu.memref_slice %arg7[%arg0, %add3A_176, %dma_start3A_203] : memref<2x10000x128xf32, #tpu.memory_space<hbm>> -> memref<1x80x128xf32, #tpu.memory_space<hbm>>
        %dma_start3A_205 = tpu.memref_squeeze %dma_start3A_204 : memref<1x80x128xf32, #tpu.memory_space<hbm>> -> memref<80x128xf32, #tpu.memory_space<hbm>>
        %dma_start3A_206 = arith.constant 0 : i32
        %dma_start3A_207 = arith.constant 0 : i32
        %dma_start3A_208 = tpu.memref_slice %arg8[%run_scoped3A_178, %dma_start3A_206, %dma_start3A_207] : memref<2x80x128xf32, #tpu.memory_space<vmem>> -> memref<1x80x128xf32, #tpu.memory_space<vmem>>
        %dma_start3A_209 = tpu.memref_squeeze %dma_start3A_208 : memref<1x80x128xf32, #tpu.memory_space<vmem>> -> memref<80x128xf32, #tpu.memory_space<vmem>>
        tpu.enqueue_dma source(%dma_start3A_209 : memref<80x128xf32, #tpu.memory_space<vmem>>) target(%dma_start3A_205 : memref<80x128xf32, #tpu.memory_space<hbm>>) target_semaphore(%run_scoped3A_195 : memref<!tpu.dma_semaphore, #tpu.memory_space<semaphore_mem>>)
        %dma_wait3A_210 = arith.constant 0 : i32
        %dma_wait3A_211 = arith.constant 0 : i32
        %dma_wait3A_212 = tpu.memref_slice %arg8[%run_scoped3A_178, %dma_wait3A_210, %dma_wait3A_211] : memref<2x80x128xf32, #tpu.memory_space<vmem>> -> memref<1x80x128xf32, #tpu.memory_space<vmem>>
        %dma_wait3A_213 = tpu.memref_squeeze %dma_wait3A_212 : memref<1x80x128xf32, #tpu.memory_space<vmem>> -> memref<80x128xf32, #tpu.memory_space<vmem>>
        %dma_wait3A_214 = arith.constant 0 : i32
        %dma_wait3A_215 = tpu.memref_slice %arg7[%arg0, %add3A_176, %dma_wait3A_214] : memref<2x10000x128xf32, #tpu.memory_space<hbm>> -> memref<1x80x128xf32, #tpu.memory_space<hbm>>
        %dma_wait3A_216 = tpu.memref_squeeze %dma_wait3A_215 : memref<1x80x128xf32, #tpu.memory_space<hbm>> -> memref<80x128xf32, #tpu.memory_space<hbm>>
        %dma_wait3A_217 = arith.constant 0 : i32
        %dma_wait3A_218 = tpu.memref_slice %arg7[%arg0, %add3A_176, %dma_wait3A_217] : memref<2x10000x128xf32, #tpu.memory_space<hbm>> -> memref<1x80x128xf32, #tpu.memory_space<hbm>>
        %dma_wait3A_219 = tpu.memref_squeeze %dma_wait3A_218 : memref<1x80x128xf32, #tpu.memory_space<hbm>> -> memref<80x128xf32, #tpu.memory_space<hbm>>
        %dma_wait3A_220 = arith.constant 0 : i32
        %dma_wait3A_221 = arith.constant 0 : i32
        %dma_wait3A_222 = tpu.memref_slice %arg8[%run_scoped3A_178, %dma_wait3A_220, %dma_wait3A_221] : memref<2x80x128xf32, #tpu.memory_space<vmem>> -> memref<1x80x128xf32, #tpu.memory_space<vmem>>
        %dma_wait3A_223 = tpu.memref_squeeze %dma_wait3A_222 : memref<1x80x128xf32, #tpu.memory_space<vmem>> -> memref<80x128xf32, #tpu.memory_space<vmem>>
        tpu.wait_dma2 semaphore(%run_scoped3A_195 : memref<!tpu.dma_semaphore, #tpu.memory_space<semaphore_mem>>) src(%dma_wait3A_223 : memref<80x128xf32, #tpu.memory_space<vmem>>) dst(%dma_wait3A_219 : memref<80x128xf32, #tpu.memory_space<hbm>>)
        tpu.yield
      }) : () -> ()
      %add3A_179 = arith.constant 720 : i32
      %add3A_180 = arith.addi %mul3A_7, %add3A_179 : i32
      %run_scoped3A_181 = arith.constant 0 : i32
      "tpu.region"() ({
        %run_scoped3A_195 = tpu.sem_alloc : memref<!tpu.dma_semaphore, #tpu.memory_space<semaphore_mem>>
        %dma_start3A_196 = arith.constant 0 : i32
        %dma_start3A_197 = arith.constant 0 : i32
        %dma_start3A_198 = tpu.memref_slice %arg8[%run_scoped3A_181, %dma_start3A_196, %dma_start3A_197] : memref<2x80x128xf32, #tpu.memory_space<vmem>> -> memref<1x80x128xf32, #tpu.memory_space<vmem>>
        %dma_start3A_199 = tpu.memref_squeeze %dma_start3A_198 : memref<1x80x128xf32, #tpu.memory_space<vmem>> -> memref<80x128xf32, #tpu.memory_space<vmem>>
        %dma_start3A_200 = arith.constant 0 : i32
        %dma_start3A_201 = tpu.memref_slice %arg22[%add3A_180, %dma_start3A_200] : memref<10000x128xf32, #tpu.memory_space<vmem_shared>> -> memref<80x128xf32, #tpu.memory_space<vmem_shared>>
        %dma_start3A_202 = arith.constant 0 : i32
        %dma_start3A_203 = arith.constant 0 : i32
        %dma_start3A_204 = tpu.memref_slice %arg8[%run_scoped3A_181, %dma_start3A_202, %dma_start3A_203] : memref<2x80x128xf32, #tpu.memory_space<vmem>> -> memref<1x80x128xf32, #tpu.memory_space<vmem>>
        %dma_start3A_205 = tpu.memref_squeeze %dma_start3A_204 : memref<1x80x128xf32, #tpu.memory_space<vmem>> -> memref<80x128xf32, #tpu.memory_space<vmem>>
        %dma_start3A_206 = arith.constant 0 : i32
        %dma_start3A_207 = tpu.memref_slice %arg22[%add3A_180, %dma_start3A_206] : memref<10000x128xf32, #tpu.memory_space<vmem_shared>> -> memref<80x128xf32, #tpu.memory_space<vmem_shared>>
        tpu.enqueue_dma source(%dma_start3A_207 : memref<80x128xf32, #tpu.memory_space<vmem_shared>>) target(%dma_start3A_205 : memref<80x128xf32, #tpu.memory_space<vmem>>) target_semaphore(%run_scoped3A_195 : memref<!tpu.dma_semaphore, #tpu.memory_space<semaphore_mem>>)
        %dma_wait3A_208 = arith.constant 0 : i32
        %dma_wait3A_209 = arith.constant 0 : i32
        %dma_wait3A_210 = tpu.memref_slice %arg8[%run_scoped3A_181, %dma_wait3A_208, %dma_wait3A_209] : memref<2x80x128xf32, #tpu.memory_space<vmem>> -> memref<1x80x128xf32, #tpu.memory_space<vmem>>
        %dma_wait3A_211 = tpu.memref_squeeze %dma_wait3A_210 : memref<1x80x128xf32, #tpu.memory_space<vmem>> -> memref<80x128xf32, #tpu.memory_space<vmem>>
        %dma_wait3A_212 = arith.constant 0 : i32
        %dma_wait3A_213 = tpu.memref_slice %arg22[%add3A_180, %dma_wait3A_212] : memref<10000x128xf32, #tpu.memory_space<vmem_shared>> -> memref<80x128xf32, #tpu.memory_space<vmem_shared>>
        %dma_wait3A_214 = arith.constant 0 : i32
        %dma_wait3A_215 = arith.constant 0 : i32
        %dma_wait3A_216 = tpu.memref_slice %arg8[%run_scoped3A_181, %dma_wait3A_214, %dma_wait3A_215] : memref<2x80x128xf32, #tpu.memory_space<vmem>> -> memref<1x80x128xf32, #tpu.memory_space<vmem>>
        %dma_wait3A_217 = tpu.memref_squeeze %dma_wait3A_216 : memref<1x80x128xf32, #tpu.memory_space<vmem>> -> memref<80x128xf32, #tpu.memory_space<vmem>>
        %dma_wait3A_218 = arith.constant 0 : i32
        %dma_wait3A_219 = tpu.memref_slice %arg22[%add3A_180, %dma_wait3A_218] : memref<10000x128xf32, #tpu.memory_space<vmem_shared>> -> memref<80x128xf32, #tpu.memory_space<vmem_shared>>
        tpu.wait_dma2 semaphore(%run_scoped3A_195 : memref<!tpu.dma_semaphore, #tpu.memory_space<semaphore_mem>>) src(%dma_wait3A_219 : memref<80x128xf32, #tpu.memory_space<vmem_shared>>) dst(%dma_wait3A_217 : memref<80x128xf32, #tpu.memory_space<vmem>>)
        tpu.yield
      }) : () -> ()
      %run_scoped3A_182 = arith.constant 0 : i32
      "tpu.region"() ({
        %run_scoped3A_195 = tpu.sem_alloc : memref<!tpu.dma_semaphore, #tpu.memory_space<semaphore_mem>>
        %dma_start3A_196 = arith.constant 0 : i32
        %dma_start3A_197 = arith.constant 0 : i32
        %dma_start3A_198 = tpu.memref_slice %arg8[%run_scoped3A_182, %dma_start3A_196, %dma_start3A_197] : memref<2x80x128xf32, #tpu.memory_space<vmem>> -> memref<1x80x128xf32, #tpu.memory_space<vmem>>
        %dma_start3A_199 = tpu.memref_squeeze %dma_start3A_198 : memref<1x80x128xf32, #tpu.memory_space<vmem>> -> memref<80x128xf32, #tpu.memory_space<vmem>>
        %dma_start3A_200 = arith.constant 0 : i32
        %dma_start3A_201 = tpu.memref_slice %arg7[%arg0, %add3A_180, %dma_start3A_200] : memref<2x10000x128xf32, #tpu.memory_space<hbm>> -> memref<1x80x128xf32, #tpu.memory_space<hbm>>
        %dma_start3A_202 = tpu.memref_squeeze %dma_start3A_201 : memref<1x80x128xf32, #tpu.memory_space<hbm>> -> memref<80x128xf32, #tpu.memory_space<hbm>>
        %dma_start3A_203 = arith.constant 0 : i32
        %dma_start3A_204 = tpu.memref_slice %arg7[%arg0, %add3A_180, %dma_start3A_203] : memref<2x10000x128xf32, #tpu.memory_space<hbm>> -> memref<1x80x128xf32, #tpu.memory_space<hbm>>
        %dma_start3A_205 = tpu.memref_squeeze %dma_start3A_204 : memref<1x80x128xf32, #tpu.memory_space<hbm>> -> memref<80x128xf32, #tpu.memory_space<hbm>>
        %dma_start3A_206 = arith.constant 0 : i32
        %dma_start3A_207 = arith.constant 0 : i32
        %dma_start3A_208 = tpu.memref_slice %arg8[%run_scoped3A_182, %dma_start3A_206, %dma_start3A_207] : memref<2x80x128xf32, #tpu.memory_space<vmem>> -> memref<1x80x128xf32, #tpu.memory_space<vmem>>
        %dma_start3A_209 = tpu.memref_squeeze %dma_start3A_208 : memref<1x80x128xf32, #tpu.memory_space<vmem>> -> memref<80x128xf32, #tpu.memory_space<vmem>>
        tpu.enqueue_dma source(%dma_start3A_209 : memref<80x128xf32, #tpu.memory_space<vmem>>) target(%dma_start3A_205 : memref<80x128xf32, #tpu.memory_space<hbm>>) target_semaphore(%run_scoped3A_195 : memref<!tpu.dma_semaphore, #tpu.memory_space<semaphore_mem>>)
        %dma_wait3A_210 = arith.constant 0 : i32
        %dma_wait3A_211 = arith.constant 0 : i32
        %dma_wait3A_212 = tpu.memref_slice %arg8[%run_scoped3A_182, %dma_wait3A_210, %dma_wait3A_211] : memref<2x80x128xf32, #tpu.memory_space<vmem>> -> memref<1x80x128xf32, #tpu.memory_space<vmem>>
        %dma_wait3A_213 = tpu.memref_squeeze %dma_wait3A_212 : memref<1x80x128xf32, #tpu.memory_space<vmem>> -> memref<80x128xf32, #tpu.memory_space<vmem>>
        %dma_wait3A_214 = arith.constant 0 : i32
        %dma_wait3A_215 = tpu.memref_slice %arg7[%arg0, %add3A_180, %dma_wait3A_214] : memref<2x10000x128xf32, #tpu.memory_space<hbm>> -> memref<1x80x128xf32, #tpu.memory_space<hbm>>
        %dma_wait3A_216 = tpu.memref_squeeze %dma_wait3A_215 : memref<1x80x128xf32, #tpu.memory_space<hbm>> -> memref<80x128xf32, #tpu.memory_space<hbm>>
        %dma_wait3A_217 = arith.constant 0 : i32
        %dma_wait3A_218 = tpu.memref_slice %arg7[%arg0, %add3A_180, %dma_wait3A_217] : memref<2x10000x128xf32, #tpu.memory_space<hbm>> -> memref<1x80x128xf32, #tpu.memory_space<hbm>>
        %dma_wait3A_219 = tpu.memref_squeeze %dma_wait3A_218 : memref<1x80x128xf32, #tpu.memory_space<hbm>> -> memref<80x128xf32, #tpu.memory_space<hbm>>
        %dma_wait3A_220 = arith.constant 0 : i32
        %dma_wait3A_221 = arith.constant 0 : i32
        %dma_wait3A_222 = tpu.memref_slice %arg8[%run_scoped3A_182, %dma_wait3A_220, %dma_wait3A_221] : memref<2x80x128xf32, #tpu.memory_space<vmem>> -> memref<1x80x128xf32, #tpu.memory_space<vmem>>
        %dma_wait3A_223 = tpu.memref_squeeze %dma_wait3A_222 : memref<1x80x128xf32, #tpu.memory_space<vmem>> -> memref<80x128xf32, #tpu.memory_space<vmem>>
        tpu.wait_dma2 semaphore(%run_scoped3A_195 : memref<!tpu.dma_semaphore, #tpu.memory_space<semaphore_mem>>) src(%dma_wait3A_223 : memref<80x128xf32, #tpu.memory_space<vmem>>) dst(%dma_wait3A_219 : memref<80x128xf32, #tpu.memory_space<hbm>>)
        tpu.yield
      }) : () -> ()
      %add3A_183 = arith.constant 800 : i32
      %add3A_184 = arith.addi %mul3A_7, %add3A_183 : i32
      %run_scoped3A_185 = arith.constant 0 : i32
      "tpu.region"() ({
        %run_scoped3A_195 = tpu.sem_alloc : memref<!tpu.dma_semaphore, #tpu.memory_space<semaphore_mem>>
        %dma_start3A_196 = arith.constant 0 : i32
        %dma_start3A_197 = arith.constant 0 : i32
        %dma_start3A_198 = tpu.memref_slice %arg8[%run_scoped3A_185, %dma_start3A_196, %dma_start3A_197] : memref<2x80x128xf32, #tpu.memory_space<vmem>> -> memref<1x80x128xf32, #tpu.memory_space<vmem>>
        %dma_start3A_199 = tpu.memref_squeeze %dma_start3A_198 : memref<1x80x128xf32, #tpu.memory_space<vmem>> -> memref<80x128xf32, #tpu.memory_space<vmem>>
        %dma_start3A_200 = arith.constant 0 : i32
        %dma_start3A_201 = tpu.memref_slice %arg22[%add3A_184, %dma_start3A_200] : memref<10000x128xf32, #tpu.memory_space<vmem_shared>> -> memref<80x128xf32, #tpu.memory_space<vmem_shared>>
        %dma_start3A_202 = arith.constant 0 : i32
        %dma_start3A_203 = arith.constant 0 : i32
        %dma_start3A_204 = tpu.memref_slice %arg8[%run_scoped3A_185, %dma_start3A_202, %dma_start3A_203] : memref<2x80x128xf32, #tpu.memory_space<vmem>> -> memref<1x80x128xf32, #tpu.memory_space<vmem>>
        %dma_start3A_205 = tpu.memref_squeeze %dma_start3A_204 : memref<1x80x128xf32, #tpu.memory_space<vmem>> -> memref<80x128xf32, #tpu.memory_space<vmem>>
        %dma_start3A_206 = arith.constant 0 : i32
        %dma_start3A_207 = tpu.memref_slice %arg22[%add3A_184, %dma_start3A_206] : memref<10000x128xf32, #tpu.memory_space<vmem_shared>> -> memref<80x128xf32, #tpu.memory_space<vmem_shared>>
        tpu.enqueue_dma source(%dma_start3A_207 : memref<80x128xf32, #tpu.memory_space<vmem_shared>>) target(%dma_start3A_205 : memref<80x128xf32, #tpu.memory_space<vmem>>) target_semaphore(%run_scoped3A_195 : memref<!tpu.dma_semaphore, #tpu.memory_space<semaphore_mem>>)
        %dma_wait3A_208 = arith.constant 0 : i32
        %dma_wait3A_209 = arith.constant 0 : i32
        %dma_wait3A_210 = tpu.memref_slice %arg8[%run_scoped3A_185, %dma_wait3A_208, %dma_wait3A_209] : memref<2x80x128xf32, #tpu.memory_space<vmem>> -> memref<1x80x128xf32, #tpu.memory_space<vmem>>
        %dma_wait3A_211 = tpu.memref_squeeze %dma_wait3A_210 : memref<1x80x128xf32, #tpu.memory_space<vmem>> -> memref<80x128xf32, #tpu.memory_space<vmem>>
        %dma_wait3A_212 = arith.constant 0 : i32
        %dma_wait3A_213 = tpu.memref_slice %arg22[%add3A_184, %dma_wait3A_212] : memref<10000x128xf32, #tpu.memory_space<vmem_shared>> -> memref<80x128xf32, #tpu.memory_space<vmem_shared>>
        %dma_wait3A_214 = arith.constant 0 : i32
        %dma_wait3A_215 = arith.constant 0 : i32
        %dma_wait3A_216 = tpu.memref_slice %arg8[%run_scoped3A_185, %dma_wait3A_214, %dma_wait3A_215] : memref<2x80x128xf32, #tpu.memory_space<vmem>> -> memref<1x80x128xf32, #tpu.memory_space<vmem>>
        %dma_wait3A_217 = tpu.memref_squeeze %dma_wait3A_216 : memref<1x80x128xf32, #tpu.memory_space<vmem>> -> memref<80x128xf32, #tpu.memory_space<vmem>>
        %dma_wait3A_218 = arith.constant 0 : i32
        %dma_wait3A_219 = tpu.memref_slice %arg22[%add3A_184, %dma_wait3A_218] : memref<10000x128xf32, #tpu.memory_space<vmem_shared>> -> memref<80x128xf32, #tpu.memory_space<vmem_shared>>
        tpu.wait_dma2 semaphore(%run_scoped3A_195 : memref<!tpu.dma_semaphore, #tpu.memory_space<semaphore_mem>>) src(%dma_wait3A_219 : memref<80x128xf32, #tpu.memory_space<vmem_shared>>) dst(%dma_wait3A_217 : memref<80x128xf32, #tpu.memory_space<vmem>>)
        tpu.yield
      }) : () -> ()
      %run_scoped3A_186 = arith.constant 0 : i32
      "tpu.region"() ({
        %run_scoped3A_195 = tpu.sem_alloc : memref<!tpu.dma_semaphore, #tpu.memory_space<semaphore_mem>>
        %dma_start3A_196 = arith.constant 0 : i32
        %dma_start3A_197 = arith.constant 0 : i32
        %dma_start3A_198 = tpu.memref_slice %arg8[%run_scoped3A_186, %dma_start3A_196, %dma_start3A_197] : memref<2x80x128xf32, #tpu.memory_space<vmem>> -> memref<1x80x128xf32, #tpu.memory_space<vmem>>
        %dma_start3A_199 = tpu.memref_squeeze %dma_start3A_198 : memref<1x80x128xf32, #tpu.memory_space<vmem>> -> memref<80x128xf32, #tpu.memory_space<vmem>>
        %dma_start3A_200 = arith.constant 0 : i32
        %dma_start3A_201 = tpu.memref_slice %arg7[%arg0, %add3A_184, %dma_start3A_200] : memref<2x10000x128xf32, #tpu.memory_space<hbm>> -> memref<1x80x128xf32, #tpu.memory_space<hbm>>
        %dma_start3A_202 = tpu.memref_squeeze %dma_start3A_201 : memref<1x80x128xf32, #tpu.memory_space<hbm>> -> memref<80x128xf32, #tpu.memory_space<hbm>>
        %dma_start3A_203 = arith.constant 0 : i32
        %dma_start3A_204 = tpu.memref_slice %arg7[%arg0, %add3A_184, %dma_start3A_203] : memref<2x10000x128xf32, #tpu.memory_space<hbm>> -> memref<1x80x128xf32, #tpu.memory_space<hbm>>
        %dma_start3A_205 = tpu.memref_squeeze %dma_start3A_204 : memref<1x80x128xf32, #tpu.memory_space<hbm>> -> memref<80x128xf32, #tpu.memory_space<hbm>>
        %dma_start3A_206 = arith.constant 0 : i32
        %dma_start3A_207 = arith.constant 0 : i32
        %dma_start3A_208 = tpu.memref_slice %arg8[%run_scoped3A_186, %dma_start3A_206, %dma_start3A_207] : memref<2x80x128xf32, #tpu.memory_space<vmem>> -> memref<1x80x128xf32, #tpu.memory_space<vmem>>
        %dma_start3A_209 = tpu.memref_squeeze %dma_start3A_208 : memref<1x80x128xf32, #tpu.memory_space<vmem>> -> memref<80x128xf32, #tpu.memory_space<vmem>>
        tpu.enqueue_dma source(%dma_start3A_209 : memref<80x128xf32, #tpu.memory_space<vmem>>) target(%dma_start3A_205 : memref<80x128xf32, #tpu.memory_space<hbm>>) target_semaphore(%run_scoped3A_195 : memref<!tpu.dma_semaphore, #tpu.memory_space<semaphore_mem>>)
        %dma_wait3A_210 = arith.constant 0 : i32
        %dma_wait3A_211 = arith.constant 0 : i32
        %dma_wait3A_212 = tpu.memref_slice %arg8[%run_scoped3A_186, %dma_wait3A_210, %dma_wait3A_211] : memref<2x80x128xf32, #tpu.memory_space<vmem>> -> memref<1x80x128xf32, #tpu.memory_space<vmem>>
        %dma_wait3A_213 = tpu.memref_squeeze %dma_wait3A_212 : memref<1x80x128xf32, #tpu.memory_space<vmem>> -> memref<80x128xf32, #tpu.memory_space<vmem>>
        %dma_wait3A_214 = arith.constant 0 : i32
        %dma_wait3A_215 = tpu.memref_slice %arg7[%arg0, %add3A_184, %dma_wait3A_214] : memref<2x10000x128xf32, #tpu.memory_space<hbm>> -> memref<1x80x128xf32, #tpu.memory_space<hbm>>
        %dma_wait3A_216 = tpu.memref_squeeze %dma_wait3A_215 : memref<1x80x128xf32, #tpu.memory_space<hbm>> -> memref<80x128xf32, #tpu.memory_space<hbm>>
        %dma_wait3A_217 = arith.constant 0 : i32
        %dma_wait3A_218 = tpu.memref_slice %arg7[%arg0, %add3A_184, %dma_wait3A_217] : memref<2x10000x128xf32, #tpu.memory_space<hbm>> -> memref<1x80x128xf32, #tpu.memory_space<hbm>>
        %dma_wait3A_219 = tpu.memref_squeeze %dma_wait3A_218 : memref<1x80x128xf32, #tpu.memory_space<hbm>> -> memref<80x128xf32, #tpu.memory_space<hbm>>
        %dma_wait3A_220 = arith.constant 0 : i32
        %dma_wait3A_221 = arith.constant 0 : i32
        %dma_wait3A_222 = tpu.memref_slice %arg8[%run_scoped3A_186, %dma_wait3A_220, %dma_wait3A_221] : memref<2x80x128xf32, #tpu.memory_space<vmem>> -> memref<1x80x128xf32, #tpu.memory_space<vmem>>
        %dma_wait3A_223 = tpu.memref_squeeze %dma_wait3A_222 : memref<1x80x128xf32, #tpu.memory_space<vmem>> -> memref<80x128xf32, #tpu.memory_space<vmem>>
        tpu.wait_dma2 semaphore(%run_scoped3A_195 : memref<!tpu.dma_semaphore, #tpu.memory_space<semaphore_mem>>) src(%dma_wait3A_223 : memref<80x128xf32, #tpu.memory_space<vmem>>) dst(%dma_wait3A_219 : memref<80x128xf32, #tpu.memory_space<hbm>>)
        tpu.yield
      }) : () -> ()
      %add3A_187 = arith.constant 880 : i32
      %add3A_188 = arith.addi %mul3A_7, %add3A_187 : i32
      %run_scoped3A_189 = arith.constant 0 : i32
      "tpu.region"() ({
        %run_scoped3A_195 = tpu.sem_alloc : memref<!tpu.dma_semaphore, #tpu.memory_space<semaphore_mem>>
        %dma_start3A_196 = arith.constant 0 : i32
        %dma_start3A_197 = arith.constant 0 : i32
        %dma_start3A_198 = tpu.memref_slice %arg8[%run_scoped3A_189, %dma_start3A_196, %dma_start3A_197] : memref<2x80x128xf32, #tpu.memory_space<vmem>> -> memref<1x80x128xf32, #tpu.memory_space<vmem>>
        %dma_start3A_199 = tpu.memref_squeeze %dma_start3A_198 : memref<1x80x128xf32, #tpu.memory_space<vmem>> -> memref<80x128xf32, #tpu.memory_space<vmem>>
        %dma_start3A_200 = arith.constant 0 : i32
        %dma_start3A_201 = tpu.memref_slice %arg22[%add3A_188, %dma_start3A_200] : memref<10000x128xf32, #tpu.memory_space<vmem_shared>> -> memref<80x128xf32, #tpu.memory_space<vmem_shared>>
        %dma_start3A_202 = arith.constant 0 : i32
        %dma_start3A_203 = arith.constant 0 : i32
        %dma_start3A_204 = tpu.memref_slice %arg8[%run_scoped3A_189, %dma_start3A_202, %dma_start3A_203] : memref<2x80x128xf32, #tpu.memory_space<vmem>> -> memref<1x80x128xf32, #tpu.memory_space<vmem>>
        %dma_start3A_205 = tpu.memref_squeeze %dma_start3A_204 : memref<1x80x128xf32, #tpu.memory_space<vmem>> -> memref<80x128xf32, #tpu.memory_space<vmem>>
        %dma_start3A_206 = arith.constant 0 : i32
        %dma_start3A_207 = tpu.memref_slice %arg22[%add3A_188, %dma_start3A_206] : memref<10000x128xf32, #tpu.memory_space<vmem_shared>> -> memref<80x128xf32, #tpu.memory_space<vmem_shared>>
        tpu.enqueue_dma source(%dma_start3A_207 : memref<80x128xf32, #tpu.memory_space<vmem_shared>>) target(%dma_start3A_205 : memref<80x128xf32, #tpu.memory_space<vmem>>) target_semaphore(%run_scoped3A_195 : memref<!tpu.dma_semaphore, #tpu.memory_space<semaphore_mem>>)
        %dma_wait3A_208 = arith.constant 0 : i32
        %dma_wait3A_209 = arith.constant 0 : i32
        %dma_wait3A_210 = tpu.memref_slice %arg8[%run_scoped3A_189, %dma_wait3A_208, %dma_wait3A_209] : memref<2x80x128xf32, #tpu.memory_space<vmem>> -> memref<1x80x128xf32, #tpu.memory_space<vmem>>
        %dma_wait3A_211 = tpu.memref_squeeze %dma_wait3A_210 : memref<1x80x128xf32, #tpu.memory_space<vmem>> -> memref<80x128xf32, #tpu.memory_space<vmem>>
        %dma_wait3A_212 = arith.constant 0 : i32
        %dma_wait3A_213 = tpu.memref_slice %arg22[%add3A_188, %dma_wait3A_212] : memref<10000x128xf32, #tpu.memory_space<vmem_shared>> -> memref<80x128xf32, #tpu.memory_space<vmem_shared>>
        %dma_wait3A_214 = arith.constant 0 : i32
        %dma_wait3A_215 = arith.constant 0 : i32
        %dma_wait3A_216 = tpu.memref_slice %arg8[%run_scoped3A_189, %dma_wait3A_214, %dma_wait3A_215] : memref<2x80x128xf32, #tpu.memory_space<vmem>> -> memref<1x80x128xf32, #tpu.memory_space<vmem>>
        %dma_wait3A_217 = tpu.memref_squeeze %dma_wait3A_216 : memref<1x80x128xf32, #tpu.memory_space<vmem>> -> memref<80x128xf32, #tpu.memory_space<vmem>>
        %dma_wait3A_218 = arith.constant 0 : i32
        %dma_wait3A_219 = tpu.memref_slice %arg22[%add3A_188, %dma_wait3A_218] : memref<10000x128xf32, #tpu.memory_space<vmem_shared>> -> memref<80x128xf32, #tpu.memory_space<vmem_shared>>
        tpu.wait_dma2 semaphore(%run_scoped3A_195 : memref<!tpu.dma_semaphore, #tpu.memory_space<semaphore_mem>>) src(%dma_wait3A_219 : memref<80x128xf32, #tpu.memory_space<vmem_shared>>) dst(%dma_wait3A_217 : memref<80x128xf32, #tpu.memory_space<vmem>>)
        tpu.yield
      }) : () -> ()
      %run_scoped3A_190 = arith.constant 0 : i32
      "tpu.region"() ({
        %run_scoped3A_195 = tpu.sem_alloc : memref<!tpu.dma_semaphore, #tpu.memory_space<semaphore_mem>>
        %dma_start3A_196 = arith.constant 0 : i32
        %dma_start3A_197 = arith.constant 0 : i32
        %dma_start3A_198 = tpu.memref_slice %arg8[%run_scoped3A_190, %dma_start3A_196, %dma_start3A_197] : memref<2x80x128xf32, #tpu.memory_space<vmem>> -> memref<1x80x128xf32, #tpu.memory_space<vmem>>
        %dma_start3A_199 = tpu.memref_squeeze %dma_start3A_198 : memref<1x80x128xf32, #tpu.memory_space<vmem>> -> memref<80x128xf32, #tpu.memory_space<vmem>>
        %dma_start3A_200 = arith.constant 0 : i32
        %dma_start3A_201 = tpu.memref_slice %arg7[%arg0, %add3A_188, %dma_start3A_200] : memref<2x10000x128xf32, #tpu.memory_space<hbm>> -> memref<1x80x128xf32, #tpu.memory_space<hbm>>
        %dma_start3A_202 = tpu.memref_squeeze %dma_start3A_201 : memref<1x80x128xf32, #tpu.memory_space<hbm>> -> memref<80x128xf32, #tpu.memory_space<hbm>>
        %dma_start3A_203 = arith.constant 0 : i32
        %dma_start3A_204 = tpu.memref_slice %arg7[%arg0, %add3A_188, %dma_start3A_203] : memref<2x10000x128xf32, #tpu.memory_space<hbm>> -> memref<1x80x128xf32, #tpu.memory_space<hbm>>
        %dma_start3A_205 = tpu.memref_squeeze %dma_start3A_204 : memref<1x80x128xf32, #tpu.memory_space<hbm>> -> memref<80x128xf32, #tpu.memory_space<hbm>>
        %dma_start3A_206 = arith.constant 0 : i32
        %dma_start3A_207 = arith.constant 0 : i32
        %dma_start3A_208 = tpu.memref_slice %arg8[%run_scoped3A_190, %dma_start3A_206, %dma_start3A_207] : memref<2x80x128xf32, #tpu.memory_space<vmem>> -> memref<1x80x128xf32, #tpu.memory_space<vmem>>
        %dma_start3A_209 = tpu.memref_squeeze %dma_start3A_208 : memref<1x80x128xf32, #tpu.memory_space<vmem>> -> memref<80x128xf32, #tpu.memory_space<vmem>>
        tpu.enqueue_dma source(%dma_start3A_209 : memref<80x128xf32, #tpu.memory_space<vmem>>) target(%dma_start3A_205 : memref<80x128xf32, #tpu.memory_space<hbm>>) target_semaphore(%run_scoped3A_195 : memref<!tpu.dma_semaphore, #tpu.memory_space<semaphore_mem>>)
        %dma_wait3A_210 = arith.constant 0 : i32
        %dma_wait3A_211 = arith.constant 0 : i32
        %dma_wait3A_212 = tpu.memref_slice %arg8[%run_scoped3A_190, %dma_wait3A_210, %dma_wait3A_211] : memref<2x80x128xf32, #tpu.memory_space<vmem>> -> memref<1x80x128xf32, #tpu.memory_space<vmem>>
        %dma_wait3A_213 = tpu.memref_squeeze %dma_wait3A_212 : memref<1x80x128xf32, #tpu.memory_space<vmem>> -> memref<80x128xf32, #tpu.memory_space<vmem>>
        %dma_wait3A_214 = arith.constant 0 : i32
        %dma_wait3A_215 = tpu.memref_slice %arg7[%arg0, %add3A_188, %dma_wait3A_214] : memref<2x10000x128xf32, #tpu.memory_space<hbm>> -> memref<1x80x128xf32, #tpu.memory_space<hbm>>
        %dma_wait3A_216 = tpu.memref_squeeze %dma_wait3A_215 : memref<1x80x128xf32, #tpu.memory_space<hbm>> -> memref<80x128xf32, #tpu.memory_space<hbm>>
        %dma_wait3A_217 = arith.constant 0 : i32
        %dma_wait3A_218 = tpu.memref_slice %arg7[%arg0, %add3A_188, %dma_wait3A_217] : memref<2x10000x128xf32, #tpu.memory_space<hbm>> -> memref<1x80x128xf32, #tpu.memory_space<hbm>>
        %dma_wait3A_219 = tpu.memref_squeeze %dma_wait3A_218 : memref<1x80x128xf32, #tpu.memory_space<hbm>> -> memref<80x128xf32, #tpu.memory_space<hbm>>
        %dma_wait3A_220 = arith.constant 0 : i32
        %dma_wait3A_221 = arith.constant 0 : i32
        %dma_wait3A_222 = tpu.memref_slice %arg8[%run_scoped3A_190, %dma_wait3A_220, %dma_wait3A_221] : memref<2x80x128xf32, #tpu.memory_space<vmem>> -> memref<1x80x128xf32, #tpu.memory_space<vmem>>
        %dma_wait3A_223 = tpu.memref_squeeze %dma_wait3A_222 : memref<1x80x128xf32, #tpu.memory_space<vmem>> -> memref<80x128xf32, #tpu.memory_space<vmem>>
        tpu.wait_dma2 semaphore(%run_scoped3A_195 : memref<!tpu.dma_semaphore, #tpu.memory_space<semaphore_mem>>) src(%dma_wait3A_223 : memref<80x128xf32, #tpu.memory_space<vmem>>) dst(%dma_wait3A_219 : memref<80x128xf32, #tpu.memory_space<hbm>>)
        tpu.yield
      }) : () -> ()
      %add3A_191 = arith.constant 960 : i32
      %add3A_192 = arith.addi %mul3A_7, %add3A_191 : i32
      %run_scoped3A_193 = arith.constant 0 : i32
      "tpu.region"() ({
        %run_scoped3A_195 = tpu.sem_alloc : memref<!tpu.dma_semaphore, #tpu.memory_space<semaphore_mem>>
        %dma_start3A_196 = arith.constant 0 : i32
        %dma_start3A_197 = arith.constant 0 : i32
        %dma_start3A_198 = tpu.memref_slice %arg8[%run_scoped3A_193, %dma_start3A_196, %dma_start3A_197] : memref<2x80x128xf32, #tpu.memory_space<vmem>> -> memref<1x40x128xf32, #tpu.memory_space<vmem>>
        %dma_start3A_199 = tpu.memref_squeeze %dma_start3A_198 : memref<1x40x128xf32, #tpu.memory_space<vmem>> -> memref<40x128xf32, #tpu.memory_space<vmem>>
        %dma_start3A_200 = arith.constant 0 : i32
        %dma_start3A_201 = tpu.memref_slice %arg22[%add3A_192, %dma_start3A_200] : memref<10000x128xf32, #tpu.memory_space<vmem_shared>> -> memref<40x128xf32, #tpu.memory_space<vmem_shared>>
        %dma_start3A_202 = arith.constant 0 : i32
        %dma_start3A_203 = arith.constant 0 : i32
        %dma_start3A_204 = tpu.memref_slice %arg8[%run_scoped3A_193, %dma_start3A_202, %dma_start3A_203] : memref<2x80x128xf32, #tpu.memory_space<vmem>> -> memref<1x40x128xf32, #tpu.memory_space<vmem>>
        %dma_start3A_205 = tpu.memref_squeeze %dma_start3A_204 : memref<1x40x128xf32, #tpu.memory_space<vmem>> -> memref<40x128xf32, #tpu.memory_space<vmem>>
        %dma_start3A_206 = arith.constant 0 : i32
        %dma_start3A_207 = tpu.memref_slice %arg22[%add3A_192, %dma_start3A_206] : memref<10000x128xf32, #tpu.memory_space<vmem_shared>> -> memref<40x128xf32, #tpu.memory_space<vmem_shared>>
        tpu.enqueue_dma source(%dma_start3A_207 : memref<40x128xf32, #tpu.memory_space<vmem_shared>>) target(%dma_start3A_205 : memref<40x128xf32, #tpu.memory_space<vmem>>) target_semaphore(%run_scoped3A_195 : memref<!tpu.dma_semaphore, #tpu.memory_space<semaphore_mem>>)
        %dma_wait3A_208 = arith.constant 0 : i32
        %dma_wait3A_209 = arith.constant 0 : i32
        %dma_wait3A_210 = tpu.memref_slice %arg8[%run_scoped3A_193, %dma_wait3A_208, %dma_wait3A_209] : memref<2x80x128xf32, #tpu.memory_space<vmem>> -> memref<1x40x128xf32, #tpu.memory_space<vmem>>
        %dma_wait3A_211 = tpu.memref_squeeze %dma_wait3A_210 : memref<1x40x128xf32, #tpu.memory_space<vmem>> -> memref<40x128xf32, #tpu.memory_space<vmem>>
        %dma_wait3A_212 = arith.constant 0 : i32
        %dma_wait3A_213 = tpu.memref_slice %arg22[%add3A_192, %dma_wait3A_212] : memref<10000x128xf32, #tpu.memory_space<vmem_shared>> -> memref<40x128xf32, #tpu.memory_space<vmem_shared>>
        %dma_wait3A_214 = arith.constant 0 : i32
        %dma_wait3A_215 = arith.constant 0 : i32
        %dma_wait3A_216 = tpu.memref_slice %arg8[%run_scoped3A_193, %dma_wait3A_214, %dma_wait3A_215] : memref<2x80x128xf32, #tpu.memory_space<vmem>> -> memref<1x40x128xf32, #tpu.memory_space<vmem>>
        %dma_wait3A_217 = tpu.memref_squeeze %dma_wait3A_216 : memref<1x40x128xf32, #tpu.memory_space<vmem>> -> memref<40x128xf32, #tpu.memory_space<vmem>>
        %dma_wait3A_218 = arith.constant 0 : i32
        %dma_wait3A_219 = tpu.memref_slice %arg22[%add3A_192, %dma_wait3A_218] : memref<10000x128xf32, #tpu.memory_space<vmem_shared>> -> memref<40x128xf32, #tpu.memory_space<vmem_shared>>
        tpu.wait_dma2 semaphore(%run_scoped3A_195 : memref<!tpu.dma_semaphore, #tpu.memory_space<semaphore_mem>>) src(%dma_wait3A_219 : memref<40x128xf32, #tpu.memory_space<vmem_shared>>) dst(%dma_wait3A_217 : memref<40x128xf32, #tpu.memory_space<vmem>>)
        tpu.yield
      }) : () -> ()
      %run_scoped3A_194 = arith.constant 0 : i32
      "tpu.region"() ({
        %run_scoped3A_195 = tpu.sem_alloc : memref<!tpu.dma_semaphore, #tpu.memory_space<semaphore_mem>>
        %dma_start3A_196 = arith.constant 0 : i32
        %dma_start3A_197 = arith.constant 0 : i32
        %dma_start3A_198 = tpu.memref_slice %arg8[%run_scoped3A_194, %dma_start3A_196, %dma_start3A_197] : memref<2x80x128xf32, #tpu.memory_space<vmem>> -> memref<1x40x128xf32, #tpu.memory_space<vmem>>
        %dma_start3A_199 = tpu.memref_squeeze %dma_start3A_198 : memref<1x40x128xf32, #tpu.memory_space<vmem>> -> memref<40x128xf32, #tpu.memory_space<vmem>>
        %dma_start3A_200 = arith.constant 0 : i32
        %dma_start3A_201 = tpu.memref_slice %arg7[%arg0, %add3A_192, %dma_start3A_200] : memref<2x10000x128xf32, #tpu.memory_space<hbm>> -> memref<1x40x128xf32, #tpu.memory_space<hbm>>
        %dma_start3A_202 = tpu.memref_squeeze %dma_start3A_201 : memref<1x40x128xf32, #tpu.memory_space<hbm>> -> memref<40x128xf32, #tpu.memory_space<hbm>>
        %dma_start3A_203 = arith.constant 0 : i32
        %dma_start3A_204 = tpu.memref_slice %arg7[%arg0, %add3A_192, %dma_start3A_203] : memref<2x10000x128xf32, #tpu.memory_space<hbm>> -> memref<1x40x128xf32, #tpu.memory_space<hbm>>
        %dma_start3A_205 = tpu.memref_squeeze %dma_start3A_204 : memref<1x40x128xf32, #tpu.memory_space<hbm>> -> memref<40x128xf32, #tpu.memory_space<hbm>>
        %dma_start3A_206 = arith.constant 0 : i32
        %dma_start3A_207 = arith.constant 0 : i32
        %dma_start3A_208 = tpu.memref_slice %arg8[%run_scoped3A_194, %dma_start3A_206, %dma_start3A_207] : memref<2x80x128xf32, #tpu.memory_space<vmem>> -> memref<1x40x128xf32, #tpu.memory_space<vmem>>
        %dma_start3A_209 = tpu.memref_squeeze %dma_start3A_208 : memref<1x40x128xf32, #tpu.memory_space<vmem>> -> memref<40x128xf32, #tpu.memory_space<vmem>>
        tpu.enqueue_dma source(%dma_start3A_209 : memref<40x128xf32, #tpu.memory_space<vmem>>) target(%dma_start3A_205 : memref<40x128xf32, #tpu.memory_space<hbm>>) target_semaphore(%run_scoped3A_195 : memref<!tpu.dma_semaphore, #tpu.memory_space<semaphore_mem>>)
        %dma_wait3A_210 = arith.constant 0 : i32
        %dma_wait3A_211 = arith.constant 0 : i32
        %dma_wait3A_212 = tpu.memref_slice %arg8[%run_scoped3A_194, %dma_wait3A_210, %dma_wait3A_211] : memref<2x80x128xf32, #tpu.memory_space<vmem>> -> memref<1x40x128xf32, #tpu.memory_space<vmem>>
        %dma_wait3A_213 = tpu.memref_squeeze %dma_wait3A_212 : memref<1x40x128xf32, #tpu.memory_space<vmem>> -> memref<40x128xf32, #tpu.memory_space<vmem>>
        %dma_wait3A_214 = arith.constant 0 : i32
        %dma_wait3A_215 = tpu.memref_slice %arg7[%arg0, %add3A_192, %dma_wait3A_214] : memref<2x10000x128xf32, #tpu.memory_space<hbm>> -> memref<1x40x128xf32, #tpu.memory_space<hbm>>
        %dma_wait3A_216 = tpu.memref_squeeze %dma_wait3A_215 : memref<1x40x128xf32, #tpu.memory_space<hbm>> -> memref<40x128xf32, #tpu.memory_space<hbm>>
        %dma_wait3A_217 = arith.constant 0 : i32
        %dma_wait3A_218 = tpu.memref_slice %arg7[%arg0, %add3A_192, %dma_wait3A_217] : memref<2x10000x128xf32, #tpu.memory_space<hbm>> -> memref<1x40x128xf32, #tpu.memory_space<hbm>>
        %dma_wait3A_219 = tpu.memref_squeeze %dma_wait3A_218 : memref<1x40x128xf32, #tpu.memory_space<hbm>> -> memref<40x128xf32, #tpu.memory_space<hbm>>
        %dma_wait3A_220 = arith.constant 0 : i32
        %dma_wait3A_221 = arith.constant 0 : i32
        %dma_wait3A_222 = tpu.memref_slice %arg8[%run_scoped3A_194, %dma_wait3A_220, %dma_wait3A_221] : memref<2x80x128xf32, #tpu.memory_space<vmem>> -> memref<1x40x128xf32, #tpu.memory_space<vmem>>
        %dma_wait3A_223 = tpu.memref_squeeze %dma_wait3A_222 : memref<1x40x128xf32, #tpu.memory_space<vmem>> -> memref<40x128xf32, #tpu.memory_space<vmem>>
        tpu.wait_dma2 semaphore(%run_scoped3A_195 : memref<!tpu.dma_semaphore, #tpu.memory_space<semaphore_mem>>) src(%dma_wait3A_223 : memref<40x128xf32, #tpu.memory_space<vmem>>) dst(%dma_wait3A_219 : memref<40x128xf32, #tpu.memory_space<hbm>>)
        tpu.yield
      }) : () -> ()
    } else {
    }
    return
  }
}

module attributes {stable_mosaic.version = 14 : i64} {
  func.func @_mm_bias_body(%arg0: i32, %arg1: memref<2560x128xf32, #tpu.memory_space<vmem>>, %arg2: memref<128x128xf32, #tpu.memory_space<vmem>>, %arg3: memref<1x128xf32, #tpu.memory_space<vmem>>, %arg4: memref<2560x128xf32, #tpu.memory_space<vmem>>) attributes {dimension_semantics = [#tpu.dimension_semantics<arbitrary>], iteration_bounds = array<i64: 125>, scalar_prefetch = 0 : i64, scratch_operands = 0 : i64, tpu.core_type = #tpu.core_type<tc>, window_params = [{transform_indices = @transform_0, window_bounds = array<i64: 2560, 128>}, {pipeline_mode = #tpu.pipeline_mode<synchronous>, transform_indices = @transform_1, window_bounds = array<i64: 128, 128>}, {pipeline_mode = #tpu.pipeline_mode<synchronous>, transform_indices = @transform_2, window_bounds = array<i64: 1, 128>}, {transform_indices = @transform_3, window_bounds = array<i64: 2560, 128>}]} {
    %get3A = arith.constant 0 : index
    %get3A_0 = arith.constant 0 : index
    %get3A_1 = vector.load %arg1[%get3A, %get3A_0] : memref<2560x128xf32, #tpu.memory_space<vmem>>, vector<2560x128xf32>
    %get3A_2 = arith.constant 0 : index
    %get3A_3 = arith.constant 0 : index
    %get3A_4 = vector.load %arg2[%get3A_2, %get3A_3] : memref<128x128xf32, #tpu.memory_space<vmem>>, vector<128x128xf32>
    %dot_general3A = arith.constant dense<0.000000e+00> : vector<2560x128xf32>
    %dot_general3A_5 = tpu.matmul %get3A_1, %get3A_4, %dot_general3A {dimension_numbers = #tpu.dot_dimension_numbers<[1], [0], [0], [1], [0, 0, 1, 1], [], []>, transpose_lhs_hint = false} : vector<2560x128xf32>, vector<128x128xf32>, vector<2560x128xf32> -> vector<2560x128xf32>
    %get3A_6 = arith.constant 0 : index
    %get3A_7 = arith.constant 0 : index
    %get3A_8 = vector.load %arg3[%get3A_6, %get3A_7] : memref<1x128xf32, #tpu.memory_space<vmem>>, vector<1x128xf32>
    %add3A = vector.broadcast %get3A_8 : vector<1x128xf32> to vector<2560x128xf32>
    %add3A_9 = arith.addf %dot_general3A_5, %add3A : vector<2560x128xf32>
    %swap3A = arith.constant 0 : index
    %swap3A_10 = arith.constant 0 : index
    %swap3A_11 = vector.load %arg4[%swap3A, %swap3A_10] : memref<2560x128xf32, #tpu.memory_space<vmem>>, vector<2560x128xf32>
    tpu.vector_store %arg4[%swap3A, %swap3A_10], %add3A_9 {strides = array<i32>} : memref<2560x128xf32, #tpu.memory_space<vmem>>, vector<2560x128xf32>,
    return
  }
  func.func @transform_0(%arg0: i32) -> (i32, i32) {
    %c0_i32 = arith.constant 0 : i32
    %c0_i32_0 = arith.constant 0 : i32
    return %arg0, %c0_i32 : i32, i32
  }
  func.func @transform_1(%arg0: i32) -> (i32, i32) {
    %c0_i32 = arith.constant 0 : i32
    %c0_i32_0 = arith.constant 0 : i32
    %c0_i32_1 = arith.constant 0 : i32
    return %c0_i32, %c0_i32_0 : i32, i32
  }
  func.func @transform_2(%arg0: i32) -> (i32, i32) {
    %c0_i32 = arith.constant 0 : i32
    %c0_i32_0 = arith.constant 0 : i32
    %c0_i32_1 = arith.constant 0 : i32
    return %c0_i32, %c0_i32_0 : i32, i32
  }
  func.func @transform_3(%arg0: i32) -> (i32, i32) {
    %c0_i32 = arith.constant 0 : i32
    %c0_i32_0 = arith.constant 0 : i32
    return %arg0, %c0_i32 : i32, i32
  }
}

module attributes {stable_mosaic.version = 14 : i64} {
  func.func @_mm_bias_body(%arg0: i32, %arg1: memref<2000x128xf32, #tpu.memory_space<vmem>>, %arg2: memref<128x128xf32, #tpu.memory_space<vmem>>, %arg3: memref<1x128xf32, #tpu.memory_space<vmem>>, %arg4: memref<2000x128xf32, #tpu.memory_space<vmem>>) attributes {dimension_semantics = [#tpu.dimension_semantics<arbitrary>], iteration_bounds = array<i64: 5>, scalar_prefetch = 0 : i64, scratch_operands = 0 : i64, tpu.core_type = #tpu.core_type<tc>, window_params = [{transform_indices = @transform_0, window_bounds = array<i64: 2000, 128>}, {pipeline_mode = #tpu.pipeline_mode<synchronous>, transform_indices = @transform_1, window_bounds = array<i64: 128, 128>}, {pipeline_mode = #tpu.pipeline_mode<synchronous>, transform_indices = @transform_2, window_bounds = array<i64: 1, 128>}, {transform_indices = @transform_3, window_bounds = array<i64: 2000, 128>}]} {
    %get3A = arith.constant 0 : index
    %get3A_0 = arith.constant 0 : index
    %get3A_1 = vector.load %arg1[%get3A, %get3A_0] : memref<2000x128xf32, #tpu.memory_space<vmem>>, vector<2000x128xf32>
    %get3A_2 = arith.constant 0 : index
    %get3A_3 = arith.constant 0 : index
    %get3A_4 = vector.load %arg2[%get3A_2, %get3A_3] : memref<128x128xf32, #tpu.memory_space<vmem>>, vector<128x128xf32>
    %dot_general3A = arith.constant dense<0.000000e+00> : vector<2000x128xf32>
    %dot_general3A_5 = tpu.matmul %get3A_1, %get3A_4, %dot_general3A {dimension_numbers = #tpu.dot_dimension_numbers<[1], [0], [0], [1], [0, 0, 1, 1], [], []>, transpose_lhs_hint = false} : vector<2000x128xf32>, vector<128x128xf32>, vector<2000x128xf32> -> vector<2000x128xf32>
    %get3A_6 = arith.constant 0 : index
    %get3A_7 = arith.constant 0 : index
    %get3A_8 = vector.load %arg3[%get3A_6, %get3A_7] : memref<1x128xf32, #tpu.memory_space<vmem>>, vector<1x128xf32>
    %add3A = vector.broadcast %get3A_8 : vector<1x128xf32> to vector<2000x128xf32>
    %add3A_9 = arith.addf %dot_general3A_5, %add3A : vector<2000x128xf32>
    %swap3A = arith.constant 0 : index
    %swap3A_10 = arith.constant 0 : index
    %swap3A_11 = vector.load %arg4[%swap3A, %swap3A_10] : memref<2000x128xf32, #tpu.memory_space<vmem>>, vector<2000x128xf32>
    tpu.vector_store %arg4[%swap3A, %swap3A_10], %add3A_9 {strides = array<i32>} : memref<2000x128xf32, #tpu.memory_space<vmem>>, vector<2000x128xf32>,
    return
  }
  func.func @transform_0(%arg0: i32) -> (i32, i32) {
    %c0_i32 = arith.constant 0 : i32
    %c0_i32_0 = arith.constant 0 : i32
    return %arg0, %c0_i32 : i32, i32
  }
  func.func @transform_1(%arg0: i32) -> (i32, i32) {
    %c0_i32 = arith.constant 0 : i32
    %c0_i32_0 = arith.constant 0 : i32
    %c0_i32_1 = arith.constant 0 : i32
    return %c0_i32, %c0_i32_0 : i32, i32
  }
  func.func @transform_2(%arg0: i32) -> (i32, i32) {
    %c0_i32 = arith.constant 0 : i32
    %c0_i32_0 = arith.constant 0 : i32
    %c0_i32_1 = arith.constant 0 : i32
    return %c0_i32, %c0_i32_0 : i32, i32
  }
  func.func @transform_3(%arg0: i32) -> (i32, i32) {
    %c0_i32 = arith.constant 0 : i32
    %c0_i32_0 = arith.constant 0 : i32
    return %arg0, %c0_i32 : i32, i32
  }
}

module attributes {stable_mosaic.version = 14 : i64} {
  func.func @_node_body(%arg0: i32, %arg1: memref<2x1000x128xf32, #tpu.memory_space<vmem>>, %arg2: memref<1000x128xf32, #tpu.memory_space<vmem>>, %arg3: memref<128x128xf32, #tpu.memory_space<vmem>>, %arg4: memref<128x128xf32, #tpu.memory_space<vmem>>, %arg5: memref<1x128xf32, #tpu.memory_space<vmem>>, %arg6: memref<128x128xf32, #tpu.memory_space<vmem>>, %arg7: memref<1x128xf32, #tpu.memory_space<vmem>>, %arg8: memref<1xf32, #tpu.memory_space<smem>>, %arg9: memref<1000x128xf32, #tpu.memory_space<vmem>>) attributes {dimension_semantics = [#tpu.dimension_semantics<arbitrary>], iteration_bounds = array<i64: 10>, scalar_prefetch = 0 : i64, scratch_operands = 0 : i64, tpu.core_type = #tpu.core_type<tc>, window_params = [{transform_indices = @transform_0, window_bounds = array<i64: 2, 1000, 128>}, {transform_indices = @transform_1, window_bounds = array<i64: 1000, 128>}, {pipeline_mode = #tpu.pipeline_mode<synchronous>, transform_indices = @transform_2, window_bounds = array<i64: 128, 128>}, {pipeline_mode = #tpu.pipeline_mode<synchronous>, transform_indices = @transform_3, window_bounds = array<i64: 128, 128>}, {pipeline_mode = #tpu.pipeline_mode<synchronous>, transform_indices = @transform_4, window_bounds = array<i64: 1, 128>}, {pipeline_mode = #tpu.pipeline_mode<synchronous>, transform_indices = @transform_5, window_bounds = array<i64: 128, 128>}, {pipeline_mode = #tpu.pipeline_mode<synchronous>, transform_indices = @transform_6, window_bounds = array<i64: 1, 128>}, {transform_indices = @transform_7, window_bounds = array<i64: 1>}, {transform_indices = @transform_8, window_bounds = array<i64: 1000, 128>}]} {
    %get3A = arith.constant 0 : index
    %get3A_0 = arith.constant 0 : index
    %get3A_1 = arith.constant 0 : index
    %get3A_2 = vector.load %arg1[%get3A, %get3A_0, %get3A_1] : memref<2x1000x128xf32, #tpu.memory_space<vmem>>, vector<1x1000x128xf32>
    %get3A_3 = vector.shape_cast %get3A_2 : vector<1x1000x128xf32> to vector<1000x128xf32>
    %get3A_4 = arith.constant 1 : index
    %get3A_5 = arith.constant 0 : index
    %get3A_6 = arith.constant 0 : index
    %get3A_7 = vector.load %arg1[%get3A_4, %get3A_5, %get3A_6] : memref<2x1000x128xf32, #tpu.memory_space<vmem>>, vector<1x1000x128xf32>
    %get3A_8 = vector.shape_cast %get3A_7 : vector<1x1000x128xf32> to vector<1000x128xf32>
    %add3A = arith.addf %get3A_3, %get3A_8 : vector<1000x128xf32>
    %get3A_9 = arith.constant 0 : index
    %get3A_10 = arith.constant 0 : index
    %get3A_11 = vector.load %arg3[%get3A_9, %get3A_10] : memref<128x128xf32, #tpu.memory_space<vmem>>, vector<128x128xf32>
    %dot_general3A = arith.constant dense<0.000000e+00> : vector<1000x128xf32>
    %dot_general3A_12 = tpu.matmul %add3A, %get3A_11, %dot_general3A {dimension_numbers = #tpu.dot_dimension_numbers<[1], [0], [0], [1], [0, 0, 1, 1], [], []>, transpose_lhs_hint = false} : vector<1000x128xf32>, vector<128x128xf32>, vector<1000x128xf32> -> vector<1000x128xf32>
    %get3A_13 = arith.constant 0 : index
    %get3A_14 = memref.load %arg8[%get3A_13] : memref<1xf32, #tpu.memory_space<smem>>
    %add3A_15 = arith.constant 1.000000e+00 : f32
    %add3A_16 = arith.addf %add3A_15, %get3A_14 : f32
    %get3A_17 = arith.constant 0 : index
    %get3A_18 = arith.constant 0 : index
    %get3A_19 = vector.load %arg2[%get3A_17, %get3A_18] : memref<1000x128xf32, #tpu.memory_space<vmem>>, vector<1000x128xf32>
    %mul3A = vector.broadcast %add3A_16 : f32 to vector<1000x128xf32>
    %mul3A_20 = arith.mulf %mul3A, %get3A_19 : vector<1000x128xf32>
    %add3A_21 = arith.addf %mul3A_20, %dot_general3A_12 : vector<1000x128xf32>
    %get3A_22 = arith.constant 0 : index
    %get3A_23 = arith.constant 0 : index
    %get3A_24 = vector.load %arg4[%get3A_22, %get3A_23] : memref<128x128xf32, #tpu.memory_space<vmem>>, vector<128x128xf32>
    %dot_general3A_25 = arith.constant dense<0.000000e+00> : vector<1000x128xf32>
    %dot_general3A_26 = tpu.matmul %add3A_21, %get3A_24, %dot_general3A_25 {dimension_numbers = #tpu.dot_dimension_numbers<[1], [0], [0], [1], [0, 0, 1, 1], [], []>, transpose_lhs_hint = false} : vector<1000x128xf32>, vector<128x128xf32>, vector<1000x128xf32> -> vector<1000x128xf32>
    %get3A_27 = arith.constant 0 : index
    %get3A_28 = arith.constant 0 : index
    %get3A_29 = vector.load %arg5[%get3A_27, %get3A_28] : memref<1x128xf32, #tpu.memory_space<vmem>>, vector<1x128xf32>
    %add3A_30 = vector.broadcast %get3A_29 : vector<1x128xf32> to vector<1000x128xf32>
    %add3A_31 = arith.addf %dot_general3A_26, %add3A_30 : vector<1000x128xf32>
    %integer_pow3A = arith.mulf %add3A_31, %add3A_31 : vector<1000x128xf32>
    %integer_pow3A_32 = arith.mulf %add3A_31, %integer_pow3A : vector<1000x128xf32>
    %mul3A_33 = arith.constant 4.471500e-02 : f32
    %mul3A_34 = vector.broadcast %mul3A_33 : f32 to vector<1000x128xf32>
    %mul3A_35 = arith.mulf %mul3A_34, %integer_pow3A_32 : vector<1000x128xf32>
    %add3A_36 = arith.addf %add3A_31, %mul3A_35 : vector<1000x128xf32>
    %mul3A_37 = arith.constant 0.797884583 : f32
    %mul3A_38 = vector.broadcast %mul3A_37 : f32 to vector<1000x128xf32>
    %mul3A_39 = arith.mulf %mul3A_38, %add3A_36 : vector<1000x128xf32>
    %tanh3A = math.tanh %mul3A_39 : vector<1000x128xf32>
    %add3A_40 = arith.constant 1.000000e+00 : f32
    %add3A_41 = vector.broadcast %add3A_40 : f32 to vector<1000x128xf32>
    %add3A_42 = arith.addf %add3A_41, %tanh3A : vector<1000x128xf32>
    %mul3A_43 = arith.constant 5.000000e-01 : f32
    %mul3A_44 = vector.broadcast %mul3A_43 : f32 to vector<1000x128xf32>
    %mul3A_45 = arith.mulf %mul3A_44, %add3A_42 : vector<1000x128xf32>
    %mul3A_46 = arith.mulf %add3A_31, %mul3A_45 : vector<1000x128xf32>
    %get3A_47 = arith.constant 0 : index
    %get3A_48 = arith.constant 0 : index
    %get3A_49 = vector.load %arg6[%get3A_47, %get3A_48] : memref<128x128xf32, #tpu.memory_space<vmem>>, vector<128x128xf32>
    %dot_general3A_50 = arith.constant dense<0.000000e+00> : vector<1000x128xf32>
    %dot_general3A_51 = tpu.matmul %mul3A_46, %get3A_49, %dot_general3A_50 {dimension_numbers = #tpu.dot_dimension_numbers<[1], [0], [0], [1], [0, 0, 1, 1], [], []>, transpose_lhs_hint = false} : vector<1000x128xf32>, vector<128x128xf32>, vector<1000x128xf32> -> vector<1000x128xf32>
    %get3A_52 = arith.constant 0 : index
    %get3A_53 = arith.constant 0 : index
    %get3A_54 = vector.load %arg7[%get3A_52, %get3A_53] : memref<1x128xf32, #tpu.memory_space<vmem>>, vector<1x128xf32>
    %add3A_55 = vector.broadcast %get3A_54 : vector<1x128xf32> to vector<1000x128xf32>
    %add3A_56 = arith.addf %dot_general3A_51, %add3A_55 : vector<1000x128xf32>
    %swap3A = arith.constant 0 : index
    %swap3A_57 = arith.constant 0 : index
    %swap3A_58 = vector.load %arg9[%swap3A, %swap3A_57] : memref<1000x128xf32, #tpu.memory_space<vmem>>, vector<1000x128xf32>
    tpu.vector_store %arg9[%swap3A, %swap3A_57], %add3A_56 {strides = array<i32>} : memref<1000x128xf32, #tpu.memory_space<vmem>>, vector<1000x128xf32>,
    return
  }
  func.func @transform_0(%arg0: i32) -> (i32, i32, i32) {
    %c0_i32 = arith.constant 0 : i32
    %c0_i32_0 = arith.constant 0 : i32
    %c0_i32_1 = arith.constant 0 : i32
    return %c0_i32, %arg0, %c0_i32_0 : i32, i32, i32
  }
  func.func @transform_1(%arg0: i32) -> (i32, i32) {
    %c0_i32 = arith.constant 0 : i32
    %c0_i32_0 = arith.constant 0 : i32
    return %arg0, %c0_i32 : i32, i32
  }
  func.func @transform_2(%arg0: i32) -> (i32, i32) {
    %c0_i32 = arith.constant 0 : i32
    %c0_i32_0 = arith.constant 0 : i32
    %c0_i32_1 = arith.constant 0 : i32
    return %c0_i32, %c0_i32_0 : i32, i32
  }
  func.func @transform_3(%arg0: i32) -> (i32, i32) {
    %c0_i32 = arith.constant 0 : i32
    %c0_i32_0 = arith.constant 0 : i32
    %c0_i32_1 = arith.constant 0 : i32
    return %c0_i32, %c0_i32_0 : i32, i32
  }
  func.func @transform_4(%arg0: i32) -> (i32, i32) {
    %c0_i32 = arith.constant 0 : i32
    %c0_i32_0 = arith.constant 0 : i32
    %c0_i32_1 = arith.constant 0 : i32
    return %c0_i32, %c0_i32_0 : i32, i32
  }
  func.func @transform_5(%arg0: i32) -> (i32, i32) {
    %c0_i32 = arith.constant 0 : i32
    %c0_i32_0 = arith.constant 0 : i32
    %c0_i32_1 = arith.constant 0 : i32
    return %c0_i32, %c0_i32_0 : i32, i32
  }
  func.func @transform_6(%arg0: i32) -> (i32, i32) {
    %c0_i32 = arith.constant 0 : i32
    %c0_i32_0 = arith.constant 0 : i32
    %c0_i32_1 = arith.constant 0 : i32
    return %c0_i32, %c0_i32_0 : i32, i32
  }
  func.func @transform_7(%arg0: i32) -> i32 {
    %c0_i32 = arith.constant 0 : i32
    %c0_i32_0 = arith.constant 0 : i32
    return %c0_i32 : i32
  }
  func.func @transform_8(%arg0: i32) -> (i32, i32) {
    %c0_i32 = arith.constant 0 : i32
    %c0_i32_0 = arith.constant 0 : i32
    return %arg0, %c0_i32 : i32, i32
  }
}

</mosaic_0001>

<sc_bundles>
// kernel: kernel.6.cloned.1.call-start
scs
__scs_entry_jumppad:
0x0: {  	(pc) =	sbr.rel $0x88, $3  }
0x1: {  	(tag) =	ssettag $0x0;
	lr =	simm.s32 $0x1  }
0x2: {  	[smem:$0x3F95] =	sst lr;
	_ =	strace $0xD0000000  }
0x3: {  	_ = 	snop  }
0x4: {  	_ = 	snop  }
0x5: {  	_ = 	snop  }
0x6: {  	_ = 	snop  }
0x7: {  	_ = 	snop  }
__scs_overlays_trampoline_lowered:
0x8: {  	[smem:$0x3FA4] =	sst s0  }
0x9: {  	[smem:$0x3FA5] =	sst s1  }
0xa: {  	[smem:$0x3FA6] =	sst s2  }
0xb: {  	[smem:$0x3FA7] =	sst s3  }
0xc: {  	[smem:$0x3FA8] =	sst s4  }
0xd: {  	[smem:$0x3FA9] =	sst s5  }
0xe: {  	[smem:$0x3FAA] =	sst s6  }
0xf: {  	[smem:$0x3FAB] =	sst s7  }
0x10: {  	[smem:$0x3FAC] =	sst s8  }
0x11: {  	[smem:$0x3FAD] =	sst s9;
	s0 =	simm.s32 @!p0 $0x0  }
0x12: {  	s1 =	sld [smem:$0x3F93];
	s0 =	simm.s32 @p0 $0x1  }
0x13: {  	[smem:$0x3FAE] =	sst s0;
	s0 =	simm.s32 @!p1 $0x0  }
0x14: {  	s2 =	sld [smem:$0x3F92];
	s0 =	simm.s32 @p1 $0x1  }
0x15: {  	[smem:$0x3FAF] =	sst s0;
	s0 =	simm.s32 @!p2 $0x0  }
0x16: {  	s3 =	sld [smem:$0x3FDB];
	s0 =	simm.s32 @p2 $0x1  }
0x17: {  	s4 =	simm.s32 $0x1BF5;
	[smem:$0x3FB1] =	sst s0  }
0x18: {  	s0 =	sld [smem:$0x3F94];
	_ =	swait.ge [sflag:s4], $0x0  }
0x19: {  	s7 =	sld [smem:$0x3F95]  }
0x1a: {  	s8 =	sadd.s32 $0xFFFFE003, lr  }
0x1b: {  	s9 =	sadd.s32 $0xFFFFFEF7, lr;
	s5 =	simm.s32 $0xFFFFFFFF;
	p2 =	slt.u32 s8, $0xFFFFF086  }
0x1c: {  	p1 =	slt.u32 s9, $0xF7A;
	s5 =	simm.s32 @!p2 $0x0  }
0x1d: {  	s5 =	simm.s32 @p1 $0x1;
	p0 =	seq.s32 s7, s2  }
0x1e: {  	s7 =	smul.u32 @!p0 $0xF7A, s2;
	p2 =	seq.s32 @!p0 s5, $0x0  }
0x1f: {  	s9 =	smul.u32 $0xF7A, s1;
	s8 =	simm.s32 @!p0 $0x1BF5;
	p2 =	por !p2, p0  }
0x20: {  	[sflag:s8] =	ssyncset.s32 @!p0 $0xFFFFF086;
	s6 =	sadd.s32 @!p0 s3, s7;
	s7 =	simm.s32 @!p0 $0x108  }
0x21: {  	s3 =	sadd.s32 s3, s9;
	s6 =	sadd.s32 @!p0 $0x88, s6;
	s7 =	simm.s32 @p2 $0x1082  }
0x22: {  	[simem:s7], [sflag:s8] =	dma.local @!p0 [hbm:s6], $0xF7A  }
0x23: {  	s9 =	sor.u32 $0xD0000000, s2;
	s6 =	simm.s32 $0x108;
	_ =	swait.ge @!p0 [sflag:s8], $0x0  }
0x24: {  	s3 =	sadd.s32 $0x88, s3;
	s6 =	simm.s32 @!p1 $0x1082;
	[sflag:s4] =	ssyncset.s32 $0xFFFFF086  }
0x25: {  	[simem:s6], [sflag:s4] =	dma.local [hbm:s3], $0xF7A  }
0x26: {  	[smem:$0x3F95] =	sst s1;
	(tag) =	ssettag s2;
	_ =	strace s9  }
0x27: {  	s1 =	sld [smem:$0x3FA5]  }
0x28: {  	s2 =	sld [smem:$0x3FA6]  }
0x29: {  	s4 =	sld [smem:$0x3FA8]  }
0x2a: {  	p0 =	seq.s32 s5, $0x0;
	s5 =	sld [smem:$0x3FA9]  }
0x2b: {  	s6 =	sld [smem:$0x3FAA]  }
0x2c: {  	s7 =	sld [smem:$0x3FAB]  }
0x2d: {  	s3 =	simm.s32 $0x108;
	s8 =	sld [smem:$0x3FAC]  }
0x2e: {  	s3 =	simm.s32 @!p0 $0x1082;
	s9 =	sld [smem:$0x3FAD]  }
0x2f: {  	lr =	sadd.s32 s0, s3;
	s0 =	sld [smem:$0x3FA4]  }
0x30: {  	s3 =	sld [smem:$0x3FA7]  }
0x31: {  	[smem:$0x3FB0] =	sst s10  }
0x32: {  	s10 =	sld [smem:$0x3FAE];
	_ =	sdelay $0x3  }
0x33: {  	p0 =	seq.s32 s10, $0x1;
	s10 =	sld [smem:$0x3FB0];
	_ =	sdelay $0x3  }
0x34: {  	[smem:$0x3FB0] =	sst s10  }
0x35: {  	s10 =	sld [smem:$0x3FAF];
	_ =	sdelay $0x3  }
0x36: {  	p1 =	seq.s32 s10, $0x1;
	s10 =	sld [smem:$0x3FB0];
	_ =	sdelay $0x3  }
0x37: {  	[smem:$0x3FB0] =	sst s10  }
0x38: {  	s10 =	sld [smem:$0x3FB1]  }
0x39: {  	_ = 	snop;
	(pc) =	sbr.ind lr, $3  }
0x3a: {  	_ = 	snop  }
0x3b: {  	_ = 	snop  }
0x3c: {  	p2 =	seq.s32 s10, $0x1;
	s10 =	sld [smem:$0x3FB0]  }
0x3d: {  	_ =	shalt  }
0x3e: {  	_ =	shalt  }
0x3f: {  	_ =	shalt  }
0x40: {  	_ =	shalt  }
0x41: {  	_ =	shalt  }
0x42: {  	_ =	shalt  }
0x43: {  	_ =	shalt  }
0x44: {  	_ =	shalt  }
0x45: {  	_ =	shalt  }
0x46: {  	_ =	shalt  }
0x47: {  	_ =	shalt  }
0x48: {  	_ =	shalt  }
0x49: {  	_ =	shalt  }
0x4a: {  	_ =	shalt  }
0x4b: {  	_ =	shalt  }
0x4c: {  	_ =	shalt  }
0x4d: {  	_ =	shalt  }
0x4e: {  	_ =	shalt  }
0x4f: {  	_ =	shalt  }
0x50: {  	_ =	shalt  }
0x51: {  	_ =	shalt  }
0x52: {  	_ =	shalt  }
0x53: {  	_ =	shalt  }
0x54: {  	_ =	shalt  }
0x55: {  	_ =	shalt  }
0x56: {  	_ =	shalt  }
0x57: {  	_ =	shalt  }
0x58: {  	_ =	shalt  }
0x59: {  	_ =	shalt  }
0x5a: {  	_ =	shalt  }
0x5b: {  	_ =	shalt  }
0x5c: {  	_ =	shalt  }
0x5d: {  	_ =	shalt  }
0x5e: {  	_ =	shalt  }
0x5f: {  	_ =	shalt  }
0x60: {  	_ =	shalt  }
0x61: {  	_ =	shalt  }
0x62: {  	_ =	shalt  }
0x63: {  	_ =	shalt  }
0x64: {  	_ =	shalt  }
0x65: {  	_ =	shalt  }
0x66: {  	_ =	shalt  }
0x67: {  	_ =	shalt  }
0x68: {  	_ =	shalt  }
0x69: {  	_ =	shalt  }
0x6a: {  	_ =	shalt  }
0x6b: {  	_ =	shalt  }
0x6c: {  	_ =	shalt  }
0x6d: {  	_ =	shalt  }
0x6e: {  	_ =	shalt  }
0x6f: {  	_ =	shalt  }
0x70: {  	_ =	shalt  }
0x71: {  	_ =	shalt  }
0x72: {  	_ =	shalt  }
0x73: {  	_ =	shalt  }
0x74: {  	_ =	shalt  }
0x75: {  	_ =	shalt  }
0x76: {  	_ =	shalt  }
0x77: {  	_ =	shalt  }
0x78: {  	_ =	shalt  }
0x79: {  	_ =	shalt  }
0x7a: {  	_ =	shalt  }
0x7b: {  	_ =	shalt  }
0x7c: {  	_ =	shalt  }
0x7d: {  	_ =	shalt  }
0x7e: {  	_ =	shalt  }
0x7f: {  	_ =	shalt  }
0x80: {  	_ =	shalt  }
0x81: {  	_ =	shalt  }
0x82: {  	_ =	shalt  }
0x83: {  	_ =	shalt  }
0x84: {  	_ =	shalt  }
0x85: {  	_ =	shalt  }
0x86: {  	_ =	shalt  }
0x87: {  	_ =	shalt  }
.Lfunc_end0:
.L_simem_size_0:
called_computation_lowered:
.L_overlay_start_0:
0x88: {  	s2 =	sld [smem:$0x3FD9]  }
0x89: {  	s3 =	sld [smem:$0x3FFE];
	_ =	sdelay $0x1  }
0x8a: {  	s1 =	srdreg.scid  }
0x8b: {  	s0 =	sand.u32 $0x1, s1  }
0x8c: {  	s17 =	sshll.u32 s0, $0xA;
	s2 =	sadd.s32 s3, s2  }
0x8d: {  	s2 =	sadd.s32 s2, s17  }
0x8e: {  	[smem:$0x3FBC] =	sst s2  }
0x8f: {  	_ = 	snop  }
0x90: {  	s2 =	sld [smem:$0x3FD0];
	(tm) =	ssettm $0x1  }
0x91: {  	s18 =	sld [smem:$0x3FFB];
	_ =	sdelay $0x3  }
0x92: {  	_ =	strace s18  }
0x93: {  	s3 =	sld [smem:$0x3FFC];
	_ =	sdelay $0x3  }
0x94: {  	_ =	strace s3  }
0x95: {  	s3 =	sld [smem:$0x3FFD];
	_ =	sdelay $0x3  }
0x96: {  	_ =	strace s3  }
0x97: {  	_ =	strace $0x8FFFFFFF  }
0x98: {  	s19 =	sld [smem:$0x3FDB];
	_ =	sdelay $0x1  }
0x99: {  	s4 =	simm.s32 $_scs_section_size  }
0x9a: {  	s5 =	simm.s32 $_size__tile_overlayer_lowered;
	s6 =	simm.s32 $_tile_overlayer_lowered  }
0x9b: {  	s22 =	simm.s32 $0x1BFF;
	s21 =	sshll.u32 s6, $0x1;
	s3 =	sadd.s32 s4, s19  }
0x9c: {  	s7 =	simm.s32 $0x0;
	s20 =	sshll.u32 s5, $0x1;
	s5 =	sadd.s32 s21, s3  }
0x9d: {  	[timem:s7], [sflag:s22] =	dma.local [hbm:s5], s20  }
0x9e: {  	_ =	swait.ge [sflag:s22], s20  }
0x9f: {  	s4 =	ssub.s32 $0x0, s20;
	[sflag:s22] =	ssyncset.done $0x0  }
0xa0: {  	[sflag:s22] =	ssyncadd.s32 s4;
	_ =	sdelay $0x1  }
0xa1: {  	s23 =	simm.s32 $0x1B8B  }
0xa2: {  	_ =	swait.ge [sflag:s23], $0x1  }
0xa3: {  	[sflag:s23] =	ssyncset.done $0x0  }
0xa4: {  	s25 =	simm.s32 $0x1B8E;
	s24 =	sld [smem:$0x3FFE];
	[sflag:s23] =	ssyncadd.s32 $0xFFFFFFFF  }
0xa5: {  	s26 =	simm.s32 $execute0_lowered;
	[smem:$0x3FD2] =	sst s25  }
0xa6: {  	s5 =	sshll.u32 s26, $0x1;
	_ =	strace $0x80000046;
	[dreg:$0x1] =	wrdreg $0xFFFFFFFF  }
0xa7: {  	s28 =	simm.s32 $_size_execute0_lowered;
	s3 =	sadd.s32 s3, s5;
	[dreg:$0x0] =	wrdreg $0x0  }
0xa8: {  	s5 =	sshll.u32 s28, $0x1;
	[dreg:$0x2] =	wrdreg s3  }
0xa9: {  	[dreg:$0x3] =	wrdreg s5  }
0xaa: {  	[dreg:$0x4] =	wrdreg $0xC0  }
0xab: {  	_ =	task [dreg:s7], $0x5FFFF  }
0xac: {  	[dreg:$0x1] =	wrdreg $0xFFFFFFFF  }
0xad: {  	[dreg:$0x0] =	wrdreg $0x60  }
0xae: {  	[dreg:$0x2] =	wrdreg s24  }
0xaf: {  	[dreg:$0x3] =	wrdreg s2  }
0xb0: {  	[dreg:$0x4] =	wrdreg $0xA3800  }
0xb1: {  	[dreg:$0x5] =	wrdreg $0x9  }
0xb2: {  	_ =	task.clear_ibuf [dreg:s7], $0x6FFFF;
	_ =	strace $0x90000046  }
0xb3: {  	s29 =	simm.s32 $0x9;
	_ =	strace $0x80000048  }
0xb4: {  	_ =	swait.ge [sflag:s29], $0x1  }
0xb5: {  	[sflag:s29] =	ssyncadd.s32 $0xFFFFFFFF  }
0xb6: {  	_ =	strace $0x90000048  }
0xb7: {  	_ =	sfence  }
0xb8: {  	s30 =	sld [smem:$0x0];
	_ =	sdelay $0x2  }
0xb9: {  	s31 =	sshll.u32 s1, $0xD;
	s1 =	sshrl.u32 s1, $0x2  }
0xba: {  	s3 =	sand.u32 $0x4000, s31;
	s1 =	sadd.s32 s1, s30  }
0xbb: {  	s0 =	sor.u32 s3, s0;
	s1 =	sshll.u32 s1, $0x11  }
0xbc: {  	s0 =	sor.u32 s1, s0  }
0xbd: {  	s0 =	sadd.s32 $0x8F2B, s0  }
0xbe: {  	[sflag:s0] =	ssyncadd.remote.s32 $0x1  }
0xbf: {  	_ =	sfence.sel $0xFFFF  }
0xc0: {  	[dreg:$0x0] =	wrdreg $0xFFFFFFFF;
	(pc) =	sbr.abs _section_cstart, $3  }
0xc1: {  	[dreg:$0x1] =	wrdreg $0xFFFFFFFF  }
0xc2: {  	_ =	task.clear_ibuf [dreg:s7], $0x2FFFF;
	_ =	strace $0x9FFFFFFF  }
0xc3: {  	(tm) =	ssettm $0x7FFFFFFF  }
tec
execute0_lowered:
.L_overlay_start_1:
0x0: {  	(tag) =	ssettag $0x1  }
0x1: {  	s0 =	srdreg.scid  }
0x2: {  	s26 =	stileid.u32;
	s3 =	rddreg [dreg:$0x0];
	s1 =	simm.s32 $0x0  }
0x3: {  	s5 =	sand.u32 $0x1, s0;
	s9 =	smul.u32 $0x1F400, s26;
	[smem:$0x7FF] =	sst s1  }
0x4: {  	s10 =	sadd.s32 $0x504000, s3;
	s8 =	smul.u32 $0x138800, s5;
	s0 =	ssub.s32 $0x2, s5  }
0x5: {  	s4 =	sshrl.u32 s0, $0x1;
	s2 =	sadd.s32 $0x2800, s9;
	s13 =	sadd.s32 $0xF000, s9  }
0x6: {  	s16 =	sadd.s32 $0x11800, s9;
	s17 =	sadd.s32 $0x14000, s9;
	s6 =	sadd.s32 s9, s8  }
0x7: {  	s0 =	ssub.s32 s0, s4;
	s19 =	sadd.s32 s8, s2;
	s14 =	sadd.s32 s8, s13  }
0x8: {  	s25 =	sadd.s32 s8, s16;
	s18 =	sshrl.u32 s6, $0x3;
	s6 =	sshrl.u32 s19, $0x3  }
0x9: {  	s24 =	sshrl.u32 s14, $0x3;
	s31 =	sshrl.u32 s25, $0x3;
	s4 =	sadd.s32 s10, s18  }
0xa: {  	s14 =	sadd.s32 s8, s17;
	s6 =	sadd.s32 s10, s6;
	[dreg:$0x4] =	wrdreg s4  }
0xb: {  	s4 =	sadd.s32 $0x5000, s9;
	[dreg:$0x5] =	wrdreg s6;
	s6 =	sadd.s32 $0x7800, s9  }
0xc: {  	s25 =	sadd.s32 $0x1B800, s9;
	s7 =	sadd.s32 s8, s4;
	s12 =	sadd.s32 s8, s6  }
0xd: {  	s11 =	sshrl.u32 s7, $0x3;
	s7 =	sadd.s32 $0xA000, s9;
	s20 =	sshrl.u32 s12, $0x3  }
0xe: {  	s12 =	sadd.s32 $0xC800, s9;
	s11 =	sadd.s32 s10, s11;
	s21 =	sadd.s32 s8, s7  }
0xf: {  	s23 =	sadd.s32 s8, s12;
	[dreg:$0x6] =	wrdreg s11;
	s11 =	sadd.s32 s10, s20  }
0x10: {  	s22 =	sshrl.u32 s21, $0x3;
	s21 =	sadd.s32 $0x16800, s9;
	[dreg:$0x7] =	wrdreg s11  }
0x11: {  	s11 =	sadd.s32 s10, s22;
	s15 =	sadd.s32 s8, s21;
	s22 =	sadd.s32 $0x19000, s9  }
0x12: {  	s9 =	sadd.s32 $0x1E000, s9;
	[dreg:$0x8] =	wrdreg s11;
	s11 =	sshrl.u32 s23, $0x3  }
0x13: {  	s18 =	sshrl.u32 s15, $0x3;
	s19 =	sadd.s32 s8, s22;
	s23 =	sadd.s32 s8, s25  }
0x14: {  	s8 =	sadd.s32 s8, s9;
	s15 =	rddreg [dreg:$0x2];
	s11 =	sadd.s32 s10, s11  }
0x15: {  	s8 =	sshrl.u32 s8, $0x3;
	[dreg:$0x9] =	wrdreg s11;
	s11 =	sadd.s32 s10, s24  }
0x16: {  	s8 =	sadd.s32 s10, s8;
	[dreg:$0xa] =	wrdreg s11  }
0x17: {  	s5 =	sshll.u32 s5, $0x4;
	s11 =	sadd.s32 s10, s31;
	[dreg:$0x10] =	wrdreg s8  }
0x18: {  	s20 =	sshrl.u32 s19, $0x3;
	[dreg:$0xb] =	wrdreg s11;
	s11 =	sshrl.u32 s14, $0x3  }
0x19: {  	s19 =	sadd.s32 $0x1E00, s3;
	s14 =	rddreg [dreg:$0x1];
	s11 =	sadd.s32 s10, s11  }
0x1a: {  	s31 =	sor.u32 s26, s5;
	[dreg:$0xc] =	wrdreg s11;
	s11 =	sadd.s32 s10, s18  }
0x1b: {  	s18 =	smul.u32 $0x7D000, s26;
	[dreg:$0xd] =	wrdreg s11;
	s11 =	sadd.s32 s10, s20  }
0x1c: {  	s5 =	sshll.u32 s31, $0xB;
	[dreg:$0xe] =	wrdreg s11;
	s11 =	sshrl.u32 s23, $0x3  }
0x1d: {  	s20 =	sadd.s32 $0x11E00, s3;
	s24 =	sshrl.u32 s18, $0x2;
	s11 =	sadd.s32 s10, s11  }
0x1e: {  	s18 =	sadd.s32 $0x22000, s3;
	s3 =	sadd.s32 $0x21E00, s3;
	[dreg:$0xf] =	wrdreg s11  }
0x1f: {  	s11 =	sadd.s32 s19, s5;
	_ =	strace $0x80000047;
	[dreg:$0x11] =	wrdreg s3  }
0x20: {  	s2 =	sadd.s32 s2, s15;
	[dreg:$0x13] =	wrdreg s11  }
0x21: {  	s8 =	sadd.s32 s6, s15;
	[dreg:$0x18] =	wrdreg s2  }
0x22: {  	s12 =	sadd.s32 s12, s15;
	[dreg:$0x1a] =	wrdreg s8  }
0x23: {  	s13 =	sadd.s32 s13, s15;
	[dreg:$0x1c] =	wrdreg s12  }
0x24: {  	s6 =	sadd.s32 s25, s15;
	[dreg:$0x1d] =	wrdreg s13  }
0x25: {  	s0 =	smax.u32 s0, $0x1;
	s10 =	sadd.s32 s24, s15;
	[smem:$0x7EF] =	sst s6  }
0x26: {  	p0 =	sgt.u32 s26, $0x9;
	s25 =	sadd.s32 $0x19000, s10;
	[smem:$0x7F1] =	sst s0  }
0x27: {  	s23 =	smul.u32 $0x2710, s31;
	s26 =	sadd.s32 $0x1B800, s10;
	[smem:$0x7FB] =	sst s25  }
0x28: {  	s24 =	sshll.u32 s31, $0xE;
	s3 =	smul.u32 $0x27100, s31;
	[smem:$0x7FC] =	sst s26  }
0x29: {  	s31 =	sor.u32 $0x10, s5;
	s5 =	sadd.s32 s20, s5;
	[dreg:$0x12] =	wrdreg s10  }
0x2a: {  	s8 =	sadd.s32 $0x2800, s10;
	[dreg:$0x14] =	wrdreg s5  }
0x2b: {  	s12 =	sadd.s32 $0xA000, s10;
	[smem:$0x7F2] =	sst s8  }
0x2c: {  	s13 =	sadd.s32 $0xC800, s10;
	[smem:$0x7F5] =	sst s12  }
0x2d: {  	s11 =	sadd.s32 s19, s31;
	[smem:$0x7F6] =	sst s13  }
0x2e: {  	s31 =	sadd.s32 s20, s31;
	[dreg:$0x15] =	wrdreg s11  }
0x2f: {  	s5 =	sadd.s32 s4, s15;
	[dreg:$0x16] =	wrdreg s31  }
0x30: {  	s28 =	simm.s32 $0x50;
	s4 =	sadd.s32 s21, s15;
	[dreg:$0x19] =	wrdreg s5  }
0x31: {  	s29 =	simm.s32 $0x5000;
	s21 =	sadd.s32 $0x14000, s10;
	[smem:$0x7ED] =	sst s4  }
0x32: {  	s30 =	simm.s32 $0x7;
	s3 =	sadd.s32 s18, s3;
	[smem:$0x7F9] =	sst s21  }
0x33: {  	s25 =	simm.s32 $0xA100;
	s11 =	sadd.s32 s7, s15;
	[dreg:$0x17] =	wrdreg s3  }
0x34: {  	s26 =	simm.s32 $0x1;
	s31 =	sadd.s32 s16, s15;
	[dreg:$0x1b] =	wrdreg s11  }
0x35: {  	s0 =	simm.s32 $0x4;
	s5 =	sadd.s32 s22, s15;
	[dreg:$0x1e] =	wrdreg s31  }
0x36: {  	s2 =	simm.s32 $0x6;
	s7 =	sadd.s32 s9, s15;
	[smem:$0x7EE] =	sst s5  }
0x37: {  	s8 =	sadd.s32 $0xA0, s23;
	s9 =	sadd.s32 $0x5000, s10;
	[smem:$0x7F0] =	sst s7  }
0x38: {  	s12 =	simm.s32 $0x5;
	s16 =	sadd.s32 $0xF000, s10;
	[smem:$0x7F3] =	sst s9  }
0x39: {  	s13 =	simm.s32 $0xA280;
	s22 =	sadd.s32 $0x16800, s10;
	[smem:$0x7F7] =	sst s16  }
0x3a: {  	s21 =	simm.s32 $0xA180;
	s3 =	sadd.s32 s17, s15;
	[smem:$0x7FA] =	sst s22  }
.Ltmp0:
0x3b: {  	s11 =	sadd.s32 $0x7800, s10;
	[dreg:$0x1f] =	wrdreg s3;
	(pc) =	sbr.rel .LBB2_1-.Ltmp0, $4  }
0x3c: {  	s4 =	simm.s32 $0x0;
	s17 =	sadd.s32 $0x11800, s10;
	[smem:$0x7F4] =	sst s11  }
0x3d: {  	s31 =	sadd.s32 $0x1E000, s10;
	s9 =	simm.s32 $0x9;
	[smem:$0x7F8] =	sst s17  }
0x3e: {  	s10 =	simm.s32 $0xA080;
	s16 =	simm.s32 $0x2;
	[smem:$0x7FD] =	sst s31  }
0x3f: {  	v0 =	vimm.f32 $0.0e+00;
	s11 =	simm.s32 $0x3;
	s17 =	simm.s32 $0x2800;
	s3 =	simm.s32 $0xA300  }
.LBB2_16:
0x40: {  	s5 =	sld [smem:$0x7F1];
	_ =	sdelay $0x1  }
0x41: {  	s4 =	sadd.s32 $0x1, s4  }
0x42: {  	p1 =	sne.s32 s4, s5  }
.Ltmp1:
0x43: {  	_ = 	snop;
	(pc) =	sbr.rel @!p1 .LBB2_17-.Ltmp1, $1  }
0x44: {  	_ =	sdelay $0x3  }
.LBB2_1:
0x45: {  	s5 =	simm.s32 $0x0;
	s6 =	simm.s32 $0x200  }
.LBB2_2:
0x46: {  	p1 =	sne.s32 s6, $0x9E00;
	[tilespmem:s5+$0x70] =	vst v0  }
0x47: {  	[tilespmem:s5+$0x0] =	vst v0  }
0x48: {  	[tilespmem:s5+$0x10] =	vst v0  }
.Ltmp2:
0x49: {  	[tilespmem:s5+$0x20] =	vst v0;
	(pc) =	sbr.rel @p1 .LBB2_2-.Ltmp2, $4  }
0x4a: {  	[tilespmem:s5+$0x30] =	vst v0  }
0x4b: {  	[tilespmem:s5+$0x40] =	vst v0  }
0x4c: {  	[tilespmem:s5+$0x50] =	vst v0  }
0x4d: {  	[tilespmem:s5+$0x60] =	vst v0;
	s5 =	sshra.s32 s6, $0x2;
	s6 =	sadd.s32 $0x200, s6  }
0x4e: {  	[tilespmem:s5+$0x70] =	vst v0  }
0x4f: {  	[tilespmem:s5+$0x0] =	vst v0  }
0x50: {  	[tilespmem:s5+$0x10] =	vst v0  }
0x51: {  	[tilespmem:s5+$0x20] =	vst v0  }
0x52: {  	[tilespmem:s5+$0x30] =	vst v0  }
0x53: {  	[tilespmem:s5+$0x40] =	vst v0  }
0x54: {  	[tilespmem:s5+$0x50] =	vst v0  }
0x55: {  	[tilespmem:s5+$0x60] =	vst v0;
	s31 =	rddreg [dreg:$0x11];
	s6 =	simm.s32 $0xA000  }
0x56: {  	[tilespmem:s6], [sflag:$0x9] =	stream.linear.gather [hbm4b:s31+s1], $0x80, $0x38;
	[tilespmem:$0x1DC00] =	vst v63  }
0x57: {  	_ =	swait.ge [sflag:s9], $0x80  }
0x58: {  	[sflag:s9] =	ssyncset.done $0x0  }
0x59: {  	s5 =	simm.s32 @!p0 $0x0;
	s6 =	rddreg [dreg:$0x12];
	[sflag:s9] =	ssyncadd.s32 $0xFFFFFF80  }
0x5a: {  	[spmem:s6] =	stream.linear.scatter @!p0 [tilespmem:s5], [sflag:$0x9], $0x2800, $0x38;
	[tilespmem:$0x1DC00] =	vst v63  }
0x5b: {  	s6 =	simm.s32 @!p0 $0x9  }
0x5c: {  	_ =	swait.ge @!p0 [sflag:s6], $0x2800  }
0x5d: {  	s7 =	sld [smem:$0x7F2]  }
0x5e: {  	[sflag:s6] =	ssyncset.done @!p0 $0x0  }
0x5f: {  	[sflag:s6] =	ssyncadd.s32 @!p0 $0xFFFFD800  }
0x60: {  	[spmem:s7] =	stream.linear.scatter @!p0 [tilespmem:s5], [sflag:$0x9], $0x2800, $0x38;
	[tilespmem:$0x1DC00] =	vst v63  }
0x61: {  	_ =	swait.ge @!p0 [sflag:s6], $0x2800  }
0x62: {  	s7 =	sld [smem:$0x7F3]  }
0x63: {  	[sflag:s6] =	ssyncset.done @!p0 $0x0  }
0x64: {  	[sflag:s6] =	ssyncadd.s32 @!p0 $0xFFFFD800  }
0x65: {  	[spmem:s7] =	stream.linear.scatter @!p0 [tilespmem:s5], [sflag:$0x9], $0x2800, $0x38;
	[tilespmem:$0x1DC00] =	vst v63  }
0x66: {  	_ =	swait.ge @!p0 [sflag:s6], $0x2800  }
0x67: {  	s7 =	sld [smem:$0x7F4]  }
0x68: {  	[sflag:s6] =	ssyncset.done @!p0 $0x0  }
0x69: {  	[sflag:s6] =	ssyncadd.s32 @!p0 $0xFFFFD800  }
0x6a: {  	[spmem:s7] =	stream.linear.scatter @!p0 [tilespmem:s5], [sflag:$0x9], $0x2800, $0x38;
	[tilespmem:$0x1DC00] =	vst v63  }
0x6b: {  	_ =	swait.ge @!p0 [sflag:s6], $0x2800  }
0x6c: {  	s7 =	sld [smem:$0x7F5]  }
0x6d: {  	[sflag:s6] =	ssyncset.done @!p0 $0x0  }
0x6e: {  	[sflag:s6] =	ssyncadd.s32 @!p0 $0xFFFFD800  }
0x6f: {  	[spmem:s7] =	stream.linear.scatter @!p0 [tilespmem:s5], [sflag:$0x9], $0x2800, $0x38;
	[tilespmem:$0x1DC00] =	vst v63  }
0x70: {  	_ =	swait.ge @!p0 [sflag:s6], $0x2800  }
0x71: {  	s7 =	sld [smem:$0x7F6]  }
0x72: {  	[sflag:s6] =	ssyncset.done @!p0 $0x0  }
0x73: {  	[sflag:s6] =	ssyncadd.s32 @!p0 $0xFFFFD800  }
0x74: {  	[spmem:s7] =	stream.linear.scatter @!p0 [tilespmem:s5], [sflag:$0x9], $0x2800, $0x38;
	[tilespmem:$0x1DC00] =	vst v63  }
0x75: {  	_ =	swait.ge @!p0 [sflag:s6], $0x2800  }
0x76: {  	s7 =	sld [smem:$0x7F7]  }
0x77: {  	[sflag:s6] =	ssyncset.done @!p0 $0x0  }
0x78: {  	[sflag:s6] =	ssyncadd.s32 @!p0 $0xFFFFD800  }
0x79: {  	[spmem:s7] =	stream.linear.scatter @!p0 [tilespmem:s5], [sflag:$0x9], $0x2800, $0x38;
	[tilespmem:$0x1DC00] =	vst v63  }
0x7a: {  	_ =	swait.ge @!p0 [sflag:s6], $0x2800  }
0x7b: {  	s7 =	sld [smem:$0x7F8]  }
0x7c: {  	[sflag:s6] =	ssyncset.done @!p0 $0x0  }
0x7d: {  	[sflag:s6] =	ssyncadd.s32 @!p0 $0xFFFFD800  }
0x7e: {  	[spmem:s7] =	stream.linear.scatter @!p0 [tilespmem:s5], [sflag:$0x9], $0x2800, $0x38;
	[tilespmem:$0x1DC00] =	vst v63  }
0x7f: {  	_ =	swait.ge @!p0 [sflag:s6], $0x2800  }
0x80: {  	s7 =	sld [smem:$0x7F9]  }
0x81: {  	[sflag:s6] =	ssyncset.done @!p0 $0x0  }
0x82: {  	[sflag:s6] =	ssyncadd.s32 @!p0 $0xFFFFD800  }
0x83: {  	[spmem:s7] =	stream.linear.scatter @!p0 [tilespmem:s5], [sflag:$0x9], $0x2800, $0x38;
	[tilespmem:$0x1DC00] =	vst v63  }
0x84: {  	_ =	swait.ge @!p0 [sflag:s6], $0x2800  }
0x85: {  	s7 =	sld [smem:$0x7FA]  }
0x86: {  	[sflag:s6] =	ssyncset.done @!p0 $0x0  }
0x87: {  	[sflag:s6] =	ssyncadd.s32 @!p0 $0xFFFFD800  }
0x88: {  	[spmem:s7] =	stream.linear.scatter @!p0 [tilespmem:s5], [sflag:$0x9], $0x2800, $0x38;
	[tilespmem:$0x1DC00] =	vst v63  }
0x89: {  	_ =	swait.ge @!p0 [sflag:s6], $0x2800  }
0x8a: {  	s7 =	sld [smem:$0x7FB]  }
0x8b: {  	[sflag:s6] =	ssyncset.done @!p0 $0x0  }
0x8c: {  	[sflag:s6] =	ssyncadd.s32 @!p0 $0xFFFFD800  }
0x8d: {  	[spmem:s7] =	stream.linear.scatter @!p0 [tilespmem:s5], [sflag:$0x9], $0x2800, $0x38;
	[tilespmem:$0x1DC00] =	vst v63  }
0x8e: {  	_ =	swait.ge @!p0 [sflag:s6], $0x2800  }
0x8f: {  	s7 =	sld [smem:$0x7FC]  }
0x90: {  	[sflag:s6] =	ssyncset.done @!p0 $0x0  }
0x91: {  	[sflag:s6] =	ssyncadd.s32 @!p0 $0xFFFFD800  }
0x92: {  	[spmem:s7] =	stream.linear.scatter @!p0 [tilespmem:s5], [sflag:$0x9], $0x2800, $0x38;
	[tilespmem:$0x1DC00] =	vst v63  }
0x93: {  	_ =	swait.ge @!p0 [sflag:s6], $0x2800  }
0x94: {  	s7 =	sld [smem:$0x7FD]  }
0x95: {  	[sflag:s6] =	ssyncset.done @!p0 $0x0  }
0x96: {  	[sflag:s6] =	ssyncadd.s32 @!p0 $0xFFFFD800  }
0x97: {  	[spmem:s7] =	stream.linear.scatter @!p0 [tilespmem:s5], [sflag:$0x9], $0x1400, $0x38;
	[tilespmem:$0x1DC00] =	vst v63  }
0x98: {  	_ =	swait.ge @!p0 [sflag:s6], $0x1400  }
0x99: {  	[sflag:s6] =	ssyncset.done @!p0 $0x0  }
0x9a: {  	[sflag:s6] =	ssyncadd.s32 @!p0 $0xFFFFEC00  }
0x9b: {  	[bflag:$0x0] =	sbarrier.arrive $0xFFFF  }
0x9c: {  	s5 =	simm.s32 $0x0;
	s7 =	rddreg [dreg:$0x13]  }
0x9d: {  	[tilespmem:s10], [sflag:$0x1] =	stream.linear.gather [hbm4b:s7+s5], $0x80, $0x38;
	[tilespmem:$0x1DC00] =	vst v63  }
0x9e: {  	s22 =	rddreg [dreg:$0x14]  }
0x9f: {  	[tilespmem:s21], [sflag:$0x1] =	stream.linear.gather [hbm4b:s22+s5], $0x80, $0x38;
	[tilespmem:$0x1DC00] =	vst v63  }
0xa0: {  	s31 =	rddreg [dreg:$0x15]  }
0xa1: {  	[tilespmem:s25], [sflag:$0x2] =	stream.linear.gather [hbm4b:s31+s5], $0x80, $0x38;
	[tilespmem:$0x1DC00] =	vst v63  }
0xa2: {  	s7 =	rddreg [dreg:$0x16];
	s22 =	simm.s32 $0xA200  }
0xa3: {  	[tilespmem:s22], [sflag:$0x2] =	stream.linear.gather [hbm4b:s7+s5], $0x80, $0x38;
	[tilespmem:$0x1DC00] =	vst v63  }
0xa4: {  	_ =	swait.ge [sflag:s26], $0x80  }
0xa5: {  	[sflag:s26] =	ssyncset.done $0x0  }
0xa6: {  	[sflag:s26] =	ssyncadd.s32 $0xFFFFFF80  }
0xa7: {  	_ =	swait.ge [sflag:s26], $0x80  }
.Ltmp3:
0xa8: {  	[sflag:s26] =	ssyncset.done $0x0;
	(pc) =	sbr.rel .LBB2_4-.Ltmp3, $4  }
0xa9: {  	s31 =	rddreg [dreg:$0x17];
	[sflag:s26] =	ssyncadd.s32 $0xFFFFFF80  }
0xaa: {  	[tilespmem:s5], [sflag:$0x3] =	stream.linear.gather [hbm4b:s31+s5], $0x2800, $0x38;
	[tilespmem:$0x1DC00] =	vst v63  }
0xab: {  	_ = 	snop  }
0xac: {  	[tilespmem:s29], [sflag:$0x5] =	stream.indirect.gather [hbm4b:s14+s28], $0x80, s10, s28, $0xb8;
	[tilespmem:$0x1DC00] =	vst v63  }
.LBB2_13:
0xad: {  	s5 =	sadd.s32 $0x1, s5  }
0xae: {  	p1 =	sne.s32 s5, $0x40  }
.Ltmp4:
0xaf: {  	_ = 	snop;
	(pc) =	sbr.rel @!p1 .LBB2_14-.Ltmp4, $1  }
0xb0: {  	_ =	sdelay $0x3  }
.LBB2_4:
0xb1: {  	p1 =	seq.s32 s5, $0x3F  }
.Ltmp5:
0xb2: {  	_ = 	snop;
	(pc) =	sbr.rel @p1 .LBB2_14-.Ltmp5, $1  }
0xb3: {  	_ =	sdelay $0x3  }
0xb4: {  	_ =	swait.ge [sflag:s11], $0x2800;
	s6 =	sshll.u32 s5, $0x1;
	p1 =	seq.s32 s5, $0x0  }
0xb5: {  	[sflag:s11] =	ssyncset.done $0x0;
	s6 =	sor.u32 @!p1 $0x1, s6  }
0xb6: {  	[sflag:s11] =	ssyncadd.s32 $0xFFFFD800;
	p2 =	sgt.u32 @!p1 s6, $0x7C  }
0xb7: {  	_ =	swait.ge [sflag:s12], $0x2800;
	p2 =	por p1, !p2  }
.Ltmp6:
0xb8: {  	[sflag:s12] =	ssyncset.done $0x0;
	(pc) =	sbr.rel @!p2 .LBB2_7-.Ltmp6, $4  }
0xb9: {  	s7 =	simm.s32 @!p1 $0x8;
	[sflag:s12] =	ssyncadd.s32 $0xFFFFD800  }
0xba: {  	_ =	swait.ge @!p1 [sflag:s7], $0x2800  }
0xbb: {  	[sflag:s7] =	ssyncset.done @!p1 $0x0  }
0xbc: {  	[sflag:s7] =	ssyncadd.s32 @!p1 $0xFFFFD800  }
0xbd: {  	s6 =	simm.s32 @p1 $0x1;
	_ =	swait.ge [sflag:s16], $0x80  }
0xbe: {  	[sflag:s16] =	ssyncset.done $0x0;
	s6 =	smul.u32 $0x50, s6  }
0xbf: {  	[sflag:s16] =	ssyncadd.s32 $0xFFFFFF80  }
0xc0: {  	_ =	swait.ge [sflag:s16], $0x80;
	s6 =	sadd.s32 s23, s6  }
0xc1: {  	[sflag:s16] =	ssyncset.done $0x0;
	s6 =	sshll.u32 s6, $0x4  }
0xc2: {  	[sflag:s16] =	ssyncadd.s32 $0xFFFFFF80;
	s6 =	sadd.s32 s18, s6  }
0xc3: {  	[tilespmem:s17], [sflag:$0x4] =	stream.linear.gather [hbm4b:s6+s1], $0x2800, $0x38;
	[tilespmem:$0x1DC00] =	vst v63  }
0xc4: {  	s31 =	simm.s32 $0x7800  }
0xc5: {  	[tilespmem:s31], [sflag:$0x6] =	stream.indirect.gather [hbm4b:s14+s28], $0x80, s25, s28, $0xb8;
	[tilespmem:$0x1DC00] =	vst v63  }
.LBB2_7:
0xc6: {  	s6 =	simm.s32 $0x0  }
0xc7: {  	v1 =	vld [tilespmem:s6+$0x5000]  }
0xc8: {  	v2 =	vld [tilespmem:s6+$0x0];
	_ =	sdelay $0x4  }
0xc9: {  	v2 =	vadd.f32 v1, v2;
	_ =	sdelay $0x1  }
0xca: {  	v3 =	vld [tilespmem:s6+$0x5010];
	v1 =	vmul.f32 v2, v2  }
0xcb: {  	v4 =	vld [tilespmem:s6+$0x10]  }
0xcc: {  	v1 =	vmul.f32 $7.135481390e-02, v1;
	_ =	sdelay $0x1  }
0xcd: {  	v1 =	vsub.f32 $-1.595769170e+00, v1;
	_ =	sdelay $0x1  }
0xce: {  	v3 =	vadd.f32 v3, v4;
	v1 =	vmul.f32 v1, v2;
	_ =	sdelay $0x1  }
0xcf: {  	v4 =	vmul.f32 v3, v3;
	v1 =	vmul.f32 $1.442695020e+00, v1  }
0xd0: {  	v5 =	vld [tilespmem:s6+$0x5020]  }
0xd1: {  	v6 =	vld [tilespmem:s6+$0x20];
	(erf) = vpow2.f32 v1;
	v1 =	vmul.f32 $7.135481390e-02, v4;
	_ =	sdelay $0x1  }
0xd2: {  	v1 =	vsub.f32 $-1.595769170e+00, v1;
	_ =	sdelay $0x1  }
0xd3: {  	v1 =	vmul.f32 v1, v3  }
0xd4: {  	v4 =	vadd.f32 v5, v6  }
0xd5: {  	v1 =	vmul.f32 $1.442695020e+00, v1  }
0xd6: {  	v6 =	vmul.f32 v4, v4;
	_ =	sdelay $0x1  }
0xd7: {  	v7 =	vld [tilespmem:s6+$0x30];
	v6 =	vmul.f32 $7.135481390e-02, v6  }
0xd8: {  	v5 =	vld [tilespmem:s6+$0x5030];
	(erf) = vpow2.f32 v1;
	v1 =	vpop (erf)  }
0xd9: {  	v6 =	vsub.f32 $-1.595769170e+00, v6;
	v1 =	vadd.f32 $1.000000000e+00, v1;
	_ =	sdelay $0x1  }
0xda: {  	(erf) = vrcp.f32 v1;
	v1 =	vmul.f32 v6, v4;
	_ =	sdelay $0x1  }
0xdb: {  	v10 =	vadd.f32 v5, v7;
	v1 =	vmul.f32 $1.442695020e+00, v1  }
0xdc: {  	v7 =	vld [tilespmem:s6+$0x40]  }
0xdd: {  	v5 =	vmul.f32 v10, v10;
	v6 =	vld [tilespmem:s6+$0x5040];
	_ =	sdelay $0x1  }
0xde: {  	v5 =	vmul.f32 $7.135481390e-02, v5;
	(erf) = vpow2.f32 v1;
	v1 =	vpop (erf)  }
0xdf: {  	v8 =	vadd.f32 $1.000000000e+00, v1  }
0xe0: {  	v9 =	vld [tilespmem:$0xA000];
	v5 =	vsub.f32 $-1.595769170e+00, v5  }
0xe1: {  	v1 =	vadd.f32 v6, v7;
	(erf) = vrcp.f32 v8  }
0xe2: {  	v5 =	vmul.f32 v5, v10;
	v6 =	vpop (erf)  }
0xe3: {  	v2 =	vmul.f32 v6, v2;
	v6 =	vmul.f32 v1, v1  }
0xe4: {  	v5 =	vmul.f32 $1.442695020e+00, v5  }
0xe5: {  	v7 =	vld [tilespmem:s6+$0x50];
	v2 =	vadd.f32 v2, v9;
	v6 =	vmul.f32 $7.135481390e-02, v6  }
0xe6: {  	(erf) = vpow2.f32 v5;
	v5 =	vld [tilespmem:s6+$0x5050]  }
0xe7: {  	v8 =	vpop (erf);
	[tilespmem:s6+$0x0] =	vst v2;
	v6 =	vsub.f32 $-1.595769170e+00, v6  }
0xe8: {  	v2 =	vadd.f32 $1.000000000e+00, v8;
	v8 =	vld [tilespmem:$0xA010]  }
0xe9: {  	v6 =	vmul.f32 v6, v1  }
0xea: {  	v11 =	vld [tilespmem:s6+$0x60];
	(erf) = vrcp.f32 v2;
	v9 =	vpop (erf)  }
0xeb: {  	v2 =	vld [tilespmem:s6+$0x5060];
	v6 =	vmul.f32 $1.442695020e+00, v6;
	v9 =	vmul.f32 v9, v3;
	v3 =	vadd.f32 v5, v7;
	_ =	sdelay $0x1  }
0xec: {  	v5 =	vadd.f32 v9, v8;
	v7 =	vmul.f32 v3, v3  }
0xed: {  	(erf) = vpow2.f32 v6  }
0xee: {  	v6 =	vpop (erf);
	[tilespmem:s6+$0x10] =	vst v5;
	v5 =	vmul.f32 $7.135481390e-02, v7  }
0xef: {  	v2 =	vadd.f32 v2, v11;
	v6 =	vadd.f32 $1.000000000e+00, v6  }
0xf0: {  	v5 =	vsub.f32 $-1.595769170e+00, v5  }
0xf1: {  	v7 =	vld [tilespmem:$0xA020];
	(erf) = vrcp.f32 v6;
	v6 =	vmul.f32 v2, v2  }
0xf2: {  	v5 =	vmul.f32 v5, v3  }
0xf3: {  	v8 =	vld [tilespmem:s6+$0x5070];
	v9 =	vpop (erf);
	v6 =	vmul.f32 $7.135481390e-02, v6  }
0xf4: {  	v4 =	vmul.f32 v9, v4;
	v9 =	vld [tilespmem:s6+$0x70];
	v5 =	vmul.f32 $1.442695020e+00, v5  }
0xf5: {  	v6 =	vsub.f32 $-1.595769170e+00, v6  }
0xf6: {  	v4 =	vadd.f32 v4, v7;
	v7 =	vpop (erf);
	(erf) = vpow2.f32 v5  }
0xf7: {  	v11 =	vmul.f32 v6, v2  }
0xf8: {  	v7 =	vadd.f32 $1.000000000e+00, v7;
	[tilespmem:s6+$0x20] =	vst v4  }
0xf9: {  	v4 =	vadd.f32 v8, v9;
	v6 =	vld [tilespmem:$0xA030]  }
0xfa: {  	s7 =	simm.s32 $0x80;
	(erf) = vrcp.f32 v7  }
0xfb: {  	v5 =	vld [tilespmem:s7+$0x5000];
	v8 =	vmul.f32 $1.442695020e+00, v11;
	v9 =	vmul.f32 v4, v4;
	v11 =	vpop (erf)  }
0xfc: {  	s22 =	simm.s32 $0x400;
	v7 =	vld [tilespmem:s7+$0x0];
	v10 =	vmul.f32 v11, v10  }
.LBB2_8:
0xfd: {  	p1 =	sne.s32 s22, $0x9E00;
	v11 =	vmul.f32 $7.135481390e-02, v9;
	(erf) = vpow2.f32 v8  }
0xfe: {  	v6 =	vadd.f32 v10, v6  }
0xff: {  	v8 =	vsub.f32 $-1.595769170e+00, v11;
	v9 =	vpop (erf)  }
0x100: {  	[tilespmem:s6+$0x30] =	vst v6;
	v6 =	vadd.f32 $1.000000000e+00, v9  }
0x101: {  	v5 =	vadd.f32 v5, v7;
	v7 =	vld [tilespmem:$0xA040];
	v8 =	vmul.f32 v8, v4  }
0x102: {  	(erf) = vrcp.f32 v6  }
0x103: {  	v6 =	vmul.f32 v5, v5;
	v8 =	vmul.f32 $1.442695020e+00, v8;
	v9 =	vpop (erf)  }
0x104: {  	v10 =	vld [tilespmem:s7+$0x5010];
	v1 =	vmul.f32 v9, v1  }
0x105: {  	v6 =	vmul.f32 $7.135481390e-02, v6;
	v9 =	vld [tilespmem:s7+$0x10];
	(erf) = vpow2.f32 v8  }
0x106: {  	v1 =	vadd.f32 v1, v7;
	v7 =	vpop (erf)  }
0x107: {  	v6 =	vsub.f32 $-1.595769170e+00, v6;
	v7 =	vadd.f32 $1.000000000e+00, v7  }
0x108: {  	[tilespmem:s6+$0x40] =	vst v1  }
0x109: {  	v1 =	vmul.f32 v6, v5;
	v6 =	vld [tilespmem:$0xA050];
	(erf) = vrcp.f32 v7  }
0x10a: {  	v7 =	vadd.f32 v10, v9  }
0x10b: {  	v1 =	vmul.f32 $1.442695020e+00, v1;
	v8 =	vpop (erf)  }
0x10c: {  	v9 =	vmul.f32 v7, v7;
	v10 =	vld [tilespmem:s7+$0x5020];
	v3 =	vmul.f32 v8, v3  }
0x10d: {  	v8 =	vld [tilespmem:s7+$0x20];
	(erf) = vpow2.f32 v1  }
0x10e: {  	v1 =	vmul.f32 $7.135481390e-02, v9;
	v3 =	vadd.f32 v3, v6;
	v6 =	vpop (erf)  }
0x10f: {  	v6 =	vadd.f32 $1.000000000e+00, v6  }
0x110: {  	v1 =	vsub.f32 $-1.595769170e+00, v1;
	[tilespmem:s6+$0x50] =	vst v3  }
0x111: {  	v3 =	vld [tilespmem:$0xA060];
	(erf) = vrcp.f32 v6  }
0x112: {  	v1 =	vmul.f32 v1, v7;
	v6 =	vadd.f32 v10, v8;
	v8 =	vpop (erf)  }
0x113: {  	v2 =	vmul.f32 v8, v2  }
0x114: {  	v1 =	vmul.f32 $1.442695020e+00, v1;
	v8 =	vmul.f32 v6, v6;
	v9 =	vld [tilespmem:s7+$0x5030]  }
0x115: {  	v10 =	vld [tilespmem:s7+$0x30]  }
0x116: {  	v8 =	vmul.f32 $7.135481390e-02, v8;
	v11 =	vpop (erf);
	(erf) = vpow2.f32 v1;
	v1 =	vadd.f32 v2, v3  }
0x117: {  	v2 =	vadd.f32 $1.000000000e+00, v11  }
0x118: {  	v8 =	vsub.f32 $-1.595769170e+00, v8;
	[tilespmem:s6+$0x60] =	vst v1  }
0x119: {  	(erf) = vrcp.f32 v2;
	v1 =	vld [tilespmem:$0xA070]  }
0x11a: {  	v2 =	vmul.f32 v8, v6;
	v10 =	vadd.f32 v9, v10;
	v3 =	vpop (erf)  }
0x11b: {  	v3 =	vmul.f32 v3, v4  }
0x11c: {  	v11 =	vmul.f32 $1.442695020e+00, v2;
	v4 =	vmul.f32 v10, v10;
	v8 =	vld [tilespmem:s7+$0x5040]  }
0x11d: {  	v9 =	vld [tilespmem:s7+$0x40]  }
0x11e: {  	v4 =	vmul.f32 $7.135481390e-02, v4;
	(erf) = vpow2.f32 v11;
	v1 =	vadd.f32 v3, v1  }
0x11f: {  	v2 =	vpop (erf)  }
0x120: {  	v2 =	vadd.f32 $1.000000000e+00, v2;
	v3 =	vsub.f32 $-1.595769170e+00, v4;
	[tilespmem:s6+$0x70] =	vst v1;
	s6 =	smov.u32 s7  }
0x121: {  	v4 =	vld [tilespmem:$0xA000]  }
0x122: {  	v3 =	vmul.f32 v3, v10;
	v1 =	vadd.f32 v8, v9;
	v8 =	vpop (erf);
	(erf) = vrcp.f32 v2  }
0x123: {  	v2 =	vmul.f32 v8, v5;
	v5 =	vld [tilespmem:s6+$0x5050]  }
0x124: {  	v11 =	vmul.f32 $1.442695020e+00, v3;
	v8 =	vmul.f32 v1, v1;
	v9 =	vld [tilespmem:s6+$0x50];
	_ =	sdelay $0x1  }
0x125: {  	v2 =	vadd.f32 v2, v4;
	v4 =	vmul.f32 $7.135481390e-02, v8;
	(erf) = vpow2.f32 v11  }
0x126: {  	v3 =	vpop (erf)  }
0x127: {  	[tilespmem:s6+$0x0] =	vst v2;
	v2 =	vadd.f32 $1.000000000e+00, v3;
	v4 =	vsub.f32 $-1.595769170e+00, v4  }
0x128: {  	v8 =	vld [tilespmem:$0xA010];
	v3 =	vadd.f32 v5, v9  }
0x129: {  	v4 =	vmul.f32 v4, v1;
	(erf) = vrcp.f32 v2  }
0x12a: {  	v2 =	vmul.f32 v3, v3;
	v5 =	vld [tilespmem:s6+$0x5060];
	v9 =	vpop (erf)  }
0x12b: {  	v7 =	vmul.f32 v9, v7;
	v11 =	vmul.f32 $1.442695020e+00, v4;
	v9 =	vld [tilespmem:s6+$0x60];
	_ =	sdelay $0x1  }
0x12c: {  	v2 =	vmul.f32 $7.135481390e-02, v2;
	v7 =	vadd.f32 v7, v8;
	(erf) = vpow2.f32 v11  }
0x12d: {  	v4 =	vpop (erf)  }
0x12e: {  	[tilespmem:s6+$0x10] =	vst v7;
	v4 =	vadd.f32 $1.000000000e+00, v4;
	v7 =	vsub.f32 $-1.595769170e+00, v2  }
0x12f: {  	v8 =	vld [tilespmem:$0xA020];
	v2 =	vadd.f32 v5, v9  }
0x130: {  	v5 =	vmul.f32 v7, v3;
	(erf) = vrcp.f32 v4  }
0x131: {  	v4 =	vmul.f32 v2, v2;
	v7 =	vld [tilespmem:s6+$0x5070];
	v9 =	vpop (erf)  }
0x132: {  	v6 =	vmul.f32 v9, v6;
	v11 =	vmul.f32 $1.442695020e+00, v5;
	v9 =	vld [tilespmem:s6+$0x70]  }
0x133: {  	v4 =	vmul.f32 $7.135481390e-02, v4  }
0x134: {  	v6 =	vadd.f32 v6, v8;
	(erf) = vpow2.f32 v11  }
0x135: {  	v4 =	vsub.f32 $-1.595769170e+00, v4;
	v5 =	vpop (erf)  }
.Ltmp7:
0x136: {  	[tilespmem:s6+$0x20] =	vst v6;
	v5 =	vadd.f32 $1.000000000e+00, v5;
	(pc) =	sbr.rel @p1 .LBB2_8-.Ltmp7, $4  }
0x137: {  	v6 =	vld [tilespmem:$0xA030];
	v8 =	vmul.f32 v4, v2;
	v4 =	vadd.f32 v7, v9  }
0x138: {  	s7 =	sshra.s32 s22, $0x2;
	(erf) = vrcp.f32 v5  }
0x139: {  	v5 =	vld [tilespmem:s7+$0x5000];
	v8 =	vmul.f32 $1.442695020e+00, v8;
	v9 =	vmul.f32 v4, v4;
	v11 =	vpop (erf)  }
0x13a: {  	s22 =	sadd.s32 $0x200, s22;
	v7 =	vld [tilespmem:s7+$0x0];
	v10 =	vmul.f32 v11, v10  }
0x13b: {  	_ = 	snop  }
0x13c: {  	v9 =	vmul.f32 $7.135481390e-02, v9;
	(erf) = vpow2.f32 v8;
	v6 =	vadd.f32 v10, v6  }
0x13d: {  	v22 =	vpop (erf)  }
0x13e: {  	v21 =	vsub.f32 $-1.595769170e+00, v9;
	[tilespmem:s6+$0x30] =	vst v6;
	v23 =	vadd.f32 $1.000000000e+00, v22  }
0x13f: {  	v5 =	vadd.f32 v5, v7;
	v24 =	vld [tilespmem:$0xA040]  }
0x140: {  	v8 =	vmul.f32 v21, v4;
	(erf) = vrcp.f32 v23  }
0x141: {  	v25 =	vmul.f32 v5, v5;
	v26 =	vpop (erf)  }
0x142: {  	v27 =	vld [tilespmem:s7+$0x5010];
	v8 =	vmul.f32 $1.442695020e+00, v8;
	v1 =	vmul.f32 v26, v1  }
0x143: {  	v28 =	vld [tilespmem:s7+$0x10];
	v6 =	vmul.f32 $7.135481390e-02, v25  }
0x144: {  	(erf) = vpow2.f32 v8;
	v1 =	vadd.f32 v1, v24  }
0x145: {  	v29 =	vpop (erf);
	v6 =	vsub.f32 $-1.595769170e+00, v6  }
0x146: {  	v7 =	vadd.f32 $1.000000000e+00, v29;
	[tilespmem:s6+$0x40] =	vst v1  }
0x147: {  	v1 =	vmul.f32 v6, v5;
	v30 =	vld [tilespmem:$0xA050]  }
0x148: {  	v31 =	vadd.f32 v27, v28;
	(erf) = vrcp.f32 v7  }
0x149: {  	v1 =	vmul.f32 $1.442695020e+00, v1;
	v32 =	vpop (erf)  }
0x14a: {  	v9 =	vmul.f32 v31, v31;
	v3 =	vmul.f32 v32, v3  }
0x14b: {  	v33 =	vld [tilespmem:s7+$0x5020];
	(erf) = vpow2.f32 v1  }
0x14c: {  	v34 =	vld [tilespmem:s7+$0x20];
	v1 =	vmul.f32 $7.135481390e-02, v9;
	v3 =	vadd.f32 v3, v30  }
0x14d: {  	v35 =	vpop (erf)  }
0x14e: {  	v6 =	vadd.f32 $1.000000000e+00, v35;
	v1 =	vsub.f32 $-1.595769170e+00, v1;
	[tilespmem:s6+$0x50] =	vst v3  }
0x14f: {  	v3 =	vld [tilespmem:$0xA060]  }
0x150: {  	(erf) = vrcp.f32 v6;
	v1 =	vmul.f32 v1, v31  }
0x151: {  	v36 =	vadd.f32 v33, v34;
	v37 =	vpop (erf)  }
0x152: {  	v2 =	vmul.f32 v37, v2;
	v1 =	vmul.f32 $1.442695020e+00, v1  }
0x153: {  	v38 =	vmul.f32 v36, v36;
	v39 =	vld [tilespmem:s7+$0x5030]  }
0x154: {  	v40 =	vld [tilespmem:s7+$0x30];
	v11 =	vpop (erf);
	(erf) = vpow2.f32 v1;
	v1 =	vadd.f32 v2, v3  }
0x155: {  	v8 =	vmul.f32 $7.135481390e-02, v38  }
0x156: {  	v2 =	vadd.f32 $1.000000000e+00, v11;
	[tilespmem:s6+$0x60] =	vst v1  }
0x157: {  	v3 =	vsub.f32 $-1.595769170e+00, v8;
	v1 =	vld [tilespmem:$0xA070]  }
0x158: {  	(erf) = vrcp.f32 v2  }
0x159: {  	v2 =	vmul.f32 v3, v36;
	v3 =	vadd.f32 v39, v40;
	v44 =	vld [tilespmem:s7+$0x5040];
	v41 =	vpop (erf)  }
0x15a: {  	v45 =	vld [tilespmem:s7+$0x40];
	v42 =	vmul.f32 v41, v4  }
0x15b: {  	v2 =	vmul.f32 $1.442695020e+00, v2;
	v43 =	vmul.f32 v3, v3  }
0x15c: {  	v1 =	vadd.f32 v42, v1  }
0x15d: {  	v8 =	vmul.f32 $7.135481390e-02, v43  }
0x15e: {  	[tilespmem:s6+$0x70] =	vst v1  }
0x15f: {  	(erf) = vpow2.f32 v2;
	v47 =	vadd.f32 v44, v45;
	v2 =	vpop (erf);
	v46 =	vsub.f32 $-1.595769170e+00, v8;
	v1 =	vld [tilespmem:$0xA000]  }
0x160: {  	v2 =	vadd.f32 $1.000000000e+00, v2  }
0x161: {  	v50 =	vmul.f32 v47, v47;
	v4 =	vmul.f32 v46, v3;
	v48 =	vpop (erf)  }
0x162: {  	(erf) = vrcp.f32 v2;
	v2 =	vmul.f32 v48, v5  }
0x163: {  	v4 =	vmul.f32 $1.442695020e+00, v4  }
0x164: {  	v1 =	vadd.f32 v2, v1;
	v2 =	vmul.f32 $7.135481390e-02, v50  }
0x165: {  	v49 =	vld [tilespmem:s7+$0x5050];
	(erf) = vpow2.f32 v4  }
0x166: {  	v51 =	vld [tilespmem:s7+$0x50];
	v2 =	vsub.f32 $-1.595769170e+00, v2;
	_ =	sdelay $0x1  }
0x167: {  	v2 =	vmul.f32 v2, v47  }
0x168: {  	v54 =	vld [tilespmem:s7+$0x5060];
	v52 =	vpop (erf)  }
0x169: {  	v56 =	vld [tilespmem:s7+$0x60];
	[tilespmem:s7+$0x0] =	vst v1;
	v1 =	vadd.f32 $1.000000000e+00, v52;
	v2 =	vmul.f32 $1.442695020e+00, v2  }
0x16a: {  	v5 =	vadd.f32 v49, v51;
	v53 =	vld [tilespmem:$0xA010]  }
0x16b: {  	(erf) = vrcp.f32 v1  }
0x16c: {  	v1 =	vmul.f32 v5, v5;
	v55 =	vpop (erf)  }
0x16d: {  	v7 =	vmul.f32 v55, v31;
	(erf) = vpow2.f32 v2;
	v2 =	vpop (erf)  }
0x16e: {  	v57 =	vadd.f32 v54, v56;
	v1 =	vmul.f32 $7.135481390e-02, v1;
	v2 =	vadd.f32 $1.000000000e+00, v2  }
0x16f: {  	v4 =	vadd.f32 v7, v53  }
0x170: {  	v1 =	vsub.f32 $-1.595769170e+00, v1;
	(erf) = vrcp.f32 v2;
	v2 =	vmul.f32 v57, v57  }
0x171: {  	[tilespmem:s7+$0x10] =	vst v4  }
0x172: {  	v1 =	vmul.f32 v1, v5;
	v4 =	vld [tilespmem:$0xA020];
	v2 =	vmul.f32 $7.135481390e-02, v2;
	_ =	sdelay $0x1  }
0x173: {  	v1 =	vmul.f32 $1.442695020e+00, v1;
	v58 =	vpop (erf)  }
0x174: {  	v6 =	vmul.f32 v58, v36  }
0x175: {  	(erf) = vpow2.f32 v1;
	v1 =	vsub.f32 $-1.595769170e+00, v2;
	v2 =	vpop (erf)  }
0x176: {  	v59 =	vld [tilespmem:s7+$0x5070];
	v4 =	vadd.f32 v6, v4;
	v2 =	vadd.f32 $1.000000000e+00, v2  }
0x177: {  	v60 =	vld [tilespmem:s7+$0x70]  }
0x178: {  	[tilespmem:s7+$0x20] =	vst v4  }
0x179: {  	v4 =	vld [tilespmem:$0xA030]  }
0x17a: {  	v1 =	vmul.f32 v1, v57;
	(erf) = vrcp.f32 v2;
	v2 =	vpop (erf)  }
0x17b: {  	v2 =	vmul.f32 v2, v3  }
0x17c: {  	v61 =	vadd.f32 v59, v60;
	v1 =	vmul.f32 $1.442695020e+00, v1;
	_ =	sdelay $0x1  }
0x17d: {  	v9 =	vmul.f32 v61, v61;
	(erf) = vpow2.f32 v1;
	v1 =	vadd.f32 v2, v4  }
0x17e: {  	v2 =	vpop (erf)  }
0x17f: {  	v3 =	vmul.f32 $7.135481390e-02, v9;
	[tilespmem:s7+$0x30] =	vst v1;
	v1 =	vadd.f32 $1.000000000e+00, v2;
	_ =	sdelay $0x1  }
0x180: {  	v3 =	vsub.f32 $-1.595769170e+00, v3;
	v2 =	vld [tilespmem:$0xA040]  }
0x181: {  	(erf) = vrcp.f32 v1  }
0x182: {  	v3 =	vmul.f32 v3, v61;
	v1 =	vpop (erf)  }
0x183: {  	v1 =	vmul.f32 v1, v47  }
0x184: {  	v3 =	vmul.f32 $1.442695020e+00, v3  }
0x185: {  	v1 =	vadd.f32 v1, v2;
	v2 =	vpop (erf)  }
0x186: {  	(erf) = vpow2.f32 v3;
	v2 =	vadd.f32 $1.000000000e+00, v2;
	_ =	sdelay $0x2  }
0x187: {  	[tilespmem:s7+$0x40] =	vst v1  }
0x188: {  	v1 =	vld [tilespmem:$0xA050];
	(erf) = vrcp.f32 v2;
	v2 =	vpop (erf)  }
0x189: {  	v2 =	vmul.f32 v2, v5;
	_ =	sdelay $0x3  }
0x18a: {  	v1 =	vadd.f32 v2, v1;
	v2 =	vpop (erf)  }
0x18b: {  	v2 =	vadd.f32 $1.000000000e+00, v2  }
0x18c: {  	[tilespmem:s7+$0x50] =	vst v1  }
0x18d: {  	v1 =	vld [tilespmem:$0xA060]  }
0x18e: {  	(erf) = vrcp.f32 v2  }
0x18f: {  	v2 =	vpop (erf)  }
0x190: {  	v2 =	vmul.f32 v2, v57;
	_ =	sdelay $0x1  }
0x191: {  	v1 =	vadd.f32 v2, v1;
	_ =	sdelay $0x1  }
0x192: {  	[tilespmem:s7+$0x60] =	vst v1  }
0x193: {  	v1 =	vld [tilespmem:$0xA070];
	_ =	sdelay $0x1  }
0x194: {  	v2 =	vpop (erf)  }
0x195: {  	v2 =	vmul.f32 v2, v61;
	_ =	sdelay $0x1  }
0x196: {  	v1 =	vadd.f32 v2, v1;
	_ =	sdelay $0x1  }
0x197: {  	[tilespmem:s7+$0x70] =	vst v1  }
0x198: {  	v1 =	vld [tilespmem:$0xA180]  }
0x199: {  	v2 =	vld [tilespmem:$0xA190]  }
0x19a: {  	v3 =	vld [tilespmem:$0xA1A0]  }
0x19b: {  	v62 =	vld [tilespmem:$0xA1B0]  }
0x19c: {  	v63 =	vld [tilespmem:$0xA1C0]  }
0x19d: {  	p1 =	sgt.u32 s5, $0x3D;
	[tilespmem:$0xA280] =	vst v1  }
.Ltmp8:
0x19e: {  	[tilespmem:$0xA290] =	vst v2;
	(pc) =	sbr.rel @p1 .LBB2_13-.Ltmp8, $4  }
0x19f: {  	[tilespmem:$0xA2A0] =	vst v3  }
0x1a0: {  	[tilespmem:$0xA2B0] =	vst v62  }
0x1a1: {  	[tilespmem:$0xA2C0] =	vst v63  }
0x1a2: {  	[spmem:s15] =	stream.indirect.scatter.add.f32 [tilespmem:s1], [sflag:$0x7], $0x80, s13, s28, $0xb8;
	[tilespmem:$0x1DC00] =	vst v63  }
0x1a3: {  	s6 =	sshll.u32 s5, $0x8  }
0x1a4: {  	s7 =	sadd.s32 $0x100, s6  }
0x1a5: {  	s22 =	sand.u32 $0x7C00, s7  }
0x1a6: {  	s7 =	sand.u32 $0x300, s7;
	s22 =	sadd.s32 s24, s22  }
0x1a7: {  	s7 =	sor.u32 s7, s22  }
0x1a8: {  	s7 =	sshrl.u32 s7, $0x3  }
0x1a9: {  	s31 =	simm.s32 $0x0;
	s22 =	sadd.s32 s19, s7  }
0x1aa: {  	[tilespmem:s10], [sflag:$0x1] =	stream.linear.gather [hbm4b:s22+s31], $0x80, $0x38;
	[tilespmem:$0x1DC00] =	vst v63  }
0x1ab: {  	s7 =	sadd.s32 s20, s7  }
0x1ac: {  	[tilespmem:s21], [sflag:$0x1] =	stream.linear.gather [hbm4b:s7+s31], $0x80, $0x38;
	[tilespmem:$0x1DC00] =	vst v63  }
0x1ad: {  	_ =	swait.ge [sflag:s0], $0x2800  }
0x1ae: {  	[sflag:s0] =	ssyncset.done $0x0  }
0x1af: {  	[sflag:s0] =	ssyncadd.s32 $0xFFFFD800  }
0x1b0: {  	_ =	swait.ge [sflag:s2], $0x2800  }
0x1b1: {  	[sflag:s2] =	ssyncset.done $0x0  }
0x1b2: {  	[sflag:s2] =	ssyncadd.s32 $0xFFFFD800  }
0x1b3: {  	_ =	swait.ge [sflag:s30], $0x2800  }
0x1b4: {  	[sflag:s30] =	ssyncset.done $0x0  }
0x1b5: {  	[sflag:s30] =	ssyncadd.s32 $0xFFFFD800  }
0x1b6: {  	_ =	swait.ge [sflag:s26], $0x80  }
0x1b7: {  	s22 =	smul.u32 $0xA0, s5;
	[sflag:s26] =	ssyncset.done $0x0  }
0x1b8: {  	[sflag:s26] =	ssyncadd.s32 $0xFFFFFF80  }
0x1b9: {  	s7 =	sadd.s32 s22, s8;
	_ =	swait.ge [sflag:s26], $0x80  }
0x1ba: {  	s7 =	sshll.u32 s7, $0x4;
	[sflag:s26] =	ssyncset.done $0x0  }
0x1bb: {  	s7 =	sadd.s32 s18, s7;
	[sflag:s26] =	ssyncadd.s32 $0xFFFFFF80  }
0x1bc: {  	[tilespmem:s31], [sflag:$0x3] =	stream.linear.gather [hbm4b:s7+s31], $0x2800, $0x38;
	[tilespmem:$0x1DC00] =	vst v63  }
0x1bd: {  	s7 =	simm.s32 $0x0  }
0x1be: {  	[tilespmem:s29], [sflag:$0x5] =	stream.indirect.gather [hbm4b:s14+s28], $0x80, s10, s28, $0xb8;
	[tilespmem:$0x1DC00] =	vst v63  }
0x1bf: {  	v1 =	vld [tilespmem:s7+$0x7800]  }
0x1c0: {  	v2 =	vld [tilespmem:s7+$0x2800];
	_ =	sdelay $0x4  }
0x1c1: {  	v2 =	vadd.f32 v1, v2;
	_ =	sdelay $0x1  }
0x1c2: {  	v3 =	vld [tilespmem:s7+$0x7810];
	v1 =	vmul.f32 v2, v2  }
0x1c3: {  	v4 =	vld [tilespmem:s7+$0x2810]  }
0x1c4: {  	v1 =	vmul.f32 $7.135481390e-02, v1;
	_ =	sdelay $0x1  }
0x1c5: {  	v1 =	vsub.f32 $-1.595769170e+00, v1;
	_ =	sdelay $0x1  }
0x1c6: {  	v3 =	vadd.f32 v3, v4;
	v1 =	vmul.f32 v1, v2;
	_ =	sdelay $0x1  }
0x1c7: {  	v4 =	vmul.f32 v3, v3;
	v1 =	vmul.f32 $1.442695020e+00, v1  }
0x1c8: {  	v5 =	vld [tilespmem:s7+$0x7820]  }
0x1c9: {  	v6 =	vld [tilespmem:s7+$0x2820];
	(erf) = vpow2.f32 v1;
	v1 =	vmul.f32 $7.135481390e-02, v4;
	_ =	sdelay $0x1  }
0x1ca: {  	v1 =	vsub.f32 $-1.595769170e+00, v1;
	_ =	sdelay $0x1  }
0x1cb: {  	v1 =	vmul.f32 v1, v3  }
0x1cc: {  	v4 =	vadd.f32 v5, v6  }
0x1cd: {  	v1 =	vmul.f32 $1.442695020e+00, v1  }
0x1ce: {  	v6 =	vmul.f32 v4, v4;
	_ =	sdelay $0x1  }
0x1cf: {  	v7 =	vld [tilespmem:s7+$0x2830];
	v6 =	vmul.f32 $7.135481390e-02, v6  }
0x1d0: {  	v5 =	vld [tilespmem:s7+$0x7830];
	(erf) = vpow2.f32 v1;
	v1 =	vpop (erf)  }
0x1d1: {  	v6 =	vsub.f32 $-1.595769170e+00, v6;
	v1 =	vadd.f32 $1.000000000e+00, v1;
	_ =	sdelay $0x1  }
0x1d2: {  	(erf) = vrcp.f32 v1;
	v1 =	vmul.f32 v6, v4;
	_ =	sdelay $0x1  }
0x1d3: {  	v10 =	vadd.f32 v5, v7;
	v1 =	vmul.f32 $1.442695020e+00, v1  }
0x1d4: {  	v7 =	vld [tilespmem:s7+$0x2840]  }
0x1d5: {  	v5 =	vmul.f32 v10, v10;
	v6 =	vld [tilespmem:s7+$0x7840];
	_ =	sdelay $0x1  }
0x1d6: {  	v5 =	vmul.f32 $7.135481390e-02, v5;
	(erf) = vpow2.f32 v1;
	v1 =	vpop (erf)  }
0x1d7: {  	v8 =	vadd.f32 $1.000000000e+00, v1  }
0x1d8: {  	v9 =	vld [tilespmem:$0xA000];
	v5 =	vsub.f32 $-1.595769170e+00, v5  }
0x1d9: {  	v1 =	vadd.f32 v6, v7;
	(erf) = vrcp.f32 v8  }
0x1da: {  	v5 =	vmul.f32 v5, v10;
	v6 =	vpop (erf)  }
0x1db: {  	v2 =	vmul.f32 v6, v2;
	v6 =	vmul.f32 v1, v1  }
0x1dc: {  	v5 =	vmul.f32 $1.442695020e+00, v5  }
0x1dd: {  	v7 =	vld [tilespmem:s7+$0x2850];
	v2 =	vadd.f32 v2, v9;
	v6 =	vmul.f32 $7.135481390e-02, v6  }
0x1de: {  	(erf) = vpow2.f32 v5;
	v5 =	vld [tilespmem:s7+$0x7850]  }
0x1df: {  	v8 =	vpop (erf);
	[tilespmem:s7+$0x2800] =	vst v2;
	v6 =	vsub.f32 $-1.595769170e+00, v6  }
0x1e0: {  	v2 =	vadd.f32 $1.000000000e+00, v8;
	v8 =	vld [tilespmem:$0xA010]  }
0x1e1: {  	v6 =	vmul.f32 v6, v1  }
0x1e2: {  	v11 =	vld [tilespmem:s7+$0x2860];
	(erf) = vrcp.f32 v2;
	v9 =	vpop (erf)  }
0x1e3: {  	v2 =	vld [tilespmem:s7+$0x7860];
	v6 =	vmul.f32 $1.442695020e+00, v6;
	v9 =	vmul.f32 v9, v3;
	v3 =	vadd.f32 v5, v7;
	_ =	sdelay $0x1  }
0x1e4: {  	v5 =	vadd.f32 v9, v8;
	v7 =	vmul.f32 v3, v3  }
0x1e5: {  	(erf) = vpow2.f32 v6  }
0x1e6: {  	v6 =	vpop (erf);
	[tilespmem:s7+$0x2810] =	vst v5;
	v5 =	vmul.f32 $7.135481390e-02, v7  }
0x1e7: {  	v2 =	vadd.f32 v2, v11;
	v6 =	vadd.f32 $1.000000000e+00, v6  }
0x1e8: {  	v5 =	vsub.f32 $-1.595769170e+00, v5  }
0x1e9: {  	v7 =	vld [tilespmem:$0xA020];
	(erf) = vrcp.f32 v6;
	v6 =	vmul.f32 v2, v2  }
0x1ea: {  	v5 =	vmul.f32 v5, v3  }
0x1eb: {  	v8 =	vld [tilespmem:s7+$0x7870];
	v9 =	vpop (erf);
	v6 =	vmul.f32 $7.135481390e-02, v6  }
0x1ec: {  	v4 =	vmul.f32 v9, v4;
	v9 =	vld [tilespmem:s7+$0x2870];
	v5 =	vmul.f32 $1.442695020e+00, v5  }
0x1ed: {  	v6 =	vsub.f32 $-1.595769170e+00, v6  }
0x1ee: {  	v4 =	vadd.f32 v4, v7;
	v7 =	vpop (erf);
	(erf) = vpow2.f32 v5  }
0x1ef: {  	v11 =	vmul.f32 v6, v2  }
0x1f0: {  	v7 =	vadd.f32 $1.000000000e+00, v7;
	[tilespmem:s7+$0x2820] =	vst v4  }
0x1f1: {  	v4 =	vadd.f32 v8, v9;
	v6 =	vld [tilespmem:$0xA030]  }
0x1f2: {  	s22 =	simm.s32 $0x80;
	(erf) = vrcp.f32 v7  }
0x1f3: {  	v5 =	vld [tilespmem:s22+$0x7800];
	v8 =	vmul.f32 $1.442695020e+00, v11;
	v9 =	vmul.f32 v4, v4;
	v11 =	vpop (erf)  }
0x1f4: {  	s31 =	simm.s32 $0x400;
	v7 =	vld [tilespmem:s22+$0x2800];
	v10 =	vmul.f32 v11, v10  }
.LBB2_11:
0x1f5: {  	p1 =	sne.s32 s31, $0x9E00;
	v11 =	vmul.f32 $7.135481390e-02, v9;
	(erf) = vpow2.f32 v8  }
0x1f6: {  	v6 =	vadd.f32 v10, v6  }
0x1f7: {  	v8 =	vsub.f32 $-1.595769170e+00, v11;
	v9 =	vpop (erf)  }
0x1f8: {  	[tilespmem:s7+$0x2830] =	vst v6;
	v6 =	vadd.f32 $1.000000000e+00, v9  }
0x1f9: {  	v5 =	vadd.f32 v5, v7;
	v7 =	vld [tilespmem:$0xA040];
	v8 =	vmul.f32 v8, v4  }
0x1fa: {  	(erf) = vrcp.f32 v6  }
0x1fb: {  	v6 =	vmul.f32 v5, v5;
	v8 =	vmul.f32 $1.442695020e+00, v8;
	v9 =	vpop (erf)  }
0x1fc: {  	v10 =	vld [tilespmem:s22+$0x7810];
	v1 =	vmul.f32 v9, v1  }
0x1fd: {  	v6 =	vmul.f32 $7.135481390e-02, v6;
	v9 =	vld [tilespmem:s22+$0x2810];
	(erf) = vpow2.f32 v8  }
0x1fe: {  	v1 =	vadd.f32 v1, v7;
	v7 =	vpop (erf)  }
0x1ff: {  	v6 =	vsub.f32 $-1.595769170e+00, v6;
	v7 =	vadd.f32 $1.000000000e+00, v7  }
0x200: {  	[tilespmem:s7+$0x2840] =	vst v1  }
0x201: {  	v1 =	vmul.f32 v6, v5;
	v6 =	vld [tilespmem:$0xA050];
	(erf) = vrcp.f32 v7  }
0x202: {  	v7 =	vadd.f32 v10, v9  }
0x203: {  	v1 =	vmul.f32 $1.442695020e+00, v1;
	v8 =	vpop (erf)  }
0x204: {  	v9 =	vmul.f32 v7, v7;
	v10 =	vld [tilespmem:s22+$0x7820];
	v3 =	vmul.f32 v8, v3  }
0x205: {  	v8 =	vld [tilespmem:s22+$0x2820];
	(erf) = vpow2.f32 v1  }
0x206: {  	v1 =	vmul.f32 $7.135481390e-02, v9;
	v3 =	vadd.f32 v3, v6;
	v6 =	vpop (erf)  }
0x207: {  	v6 =	vadd.f32 $1.000000000e+00, v6  }
0x208: {  	v1 =	vsub.f32 $-1.595769170e+00, v1;
	[tilespmem:s7+$0x2850] =	vst v3  }
0x209: {  	v3 =	vld [tilespmem:$0xA060];
	(erf) = vrcp.f32 v6  }
0x20a: {  	v1 =	vmul.f32 v1, v7;
	v6 =	vadd.f32 v10, v8;
	v8 =	vpop (erf)  }
0x20b: {  	v2 =	vmul.f32 v8, v2  }
0x20c: {  	v1 =	vmul.f32 $1.442695020e+00, v1;
	v8 =	vmul.f32 v6, v6;
	v9 =	vld [tilespmem:s22+$0x7830]  }
0x20d: {  	v10 =	vld [tilespmem:s22+$0x2830]  }
0x20e: {  	v8 =	vmul.f32 $7.135481390e-02, v8;
	v11 =	vpop (erf);
	(erf) = vpow2.f32 v1;
	v1 =	vadd.f32 v2, v3  }
0x20f: {  	v2 =	vadd.f32 $1.000000000e+00, v11  }
0x210: {  	v8 =	vsub.f32 $-1.595769170e+00, v8;
	[tilespmem:s7+$0x2860] =	vst v1  }
0x211: {  	(erf) = vrcp.f32 v2;
	v1 =	vld [tilespmem:$0xA070]  }
0x212: {  	v2 =	vmul.f32 v8, v6;
	v10 =	vadd.f32 v9, v10;
	v3 =	vpop (erf)  }
0x213: {  	v3 =	vmul.f32 v3, v4  }
0x214: {  	v11 =	vmul.f32 $1.442695020e+00, v2;
	v4 =	vmul.f32 v10, v10;
	v8 =	vld [tilespmem:s22+$0x7840]  }
0x215: {  	v9 =	vld [tilespmem:s22+$0x2840]  }
0x216: {  	v4 =	vmul.f32 $7.135481390e-02, v4;
	(erf) = vpow2.f32 v11;
	v1 =	vadd.f32 v3, v1  }
0x217: {  	v2 =	vpop (erf)  }
0x218: {  	v2 =	vadd.f32 $1.000000000e+00, v2;
	v3 =	vsub.f32 $-1.595769170e+00, v4;
	[tilespmem:s7+$0x2870] =	vst v1;
	s7 =	smov.u32 s22  }
0x219: {  	v4 =	vld [tilespmem:$0xA000]  }
0x21a: {  	v3 =	vmul.f32 v3, v10;
	v1 =	vadd.f32 v8, v9;
	v8 =	vpop (erf);
	(erf) = vrcp.f32 v2  }
0x21b: {  	v2 =	vmul.f32 v8, v5;
	v5 =	vld [tilespmem:s7+$0x7850]  }
0x21c: {  	v11 =	vmul.f32 $1.442695020e+00, v3;
	v8 =	vmul.f32 v1, v1;
	v9 =	vld [tilespmem:s7+$0x2850];
	_ =	sdelay $0x1  }
0x21d: {  	v2 =	vadd.f32 v2, v4;
	v4 =	vmul.f32 $7.135481390e-02, v8;
	(erf) = vpow2.f32 v11  }
0x21e: {  	v3 =	vpop (erf)  }
0x21f: {  	[tilespmem:s7+$0x2800] =	vst v2;
	v2 =	vadd.f32 $1.000000000e+00, v3;
	v4 =	vsub.f32 $-1.595769170e+00, v4  }
0x220: {  	v8 =	vld [tilespmem:$0xA010];
	v3 =	vadd.f32 v5, v9  }
0x221: {  	v4 =	vmul.f32 v4, v1;
	(erf) = vrcp.f32 v2  }
0x222: {  	v2 =	vmul.f32 v3, v3;
	v5 =	vld [tilespmem:s7+$0x7860];
	v9 =	vpop (erf)  }
0x223: {  	v7 =	vmul.f32 v9, v7;
	v11 =	vmul.f32 $1.442695020e+00, v4;
	v9 =	vld [tilespmem:s7+$0x2860];
	_ =	sdelay $0x1  }
0x224: {  	v2 =	vmul.f32 $7.135481390e-02, v2;
	v7 =	vadd.f32 v7, v8;
	(erf) = vpow2.f32 v11  }
0x225: {  	v4 =	vpop (erf)  }
0x226: {  	[tilespmem:s7+$0x2810] =	vst v7;
	v4 =	vadd.f32 $1.000000000e+00, v4;
	v7 =	vsub.f32 $-1.595769170e+00, v2  }
0x227: {  	v8 =	vld [tilespmem:$0xA020];
	v2 =	vadd.f32 v5, v9  }
0x228: {  	v5 =	vmul.f32 v7, v3;
	(erf) = vrcp.f32 v4  }
0x229: {  	v4 =	vmul.f32 v2, v2;
	v7 =	vld [tilespmem:s7+$0x7870];
	v9 =	vpop (erf)  }
0x22a: {  	v6 =	vmul.f32 v9, v6;
	v11 =	vmul.f32 $1.442695020e+00, v5;
	v9 =	vld [tilespmem:s7+$0x2870]  }
0x22b: {  	v4 =	vmul.f32 $7.135481390e-02, v4  }
0x22c: {  	v6 =	vadd.f32 v6, v8;
	(erf) = vpow2.f32 v11  }
0x22d: {  	v4 =	vsub.f32 $-1.595769170e+00, v4;
	v5 =	vpop (erf)  }
.Ltmp9:
0x22e: {  	[tilespmem:s7+$0x2820] =	vst v6;
	v5 =	vadd.f32 $1.000000000e+00, v5;
	(pc) =	sbr.rel @p1 .LBB2_11-.Ltmp9, $4  }
0x22f: {  	v6 =	vld [tilespmem:$0xA030];
	v8 =	vmul.f32 v4, v2;
	v4 =	vadd.f32 v7, v9  }
0x230: {  	s22 =	sshra.s32 s31, $0x2;
	(erf) = vrcp.f32 v5  }
0x231: {  	v5 =	vld [tilespmem:s22+$0x7800];
	v8 =	vmul.f32 $1.442695020e+00, v8;
	v9 =	vmul.f32 v4, v4;
	v11 =	vpop (erf)  }
0x232: {  	s31 =	sadd.s32 $0x200, s31;
	v7 =	vld [tilespmem:s22+$0x2800];
	v10 =	vmul.f32 v11, v10  }
0x233: {  	_ = 	snop  }
0x234: {  	v9 =	vmul.f32 $7.135481390e-02, v9;
	(erf) = vpow2.f32 v8;
	v6 =	vadd.f32 v10, v6  }
0x235: {  	v22 =	vpop (erf)  }
0x236: {  	v21 =	vsub.f32 $-1.595769170e+00, v9;
	[tilespmem:s7+$0x2830] =	vst v6;
	v23 =	vadd.f32 $1.000000000e+00, v22  }
0x237: {  	v5 =	vadd.f32 v5, v7;
	v24 =	vld [tilespmem:$0xA040]  }
0x238: {  	v8 =	vmul.f32 v21, v4;
	(erf) = vrcp.f32 v23  }
0x239: {  	v25 =	vmul.f32 v5, v5;
	v26 =	vpop (erf)  }
0x23a: {  	v27 =	vld [tilespmem:s22+$0x7810];
	v8 =	vmul.f32 $1.442695020e+00, v8;
	v1 =	vmul.f32 v26, v1  }
0x23b: {  	v28 =	vld [tilespmem:s22+$0x2810];
	v6 =	vmul.f32 $7.135481390e-02, v25  }
0x23c: {  	(erf) = vpow2.f32 v8;
	v1 =	vadd.f32 v1, v24  }
0x23d: {  	v29 =	vpop (erf);
	v6 =	vsub.f32 $-1.595769170e+00, v6  }
0x23e: {  	v7 =	vadd.f32 $1.000000000e+00, v29;
	[tilespmem:s7+$0x2840] =	vst v1  }
0x23f: {  	v1 =	vmul.f32 v6, v5;
	v30 =	vld [tilespmem:$0xA050]  }
0x240: {  	v31 =	vadd.f32 v27, v28;
	(erf) = vrcp.f32 v7  }
0x241: {  	v1 =	vmul.f32 $1.442695020e+00, v1;
	v32 =	vpop (erf)  }
0x242: {  	v9 =	vmul.f32 v31, v31;
	v3 =	vmul.f32 v32, v3  }
0x243: {  	v33 =	vld [tilespmem:s22+$0x7820];
	(erf) = vpow2.f32 v1  }
0x244: {  	v34 =	vld [tilespmem:s22+$0x2820];
	v1 =	vmul.f32 $7.135481390e-02, v9;
	v3 =	vadd.f32 v3, v30  }
0x245: {  	v35 =	vpop (erf)  }
0x246: {  	v6 =	vadd.f32 $1.000000000e+00, v35;
	v1 =	vsub.f32 $-1.595769170e+00, v1;
	[tilespmem:s7+$0x2850] =	vst v3  }
0x247: {  	v3 =	vld [tilespmem:$0xA060]  }
0x248: {  	(erf) = vrcp.f32 v6;
	v1 =	vmul.f32 v1, v31  }
0x249: {  	v36 =	vadd.f32 v33, v34;
	v37 =	vpop (erf)  }
0x24a: {  	v2 =	vmul.f32 v37, v2;
	v1 =	vmul.f32 $1.442695020e+00, v1  }
0x24b: {  	v38 =	vmul.f32 v36, v36;
	v39 =	vld [tilespmem:s22+$0x7830]  }
0x24c: {  	v40 =	vld [tilespmem:s22+$0x2830];
	v11 =	vpop (erf);
	(erf) = vpow2.f32 v1;
	v1 =	vadd.f32 v2, v3  }
0x24d: {  	v8 =	vmul.f32 $7.135481390e-02, v38  }
0x24e: {  	v2 =	vadd.f32 $1.000000000e+00, v11;
	[tilespmem:s7+$0x2860] =	vst v1  }
0x24f: {  	v3 =	vsub.f32 $-1.595769170e+00, v8;
	v1 =	vld [tilespmem:$0xA070]  }
0x250: {  	(erf) = vrcp.f32 v2  }
0x251: {  	v2 =	vmul.f32 v3, v36;
	v3 =	vadd.f32 v39, v40;
	v44 =	vld [tilespmem:s22+$0x7840];
	v41 =	vpop (erf)  }
0x252: {  	v45 =	vld [tilespmem:s22+$0x2840];
	v42 =	vmul.f32 v41, v4  }
0x253: {  	v2 =	vmul.f32 $1.442695020e+00, v2;
	v43 =	vmul.f32 v3, v3  }
0x254: {  	v1 =	vadd.f32 v42, v1  }
0x255: {  	v8 =	vmul.f32 $7.135481390e-02, v43  }
0x256: {  	[tilespmem:s7+$0x2870] =	vst v1  }
0x257: {  	(erf) = vpow2.f32 v2;
	v47 =	vadd.f32 v44, v45;
	v2 =	vpop (erf);
	v46 =	vsub.f32 $-1.595769170e+00, v8;
	v1 =	vld [tilespmem:$0xA000]  }
0x258: {  	v2 =	vadd.f32 $1.000000000e+00, v2  }
0x259: {  	v50 =	vmul.f32 v47, v47;
	v4 =	vmul.f32 v46, v3;
	v48 =	vpop (erf)  }
0x25a: {  	(erf) = vrcp.f32 v2;
	v2 =	vmul.f32 v48, v5  }
0x25b: {  	v4 =	vmul.f32 $1.442695020e+00, v4  }
0x25c: {  	v1 =	vadd.f32 v2, v1;
	v2 =	vmul.f32 $7.135481390e-02, v50  }
0x25d: {  	v49 =	vld [tilespmem:s22+$0x7850];
	(erf) = vpow2.f32 v4  }
0x25e: {  	v51 =	vld [tilespmem:s22+$0x2850];
	v2 =	vsub.f32 $-1.595769170e+00, v2;
	_ =	sdelay $0x1  }
0x25f: {  	v2 =	vmul.f32 v2, v47  }
0x260: {  	v54 =	vld [tilespmem:s22+$0x7860];
	v52 =	vpop (erf)  }
0x261: {  	v56 =	vld [tilespmem:s22+$0x2860];
	[tilespmem:s22+$0x2800] =	vst v1;
	v1 =	vadd.f32 $1.000000000e+00, v52;
	v2 =	vmul.f32 $1.442695020e+00, v2  }
0x262: {  	v5 =	vadd.f32 v49, v51;
	v53 =	vld [tilespmem:$0xA010]  }
0x263: {  	(erf) = vrcp.f32 v1  }
0x264: {  	v1 =	vmul.f32 v5, v5;
	v55 =	vpop (erf)  }
0x265: {  	v7 =	vmul.f32 v55, v31;
	(erf) = vpow2.f32 v2;
	v2 =	vpop (erf)  }
0x266: {  	v57 =	vadd.f32 v54, v56;
	v1 =	vmul.f32 $7.135481390e-02, v1;
	v2 =	vadd.f32 $1.000000000e+00, v2  }
0x267: {  	v4 =	vadd.f32 v7, v53  }
0x268: {  	v1 =	vsub.f32 $-1.595769170e+00, v1;
	(erf) = vrcp.f32 v2;
	v2 =	vmul.f32 v57, v57  }
0x269: {  	[tilespmem:s22+$0x2810] =	vst v4  }
0x26a: {  	v1 =	vmul.f32 v1, v5;
	v4 =	vld [tilespmem:$0xA020];
	v2 =	vmul.f32 $7.135481390e-02, v2;
	_ =	sdelay $0x1  }
0x26b: {  	v1 =	vmul.f32 $1.442695020e+00, v1;
	v58 =	vpop (erf)  }
0x26c: {  	v6 =	vmul.f32 v58, v36  }
0x26d: {  	(erf) = vpow2.f32 v1;
	v1 =	vsub.f32 $-1.595769170e+00, v2;
	v2 =	vpop (erf)  }
0x26e: {  	v59 =	vld [tilespmem:s22+$0x7870];
	v4 =	vadd.f32 v6, v4;
	v2 =	vadd.f32 $1.000000000e+00, v2  }
0x26f: {  	v60 =	vld [tilespmem:s22+$0x2870]  }
0x270: {  	[tilespmem:s22+$0x2820] =	vst v4  }
0x271: {  	v4 =	vld [tilespmem:$0xA030]  }
0x272: {  	v1 =	vmul.f32 v1, v57;
	(erf) = vrcp.f32 v2;
	v2 =	vpop (erf)  }
0x273: {  	v2 =	vmul.f32 v2, v3  }
0x274: {  	v61 =	vadd.f32 v59, v60;
	v1 =	vmul.f32 $1.442695020e+00, v1;
	_ =	sdelay $0x1  }
0x275: {  	v9 =	vmul.f32 v61, v61;
	(erf) = vpow2.f32 v1;
	v1 =	vadd.f32 v2, v4  }
0x276: {  	v2 =	vpop (erf)  }
0x277: {  	v3 =	vmul.f32 $7.135481390e-02, v9;
	[tilespmem:s22+$0x2830] =	vst v1;
	v1 =	vadd.f32 $1.000000000e+00, v2;
	_ =	sdelay $0x1  }
0x278: {  	v3 =	vsub.f32 $-1.595769170e+00, v3;
	v2 =	vld [tilespmem:$0xA040]  }
0x279: {  	(erf) = vrcp.f32 v1  }
0x27a: {  	v3 =	vmul.f32 v3, v61;
	v1 =	vpop (erf)  }
0x27b: {  	v1 =	vmul.f32 v1, v47  }
0x27c: {  	v3 =	vmul.f32 $1.442695020e+00, v3  }
0x27d: {  	v1 =	vadd.f32 v1, v2;
	v2 =	vpop (erf)  }
0x27e: {  	(erf) = vpow2.f32 v3;
	v2 =	vadd.f32 $1.000000000e+00, v2;
	_ =	sdelay $0x2  }
0x27f: {  	[tilespmem:s22+$0x2840] =	vst v1  }
0x280: {  	v1 =	vld [tilespmem:$0xA050];
	(erf) = vrcp.f32 v2;
	v2 =	vpop (erf)  }
0x281: {  	v2 =	vmul.f32 v2, v5;
	_ =	sdelay $0x3  }
0x282: {  	v1 =	vadd.f32 v2, v1;
	v2 =	vpop (erf)  }
0x283: {  	v2 =	vadd.f32 $1.000000000e+00, v2  }
0x284: {  	[tilespmem:s22+$0x2850] =	vst v1  }
0x285: {  	v1 =	vld [tilespmem:$0xA060]  }
0x286: {  	(erf) = vrcp.f32 v2  }
0x287: {  	v2 =	vpop (erf)  }
0x288: {  	v2 =	vmul.f32 v2, v57;
	_ =	sdelay $0x1  }
0x289: {  	v1 =	vadd.f32 v2, v1;
	_ =	sdelay $0x1  }
0x28a: {  	[tilespmem:s22+$0x2860] =	vst v1  }
0x28b: {  	v1 =	vld [tilespmem:$0xA070];
	_ =	sdelay $0x1  }
0x28c: {  	v2 =	vpop (erf)  }
0x28d: {  	v2 =	vmul.f32 v2, v61;
	_ =	sdelay $0x1  }
0x28e: {  	v1 =	vadd.f32 v2, v1;
	_ =	sdelay $0x1  }
0x28f: {  	[tilespmem:s22+$0x2870] =	vst v1  }
0x290: {  	v1 =	vld [tilespmem:$0xA200]  }
0x291: {  	v2 =	vld [tilespmem:$0xA210]  }
0x292: {  	v3 =	vld [tilespmem:$0xA220]  }
0x293: {  	v62 =	vld [tilespmem:$0xA230]  }
0x294: {  	v63 =	vld [tilespmem:$0xA240]  }
0x295: {  	p1 =	seq.s32 s5, $0x3D;
	[tilespmem:$0xA300] =	vst v1  }
0x296: {  	s6 =	sadd.s32 @!p1 $0x180, s6;
	[tilespmem:$0xA310] =	vst v2  }
0x297: {  	s7 =	sand.u32 @!p1 $0x7C00, s6;
	[tilespmem:$0xA320] =	vst v3  }
0x298: {  	s6 =	sand.u32 @!p1 $0x380, s6;
	s7 =	sadd.s32 @!p1 s24, s7;
	[tilespmem:$0xA330] =	vst v62  }
0x299: {  	s6 =	sor.u32 @!p1 s6, s7;
	[tilespmem:$0xA340] =	vst v63  }
0x29a: {  	[spmem:s15] =	stream.indirect.scatter.add.f32 [tilespmem:s17], [sflag:$0x8], $0x80, s3, s28, $0xb8;
	[tilespmem:$0x1DC00] =	vst v63  }
.Ltmp10:
0x29b: {  	s6 =	sshrl.u32 @!p1 s6, $0x3;
	(pc) =	sbr.rel .LBB2_13-.Ltmp10, $4  }
0x29c: {  	s31 =	simm.s32 @!p1 $0xA100;
	s7 =	sadd.s32 @!p1 s19, s6;
	s22 =	simm.s32 @!p1 $0x0  }
0x29d: {  	[tilespmem:s31], [sflag:$0x2] =	stream.linear.gather @!p1 [hbm4b:s7+s22], $0x80, $0x38;
	[tilespmem:$0x1DC00] =	vst v63  }
0x29e: {  	s6 =	sadd.s32 @!p1 s20, s6;
	s7 =	simm.s32 @!p1 $0xA200  }
0x29f: {  	[tilespmem:s7], [sflag:$0x2] =	stream.linear.gather @!p1 [hbm4b:s6+s22], $0x80, $0x38;
	[tilespmem:$0x1DC00] =	vst v63  }
.LBB2_14:
.Ltmp11:
0x2a0: {  	_ =	swait.ge [sflag:s30], $0x2800;
	(pc) =	sbr.rel @p0 .LBB2_16-.Ltmp11, $3  }
0x2a1: {  	[sflag:s30] =	ssyncset.done $0x0  }
0x2a2: {  	[sflag:s30] =	ssyncadd.s32 $0xFFFFD800  }
0x2a3: {  	[bflag:$0x0] =	sbarrier.arrive $0xFFFF;
	_ =	sdelay $0x1  }
0x2a4: {  	s5 =	rddreg [dreg:$0x12]  }
0x2a5: {  	[tilespmem:s1], [sflag:$0x9] =	stream.linear.gather [spmem:s5], $0x2800, $0x38;
	[tilespmem:$0x1DC00] =	vst v63  }
0x2a6: {  	_ =	swait.ge [sflag:s9], $0x2800  }
0x2a7: {  	[sflag:s9] =	ssyncset.done $0x0  }
0x2a8: {  	s31 =	rddreg [dreg:$0x4];
	[sflag:s9] =	ssyncadd.s32 $0xFFFFD800  }
0x2a9: {  	[hbm4b:s31+s1] =	stream.linear.scatter [tilespmem:s1], [sflag:$0x9], $0x2800, $0x38;
	[tilespmem:$0x1DC00] =	vst v63  }
0x2aa: {  	_ =	swait.ge [sflag:s9], $0x2800  }
0x2ab: {  	[sflag:s9] =	ssyncset.done $0x0  }
0x2ac: {  	s6 =	rddreg [dreg:$0x18];
	[sflag:s9] =	ssyncadd.s32 $0xFFFFD800  }
0x2ad: {  	[tilespmem:s1], [sflag:$0x9] =	stream.linear.gather [spmem:s6], $0x2800, $0x38;
	[tilespmem:$0x1DC00] =	vst v63  }
0x2ae: {  	_ =	swait.ge [sflag:s9], $0x2800  }
0x2af: {  	[sflag:s9] =	ssyncset.done $0x0  }
0x2b0: {  	s7 =	rddreg [dreg:$0x5];
	[sflag:s9] =	ssyncadd.s32 $0xFFFFD800  }
0x2b1: {  	[hbm4b:s7+s1] =	stream.linear.scatter [tilespmem:s1], [sflag:$0x9], $0x2800, $0x38;
	[tilespmem:$0x1DC00] =	vst v63  }
0x2b2: {  	_ =	swait.ge [sflag:s9], $0x2800  }
0x2b3: {  	[sflag:s9] =	ssyncset.done $0x0  }
0x2b4: {  	s22 =	rddreg [dreg:$0x19];
	[sflag:s9] =	ssyncadd.s32 $0xFFFFD800  }
0x2b5: {  	[tilespmem:s1], [sflag:$0x9] =	stream.linear.gather [spmem:s22], $0x2800, $0x38;
	[tilespmem:$0x1DC00] =	vst v63  }
0x2b6: {  	_ =	swait.ge [sflag:s9], $0x2800  }
0x2b7: {  	[sflag:s9] =	ssyncset.done $0x0  }
0x2b8: {  	s31 =	rddreg [dreg:$0x6];
	[sflag:s9] =	ssyncadd.s32 $0xFFFFD800  }
0x2b9: {  	[hbm4b:s31+s1] =	stream.linear.scatter [tilespmem:s1], [sflag:$0x9], $0x2800, $0x38;
	[tilespmem:$0x1DC00] =	vst v63  }
0x2ba: {  	_ =	swait.ge [sflag:s9], $0x2800  }
0x2bb: {  	[sflag:s9] =	ssyncset.done $0x0  }
0x2bc: {  	s6 =	rddreg [dreg:$0x1a];
	[sflag:s9] =	ssyncadd.s32 $0xFFFFD800  }
0x2bd: {  	[tilespmem:s1], [sflag:$0x9] =	stream.linear.gather [spmem:s6], $0x2800, $0x38;
	[tilespmem:$0x1DC00] =	vst v63  }
0x2be: {  	_ =	swait.ge [sflag:s9], $0x2800  }
0x2bf: {  	[sflag:s9] =	ssyncset.done $0x0  }
0x2c0: {  	s7 =	rddreg [dreg:$0x7];
	[sflag:s9] =	ssyncadd.s32 $0xFFFFD800  }
0x2c1: {  	[hbm4b:s7+s1] =	stream.linear.scatter [tilespmem:s1], [sflag:$0x9], $0x2800, $0x38;
	[tilespmem:$0x1DC00] =	vst v63  }
0x2c2: {  	_ =	swait.ge [sflag:s9], $0x2800  }
0x2c3: {  	[sflag:s9] =	ssyncset.done $0x0  }
0x2c4: {  	s22 =	rddreg [dreg:$0x1b];
	[sflag:s9] =	ssyncadd.s32 $0xFFFFD800  }
0x2c5: {  	[tilespmem:s1], [sflag:$0x9] =	stream.linear.gather [spmem:s22], $0x2800, $0x38;
	[tilespmem:$0x1DC00] =	vst v63  }
0x2c6: {  	_ =	swait.ge [sflag:s9], $0x2800  }
0x2c7: {  	[sflag:s9] =	ssyncset.done $0x0  }
0x2c8: {  	s31 =	rddreg [dreg:$0x8];
	[sflag:s9] =	ssyncadd.s32 $0xFFFFD800  }
0x2c9: {  	[hbm4b:s31+s1] =	stream.linear.scatter [tilespmem:s1], [sflag:$0x9], $0x2800, $0x38;
	[tilespmem:$0x1DC00] =	vst v63  }
0x2ca: {  	_ =	swait.ge [sflag:s9], $0x2800  }
0x2cb: {  	[sflag:s9] =	ssyncset.done $0x0  }
0x2cc: {  	s6 =	rddreg [dreg:$0x1c];
	[sflag:s9] =	ssyncadd.s32 $0xFFFFD800  }
0x2cd: {  	[tilespmem:s1], [sflag:$0x9] =	stream.linear.gather [spmem:s6], $0x2800, $0x38;
	[tilespmem:$0x1DC00] =	vst v63  }
0x2ce: {  	_ =	swait.ge [sflag:s9], $0x2800  }
0x2cf: {  	[sflag:s9] =	ssyncset.done $0x0  }
0x2d0: {  	s7 =	rddreg [dreg:$0x9];
	[sflag:s9] =	ssyncadd.s32 $0xFFFFD800  }
0x2d1: {  	[hbm4b:s7+s1] =	stream.linear.scatter [tilespmem:s1], [sflag:$0x9], $0x2800, $0x38;
	[tilespmem:$0x1DC00] =	vst v63  }
0x2d2: {  	_ =	swait.ge [sflag:s9], $0x2800  }
0x2d3: {  	[sflag:s9] =	ssyncset.done $0x0  }
0x2d4: {  	s22 =	rddreg [dreg:$0x1d];
	[sflag:s9] =	ssyncadd.s32 $0xFFFFD800  }
0x2d5: {  	[tilespmem:s1], [sflag:$0x9] =	stream.linear.gather [spmem:s22], $0x2800, $0x38;
	[tilespmem:$0x1DC00] =	vst v63  }
0x2d6: {  	_ =	swait.ge [sflag:s9], $0x2800  }
0x2d7: {  	[sflag:s9] =	ssyncset.done $0x0  }
0x2d8: {  	s31 =	rddreg [dreg:$0xa];
	[sflag:s9] =	ssyncadd.s32 $0xFFFFD800  }
0x2d9: {  	[hbm4b:s31+s1] =	stream.linear.scatter [tilespmem:s1], [sflag:$0x9], $0x2800, $0x38;
	[tilespmem:$0x1DC00] =	vst v63  }
0x2da: {  	_ =	swait.ge [sflag:s9], $0x2800  }
0x2db: {  	[sflag:s9] =	ssyncset.done $0x0  }
0x2dc: {  	s6 =	rddreg [dreg:$0x1e];
	[sflag:s9] =	ssyncadd.s32 $0xFFFFD800  }
0x2dd: {  	[tilespmem:s1], [sflag:$0x9] =	stream.linear.gather [spmem:s6], $0x2800, $0x38;
	[tilespmem:$0x1DC00] =	vst v63  }
0x2de: {  	_ =	swait.ge [sflag:s9], $0x2800  }
0x2df: {  	[sflag:s9] =	ssyncset.done $0x0  }
0x2e0: {  	s7 =	rddreg [dreg:$0xb];
	[sflag:s9] =	ssyncadd.s32 $0xFFFFD800  }
0x2e1: {  	[hbm4b:s7+s1] =	stream.linear.scatter [tilespmem:s1], [sflag:$0x9], $0x2800, $0x38;
	[tilespmem:$0x1DC00] =	vst v63  }
0x2e2: {  	_ =	swait.ge [sflag:s9], $0x2800  }
0x2e3: {  	[sflag:s9] =	ssyncset.done $0x0  }
0x2e4: {  	s22 =	rddreg [dreg:$0x1f];
	[sflag:s9] =	ssyncadd.s32 $0xFFFFD800  }
0x2e5: {  	[tilespmem:s1], [sflag:$0x9] =	stream.linear.gather [spmem:s22], $0x2800, $0x38;
	[tilespmem:$0x1DC00] =	vst v63  }
0x2e6: {  	_ =	swait.ge [sflag:s9], $0x2800  }
0x2e7: {  	[sflag:s9] =	ssyncset.done $0x0  }
0x2e8: {  	s31 =	rddreg [dreg:$0xc];
	[sflag:s9] =	ssyncadd.s32 $0xFFFFD800  }
0x2e9: {  	[hbm4b:s31+s1] =	stream.linear.scatter [tilespmem:s1], [sflag:$0x9], $0x2800, $0x38;
	[tilespmem:$0x1DC00] =	vst v63  }
0x2ea: {  	_ =	swait.ge [sflag:s9], $0x2800  }
0x2eb: {  	s6 =	sld [smem:$0x7ED]  }
0x2ec: {  	[sflag:s9] =	ssyncset.done $0x0  }
0x2ed: {  	[sflag:s9] =	ssyncadd.s32 $0xFFFFD800  }
0x2ee: {  	[tilespmem:s1], [sflag:$0x9] =	stream.linear.gather [spmem:s6], $0x2800, $0x38;
	[tilespmem:$0x1DC00] =	vst v63  }
0x2ef: {  	_ =	swait.ge [sflag:s9], $0x2800  }
0x2f0: {  	[sflag:s9] =	ssyncset.done $0x0  }
0x2f1: {  	s7 =	rddreg [dreg:$0xd];
	[sflag:s9] =	ssyncadd.s32 $0xFFFFD800  }
0x2f2: {  	[hbm4b:s7+s1] =	stream.linear.scatter [tilespmem:s1], [sflag:$0x9], $0x2800, $0x38;
	[tilespmem:$0x1DC00] =	vst v63  }
0x2f3: {  	_ =	swait.ge [sflag:s9], $0x2800  }
0x2f4: {  	s22 =	sld [smem:$0x7EE]  }
0x2f5: {  	[sflag:s9] =	ssyncset.done $0x0  }
0x2f6: {  	[sflag:s9] =	ssyncadd.s32 $0xFFFFD800  }
0x2f7: {  	[tilespmem:s1], [sflag:$0x9] =	stream.linear.gather [spmem:s22], $0x2800, $0x38;
	[tilespmem:$0x1DC00] =	vst v63  }
0x2f8: {  	_ =	swait.ge [sflag:s9], $0x2800  }
0x2f9: {  	[sflag:s9] =	ssyncset.done $0x0  }
0x2fa: {  	s31 =	rddreg [dreg:$0xe];
	[sflag:s9] =	ssyncadd.s32 $0xFFFFD800  }
0x2fb: {  	[hbm4b:s31+s1] =	stream.linear.scatter [tilespmem:s1], [sflag:$0x9], $0x2800, $0x38;
	[tilespmem:$0x1DC00] =	vst v63  }
0x2fc: {  	_ =	swait.ge [sflag:s9], $0x2800  }
0x2fd: {  	s6 =	sld [smem:$0x7EF]  }
0x2fe: {  	[sflag:s9] =	ssyncset.done $0x0  }
0x2ff: {  	[sflag:s9] =	ssyncadd.s32 $0xFFFFD800  }
0x300: {  	[tilespmem:s1], [sflag:$0x9] =	stream.linear.gather [spmem:s6], $0x2800, $0x38;
	[tilespmem:$0x1DC00] =	vst v63  }
0x301: {  	_ =	swait.ge [sflag:s9], $0x2800  }
0x302: {  	[sflag:s9] =	ssyncset.done $0x0  }
0x303: {  	s7 =	rddreg [dreg:$0xf];
	[sflag:s9] =	ssyncadd.s32 $0xFFFFD800  }
0x304: {  	[hbm4b:s7+s1] =	stream.linear.scatter [tilespmem:s1], [sflag:$0x9], $0x2800, $0x38;
	[tilespmem:$0x1DC00] =	vst v63  }
0x305: {  	_ =	swait.ge [sflag:s9], $0x2800  }
0x306: {  	s22 =	sld [smem:$0x7F0]  }
0x307: {  	[sflag:s9] =	ssyncset.done $0x0  }
0x308: {  	[sflag:s9] =	ssyncadd.s32 $0xFFFFD800  }
0x309: {  	[tilespmem:s1], [sflag:$0x9] =	stream.linear.gather [spmem:s22], $0x1400, $0x38;
	[tilespmem:$0x1DC00] =	vst v63  }
0x30a: {  	_ =	swait.ge [sflag:s9], $0x1400  }
0x30b: {  	[sflag:s9] =	ssyncset.done $0x0  }
.Ltmp12:
0x30c: {  	s31 =	rddreg [dreg:$0x10];
	[sflag:s9] =	ssyncadd.s32 $0xFFFFEC00;
	(pc) =	sbr.rel .LBB2_16-.Ltmp12, $4  }
0x30d: {  	[hbm4b:s31+s1] =	stream.linear.scatter [tilespmem:s1], [sflag:$0x9], $0x1400, $0x38;
	[tilespmem:$0x1DC00] =	vst v63  }
0x30e: {  	_ =	swait.ge [sflag:s9], $0x1400  }
0x30f: {  	[sflag:s9] =	ssyncset.done $0x0  }
0x310: {  	[sflag:s9] =	ssyncadd.s32 $0xFFFFEC00  }
.LBB2_17:
0x311: {  	_ =	sfence.sel $0x180000  }
0x312: {  	[bflag:$0x0] =	sbarrier.arrive $0xFFFF  }
0x313: {  	_ =	strace $0x90000047  }
0x314: {  	s0 =	stileid.u32;
	[bflag:$0x2] =	sbarrier.arrive $0xFFFF  }
0x315: {  	p0 =	sne.s32 s0, $0x0;
	s0 =	rddreg [dreg:$0x3]  }
0x316: {  	s0 =	sadd.s32 @!p0 $0x100000, s0  }
0x317: {  	[sflag:s0] =	ssyncadd.tile.s32 @!p0 $0x1;
	_ =	shalt  }
.Lfunc_end2:
_tile_overlayer_lowered:
.L_overlay_start_2:
0x318: {  	(tag) =	ssettag $0x2  }
0x319: {  	s0 =	rddreg [dreg:$0x0];
	s2 =	stileid.u32  }
0x31a: {  	s1 =	rddreg [dreg:$0x1];
	p0 =	sne.s32 s2, $0x0  }
0x31b: {  	s3 =	rddreg [dreg:$0x2];
	[bflag:$0x3] =	sbarrier.arrive $0xFFFF;
	s2 =	simm.s32 @!p0 $0x1C09  }
0x31c: {  	[timem:s3], [sflag:s2] =	dma.local @!p0 [hbm:s0], s1  }
0x31d: {  	s0 =	simm.s32 @!p0 $0x9  }
0x31e: {  	_ =	swait.ge @!p0 [sflag:s0], s1  }
0x31f: {  	s1 =	ssub.s32 @!p0 $0x0, s1;
	[sflag:s0] =	ssyncset.done @!p0 $0x0  }
0x320: {  	[sflag:s0] =	ssyncadd.s32 @!p0 s1  }
0x321: {  	[bflag:$0x3] =	sbarrier.arrive $0xFFFF  }
0x322: {  	_ =	shalt  }

</sc_bundles>
